<compile_context>
chip_gen: v7x
topology: tpu7x:2x2x1
jax: 0.10.2.dev20260603
libtpu: 0.0.44.dev20260713+nightly
codegen_flags: <defaults>
</compile_context>

<pallas_src>
import functools

import jax
import jax.numpy as jnp
from jax import lax
from jax.experimental import pallas as pl
from jax.experimental.pallas import tpu as pltpu
from jax.experimental.pallas import tpu_sc as plsc

_B, _Q, _N, _C = 8, 8192, 4096, 128
_HID, _OUT = 64, 3
_W = 128

_NW = 32
_HB = _B // 2
_ROWS = 2 * _HB * _Q
_RPW = _ROWS // _NW
_CH = 128
_NCH = _RPW // _CH
_GCH = 2
_NGRP = _NCH // _GCH
_GROWS = _GCH * _CH

_QB = 4096


def _fc_val(i):
    fi = i.astype(jnp.float32)
    return (2.0 * fi - float(_N - 1)) * (1.0 / _N)


def _prep_body(coord_ref, lat_ref, w0f_ref, b0_ref, t_ref, idx_ref, rel_ref):
    lat = lat_ref[0]
    p = jnp.dot(lat, w0f_ref[0:_C, :], preferred_element_type=jnp.float32)
    c = jnp.dot(lat, w0f_ref[_C:2 * _C, :], preferred_element_type=jnp.float32)
    n = jnp.dot(lat, w0f_ref[2 * _C:3 * _C, :], preferred_element_type=jnp.float32)
    prev = jnp.concatenate([p[0:1], p[:-1]], axis=0)
    nxt = jnp.concatenate([n[1:], n[-1:]], axis=0)
    t_ref[0] = prev + c + nxt + b0_ref[...]

    cq = coord_ref[0]
    b = pl.program_id(0)
    rx = 2.0 / _N / 2.0
    for k, vx in enumerate((-2, 0)):
        cs = cq + vx * rx + 1e-06
        cs = jnp.clip(cs, -1.0 + 1e-06, 1.0 - 1e-06)
        u = cs * float(_N)
        e = jnp.floor((u + float(_N - 1)) * 0.5).astype(jnp.int32)
        e = jnp.clip(e, 0, _N)
        for _ in range(2):
            up = (e < _N) & (_fc_val(jnp.minimum(e, _N - 1)) < cs)
            e = e + up.astype(jnp.int32)
        for _ in range(2):
            dn = (e > 0) & (_fc_val(jnp.maximum(e, 1) - 1) >= cs)
            e = e - dn.astype(jnp.int32)
        idx = jnp.clip(e, 0, _N - 1)
        rel = (cq - _fc_val(idx)) * float(_N)
        idx_ref[0, k] = idx + b * _N
        rel_ref[0, k] = rel


def _sc_gather_body(table_hbm, idx_hbm, rel_hbm, out_hbm,
                    idx_v, rel_v, buf_a, buf_b, sem_a, sem_b):
    wid = lax.axis_index("s") * 2 + lax.axis_index("c")
    base = wid * _RPW
    pltpu.sync_copy(idx_hbm.at[wid], idx_v)
    pltpu.sync_copy(rel_hbm.at[wid], rel_v)

    bufs = (buf_a, buf_b)
    sems = (sem_a, sem_b)
    col64 = jnp.full((16,), _HID, jnp.int32)

    def fire(g, buf, sem):
        return [
            pltpu.async_copy(
                table_hbm.at[idx_v.at[g * _GCH + k]],
                buf.at[pl.ds(k * _CH, _CH)],
                sem,
            )
            for k in range(_GCH)
        ]

    def stash_rel(g, buf):
        for k in range(_GCH):
            j = g * _GCH + k
            for s in range(_CH // 16):
                rv = rel_v[j, pl.ds(s * 16, 16)]
                rows = lax.iota(jnp.int32, 16) + (k * _CH + s * 16)
                plsc.store_scatter(buf, [rows, col64], rv)

    pending = {0: fire(0, bufs[0], sems[0])}
    for g in range(_NGRP):
        if g + 1 < _NGRP:
            pending[(g + 1) % 2] = fire(g + 1, bufs[(g + 1) % 2], sems[(g + 1) % 2])
        for cp in pending[g % 2]:
            cp.wait()
        stash_rel(g, bufs[g % 2])
        pltpu.sync_copy(bufs[g % 2], out_hbm.at[pl.ds(base + g * _GROWS, _GROWS)])


@functools.lru_cache(maxsize=None)
def _sc_gather_call():
    return pl.kernel(
        _sc_gather_body,
        out_type=jax.ShapeDtypeStruct((_ROWS, _W), jnp.float32),
        mesh=plsc.VectorSubcoreMesh(core_axis_name="c", subcore_axis_name="s"),
        scratch_types=[
            pltpu.VMEM((_NCH, _CH), jnp.int32),
            pltpu.VMEM((_NCH, _CH), jnp.float32),
            pltpu.VMEM((_GROWS, _W), jnp.float32),
            pltpu.VMEM((_GROWS, _W), jnp.float32),
            pltpu.SemaphoreType.DMA,
            pltpu.SemaphoreType.DMA,
        ],
        compiler_params=pltpu.CompilerParams(needs_layout_passes=False),
    )


def _mlp_body(g_ref, w0r_ref, w1_ref, b1_ref, out_ref):
    g0 = g_ref[0, 0]
    g1 = g_ref[0, 1]
    r0 = g0[:, _HID:_HID + 1]
    r1 = g1[:, _HID:_HID + 1]
    w0r = w0r_ref[...]
    h0 = jnp.maximum(g0 + r0 * w0r, 0.0)
    h1 = jnp.maximum(g1 + r1 * w0r, 0.0)
    a0 = jnp.abs(r0) + 1e-09
    a1 = jnp.abs(r1) + 1e-09
    tot = a0 + a1
    hb = h0 * (a1 / tot) + h1 * (a0 / tot)
    res = lax.dot_general(w1_ref[...], hb, (((0,), (1,)), ((), ())),
                          preferred_element_type=jnp.float32)
    out_ref[:, 0, 0] = res + b1_ref[...]


def kernel(coord, latent, W0, b0, W1, b1):
    coord3 = coord.reshape(_B, 1, _Q)
    pad = ((0, 0), (0, _W - _HID))
    w0f = jnp.pad(W0[1:, :], pad)
    w0r = jnp.pad(W0[0:1, :], pad)
    b0p = jnp.pad(b0.reshape(1, _HID), pad)
    w1p = jnp.pad(W1, ((0, _W - _HID), (0, 0)))
    b1c = b1.reshape(_OUT, 1)

    t, idxg, rel = pl.pallas_call(
        _prep_body,
        grid=(_B,),
        in_specs=[
            pl.BlockSpec((1, 1, _Q), lambda b: (b, 0, 0)),
            pl.BlockSpec((1, _N, _C), lambda b: (b, 0, 0)),
            pl.BlockSpec((3 * _C, _W), lambda b: (0, 0)),
            pl.BlockSpec((1, _W), lambda b: (0, 0)),
        ],
        out_specs=[
            pl.BlockSpec((1, _N, _W), lambda b: (b, 0, 0)),
            pl.BlockSpec((1, 2, 1, _Q), lambda b: (b, 0, 0, 0)),
            pl.BlockSpec((1, 2, 1, _Q), lambda b: (b, 0, 0, 0)),
        ],
        out_shape=[
            jax.ShapeDtypeStruct((_B, _N, _W), jnp.float32),
            jax.ShapeDtypeStruct((_B, 2, 1, _Q), jnp.int32),
            jax.ShapeDtypeStruct((_B, 2, 1, _Q), jnp.float32),
        ],
    )(coord3, latent, w0f, b0p)

    tt = t.reshape(_B * _N, _W)
    idxh = idxg.reshape(2, _NW, _NCH, _CH)
    relh = rel.reshape(2, _NW, _NCH, _CH)

    def blend(gh):
        return pl.pallas_call(
            _mlp_body,
            grid=(_HB, _Q // _QB),
            in_specs=[
                pl.BlockSpec((1, 2, _QB, _W), lambda b, q: (b, 0, q, 0)),
                pl.BlockSpec((1, _W), lambda b, q: (0, 0)),
                pl.BlockSpec((_W, _OUT), lambda b, q: (0, 0)),
                pl.BlockSpec((_OUT, 1), lambda b, q: (0, 0)),
            ],
            out_specs=pl.BlockSpec((_OUT, 1, 1, _QB), lambda b, q: (0, b, 0, q)),
            out_shape=jax.ShapeDtypeStruct((_OUT, _HB, 1, _Q), jnp.float32),
        )(gh.reshape(_HB, 2, _Q, _W), w0r, w1p, b1c)

    sc = _sc_gather_call()
    g0 = sc(tt, idxh[0], relh[0])
    g1 = sc(tt, idxh[1], relh[1])
    out0 = blend(g0)
    out1 = blend(g1)
    out = jnp.concatenate([out0, out1], axis=1).reshape(_OUT, _B, _Q)
    return jnp.transpose(out, (1, 2, 0))

# --- scband reference (transcript-rebuilt; emitter-appended) ---
"""Pipeline reference for scband-lisa-33414845563011 (READ-ONLY COPY).

The authoritative reference and input builder live on the scoring server;
editing this copy changes nothing except your own understanding.
"""

import jax, jax.numpy as jnp
import numpy as np

B, Q, N, C = 8, 8192, 4096, 128
HID, OUT = 64, 3


def make_coord_1d(n):
    # matches LIIF make_coord for a single dim, range (-1, 1)
    return -1.0 + (2.0 * jnp.arange(n, dtype=jnp.float32) + 1.0) / n


def setup_inputs(seed: int = 0) -> dict:
    key = jax.random.key(seed)
    k1, k2, k3, k4 = jax.random.split(key, 4)
    coord = jax.random.uniform(k1, (B, Q, 1), dtype=jnp.float32, minval=-1.0, maxval=1.0)
    latent = jax.random.normal(k2, (B, N, C), dtype=jnp.float32)
    in_dim = 1 + 3 * C  # rel_coord (1) + unfolded feature (3*C)
    W0 = jax.random.normal(k3, (in_dim, HID), dtype=jnp.float32) * (1.0 / np.sqrt(in_dim))
    b0 = jnp.zeros((HID,), dtype=jnp.float32)
    W1 = jax.random.normal(k4, (HID, OUT), dtype=jnp.float32) * (1.0 / np.sqrt(HID))
    b1 = jnp.zeros((OUT,), dtype=jnp.float32)
    return {"coord": coord, "latent": latent, "W0": W0, "b0": b0, "W1": W1, "b1": b1}


def reference(coord, latent, W0, b0, W1, b1):
    # feat: [B, C, N]
    feat = jnp.transpose(latent, (0, 2, 1))
    num_latents = feat.shape[2]
    # feat_unfold: concat prev/cur/next along channel dim -> [B, 3C, N]
    feat_prev = jnp.concatenate([feat[:, :, 0:1], feat[:, :, :-1]], axis=2)
    feat_next = jnp.concatenate([feat[:, :, 1:], feat[:, :, -1:]], axis=2)
    feat = jnp.concatenate([feat_prev, feat, feat_next], axis=1)
    # eval path: train=False
    vx_lst = [-2, 0]
    eps_shift = 1e-06
    rx = 2.0 / num_latents / 2.0
    fc = make_coord_1d(num_latents)  # [N], sorted ascending
    preds = []
    areas = []
    for vx in vx_lst:
        coord_ = coord + vx * rx + eps_shift
        coord_ = jnp.clip(coord_, -1.0 + 1e-06, 1.0 - 1e-06)
        # histogram-binning core: searchsorted into latent coordinate grid
        index = jnp.searchsorted(fc, coord_[:, :, 0])  # [B, Q]
        index = jnp.clip(index, 0, num_latents - 1)
        q_coord = fc[index][..., None]  # [B, Q, 1]
        q_feat = jnp.take_along_axis(feat, index[:, None, :], axis=2)  # [B, 3C, Q]
        q_feat = jnp.transpose(q_feat, (0, 2, 1))  # [B, Q, 3C]
        rel_coord = (coord - q_coord) * num_latents  # [B, Q, 1]
        # imnet: MLP over concat(rel_coord, q_feat)
        inp = jnp.concatenate([rel_coord, q_feat], axis=-1)
        h = jax.nn.relu(inp @ W0 + b0)
        pred = h @ W1 + b1  # [B, Q, 3]
        preds.append(pred)
        areas.append(jnp.abs(rel_coord[:, :, 0]) + 1e-09)
    tot_area = areas[0] + areas[1]
    # local_ensemble: swap areas
    areas = [areas[1], areas[0]]
    ret = preds[0] * (areas[0] / tot_area)[..., None] + preds[1] * (areas[1] / tot_area)[..., None]
    return ret

if __name__ == "__main__":
    import jax
    _d = setup_inputs()
    print(jax.jit(kernel)(*tuple(_d.values())))

</pallas_src>

<mosaic_0001>
#map = affine_map<(d0, d1) -> (0, 0)>
#map1 = affine_map<(d0, d1) -> (0, 0, 0)>
module attributes {stable_mosaic.version = 14 : i64} {
  func.func @_sc_gather_body(%arg0: i32, %arg1: i32, %arg2: memref<32768x128xf32, #tpu.memory_space<hbm>>, %arg3: memref<32x16x128xi32, #tpu.memory_space<hbm>>, %arg4: memref<32x16x128xf32, #tpu.memory_space<hbm>>, %arg5: memref<65536x128xf32, #tpu.memory_space<hbm>>, %arg6: memref<16x128xi32, #tpu.memory_space<vmem>>, %arg7: memref<16x128xf32, #tpu.memory_space<vmem>>, %arg8: memref<256x128xf32, #tpu.memory_space<vmem>>, %arg9: memref<256x128xf32, #tpu.memory_space<vmem>>, %arg10: memref<!tpu.dma_semaphore, #tpu.memory_space<semaphore_mem>>, %arg11: memref<!tpu.dma_semaphore, #tpu.memory_space<semaphore_mem>>) attributes {dimension_semantics = [#tpu.dimension_semantics<core_parallel>, #tpu.dimension_semantics<subcore_parallel>], iteration_bounds = array<i64: 2, 16>, scalar_prefetch = 0 : i64, scratch_operands = 6 : i64, tpu.core_type = #tpu.core_type<sc_vector_subcore>, window_params = [{transform_indices = #map}, {transform_indices = #map1}, {transform_indices = #map1}, {transform_indices = #map}]} {
    %mul3A = arith.constant 2 : i32
    %mul3A_0 = arith.muli %arg1, %mul3A : i32
    %add3A = arith.addi %mul3A_0, %arg0 : i32
    %mul3A_1 = arith.constant 2048 : i32
    %mul3A_2 = arith.muli %add3A, %mul3A_1 : i32
    "tpu.region"() ({
      %run_scoped3A = tpu.sem_alloc : memref<!tpu.dma_semaphore, #tpu.memory_space<semaphore_mem>>
      %dma_start3A_1360 = arith.constant 0 : i32
      %dma_start3A_1361 = arith.constant 0 : i32
      %dma_start3A_1362 = tpu.memref_slice %arg3[%add3A, %dma_start3A_1360, %dma_start3A_1361] : memref<32x16x128xi32, #tpu.memory_space<hbm>> -> memref<1x16x128xi32, #tpu.memory_space<hbm>>
      %dma_start3A_1363 = tpu.memref_squeeze %dma_start3A_1362 : memref<1x16x128xi32, #tpu.memory_space<hbm>> -> memref<16x128xi32, #tpu.memory_space<hbm>>
      %dma_start3A_1364 = arith.constant 0 : i32
      %dma_start3A_1365 = arith.constant 0 : i32
      %dma_start3A_1366 = tpu.memref_slice %arg3[%add3A, %dma_start3A_1364, %dma_start3A_1365] : memref<32x16x128xi32, #tpu.memory_space<hbm>> -> memref<1x16x128xi32, #tpu.memory_space<hbm>>
      %dma_start3A_1367 = tpu.memref_squeeze %dma_start3A_1366 : memref<1x16x128xi32, #tpu.memory_space<hbm>> -> memref<16x128xi32, #tpu.memory_space<hbm>>
      tpu.enqueue_dma source(%dma_start3A_1367 : memref<16x128xi32, #tpu.memory_space<hbm>>) target(%arg6 : memref<16x128xi32, #tpu.memory_space<vmem>>) target_semaphore(%run_scoped3A : memref<!tpu.dma_semaphore, #tpu.memory_space<semaphore_mem>>)
      %dma_wait3A_1368 = arith.constant 0 : i32
      %dma_wait3A_1369 = arith.constant 0 : i32
      %dma_wait3A_1370 = tpu.memref_slice %arg3[%add3A, %dma_wait3A_1368, %dma_wait3A_1369] : memref<32x16x128xi32, #tpu.memory_space<hbm>> -> memref<1x16x128xi32, #tpu.memory_space<hbm>>
      %dma_wait3A_1371 = tpu.memref_squeeze %dma_wait3A_1370 : memref<1x16x128xi32, #tpu.memory_space<hbm>> -> memref<16x128xi32, #tpu.memory_space<hbm>>
      %dma_wait3A_1372 = arith.constant 0 : i32
      %dma_wait3A_1373 = arith.constant 0 : i32
      %dma_wait3A_1374 = tpu.memref_slice %arg3[%add3A, %dma_wait3A_1372, %dma_wait3A_1373] : memref<32x16x128xi32, #tpu.memory_space<hbm>> -> memref<1x16x128xi32, #tpu.memory_space<hbm>>
      %dma_wait3A_1375 = tpu.memref_squeeze %dma_wait3A_1374 : memref<1x16x128xi32, #tpu.memory_space<hbm>> -> memref<16x128xi32, #tpu.memory_space<hbm>>
      tpu.wait_dma2 semaphore(%run_scoped3A : memref<!tpu.dma_semaphore, #tpu.memory_space<semaphore_mem>>) src(%dma_wait3A_1375 : memref<16x128xi32, #tpu.memory_space<hbm>>) dst(%arg6 : memref<16x128xi32, #tpu.memory_space<vmem>>)
      tpu.yield
    }) : () -> ()
    "tpu.region"() ({
      %run_scoped3A = tpu.sem_alloc : memref<!tpu.dma_semaphore, #tpu.memory_space<semaphore_mem>>
      %dma_start3A_1360 = arith.constant 0 : i32
      %dma_start3A_1361 = arith.constant 0 : i32
      %dma_start3A_1362 = tpu.memref_slice %arg4[%add3A, %dma_start3A_1360, %dma_start3A_1361] : memref<32x16x128xf32, #tpu.memory_space<hbm>> -> memref<1x16x128xf32, #tpu.memory_space<hbm>>
      %dma_start3A_1363 = tpu.memref_squeeze %dma_start3A_1362 : memref<1x16x128xf32, #tpu.memory_space<hbm>> -> memref<16x128xf32, #tpu.memory_space<hbm>>
      %dma_start3A_1364 = arith.constant 0 : i32
      %dma_start3A_1365 = arith.constant 0 : i32
      %dma_start3A_1366 = tpu.memref_slice %arg4[%add3A, %dma_start3A_1364, %dma_start3A_1365] : memref<32x16x128xf32, #tpu.memory_space<hbm>> -> memref<1x16x128xf32, #tpu.memory_space<hbm>>
      %dma_start3A_1367 = tpu.memref_squeeze %dma_start3A_1366 : memref<1x16x128xf32, #tpu.memory_space<hbm>> -> memref<16x128xf32, #tpu.memory_space<hbm>>
      tpu.enqueue_dma source(%dma_start3A_1367 : memref<16x128xf32, #tpu.memory_space<hbm>>) target(%arg7 : memref<16x128xf32, #tpu.memory_space<vmem>>) target_semaphore(%run_scoped3A : memref<!tpu.dma_semaphore, #tpu.memory_space<semaphore_mem>>)
      %dma_wait3A_1368 = arith.constant 0 : i32
      %dma_wait3A_1369 = arith.constant 0 : i32
      %dma_wait3A_1370 = tpu.memref_slice %arg4[%add3A, %dma_wait3A_1368, %dma_wait3A_1369] : memref<32x16x128xf32, #tpu.memory_space<hbm>> -> memref<1x16x128xf32, #tpu.memory_space<hbm>>
      %dma_wait3A_1371 = tpu.memref_squeeze %dma_wait3A_1370 : memref<1x16x128xf32, #tpu.memory_space<hbm>> -> memref<16x128xf32, #tpu.memory_space<hbm>>
      %dma_wait3A_1372 = arith.constant 0 : i32
      %dma_wait3A_1373 = arith.constant 0 : i32
      %dma_wait3A_1374 = tpu.memref_slice %arg4[%add3A, %dma_wait3A_1372, %dma_wait3A_1373] : memref<32x16x128xf32, #tpu.memory_space<hbm>> -> memref<1x16x128xf32, #tpu.memory_space<hbm>>
      %dma_wait3A_1375 = tpu.memref_squeeze %dma_wait3A_1374 : memref<1x16x128xf32, #tpu.memory_space<hbm>> -> memref<16x128xf32, #tpu.memory_space<hbm>>
      tpu.wait_dma2 semaphore(%run_scoped3A : memref<!tpu.dma_semaphore, #tpu.memory_space<semaphore_mem>>) src(%dma_wait3A_1375 : memref<16x128xf32, #tpu.memory_space<hbm>>) dst(%arg7 : memref<16x128xf32, #tpu.memory_space<vmem>>)
      tpu.yield
    }) : () -> ()
    %broadcast_in_dim3A = arith.constant 64 : i32
    %broadcast_in_dim3A_3 = vector.broadcast %broadcast_in_dim3A : i32 to vector<16xi32>
    %dma_start3A = arith.constant 0 : i32
    %dma_start3A_4 = arith.constant 0 : i32
    %dma_start3A_5 = arith.constant 0 : i32
    %dma_start3A_6 = tpu.memref_slice %arg8[%dma_start3A_4, %dma_start3A_5] : memref<256x128xf32, #tpu.memory_space<vmem>> -> memref<128x128xf32, #tpu.memory_space<vmem>>
    %dma_start3A_7 = arith.constant 0 : i32
    %dma_start3A_8 = tpu.memref_slice %arg6[%dma_start3A, %dma_start3A_7] : memref<16x128xi32, #tpu.memory_space<vmem>> -> memref<1x128xi32, #tpu.memory_space<vmem>>
    %dma_start3A_9 = tpu.memref_squeeze %dma_start3A_8 : memref<1x128xi32, #tpu.memory_space<vmem>> -> memref<128xi32, #tpu.memory_space<vmem>>
    %dma_start3A_10 = arith.constant 0 : i32
    %dma_start3A_11 = arith.constant 0 : i32
    %dma_start3A_12 = tpu.memref_slice %arg2[%dma_start3A_10, %dma_start3A_11] : memref<32768x128xf32, #tpu.memory_space<hbm>> -> memref<32768x128xf32, #tpu.memory_space<hbm>>
    tpu.enqueue_indirect_dma source(%dma_start3A_12 : memref<32768x128xf32, #tpu.memory_space<hbm>>) target(%dma_start3A_6 : memref<128x128xf32, #tpu.memory_space<vmem>>) offsets(%dma_start3A_9 : memref<128xi32, #tpu.memory_space<vmem>>) semaphore(%arg10 : memref<!tpu.dma_semaphore, #tpu.memory_space<semaphore_mem>>)
    %dma_start3A_13 = arith.constant 1 : i32
    %dma_start3A_14 = arith.constant 128 : i32
    %dma_start3A_15 = arith.constant 0 : i32
    %dma_start3A_16 = tpu.memref_slice %arg8[%dma_start3A_14, %dma_start3A_15] : memref<256x128xf32, #tpu.memory_space<vmem>> -> memref<128x128xf32, #tpu.memory_space<vmem>>
    %dma_start3A_17 = arith.constant 0 : i32
    %dma_start3A_18 = tpu.memref_slice %arg6[%dma_start3A_13, %dma_start3A_17] : memref<16x128xi32, #tpu.memory_space<vmem>> -> memref<1x128xi32, #tpu.memory_space<vmem>>
    %dma_start3A_19 = tpu.memref_squeeze %dma_start3A_18 : memref<1x128xi32, #tpu.memory_space<vmem>> -> memref<128xi32, #tpu.memory_space<vmem>>
    %dma_start3A_20 = arith.constant 0 : i32
    %dma_start3A_21 = arith.constant 0 : i32
    %dma_start3A_22 = tpu.memref_slice %arg2[%dma_start3A_20, %dma_start3A_21] : memref<32768x128xf32, #tpu.memory_space<hbm>> -> memref<32768x128xf32, #tpu.memory_space<hbm>>
    tpu.enqueue_indirect_dma source(%dma_start3A_22 : memref<32768x128xf32, #tpu.memory_space<hbm>>) target(%dma_start3A_16 : memref<128x128xf32, #tpu.memory_space<vmem>>) offsets(%dma_start3A_19 : memref<128xi32, #tpu.memory_space<vmem>>) semaphore(%arg10 : memref<!tpu.dma_semaphore, #tpu.memory_space<semaphore_mem>>)
    %dma_start3A_23 = arith.constant 2 : i32
    %dma_start3A_24 = arith.constant 0 : i32
    %dma_start3A_25 = arith.constant 0 : i32
    %dma_start3A_26 = tpu.memref_slice %arg9[%dma_start3A_24, %dma_start3A_25] : memref<256x128xf32, #tpu.memory_space<vmem>> -> memref<128x128xf32, #tpu.memory_space<vmem>>
    %dma_start3A_27 = arith.constant 0 : i32
    %dma_start3A_28 = tpu.memref_slice %arg6[%dma_start3A_23, %dma_start3A_27] : memref<16x128xi32, #tpu.memory_space<vmem>> -> memref<1x128xi32, #tpu.memory_space<vmem>>
    %dma_start3A_29 = tpu.memref_squeeze %dma_start3A_28 : memref<1x128xi32, #tpu.memory_space<vmem>> -> memref<128xi32, #tpu.memory_space<vmem>>
    %dma_start3A_30 = arith.constant 0 : i32
    %dma_start3A_31 = arith.constant 0 : i32
    %dma_start3A_32 = tpu.memref_slice %arg2[%dma_start3A_30, %dma_start3A_31] : memref<32768x128xf32, #tpu.memory_space<hbm>> -> memref<32768x128xf32, #tpu.memory_space<hbm>>
    tpu.enqueue_indirect_dma source(%dma_start3A_32 : memref<32768x128xf32, #tpu.memory_space<hbm>>) target(%dma_start3A_26 : memref<128x128xf32, #tpu.memory_space<vmem>>) offsets(%dma_start3A_29 : memref<128xi32, #tpu.memory_space<vmem>>) semaphore(%arg11 : memref<!tpu.dma_semaphore, #tpu.memory_space<semaphore_mem>>)
    %dma_start3A_33 = arith.constant 3 : i32
    %dma_start3A_34 = arith.constant 128 : i32
    %dma_start3A_35 = arith.constant 0 : i32
    %dma_start3A_36 = tpu.memref_slice %arg9[%dma_start3A_34, %dma_start3A_35] : memref<256x128xf32, #tpu.memory_space<vmem>> -> memref<128x128xf32, #tpu.memory_space<vmem>>
    %dma_start3A_37 = arith.constant 0 : i32
    %dma_start3A_38 = tpu.memref_slice %arg6[%dma_start3A_33, %dma_start3A_37] : memref<16x128xi32, #tpu.memory_space<vmem>> -> memref<1x128xi32, #tpu.memory_space<vmem>>
    %dma_start3A_39 = tpu.memref_squeeze %dma_start3A_38 : memref<1x128xi32, #tpu.memory_space<vmem>> -> memref<128xi32, #tpu.memory_space<vmem>>
    %dma_start3A_40 = arith.constant 0 : i32
    %dma_start3A_41 = arith.constant 0 : i32
    %dma_start3A_42 = tpu.memref_slice %arg2[%dma_start3A_40, %dma_start3A_41] : memref<32768x128xf32, #tpu.memory_space<hbm>> -> memref<32768x128xf32, #tpu.memory_space<hbm>>
    tpu.enqueue_indirect_dma source(%dma_start3A_42 : memref<32768x128xf32, #tpu.memory_space<hbm>>) target(%dma_start3A_36 : memref<128x128xf32, #tpu.memory_space<vmem>>) offsets(%dma_start3A_39 : memref<128xi32, #tpu.memory_space<vmem>>) semaphore(%arg11 : memref<!tpu.dma_semaphore, #tpu.memory_space<semaphore_mem>>)
    %dma_wait3A = arith.constant 0 : i32
    %dma_wait3A_43 = arith.constant 0 : i32
    %dma_wait3A_44 = arith.constant 0 : i32
    %dma_wait3A_45 = tpu.memref_slice %arg8[%dma_wait3A_43, %dma_wait3A_44] : memref<256x128xf32, #tpu.memory_space<vmem>> -> memref<128x128xf32, #tpu.memory_space<vmem>>
    %dma_wait3A_46 = arith.constant 0 : i32
    %dma_wait3A_47 = tpu.memref_slice %arg6[%dma_wait3A, %dma_wait3A_46] : memref<16x128xi32, #tpu.memory_space<vmem>> -> memref<1x128xi32, #tpu.memory_space<vmem>>
    %dma_wait3A_48 = tpu.memref_squeeze %dma_wait3A_47 : memref<1x128xi32, #tpu.memory_space<vmem>> -> memref<128xi32, #tpu.memory_space<vmem>>
    %dma_wait3A_49 = arith.constant 0 : i32
    %dma_wait3A_50 = arith.constant 0 : i32
    %dma_wait3A_51 = tpu.memref_slice %arg2[%dma_wait3A_49, %dma_wait3A_50] : memref<32768x128xf32, #tpu.memory_space<hbm>> -> memref<32768x128xf32, #tpu.memory_space<hbm>>
    tpu.wait_indirect_dma semaphore(%arg10 : memref<!tpu.dma_semaphore, #tpu.memory_space<semaphore_mem>>) src(%dma_wait3A_51 : memref<32768x128xf32, #tpu.memory_space<hbm>>) dst(%dma_wait3A_45 : memref<128x128xf32, #tpu.memory_space<vmem>>)
    %dma_wait3A_52 = arith.constant 1 : i32
    %dma_wait3A_53 = arith.constant 128 : i32
    %dma_wait3A_54 = arith.constant 0 : i32
    %dma_wait3A_55 = tpu.memref_slice %arg8[%dma_wait3A_53, %dma_wait3A_54] : memref<256x128xf32, #tpu.memory_space<vmem>> -> memref<128x128xf32, #tpu.memory_space<vmem>>
    %dma_wait3A_56 = arith.constant 0 : i32
    %dma_wait3A_57 = tpu.memref_slice %arg6[%dma_wait3A_52, %dma_wait3A_56] : memref<16x128xi32, #tpu.memory_space<vmem>> -> memref<1x128xi32, #tpu.memory_space<vmem>>
    %dma_wait3A_58 = tpu.memref_squeeze %dma_wait3A_57 : memref<1x128xi32, #tpu.memory_space<vmem>> -> memref<128xi32, #tpu.memory_space<vmem>>
    %dma_wait3A_59 = arith.constant 0 : i32
    %dma_wait3A_60 = arith.constant 0 : i32
    %dma_wait3A_61 = tpu.memref_slice %arg2[%dma_wait3A_59, %dma_wait3A_60] : memref<32768x128xf32, #tpu.memory_space<hbm>> -> memref<32768x128xf32, #tpu.memory_space<hbm>>
    tpu.wait_indirect_dma semaphore(%arg10 : memref<!tpu.dma_semaphore, #tpu.memory_space<semaphore_mem>>) src(%dma_wait3A_61 : memref<32768x128xf32, #tpu.memory_space<hbm>>) dst(%dma_wait3A_55 : memref<128x128xf32, #tpu.memory_space<vmem>>)
    %get3A = arith.constant 0 : i32
    %get3A_62 = arith.index_cast %get3A : i32 to index
    %get3A_63 = arith.constant 0 : index
    %get3A_64 = tpu.vector_load %arg7[%get3A_62, %get3A_63] {strides = array<i32>} : memref<16x128xf32, #tpu.memory_space<vmem>>, vector<16xf32>,
    %iota3A = tpu.iota {dimensions = array<i32: 0>} : vector<16xi32>
    %add3A_65 = arith.constant 0 : i32
    %add3A_66 = vector.broadcast %add3A_65 : i32 to vector<16xi32>
    %add3A_67 = arith.addi %iota3A, %add3A_66 : vector<16xi32>
    tpu.vector_store_idx %arg8[%add3A_67, %broadcast_in_dim3A_3], %get3A_64 : memref<256x128xf32, #tpu.memory_space<vmem>>[vector<16xi32>, vector<16xi32>], vector<16xf32>,
    %get3A_68 = arith.constant 0 : i32
    %get3A_69 = arith.index_cast %get3A_68 : i32 to index
    %get3A_70 = arith.constant 16 : index
    %get3A_71 = tpu.vector_load %arg7[%get3A_69, %get3A_70] {strides = array<i32>} : memref<16x128xf32, #tpu.memory_space<vmem>>, vector<16xf32>,
    %iota3A_72 = tpu.iota {dimensions = array<i32: 0>} : vector<16xi32>
    %add3A_73 = arith.constant 16 : i32
    %add3A_74 = vector.broadcast %add3A_73 : i32 to vector<16xi32>
    %add3A_75 = arith.addi %iota3A_72, %add3A_74 : vector<16xi32>
    tpu.vector_store_idx %arg8[%add3A_75, %broadcast_in_dim3A_3], %get3A_71 : memref<256x128xf32, #tpu.memory_space<vmem>>[vector<16xi32>, vector<16xi32>], vector<16xf32>,
    %get3A_76 = arith.constant 0 : i32
    %get3A_77 = arith.index_cast %get3A_76 : i32 to index
    %get3A_78 = arith.constant 32 : index
    %get3A_79 = tpu.vector_load %arg7[%get3A_77, %get3A_78] {strides = array<i32>} : memref<16x128xf32, #tpu.memory_space<vmem>>, vector<16xf32>,
    %iota3A_80 = tpu.iota {dimensions = array<i32: 0>} : vector<16xi32>
    %add3A_81 = arith.constant 32 : i32
    %add3A_82 = vector.broadcast %add3A_81 : i32 to vector<16xi32>
    %add3A_83 = arith.addi %iota3A_80, %add3A_82 : vector<16xi32>
    tpu.vector_store_idx %arg8[%add3A_83, %broadcast_in_dim3A_3], %get3A_79 : memref<256x128xf32, #tpu.memory_space<vmem>>[vector<16xi32>, vector<16xi32>], vector<16xf32>,
    %get3A_84 = arith.constant 0 : i32
    %get3A_85 = arith.index_cast %get3A_84 : i32 to index
    %get3A_86 = arith.constant 48 : index
    %get3A_87 = tpu.vector_load %arg7[%get3A_85, %get3A_86] {strides = array<i32>} : memref<16x128xf32, #tpu.memory_space<vmem>>, vector<16xf32>,
    %iota3A_88 = tpu.iota {dimensions = array<i32: 0>} : vector<16xi32>
    %add3A_89 = arith.constant 48 : i32
    %add3A_90 = vector.broadcast %add3A_89 : i32 to vector<16xi32>
    %add3A_91 = arith.addi %iota3A_88, %add3A_90 : vector<16xi32>
    tpu.vector_store_idx %arg8[%add3A_91, %broadcast_in_dim3A_3], %get3A_87 : memref<256x128xf32, #tpu.memory_space<vmem>>[vector<16xi32>, vector<16xi32>], vector<16xf32>,
    %get3A_92 = arith.constant 0 : i32
    %get3A_93 = arith.index_cast %get3A_92 : i32 to index
    %get3A_94 = arith.constant 64 : index
    %get3A_95 = tpu.vector_load %arg7[%get3A_93, %get3A_94] {strides = array<i32>} : memref<16x128xf32, #tpu.memory_space<vmem>>, vector<16xf32>,
    %iota3A_96 = tpu.iota {dimensions = array<i32: 0>} : vector<16xi32>
    %add3A_97 = arith.constant 64 : i32
    %add3A_98 = vector.broadcast %add3A_97 : i32 to vector<16xi32>
    %add3A_99 = arith.addi %iota3A_96, %add3A_98 : vector<16xi32>
    tpu.vector_store_idx %arg8[%add3A_99, %broadcast_in_dim3A_3], %get3A_95 : memref<256x128xf32, #tpu.memory_space<vmem>>[vector<16xi32>, vector<16xi32>], vector<16xf32>,
    %get3A_100 = arith.constant 0 : i32
    %get3A_101 = arith.index_cast %get3A_100 : i32 to index
    %get3A_102 = arith.constant 80 : index
    %get3A_103 = tpu.vector_load %arg7[%get3A_101, %get3A_102] {strides = array<i32>} : memref<16x128xf32, #tpu.memory_space<vmem>>, vector<16xf32>,
    %iota3A_104 = tpu.iota {dimensions = array<i32: 0>} : vector<16xi32>
    %add3A_105 = arith.constant 80 : i32
    %add3A_106 = vector.broadcast %add3A_105 : i32 to vector<16xi32>
    %add3A_107 = arith.addi %iota3A_104, %add3A_106 : vector<16xi32>
    tpu.vector_store_idx %arg8[%add3A_107, %broadcast_in_dim3A_3], %get3A_103 : memref<256x128xf32, #tpu.memory_space<vmem>>[vector<16xi32>, vector<16xi32>], vector<16xf32>,
    %get3A_108 = arith.constant 0 : i32
    %get3A_109 = arith.index_cast %get3A_108 : i32 to index
    %get3A_110 = arith.constant 96 : index
    %get3A_111 = tpu.vector_load %arg7[%get3A_109, %get3A_110] {strides = array<i32>} : memref<16x128xf32, #tpu.memory_space<vmem>>, vector<16xf32>,
    %iota3A_112 = tpu.iota {dimensions = array<i32: 0>} : vector<16xi32>
    %add3A_113 = arith.constant 96 : i32
    %add3A_114 = vector.broadcast %add3A_113 : i32 to vector<16xi32>
    %add3A_115 = arith.addi %iota3A_112, %add3A_114 : vector<16xi32>
    tpu.vector_store_idx %arg8[%add3A_115, %broadcast_in_dim3A_3], %get3A_111 : memref<256x128xf32, #tpu.memory_space<vmem>>[vector<16xi32>, vector<16xi32>], vector<16xf32>,
    %get3A_116 = arith.constant 0 : i32
    %get3A_117 = arith.index_cast %get3A_116 : i32 to index
    %get3A_118 = arith.constant 112 : index
    %get3A_119 = tpu.vector_load %arg7[%get3A_117, %get3A_118] {strides = array<i32>} : memref<16x128xf32, #tpu.memory_space<vmem>>, vector<16xf32>,
    %iota3A_120 = tpu.iota {dimensions = array<i32: 0>} : vector<16xi32>
    %add3A_121 = arith.constant 112 : i32
    %add3A_122 = vector.broadcast %add3A_121 : i32 to vector<16xi32>
    %add3A_123 = arith.addi %iota3A_120, %add3A_122 : vector<16xi32>
    tpu.vector_store_idx %arg8[%add3A_123, %broadcast_in_dim3A_3], %get3A_119 : memref<256x128xf32, #tpu.memory_space<vmem>>[vector<16xi32>, vector<16xi32>], vector<16xf32>,
    %get3A_124 = arith.constant 1 : i32
    %get3A_125 = arith.index_cast %get3A_124 : i32 to index
    %get3A_126 = arith.constant 0 : index
    %get3A_127 = tpu.vector_load %arg7[%get3A_125, %get3A_126] {strides = array<i32>} : memref<16x128xf32, #tpu.memory_space<vmem>>, vector<16xf32>,
    %iota3A_128 = tpu.iota {dimensions = array<i32: 0>} : vector<16xi32>
    %add3A_129 = arith.constant 128 : i32
    %add3A_130 = vector.broadcast %add3A_129 : i32 to vector<16xi32>
    %add3A_131 = arith.addi %iota3A_128, %add3A_130 : vector<16xi32>
    tpu.vector_store_idx %arg8[%add3A_131, %broadcast_in_dim3A_3], %get3A_127 : memref<256x128xf32, #tpu.memory_space<vmem>>[vector<16xi32>, vector<16xi32>], vector<16xf32>,
    %get3A_132 = arith.constant 1 : i32
    %get3A_133 = arith.index_cast %get3A_132 : i32 to index
    %get3A_134 = arith.constant 16 : index
    %get3A_135 = tpu.vector_load %arg7[%get3A_133, %get3A_134] {strides = array<i32>} : memref<16x128xf32, #tpu.memory_space<vmem>>, vector<16xf32>,
    %iota3A_136 = tpu.iota {dimensions = array<i32: 0>} : vector<16xi32>
    %add3A_137 = arith.constant 144 : i32
    %add3A_138 = vector.broadcast %add3A_137 : i32 to vector<16xi32>
    %add3A_139 = arith.addi %iota3A_136, %add3A_138 : vector<16xi32>
    tpu.vector_store_idx %arg8[%add3A_139, %broadcast_in_dim3A_3], %get3A_135 : memref<256x128xf32, #tpu.memory_space<vmem>>[vector<16xi32>, vector<16xi32>], vector<16xf32>,
    %get3A_140 = arith.constant 1 : i32
    %get3A_141 = arith.index_cast %get3A_140 : i32 to index
    %get3A_142 = arith.constant 32 : index
    %get3A_143 = tpu.vector_load %arg7[%get3A_141, %get3A_142] {strides = array<i32>} : memref<16x128xf32, #tpu.memory_space<vmem>>, vector<16xf32>,
    %iota3A_144 = tpu.iota {dimensions = array<i32: 0>} : vector<16xi32>
    %add3A_145 = arith.constant 160 : i32
    %add3A_146 = vector.broadcast %add3A_145 : i32 to vector<16xi32>
    %add3A_147 = arith.addi %iota3A_144, %add3A_146 : vector<16xi32>
    tpu.vector_store_idx %arg8[%add3A_147, %broadcast_in_dim3A_3], %get3A_143 : memref<256x128xf32, #tpu.memory_space<vmem>>[vector<16xi32>, vector<16xi32>], vector<16xf32>,
    %get3A_148 = arith.constant 1 : i32
    %get3A_149 = arith.index_cast %get3A_148 : i32 to index
    %get3A_150 = arith.constant 48 : index
    %get3A_151 = tpu.vector_load %arg7[%get3A_149, %get3A_150] {strides = array<i32>} : memref<16x128xf32, #tpu.memory_space<vmem>>, vector<16xf32>,
    %iota3A_152 = tpu.iota {dimensions = array<i32: 0>} : vector<16xi32>
    %add3A_153 = arith.constant 176 : i32
    %add3A_154 = vector.broadcast %add3A_153 : i32 to vector<16xi32>
    %add3A_155 = arith.addi %iota3A_152, %add3A_154 : vector<16xi32>
    tpu.vector_store_idx %arg8[%add3A_155, %broadcast_in_dim3A_3], %get3A_151 : memref<256x128xf32, #tpu.memory_space<vmem>>[vector<16xi32>, vector<16xi32>], vector<16xf32>,
    %get3A_156 = arith.constant 1 : i32
    %get3A_157 = arith.index_cast %get3A_156 : i32 to index
    %get3A_158 = arith.constant 64 : index
    %get3A_159 = tpu.vector_load %arg7[%get3A_157, %get3A_158] {strides = array<i32>} : memref<16x128xf32, #tpu.memory_space<vmem>>, vector<16xf32>,
    %iota3A_160 = tpu.iota {dimensions = array<i32: 0>} : vector<16xi32>
    %add3A_161 = arith.constant 192 : i32
    %add3A_162 = vector.broadcast %add3A_161 : i32 to vector<16xi32>
    %add3A_163 = arith.addi %iota3A_160, %add3A_162 : vector<16xi32>
    tpu.vector_store_idx %arg8[%add3A_163, %broadcast_in_dim3A_3], %get3A_159 : memref<256x128xf32, #tpu.memory_space<vmem>>[vector<16xi32>, vector<16xi32>], vector<16xf32>,
    %get3A_164 = arith.constant 1 : i32
    %get3A_165 = arith.index_cast %get3A_164 : i32 to index
    %get3A_166 = arith.constant 80 : index
    %get3A_167 = tpu.vector_load %arg7[%get3A_165, %get3A_166] {strides = array<i32>} : memref<16x128xf32, #tpu.memory_space<vmem>>, vector<16xf32>,
    %iota3A_168 = tpu.iota {dimensions = array<i32: 0>} : vector<16xi32>
    %add3A_169 = arith.constant 208 : i32
    %add3A_170 = vector.broadcast %add3A_169 : i32 to vector<16xi32>
    %add3A_171 = arith.addi %iota3A_168, %add3A_170 : vector<16xi32>
    tpu.vector_store_idx %arg8[%add3A_171, %broadcast_in_dim3A_3], %get3A_167 : memref<256x128xf32, #tpu.memory_space<vmem>>[vector<16xi32>, vector<16xi32>], vector<16xf32>,
    %get3A_172 = arith.constant 1 : i32
    %get3A_173 = arith.index_cast %get3A_172 : i32 to index
    %get3A_174 = arith.constant 96 : index
    %get3A_175 = tpu.vector_load %arg7[%get3A_173, %get3A_174] {strides = array<i32>} : memref<16x128xf32, #tpu.memory_space<vmem>>, vector<16xf32>,
    %iota3A_176 = tpu.iota {dimensions = array<i32: 0>} : vector<16xi32>
    %add3A_177 = arith.constant 224 : i32
    %add3A_178 = vector.broadcast %add3A_177 : i32 to vector<16xi32>
    %add3A_179 = arith.addi %iota3A_176, %add3A_178 : vector<16xi32>
    tpu.vector_store_idx %arg8[%add3A_179, %broadcast_in_dim3A_3], %get3A_175 : memref<256x128xf32, #tpu.memory_space<vmem>>[vector<16xi32>, vector<16xi32>], vector<16xf32>,
    %get3A_180 = arith.constant 1 : i32
    %get3A_181 = arith.index_cast %get3A_180 : i32 to index
    %get3A_182 = arith.constant 112 : index
    %get3A_183 = tpu.vector_load %arg7[%get3A_181, %get3A_182] {strides = array<i32>} : memref<16x128xf32, #tpu.memory_space<vmem>>, vector<16xf32>,
    %iota3A_184 = tpu.iota {dimensions = array<i32: 0>} : vector<16xi32>
    %add3A_185 = arith.constant 240 : i32
    %add3A_186 = vector.broadcast %add3A_185 : i32 to vector<16xi32>
    %add3A_187 = arith.addi %iota3A_184, %add3A_186 : vector<16xi32>
    tpu.vector_store_idx %arg8[%add3A_187, %broadcast_in_dim3A_3], %get3A_183 : memref<256x128xf32, #tpu.memory_space<vmem>>[vector<16xi32>, vector<16xi32>], vector<16xf32>,
    %add3A_188 = arith.constant 0 : i32
    %add3A_189 = arith.addi %mul3A_2, %add3A_188 : i32
    "tpu.region"() ({
      %run_scoped3A = tpu.sem_alloc : memref<!tpu.dma_semaphore, #tpu.memory_space<semaphore_mem>>
      %dma_start3A_1360 = arith.constant 0 : i32
      %dma_start3A_1361 = tpu.memref_slice %arg5[%add3A_189, %dma_start3A_1360] : memref<65536x128xf32, #tpu.memory_space<hbm>> -> memref<256x128xf32, #tpu.memory_space<hbm>>
      %dma_start3A_1362 = arith.constant 0 : i32
      %dma_start3A_1363 = tpu.memref_slice %arg5[%add3A_189, %dma_start3A_1362] : memref<65536x128xf32, #tpu.memory_space<hbm>> -> memref<256x128xf32, #tpu.memory_space<hbm>>
      tpu.enqueue_dma source(%arg8 : memref<256x128xf32, #tpu.memory_space<vmem>>) target(%dma_start3A_1363 : memref<256x128xf32, #tpu.memory_space<hbm>>) target_semaphore(%run_scoped3A : memref<!tpu.dma_semaphore, #tpu.memory_space<semaphore_mem>>)
      %dma_wait3A_1364 = arith.constant 0 : i32
      %dma_wait3A_1365 = tpu.memref_slice %arg5[%add3A_189, %dma_wait3A_1364] : memref<65536x128xf32, #tpu.memory_space<hbm>> -> memref<256x128xf32, #tpu.memory_space<hbm>>
      %dma_wait3A_1366 = arith.constant 0 : i32
      %dma_wait3A_1367 = tpu.memref_slice %arg5[%add3A_189, %dma_wait3A_1366] : memref<65536x128xf32, #tpu.memory_space<hbm>> -> memref<256x128xf32, #tpu.memory_space<hbm>>
      tpu.wait_dma2 semaphore(%run_scoped3A : memref<!tpu.dma_semaphore, #tpu.memory_space<semaphore_mem>>) src(%arg8 : memref<256x128xf32, #tpu.memory_space<vmem>>) dst(%dma_wait3A_1367 : memref<256x128xf32, #tpu.memory_space<hbm>>)
      tpu.yield
    }) : () -> ()
    %dma_start3A_190 = arith.constant 4 : i32
    %dma_start3A_191 = arith.constant 0 : i32
    %dma_start3A_192 = arith.constant 0 : i32
    %dma_start3A_193 = tpu.memref_slice %arg8[%dma_start3A_191, %dma_start3A_192] : memref<256x128xf32, #tpu.memory_space<vmem>> -> memref<128x128xf32, #tpu.memory_space<vmem>>
    %dma_start3A_194 = arith.constant 0 : i32
    %dma_start3A_195 = tpu.memref_slice %arg6[%dma_start3A_190, %dma_start3A_194] : memref<16x128xi32, #tpu.memory_space<vmem>> -> memref<1x128xi32, #tpu.memory_space<vmem>>
    %dma_start3A_196 = tpu.memref_squeeze %dma_start3A_195 : memref<1x128xi32, #tpu.memory_space<vmem>> -> memref<128xi32, #tpu.memory_space<vmem>>
    %dma_start3A_197 = arith.constant 0 : i32
    %dma_start3A_198 = arith.constant 0 : i32
    %dma_start3A_199 = tpu.memref_slice %arg2[%dma_start3A_197, %dma_start3A_198] : memref<32768x128xf32, #tpu.memory_space<hbm>> -> memref<32768x128xf32, #tpu.memory_space<hbm>>
    tpu.enqueue_indirect_dma source(%dma_start3A_199 : memref<32768x128xf32, #tpu.memory_space<hbm>>) target(%dma_start3A_193 : memref<128x128xf32, #tpu.memory_space<vmem>>) offsets(%dma_start3A_196 : memref<128xi32, #tpu.memory_space<vmem>>) semaphore(%arg10 : memref<!tpu.dma_semaphore, #tpu.memory_space<semaphore_mem>>)
    %dma_start3A_200 = arith.constant 5 : i32
    %dma_start3A_201 = arith.constant 128 : i32
    %dma_start3A_202 = arith.constant 0 : i32
    %dma_start3A_203 = tpu.memref_slice %arg8[%dma_start3A_201, %dma_start3A_202] : memref<256x128xf32, #tpu.memory_space<vmem>> -> memref<128x128xf32, #tpu.memory_space<vmem>>
    %dma_start3A_204 = arith.constant 0 : i32
    %dma_start3A_205 = tpu.memref_slice %arg6[%dma_start3A_200, %dma_start3A_204] : memref<16x128xi32, #tpu.memory_space<vmem>> -> memref<1x128xi32, #tpu.memory_space<vmem>>
    %dma_start3A_206 = tpu.memref_squeeze %dma_start3A_205 : memref<1x128xi32, #tpu.memory_space<vmem>> -> memref<128xi32, #tpu.memory_space<vmem>>
    %dma_start3A_207 = arith.constant 0 : i32
    %dma_start3A_208 = arith.constant 0 : i32
    %dma_start3A_209 = tpu.memref_slice %arg2[%dma_start3A_207, %dma_start3A_208] : memref<32768x128xf32, #tpu.memory_space<hbm>> -> memref<32768x128xf32, #tpu.memory_space<hbm>>
    tpu.enqueue_indirect_dma source(%dma_start3A_209 : memref<32768x128xf32, #tpu.memory_space<hbm>>) target(%dma_start3A_203 : memref<128x128xf32, #tpu.memory_space<vmem>>) offsets(%dma_start3A_206 : memref<128xi32, #tpu.memory_space<vmem>>) semaphore(%arg10 : memref<!tpu.dma_semaphore, #tpu.memory_space<semaphore_mem>>)
    %dma_wait3A_210 = arith.constant 2 : i32
    %dma_wait3A_211 = arith.constant 0 : i32
    %dma_wait3A_212 = arith.constant 0 : i32
    %dma_wait3A_213 = tpu.memref_slice %arg9[%dma_wait3A_211, %dma_wait3A_212] : memref<256x128xf32, #tpu.memory_space<vmem>> -> memref<128x128xf32, #tpu.memory_space<vmem>>
    %dma_wait3A_214 = arith.constant 0 : i32
    %dma_wait3A_215 = tpu.memref_slice %arg6[%dma_wait3A_210, %dma_wait3A_214] : memref<16x128xi32, #tpu.memory_space<vmem>> -> memref<1x128xi32, #tpu.memory_space<vmem>>
    %dma_wait3A_216 = tpu.memref_squeeze %dma_wait3A_215 : memref<1x128xi32, #tpu.memory_space<vmem>> -> memref<128xi32, #tpu.memory_space<vmem>>
    %dma_wait3A_217 = arith.constant 0 : i32
    %dma_wait3A_218 = arith.constant 0 : i32
    %dma_wait3A_219 = tpu.memref_slice %arg2[%dma_wait3A_217, %dma_wait3A_218] : memref<32768x128xf32, #tpu.memory_space<hbm>> -> memref<32768x128xf32, #tpu.memory_space<hbm>>
    tpu.wait_indirect_dma semaphore(%arg11 : memref<!tpu.dma_semaphore, #tpu.memory_space<semaphore_mem>>) src(%dma_wait3A_219 : memref<32768x128xf32, #tpu.memory_space<hbm>>) dst(%dma_wait3A_213 : memref<128x128xf32, #tpu.memory_space<vmem>>)
    %dma_wait3A_220 = arith.constant 3 : i32
    %dma_wait3A_221 = arith.constant 128 : i32
    %dma_wait3A_222 = arith.constant 0 : i32
    %dma_wait3A_223 = tpu.memref_slice %arg9[%dma_wait3A_221, %dma_wait3A_222] : memref<256x128xf32, #tpu.memory_space<vmem>> -> memref<128x128xf32, #tpu.memory_space<vmem>>
    %dma_wait3A_224 = arith.constant 0 : i32
    %dma_wait3A_225 = tpu.memref_slice %arg6[%dma_wait3A_220, %dma_wait3A_224] : memref<16x128xi32, #tpu.memory_space<vmem>> -> memref<1x128xi32, #tpu.memory_space<vmem>>
    %dma_wait3A_226 = tpu.memref_squeeze %dma_wait3A_225 : memref<1x128xi32, #tpu.memory_space<vmem>> -> memref<128xi32, #tpu.memory_space<vmem>>
    %dma_wait3A_227 = arith.constant 0 : i32
    %dma_wait3A_228 = arith.constant 0 : i32
    %dma_wait3A_229 = tpu.memref_slice %arg2[%dma_wait3A_227, %dma_wait3A_228] : memref<32768x128xf32, #tpu.memory_space<hbm>> -> memref<32768x128xf32, #tpu.memory_space<hbm>>
    tpu.wait_indirect_dma semaphore(%arg11 : memref<!tpu.dma_semaphore, #tpu.memory_space<semaphore_mem>>) src(%dma_wait3A_229 : memref<32768x128xf32, #tpu.memory_space<hbm>>) dst(%dma_wait3A_223 : memref<128x128xf32, #tpu.memory_space<vmem>>)
    %get3A_230 = arith.constant 2 : i32
    %get3A_231 = arith.index_cast %get3A_230 : i32 to index
    %get3A_232 = arith.constant 0 : index
    %get3A_233 = tpu.vector_load %arg7[%get3A_231, %get3A_232] {strides = array<i32>} : memref<16x128xf32, #tpu.memory_space<vmem>>, vector<16xf32>,
    %iota3A_234 = tpu.iota {dimensions = array<i32: 0>} : vector<16xi32>
    %add3A_235 = arith.constant 0 : i32
    %add3A_236 = vector.broadcast %add3A_235 : i32 to vector<16xi32>
    %add3A_237 = arith.addi %iota3A_234, %add3A_236 : vector<16xi32>
    tpu.vector_store_idx %arg9[%add3A_237, %broadcast_in_dim3A_3], %get3A_233 : memref<256x128xf32, #tpu.memory_space<vmem>>[vector<16xi32>, vector<16xi32>], vector<16xf32>,
    %get3A_238 = arith.constant 2 : i32
    %get3A_239 = arith.index_cast %get3A_238 : i32 to index
    %get3A_240 = arith.constant 16 : index
    %get3A_241 = tpu.vector_load %arg7[%get3A_239, %get3A_240] {strides = array<i32>} : memref<16x128xf32, #tpu.memory_space<vmem>>, vector<16xf32>,
    %iota3A_242 = tpu.iota {dimensions = array<i32: 0>} : vector<16xi32>
    %add3A_243 = arith.constant 16 : i32
    %add3A_244 = vector.broadcast %add3A_243 : i32 to vector<16xi32>
    %add3A_245 = arith.addi %iota3A_242, %add3A_244 : vector<16xi32>
    tpu.vector_store_idx %arg9[%add3A_245, %broadcast_in_dim3A_3], %get3A_241 : memref<256x128xf32, #tpu.memory_space<vmem>>[vector<16xi32>, vector<16xi32>], vector<16xf32>,
    %get3A_246 = arith.constant 2 : i32
    %get3A_247 = arith.index_cast %get3A_246 : i32 to index
    %get3A_248 = arith.constant 32 : index
    %get3A_249 = tpu.vector_load %arg7[%get3A_247, %get3A_248] {strides = array<i32>} : memref<16x128xf32, #tpu.memory_space<vmem>>, vector<16xf32>,
    %iota3A_250 = tpu.iota {dimensions = array<i32: 0>} : vector<16xi32>
    %add3A_251 = arith.constant 32 : i32
    %add3A_252 = vector.broadcast %add3A_251 : i32 to vector<16xi32>
    %add3A_253 = arith.addi %iota3A_250, %add3A_252 : vector<16xi32>
    tpu.vector_store_idx %arg9[%add3A_253, %broadcast_in_dim3A_3], %get3A_249 : memref<256x128xf32, #tpu.memory_space<vmem>>[vector<16xi32>, vector<16xi32>], vector<16xf32>,
    %get3A_254 = arith.constant 2 : i32
    %get3A_255 = arith.index_cast %get3A_254 : i32 to index
    %get3A_256 = arith.constant 48 : index
    %get3A_257 = tpu.vector_load %arg7[%get3A_255, %get3A_256] {strides = array<i32>} : memref<16x128xf32, #tpu.memory_space<vmem>>, vector<16xf32>,
    %iota3A_258 = tpu.iota {dimensions = array<i32: 0>} : vector<16xi32>
    %add3A_259 = arith.constant 48 : i32
    %add3A_260 = vector.broadcast %add3A_259 : i32 to vector<16xi32>
    %add3A_261 = arith.addi %iota3A_258, %add3A_260 : vector<16xi32>
    tpu.vector_store_idx %arg9[%add3A_261, %broadcast_in_dim3A_3], %get3A_257 : memref<256x128xf32, #tpu.memory_space<vmem>>[vector<16xi32>, vector<16xi32>], vector<16xf32>,
    %get3A_262 = arith.constant 2 : i32
    %get3A_263 = arith.index_cast %get3A_262 : i32 to index
    %get3A_264 = arith.constant 64 : index
    %get3A_265 = tpu.vector_load %arg7[%get3A_263, %get3A_264] {strides = array<i32>} : memref<16x128xf32, #tpu.memory_space<vmem>>, vector<16xf32>,
    %iota3A_266 = tpu.iota {dimensions = array<i32: 0>} : vector<16xi32>
    %add3A_267 = arith.constant 64 : i32
    %add3A_268 = vector.broadcast %add3A_267 : i32 to vector<16xi32>
    %add3A_269 = arith.addi %iota3A_266, %add3A_268 : vector<16xi32>
    tpu.vector_store_idx %arg9[%add3A_269, %broadcast_in_dim3A_3], %get3A_265 : memref<256x128xf32, #tpu.memory_space<vmem>>[vector<16xi32>, vector<16xi32>], vector<16xf32>,
    %get3A_270 = arith.constant 2 : i32
    %get3A_271 = arith.index_cast %get3A_270 : i32 to index
    %get3A_272 = arith.constant 80 : index
    %get3A_273 = tpu.vector_load %arg7[%get3A_271, %get3A_272] {strides = array<i32>} : memref<16x128xf32, #tpu.memory_space<vmem>>, vector<16xf32>,
    %iota3A_274 = tpu.iota {dimensions = array<i32: 0>} : vector<16xi32>
    %add3A_275 = arith.constant 80 : i32
    %add3A_276 = vector.broadcast %add3A_275 : i32 to vector<16xi32>
    %add3A_277 = arith.addi %iota3A_274, %add3A_276 : vector<16xi32>
    tpu.vector_store_idx %arg9[%add3A_277, %broadcast_in_dim3A_3], %get3A_273 : memref<256x128xf32, #tpu.memory_space<vmem>>[vector<16xi32>, vector<16xi32>], vector<16xf32>,
    %get3A_278 = arith.constant 2 : i32
    %get3A_279 = arith.index_cast %get3A_278 : i32 to index
    %get3A_280 = arith.constant 96 : index
    %get3A_281 = tpu.vector_load %arg7[%get3A_279, %get3A_280] {strides = array<i32>} : memref<16x128xf32, #tpu.memory_space<vmem>>, vector<16xf32>,
    %iota3A_282 = tpu.iota {dimensions = array<i32: 0>} : vector<16xi32>
    %add3A_283 = arith.constant 96 : i32
    %add3A_284 = vector.broadcast %add3A_283 : i32 to vector<16xi32>
    %add3A_285 = arith.addi %iota3A_282, %add3A_284 : vector<16xi32>
    tpu.vector_store_idx %arg9[%add3A_285, %broadcast_in_dim3A_3], %get3A_281 : memref<256x128xf32, #tpu.memory_space<vmem>>[vector<16xi32>, vector<16xi32>], vector<16xf32>,
    %get3A_286 = arith.constant 2 : i32
    %get3A_287 = arith.index_cast %get3A_286 : i32 to index
    %get3A_288 = arith.constant 112 : index
    %get3A_289 = tpu.vector_load %arg7[%get3A_287, %get3A_288] {strides = array<i32>} : memref<16x128xf32, #tpu.memory_space<vmem>>, vector<16xf32>,
    %iota3A_290 = tpu.iota {dimensions = array<i32: 0>} : vector<16xi32>
    %add3A_291 = arith.constant 112 : i32
    %add3A_292 = vector.broadcast %add3A_291 : i32 to vector<16xi32>
    %add3A_293 = arith.addi %iota3A_290, %add3A_292 : vector<16xi32>
    tpu.vector_store_idx %arg9[%add3A_293, %broadcast_in_dim3A_3], %get3A_289 : memref<256x128xf32, #tpu.memory_space<vmem>>[vector<16xi32>, vector<16xi32>], vector<16xf32>,
    %get3A_294 = arith.constant 3 : i32
    %get3A_295 = arith.index_cast %get3A_294 : i32 to index
    %get3A_296 = arith.constant 0 : index
    %get3A_297 = tpu.vector_load %arg7[%get3A_295, %get3A_296] {strides = array<i32>} : memref<16x128xf32, #tpu.memory_space<vmem>>, vector<16xf32>,
    %iota3A_298 = tpu.iota {dimensions = array<i32: 0>} : vector<16xi32>
    %add3A_299 = arith.constant 128 : i32
    %add3A_300 = vector.broadcast %add3A_299 : i32 to vector<16xi32>
    %add3A_301 = arith.addi %iota3A_298, %add3A_300 : vector<16xi32>
    tpu.vector_store_idx %arg9[%add3A_301, %broadcast_in_dim3A_3], %get3A_297 : memref<256x128xf32, #tpu.memory_space<vmem>>[vector<16xi32>, vector<16xi32>], vector<16xf32>,
    %get3A_302 = arith.constant 3 : i32
    %get3A_303 = arith.index_cast %get3A_302 : i32 to index
    %get3A_304 = arith.constant 16 : index
    %get3A_305 = tpu.vector_load %arg7[%get3A_303, %get3A_304] {strides = array<i32>} : memref<16x128xf32, #tpu.memory_space<vmem>>, vector<16xf32>,
    %iota3A_306 = tpu.iota {dimensions = array<i32: 0>} : vector<16xi32>
    %add3A_307 = arith.constant 144 : i32
    %add3A_308 = vector.broadcast %add3A_307 : i32 to vector<16xi32>
    %add3A_309 = arith.addi %iota3A_306, %add3A_308 : vector<16xi32>
    tpu.vector_store_idx %arg9[%add3A_309, %broadcast_in_dim3A_3], %get3A_305 : memref<256x128xf32, #tpu.memory_space<vmem>>[vector<16xi32>, vector<16xi32>], vector<16xf32>,
    %get3A_310 = arith.constant 3 : i32
    %get3A_311 = arith.index_cast %get3A_310 : i32 to index
    %get3A_312 = arith.constant 32 : index
    %get3A_313 = tpu.vector_load %arg7[%get3A_311, %get3A_312] {strides = array<i32>} : memref<16x128xf32, #tpu.memory_space<vmem>>, vector<16xf32>,
    %iota3A_314 = tpu.iota {dimensions = array<i32: 0>} : vector<16xi32>
    %add3A_315 = arith.constant 160 : i32
    %add3A_316 = vector.broadcast %add3A_315 : i32 to vector<16xi32>
    %add3A_317 = arith.addi %iota3A_314, %add3A_316 : vector<16xi32>
    tpu.vector_store_idx %arg9[%add3A_317, %broadcast_in_dim3A_3], %get3A_313 : memref<256x128xf32, #tpu.memory_space<vmem>>[vector<16xi32>, vector<16xi32>], vector<16xf32>,
    %get3A_318 = arith.constant 3 : i32
    %get3A_319 = arith.index_cast %get3A_318 : i32 to index
    %get3A_320 = arith.constant 48 : index
    %get3A_321 = tpu.vector_load %arg7[%get3A_319, %get3A_320] {strides = array<i32>} : memref<16x128xf32, #tpu.memory_space<vmem>>, vector<16xf32>,
    %iota3A_322 = tpu.iota {dimensions = array<i32: 0>} : vector<16xi32>
    %add3A_323 = arith.constant 176 : i32
    %add3A_324 = vector.broadcast %add3A_323 : i32 to vector<16xi32>
    %add3A_325 = arith.addi %iota3A_322, %add3A_324 : vector<16xi32>
    tpu.vector_store_idx %arg9[%add3A_325, %broadcast_in_dim3A_3], %get3A_321 : memref<256x128xf32, #tpu.memory_space<vmem>>[vector<16xi32>, vector<16xi32>], vector<16xf32>,
    %get3A_326 = arith.constant 3 : i32
    %get3A_327 = arith.index_cast %get3A_326 : i32 to index
    %get3A_328 = arith.constant 64 : index
    %get3A_329 = tpu.vector_load %arg7[%get3A_327, %get3A_328] {strides = array<i32>} : memref<16x128xf32, #tpu.memory_space<vmem>>, vector<16xf32>,
    %iota3A_330 = tpu.iota {dimensions = array<i32: 0>} : vector<16xi32>
    %add3A_331 = arith.constant 192 : i32
    %add3A_332 = vector.broadcast %add3A_331 : i32 to vector<16xi32>
    %add3A_333 = arith.addi %iota3A_330, %add3A_332 : vector<16xi32>
    tpu.vector_store_idx %arg9[%add3A_333, %broadcast_in_dim3A_3], %get3A_329 : memref<256x128xf32, #tpu.memory_space<vmem>>[vector<16xi32>, vector<16xi32>], vector<16xf32>,
    %get3A_334 = arith.constant 3 : i32
    %get3A_335 = arith.index_cast %get3A_334 : i32 to index
    %get3A_336 = arith.constant 80 : index
    %get3A_337 = tpu.vector_load %arg7[%get3A_335, %get3A_336] {strides = array<i32>} : memref<16x128xf32, #tpu.memory_space<vmem>>, vector<16xf32>,
    %iota3A_338 = tpu.iota {dimensions = array<i32: 0>} : vector<16xi32>
    %add3A_339 = arith.constant 208 : i32
    %add3A_340 = vector.broadcast %add3A_339 : i32 to vector<16xi32>
    %add3A_341 = arith.addi %iota3A_338, %add3A_340 : vector<16xi32>
    tpu.vector_store_idx %arg9[%add3A_341, %broadcast_in_dim3A_3], %get3A_337 : memref<256x128xf32, #tpu.memory_space<vmem>>[vector<16xi32>, vector<16xi32>], vector<16xf32>,
    %get3A_342 = arith.constant 3 : i32
    %get3A_343 = arith.index_cast %get3A_342 : i32 to index
    %get3A_344 = arith.constant 96 : index
    %get3A_345 = tpu.vector_load %arg7[%get3A_343, %get3A_344] {strides = array<i32>} : memref<16x128xf32, #tpu.memory_space<vmem>>, vector<16xf32>,
    %iota3A_346 = tpu.iota {dimensions = array<i32: 0>} : vector<16xi32>
    %add3A_347 = arith.constant 224 : i32
    %add3A_348 = vector.broadcast %add3A_347 : i32 to vector<16xi32>
    %add3A_349 = arith.addi %iota3A_346, %add3A_348 : vector<16xi32>
    tpu.vector_store_idx %arg9[%add3A_349, %broadcast_in_dim3A_3], %get3A_345 : memref<256x128xf32, #tpu.memory_space<vmem>>[vector<16xi32>, vector<16xi32>], vector<16xf32>,
    %get3A_350 = arith.constant 3 : i32
    %get3A_351 = arith.index_cast %get3A_350 : i32 to index
    %get3A_352 = arith.constant 112 : index
    %get3A_353 = tpu.vector_load %arg7[%get3A_351, %get3A_352] {strides = array<i32>} : memref<16x128xf32, #tpu.memory_space<vmem>>, vector<16xf32>,
    %iota3A_354 = tpu.iota {dimensions = array<i32: 0>} : vector<16xi32>
    %add3A_355 = arith.constant 240 : i32
    %add3A_356 = vector.broadcast %add3A_355 : i32 to vector<16xi32>
    %add3A_357 = arith.addi %iota3A_354, %add3A_356 : vector<16xi32>
    tpu.vector_store_idx %arg9[%add3A_357, %broadcast_in_dim3A_3], %get3A_353 : memref<256x128xf32, #tpu.memory_space<vmem>>[vector<16xi32>, vector<16xi32>], vector<16xf32>,
    %add3A_358 = arith.constant 256 : i32
    %add3A_359 = arith.addi %mul3A_2, %add3A_358 : i32
    "tpu.region"() ({
      %run_scoped3A = tpu.sem_alloc : memref<!tpu.dma_semaphore, #tpu.memory_space<semaphore_mem>>
      %dma_start3A_1360 = arith.constant 0 : i32
      %dma_start3A_1361 = tpu.memref_slice %arg5[%add3A_359, %dma_start3A_1360] : memref<65536x128xf32, #tpu.memory_space<hbm>> -> memref<256x128xf32, #tpu.memory_space<hbm>>
      %dma_start3A_1362 = arith.constant 0 : i32
      %dma_start3A_1363 = tpu.memref_slice %arg5[%add3A_359, %dma_start3A_1362] : memref<65536x128xf32, #tpu.memory_space<hbm>> -> memref<256x128xf32, #tpu.memory_space<hbm>>
      tpu.enqueue_dma source(%arg9 : memref<256x128xf32, #tpu.memory_space<vmem>>) target(%dma_start3A_1363 : memref<256x128xf32, #tpu.memory_space<hbm>>) target_semaphore(%run_scoped3A : memref<!tpu.dma_semaphore, #tpu.memory_space<semaphore_mem>>)
      %dma_wait3A_1364 = arith.constant 0 : i32
      %dma_wait3A_1365 = tpu.memref_slice %arg5[%add3A_359, %dma_wait3A_1364] : memref<65536x128xf32, #tpu.memory_space<hbm>> -> memref<256x128xf32, #tpu.memory_space<hbm>>
      %dma_wait3A_1366 = arith.constant 0 : i32
      %dma_wait3A_1367 = tpu.memref_slice %arg5[%add3A_359, %dma_wait3A_1366] : memref<65536x128xf32, #tpu.memory_space<hbm>> -> memref<256x128xf32, #tpu.memory_space<hbm>>
      tpu.wait_dma2 semaphore(%run_scoped3A : memref<!tpu.dma_semaphore, #tpu.memory_space<semaphore_mem>>) src(%arg9 : memref<256x128xf32, #tpu.memory_space<vmem>>) dst(%dma_wait3A_1367 : memref<256x128xf32, #tpu.memory_space<hbm>>)
      tpu.yield
    }) : () -> ()
    %dma_start3A_360 = arith.constant 6 : i32
    %dma_start3A_361 = arith.constant 0 : i32
    %dma_start3A_362 = arith.constant 0 : i32
    %dma_start3A_363 = tpu.memref_slice %arg9[%dma_start3A_361, %dma_start3A_362] : memref<256x128xf32, #tpu.memory_space<vmem>> -> memref<128x128xf32, #tpu.memory_space<vmem>>
    %dma_start3A_364 = arith.constant 0 : i32
    %dma_start3A_365 = tpu.memref_slice %arg6[%dma_start3A_360, %dma_start3A_364] : memref<16x128xi32, #tpu.memory_space<vmem>> -> memref<1x128xi32, #tpu.memory_space<vmem>>
    %dma_start3A_366 = tpu.memref_squeeze %dma_start3A_365 : memref<1x128xi32, #tpu.memory_space<vmem>> -> memref<128xi32, #tpu.memory_space<vmem>>
    %dma_start3A_367 = arith.constant 0 : i32
    %dma_start3A_368 = arith.constant 0 : i32
    %dma_start3A_369 = tpu.memref_slice %arg2[%dma_start3A_367, %dma_start3A_368] : memref<32768x128xf32, #tpu.memory_space<hbm>> -> memref<32768x128xf32, #tpu.memory_space<hbm>>
    tpu.enqueue_indirect_dma source(%dma_start3A_369 : memref<32768x128xf32, #tpu.memory_space<hbm>>) target(%dma_start3A_363 : memref<128x128xf32, #tpu.memory_space<vmem>>) offsets(%dma_start3A_366 : memref<128xi32, #tpu.memory_space<vmem>>) semaphore(%arg11 : memref<!tpu.dma_semaphore, #tpu.memory_space<semaphore_mem>>)
    %dma_start3A_370 = arith.constant 7 : i32
    %dma_start3A_371 = arith.constant 128 : i32
    %dma_start3A_372 = arith.constant 0 : i32
    %dma_start3A_373 = tpu.memref_slice %arg9[%dma_start3A_371, %dma_start3A_372] : memref<256x128xf32, #tpu.memory_space<vmem>> -> memref<128x128xf32, #tpu.memory_space<vmem>>
    %dma_start3A_374 = arith.constant 0 : i32
    %dma_start3A_375 = tpu.memref_slice %arg6[%dma_start3A_370, %dma_start3A_374] : memref<16x128xi32, #tpu.memory_space<vmem>> -> memref<1x128xi32, #tpu.memory_space<vmem>>
    %dma_start3A_376 = tpu.memref_squeeze %dma_start3A_375 : memref<1x128xi32, #tpu.memory_space<vmem>> -> memref<128xi32, #tpu.memory_space<vmem>>
    %dma_start3A_377 = arith.constant 0 : i32
    %dma_start3A_378 = arith.constant 0 : i32
    %dma_start3A_379 = tpu.memref_slice %arg2[%dma_start3A_377, %dma_start3A_378] : memref<32768x128xf32, #tpu.memory_space<hbm>> -> memref<32768x128xf32, #tpu.memory_space<hbm>>
    tpu.enqueue_indirect_dma source(%dma_start3A_379 : memref<32768x128xf32, #tpu.memory_space<hbm>>) target(%dma_start3A_373 : memref<128x128xf32, #tpu.memory_space<vmem>>) offsets(%dma_start3A_376 : memref<128xi32, #tpu.memory_space<vmem>>) semaphore(%arg11 : memref<!tpu.dma_semaphore, #tpu.memory_space<semaphore_mem>>)
    %dma_wait3A_380 = arith.constant 4 : i32
    %dma_wait3A_381 = arith.constant 0 : i32
    %dma_wait3A_382 = arith.constant 0 : i32
    %dma_wait3A_383 = tpu.memref_slice %arg8[%dma_wait3A_381, %dma_wait3A_382] : memref<256x128xf32, #tpu.memory_space<vmem>> -> memref<128x128xf32, #tpu.memory_space<vmem>>
    %dma_wait3A_384 = arith.constant 0 : i32
    %dma_wait3A_385 = tpu.memref_slice %arg6[%dma_wait3A_380, %dma_wait3A_384] : memref<16x128xi32, #tpu.memory_space<vmem>> -> memref<1x128xi32, #tpu.memory_space<vmem>>
    %dma_wait3A_386 = tpu.memref_squeeze %dma_wait3A_385 : memref<1x128xi32, #tpu.memory_space<vmem>> -> memref<128xi32, #tpu.memory_space<vmem>>
    %dma_wait3A_387 = arith.constant 0 : i32
    %dma_wait3A_388 = arith.constant 0 : i32
    %dma_wait3A_389 = tpu.memref_slice %arg2[%dma_wait3A_387, %dma_wait3A_388] : memref<32768x128xf32, #tpu.memory_space<hbm>> -> memref<32768x128xf32, #tpu.memory_space<hbm>>
    tpu.wait_indirect_dma semaphore(%arg10 : memref<!tpu.dma_semaphore, #tpu.memory_space<semaphore_mem>>) src(%dma_wait3A_389 : memref<32768x128xf32, #tpu.memory_space<hbm>>) dst(%dma_wait3A_383 : memref<128x128xf32, #tpu.memory_space<vmem>>)
    %dma_wait3A_390 = arith.constant 5 : i32
    %dma_wait3A_391 = arith.constant 128 : i32
    %dma_wait3A_392 = arith.constant 0 : i32
    %dma_wait3A_393 = tpu.memref_slice %arg8[%dma_wait3A_391, %dma_wait3A_392] : memref<256x128xf32, #tpu.memory_space<vmem>> -> memref<128x128xf32, #tpu.memory_space<vmem>>
    %dma_wait3A_394 = arith.constant 0 : i32
    %dma_wait3A_395 = tpu.memref_slice %arg6[%dma_wait3A_390, %dma_wait3A_394] : memref<16x128xi32, #tpu.memory_space<vmem>> -> memref<1x128xi32, #tpu.memory_space<vmem>>
    %dma_wait3A_396 = tpu.memref_squeeze %dma_wait3A_395 : memref<1x128xi32, #tpu.memory_space<vmem>> -> memref<128xi32, #tpu.memory_space<vmem>>
    %dma_wait3A_397 = arith.constant 0 : i32
    %dma_wait3A_398 = arith.constant 0 : i32
    %dma_wait3A_399 = tpu.memref_slice %arg2[%dma_wait3A_397, %dma_wait3A_398] : memref<32768x128xf32, #tpu.memory_space<hbm>> -> memref<32768x128xf32, #tpu.memory_space<hbm>>
    tpu.wait_indirect_dma semaphore(%arg10 : memref<!tpu.dma_semaphore, #tpu.memory_space<semaphore_mem>>) src(%dma_wait3A_399 : memref<32768x128xf32, #tpu.memory_space<hbm>>) dst(%dma_wait3A_393 : memref<128x128xf32, #tpu.memory_space<vmem>>)
    %get3A_400 = arith.constant 4 : i32
    %get3A_401 = arith.index_cast %get3A_400 : i32 to index
    %get3A_402 = arith.constant 0 : index
    %get3A_403 = tpu.vector_load %arg7[%get3A_401, %get3A_402] {strides = array<i32>} : memref<16x128xf32, #tpu.memory_space<vmem>>, vector<16xf32>,
    %iota3A_404 = tpu.iota {dimensions = array<i32: 0>} : vector<16xi32>
    %add3A_405 = arith.constant 0 : i32
    %add3A_406 = vector.broadcast %add3A_405 : i32 to vector<16xi32>
    %add3A_407 = arith.addi %iota3A_404, %add3A_406 : vector<16xi32>
    tpu.vector_store_idx %arg8[%add3A_407, %broadcast_in_dim3A_3], %get3A_403 : memref<256x128xf32, #tpu.memory_space<vmem>>[vector<16xi32>, vector<16xi32>], vector<16xf32>,
    %get3A_408 = arith.constant 4 : i32
    %get3A_409 = arith.index_cast %get3A_408 : i32 to index
    %get3A_410 = arith.constant 16 : index
    %get3A_411 = tpu.vector_load %arg7[%get3A_409, %get3A_410] {strides = array<i32>} : memref<16x128xf32, #tpu.memory_space<vmem>>, vector<16xf32>,
    %iota3A_412 = tpu.iota {dimensions = array<i32: 0>} : vector<16xi32>
    %add3A_413 = arith.constant 16 : i32
    %add3A_414 = vector.broadcast %add3A_413 : i32 to vector<16xi32>
    %add3A_415 = arith.addi %iota3A_412, %add3A_414 : vector<16xi32>
    tpu.vector_store_idx %arg8[%add3A_415, %broadcast_in_dim3A_3], %get3A_411 : memref<256x128xf32, #tpu.memory_space<vmem>>[vector<16xi32>, vector<16xi32>], vector<16xf32>,
    %get3A_416 = arith.constant 4 : i32
    %get3A_417 = arith.index_cast %get3A_416 : i32 to index
    %get3A_418 = arith.constant 32 : index
    %get3A_419 = tpu.vector_load %arg7[%get3A_417, %get3A_418] {strides = array<i32>} : memref<16x128xf32, #tpu.memory_space<vmem>>, vector<16xf32>,
    %iota3A_420 = tpu.iota {dimensions = array<i32: 0>} : vector<16xi32>
    %add3A_421 = arith.constant 32 : i32
    %add3A_422 = vector.broadcast %add3A_421 : i32 to vector<16xi32>
    %add3A_423 = arith.addi %iota3A_420, %add3A_422 : vector<16xi32>
    tpu.vector_store_idx %arg8[%add3A_423, %broadcast_in_dim3A_3], %get3A_419 : memref<256x128xf32, #tpu.memory_space<vmem>>[vector<16xi32>, vector<16xi32>], vector<16xf32>,
    %get3A_424 = arith.constant 4 : i32
    %get3A_425 = arith.index_cast %get3A_424 : i32 to index
    %get3A_426 = arith.constant 48 : index
    %get3A_427 = tpu.vector_load %arg7[%get3A_425, %get3A_426] {strides = array<i32>} : memref<16x128xf32, #tpu.memory_space<vmem>>, vector<16xf32>,
    %iota3A_428 = tpu.iota {dimensions = array<i32: 0>} : vector<16xi32>
    %add3A_429 = arith.constant 48 : i32
    %add3A_430 = vector.broadcast %add3A_429 : i32 to vector<16xi32>
    %add3A_431 = arith.addi %iota3A_428, %add3A_430 : vector<16xi32>
    tpu.vector_store_idx %arg8[%add3A_431, %broadcast_in_dim3A_3], %get3A_427 : memref<256x128xf32, #tpu.memory_space<vmem>>[vector<16xi32>, vector<16xi32>], vector<16xf32>,
    %get3A_432 = arith.constant 4 : i32
    %get3A_433 = arith.index_cast %get3A_432 : i32 to index
    %get3A_434 = arith.constant 64 : index
    %get3A_435 = tpu.vector_load %arg7[%get3A_433, %get3A_434] {strides = array<i32>} : memref<16x128xf32, #tpu.memory_space<vmem>>, vector<16xf32>,
    %iota3A_436 = tpu.iota {dimensions = array<i32: 0>} : vector<16xi32>
    %add3A_437 = arith.constant 64 : i32
    %add3A_438 = vector.broadcast %add3A_437 : i32 to vector<16xi32>
    %add3A_439 = arith.addi %iota3A_436, %add3A_438 : vector<16xi32>
    tpu.vector_store_idx %arg8[%add3A_439, %broadcast_in_dim3A_3], %get3A_435 : memref<256x128xf32, #tpu.memory_space<vmem>>[vector<16xi32>, vector<16xi32>], vector<16xf32>,
    %get3A_440 = arith.constant 4 : i32
    %get3A_441 = arith.index_cast %get3A_440 : i32 to index
    %get3A_442 = arith.constant 80 : index
    %get3A_443 = tpu.vector_load %arg7[%get3A_441, %get3A_442] {strides = array<i32>} : memref<16x128xf32, #tpu.memory_space<vmem>>, vector<16xf32>,
    %iota3A_444 = tpu.iota {dimensions = array<i32: 0>} : vector<16xi32>
    %add3A_445 = arith.constant 80 : i32
    %add3A_446 = vector.broadcast %add3A_445 : i32 to vector<16xi32>
    %add3A_447 = arith.addi %iota3A_444, %add3A_446 : vector<16xi32>
    tpu.vector_store_idx %arg8[%add3A_447, %broadcast_in_dim3A_3], %get3A_443 : memref<256x128xf32, #tpu.memory_space<vmem>>[vector<16xi32>, vector<16xi32>], vector<16xf32>,
    %get3A_448 = arith.constant 4 : i32
    %get3A_449 = arith.index_cast %get3A_448 : i32 to index
    %get3A_450 = arith.constant 96 : index
    %get3A_451 = tpu.vector_load %arg7[%get3A_449, %get3A_450] {strides = array<i32>} : memref<16x128xf32, #tpu.memory_space<vmem>>, vector<16xf32>,
    %iota3A_452 = tpu.iota {dimensions = array<i32: 0>} : vector<16xi32>
    %add3A_453 = arith.constant 96 : i32
    %add3A_454 = vector.broadcast %add3A_453 : i32 to vector<16xi32>
    %add3A_455 = arith.addi %iota3A_452, %add3A_454 : vector<16xi32>
    tpu.vector_store_idx %arg8[%add3A_455, %broadcast_in_dim3A_3], %get3A_451 : memref<256x128xf32, #tpu.memory_space<vmem>>[vector<16xi32>, vector<16xi32>], vector<16xf32>,
    %get3A_456 = arith.constant 4 : i32
    %get3A_457 = arith.index_cast %get3A_456 : i32 to index
    %get3A_458 = arith.constant 112 : index
    %get3A_459 = tpu.vector_load %arg7[%get3A_457, %get3A_458] {strides = array<i32>} : memref<16x128xf32, #tpu.memory_space<vmem>>, vector<16xf32>,
    %iota3A_460 = tpu.iota {dimensions = array<i32: 0>} : vector<16xi32>
    %add3A_461 = arith.constant 112 : i32
    %add3A_462 = vector.broadcast %add3A_461 : i32 to vector<16xi32>
    %add3A_463 = arith.addi %iota3A_460, %add3A_462 : vector<16xi32>
    tpu.vector_store_idx %arg8[%add3A_463, %broadcast_in_dim3A_3], %get3A_459 : memref<256x128xf32, #tpu.memory_space<vmem>>[vector<16xi32>, vector<16xi32>], vector<16xf32>,
    %get3A_464 = arith.constant 5 : i32
    %get3A_465 = arith.index_cast %get3A_464 : i32 to index
    %get3A_466 = arith.constant 0 : index
    %get3A_467 = tpu.vector_load %arg7[%get3A_465, %get3A_466] {strides = array<i32>} : memref<16x128xf32, #tpu.memory_space<vmem>>, vector<16xf32>,
    %iota3A_468 = tpu.iota {dimensions = array<i32: 0>} : vector<16xi32>
    %add3A_469 = arith.constant 128 : i32
    %add3A_470 = vector.broadcast %add3A_469 : i32 to vector<16xi32>
    %add3A_471 = arith.addi %iota3A_468, %add3A_470 : vector<16xi32>
    tpu.vector_store_idx %arg8[%add3A_471, %broadcast_in_dim3A_3], %get3A_467 : memref<256x128xf32, #tpu.memory_space<vmem>>[vector<16xi32>, vector<16xi32>], vector<16xf32>,
    %get3A_472 = arith.constant 5 : i32
    %get3A_473 = arith.index_cast %get3A_472 : i32 to index
    %get3A_474 = arith.constant 16 : index
    %get3A_475 = tpu.vector_load %arg7[%get3A_473, %get3A_474] {strides = array<i32>} : memref<16x128xf32, #tpu.memory_space<vmem>>, vector<16xf32>,
    %iota3A_476 = tpu.iota {dimensions = array<i32: 0>} : vector<16xi32>
    %add3A_477 = arith.constant 144 : i32
    %add3A_478 = vector.broadcast %add3A_477 : i32 to vector<16xi32>
    %add3A_479 = arith.addi %iota3A_476, %add3A_478 : vector<16xi32>
    tpu.vector_store_idx %arg8[%add3A_479, %broadcast_in_dim3A_3], %get3A_475 : memref<256x128xf32, #tpu.memory_space<vmem>>[vector<16xi32>, vector<16xi32>], vector<16xf32>,
    %get3A_480 = arith.constant 5 : i32
    %get3A_481 = arith.index_cast %get3A_480 : i32 to index
    %get3A_482 = arith.constant 32 : index
    %get3A_483 = tpu.vector_load %arg7[%get3A_481, %get3A_482] {strides = array<i32>} : memref<16x128xf32, #tpu.memory_space<vmem>>, vector<16xf32>,
    %iota3A_484 = tpu.iota {dimensions = array<i32: 0>} : vector<16xi32>
    %add3A_485 = arith.constant 160 : i32
    %add3A_486 = vector.broadcast %add3A_485 : i32 to vector<16xi32>
    %add3A_487 = arith.addi %iota3A_484, %add3A_486 : vector<16xi32>
    tpu.vector_store_idx %arg8[%add3A_487, %broadcast_in_dim3A_3], %get3A_483 : memref<256x128xf32, #tpu.memory_space<vmem>>[vector<16xi32>, vector<16xi32>], vector<16xf32>,
    %get3A_488 = arith.constant 5 : i32
    %get3A_489 = arith.index_cast %get3A_488 : i32 to index
    %get3A_490 = arith.constant 48 : index
    %get3A_491 = tpu.vector_load %arg7[%get3A_489, %get3A_490] {strides = array<i32>} : memref<16x128xf32, #tpu.memory_space<vmem>>, vector<16xf32>,
    %iota3A_492 = tpu.iota {dimensions = array<i32: 0>} : vector<16xi32>
    %add3A_493 = arith.constant 176 : i32
    %add3A_494 = vector.broadcast %add3A_493 : i32 to vector<16xi32>
    %add3A_495 = arith.addi %iota3A_492, %add3A_494 : vector<16xi32>
    tpu.vector_store_idx %arg8[%add3A_495, %broadcast_in_dim3A_3], %get3A_491 : memref<256x128xf32, #tpu.memory_space<vmem>>[vector<16xi32>, vector<16xi32>], vector<16xf32>,
    %get3A_496 = arith.constant 5 : i32
    %get3A_497 = arith.index_cast %get3A_496 : i32 to index
    %get3A_498 = arith.constant 64 : index
    %get3A_499 = tpu.vector_load %arg7[%get3A_497, %get3A_498] {strides = array<i32>} : memref<16x128xf32, #tpu.memory_space<vmem>>, vector<16xf32>,
    %iota3A_500 = tpu.iota {dimensions = array<i32: 0>} : vector<16xi32>
    %add3A_501 = arith.constant 192 : i32
    %add3A_502 = vector.broadcast %add3A_501 : i32 to vector<16xi32>
    %add3A_503 = arith.addi %iota3A_500, %add3A_502 : vector<16xi32>
    tpu.vector_store_idx %arg8[%add3A_503, %broadcast_in_dim3A_3], %get3A_499 : memref<256x128xf32, #tpu.memory_space<vmem>>[vector<16xi32>, vector<16xi32>], vector<16xf32>,
    %get3A_504 = arith.constant 5 : i32
    %get3A_505 = arith.index_cast %get3A_504 : i32 to index
    %get3A_506 = arith.constant 80 : index
    %get3A_507 = tpu.vector_load %arg7[%get3A_505, %get3A_506] {strides = array<i32>} : memref<16x128xf32, #tpu.memory_space<vmem>>, vector<16xf32>,
    %iota3A_508 = tpu.iota {dimensions = array<i32: 0>} : vector<16xi32>
    %add3A_509 = arith.constant 208 : i32
    %add3A_510 = vector.broadcast %add3A_509 : i32 to vector<16xi32>
    %add3A_511 = arith.addi %iota3A_508, %add3A_510 : vector<16xi32>
    tpu.vector_store_idx %arg8[%add3A_511, %broadcast_in_dim3A_3], %get3A_507 : memref<256x128xf32, #tpu.memory_space<vmem>>[vector<16xi32>, vector<16xi32>], vector<16xf32>,
    %get3A_512 = arith.constant 5 : i32
    %get3A_513 = arith.index_cast %get3A_512 : i32 to index
    %get3A_514 = arith.constant 96 : index
    %get3A_515 = tpu.vector_load %arg7[%get3A_513, %get3A_514] {strides = array<i32>} : memref<16x128xf32, #tpu.memory_space<vmem>>, vector<16xf32>,
    %iota3A_516 = tpu.iota {dimensions = array<i32: 0>} : vector<16xi32>
    %add3A_517 = arith.constant 224 : i32
    %add3A_518 = vector.broadcast %add3A_517 : i32 to vector<16xi32>
    %add3A_519 = arith.addi %iota3A_516, %add3A_518 : vector<16xi32>
    tpu.vector_store_idx %arg8[%add3A_519, %broadcast_in_dim3A_3], %get3A_515 : memref<256x128xf32, #tpu.memory_space<vmem>>[vector<16xi32>, vector<16xi32>], vector<16xf32>,
    %get3A_520 = arith.constant 5 : i32
    %get3A_521 = arith.index_cast %get3A_520 : i32 to index
    %get3A_522 = arith.constant 112 : index
    %get3A_523 = tpu.vector_load %arg7[%get3A_521, %get3A_522] {strides = array<i32>} : memref<16x128xf32, #tpu.memory_space<vmem>>, vector<16xf32>,
    %iota3A_524 = tpu.iota {dimensions = array<i32: 0>} : vector<16xi32>
    %add3A_525 = arith.constant 240 : i32
    %add3A_526 = vector.broadcast %add3A_525 : i32 to vector<16xi32>
    %add3A_527 = arith.addi %iota3A_524, %add3A_526 : vector<16xi32>
    tpu.vector_store_idx %arg8[%add3A_527, %broadcast_in_dim3A_3], %get3A_523 : memref<256x128xf32, #tpu.memory_space<vmem>>[vector<16xi32>, vector<16xi32>], vector<16xf32>,
    %add3A_528 = arith.constant 512 : i32
    %add3A_529 = arith.addi %mul3A_2, %add3A_528 : i32
    "tpu.region"() ({
      %run_scoped3A = tpu.sem_alloc : memref<!tpu.dma_semaphore, #tpu.memory_space<semaphore_mem>>
      %dma_start3A_1360 = arith.constant 0 : i32
      %dma_start3A_1361 = tpu.memref_slice %arg5[%add3A_529, %dma_start3A_1360] : memref<65536x128xf32, #tpu.memory_space<hbm>> -> memref<256x128xf32, #tpu.memory_space<hbm>>
      %dma_start3A_1362 = arith.constant 0 : i32
      %dma_start3A_1363 = tpu.memref_slice %arg5[%add3A_529, %dma_start3A_1362] : memref<65536x128xf32, #tpu.memory_space<hbm>> -> memref<256x128xf32, #tpu.memory_space<hbm>>
      tpu.enqueue_dma source(%arg8 : memref<256x128xf32, #tpu.memory_space<vmem>>) target(%dma_start3A_1363 : memref<256x128xf32, #tpu.memory_space<hbm>>) target_semaphore(%run_scoped3A : memref<!tpu.dma_semaphore, #tpu.memory_space<semaphore_mem>>)
      %dma_wait3A_1364 = arith.constant 0 : i32
      %dma_wait3A_1365 = tpu.memref_slice %arg5[%add3A_529, %dma_wait3A_1364] : memref<65536x128xf32, #tpu.memory_space<hbm>> -> memref<256x128xf32, #tpu.memory_space<hbm>>
      %dma_wait3A_1366 = arith.constant 0 : i32
      %dma_wait3A_1367 = tpu.memref_slice %arg5[%add3A_529, %dma_wait3A_1366] : memref<65536x128xf32, #tpu.memory_space<hbm>> -> memref<256x128xf32, #tpu.memory_space<hbm>>
      tpu.wait_dma2 semaphore(%run_scoped3A : memref<!tpu.dma_semaphore, #tpu.memory_space<semaphore_mem>>) src(%arg8 : memref<256x128xf32, #tpu.memory_space<vmem>>) dst(%dma_wait3A_1367 : memref<256x128xf32, #tpu.memory_space<hbm>>)
      tpu.yield
    }) : () -> ()
    %dma_start3A_530 = arith.constant 8 : i32
    %dma_start3A_531 = arith.constant 0 : i32
    %dma_start3A_532 = arith.constant 0 : i32
    %dma_start3A_533 = tpu.memref_slice %arg8[%dma_start3A_531, %dma_start3A_532] : memref<256x128xf32, #tpu.memory_space<vmem>> -> memref<128x128xf32, #tpu.memory_space<vmem>>
    %dma_start3A_534 = arith.constant 0 : i32
    %dma_start3A_535 = tpu.memref_slice %arg6[%dma_start3A_530, %dma_start3A_534] : memref<16x128xi32, #tpu.memory_space<vmem>> -> memref<1x128xi32, #tpu.memory_space<vmem>>
    %dma_start3A_536 = tpu.memref_squeeze %dma_start3A_535 : memref<1x128xi32, #tpu.memory_space<vmem>> -> memref<128xi32, #tpu.memory_space<vmem>>
    %dma_start3A_537 = arith.constant 0 : i32
    %dma_start3A_538 = arith.constant 0 : i32
    %dma_start3A_539 = tpu.memref_slice %arg2[%dma_start3A_537, %dma_start3A_538] : memref<32768x128xf32, #tpu.memory_space<hbm>> -> memref<32768x128xf32, #tpu.memory_space<hbm>>
    tpu.enqueue_indirect_dma source(%dma_start3A_539 : memref<32768x128xf32, #tpu.memory_space<hbm>>) target(%dma_start3A_533 : memref<128x128xf32, #tpu.memory_space<vmem>>) offsets(%dma_start3A_536 : memref<128xi32, #tpu.memory_space<vmem>>) semaphore(%arg10 : memref<!tpu.dma_semaphore, #tpu.memory_space<semaphore_mem>>)
    %dma_start3A_540 = arith.constant 9 : i32
    %dma_start3A_541 = arith.constant 128 : i32
    %dma_start3A_542 = arith.constant 0 : i32
    %dma_start3A_543 = tpu.memref_slice %arg8[%dma_start3A_541, %dma_start3A_542] : memref<256x128xf32, #tpu.memory_space<vmem>> -> memref<128x128xf32, #tpu.memory_space<vmem>>
    %dma_start3A_544 = arith.constant 0 : i32
    %dma_start3A_545 = tpu.memref_slice %arg6[%dma_start3A_540, %dma_start3A_544] : memref<16x128xi32, #tpu.memory_space<vmem>> -> memref<1x128xi32, #tpu.memory_space<vmem>>
    %dma_start3A_546 = tpu.memref_squeeze %dma_start3A_545 : memref<1x128xi32, #tpu.memory_space<vmem>> -> memref<128xi32, #tpu.memory_space<vmem>>
    %dma_start3A_547 = arith.constant 0 : i32
    %dma_start3A_548 = arith.constant 0 : i32
    %dma_start3A_549 = tpu.memref_slice %arg2[%dma_start3A_547, %dma_start3A_548] : memref<32768x128xf32, #tpu.memory_space<hbm>> -> memref<32768x128xf32, #tpu.memory_space<hbm>>
    tpu.enqueue_indirect_dma source(%dma_start3A_549 : memref<32768x128xf32, #tpu.memory_space<hbm>>) target(%dma_start3A_543 : memref<128x128xf32, #tpu.memory_space<vmem>>) offsets(%dma_start3A_546 : memref<128xi32, #tpu.memory_space<vmem>>) semaphore(%arg10 : memref<!tpu.dma_semaphore, #tpu.memory_space<semaphore_mem>>)
    %dma_wait3A_550 = arith.constant 6 : i32
    %dma_wait3A_551 = arith.constant 0 : i32
    %dma_wait3A_552 = arith.constant 0 : i32
    %dma_wait3A_553 = tpu.memref_slice %arg9[%dma_wait3A_551, %dma_wait3A_552] : memref<256x128xf32, #tpu.memory_space<vmem>> -> memref<128x128xf32, #tpu.memory_space<vmem>>
    %dma_wait3A_554 = arith.constant 0 : i32
    %dma_wait3A_555 = tpu.memref_slice %arg6[%dma_wait3A_550, %dma_wait3A_554] : memref<16x128xi32, #tpu.memory_space<vmem>> -> memref<1x128xi32, #tpu.memory_space<vmem>>
    %dma_wait3A_556 = tpu.memref_squeeze %dma_wait3A_555 : memref<1x128xi32, #tpu.memory_space<vmem>> -> memref<128xi32, #tpu.memory_space<vmem>>
    %dma_wait3A_557 = arith.constant 0 : i32
    %dma_wait3A_558 = arith.constant 0 : i32
    %dma_wait3A_559 = tpu.memref_slice %arg2[%dma_wait3A_557, %dma_wait3A_558] : memref<32768x128xf32, #tpu.memory_space<hbm>> -> memref<32768x128xf32, #tpu.memory_space<hbm>>
    tpu.wait_indirect_dma semaphore(%arg11 : memref<!tpu.dma_semaphore, #tpu.memory_space<semaphore_mem>>) src(%dma_wait3A_559 : memref<32768x128xf32, #tpu.memory_space<hbm>>) dst(%dma_wait3A_553 : memref<128x128xf32, #tpu.memory_space<vmem>>)
    %dma_wait3A_560 = arith.constant 7 : i32
    %dma_wait3A_561 = arith.constant 128 : i32
    %dma_wait3A_562 = arith.constant 0 : i32
    %dma_wait3A_563 = tpu.memref_slice %arg9[%dma_wait3A_561, %dma_wait3A_562] : memref<256x128xf32, #tpu.memory_space<vmem>> -> memref<128x128xf32, #tpu.memory_space<vmem>>
    %dma_wait3A_564 = arith.constant 0 : i32
    %dma_wait3A_565 = tpu.memref_slice %arg6[%dma_wait3A_560, %dma_wait3A_564] : memref<16x128xi32, #tpu.memory_space<vmem>> -> memref<1x128xi32, #tpu.memory_space<vmem>>
    %dma_wait3A_566 = tpu.memref_squeeze %dma_wait3A_565 : memref<1x128xi32, #tpu.memory_space<vmem>> -> memref<128xi32, #tpu.memory_space<vmem>>
    %dma_wait3A_567 = arith.constant 0 : i32
    %dma_wait3A_568 = arith.constant 0 : i32
    %dma_wait3A_569 = tpu.memref_slice %arg2[%dma_wait3A_567, %dma_wait3A_568] : memref<32768x128xf32, #tpu.memory_space<hbm>> -> memref<32768x128xf32, #tpu.memory_space<hbm>>
    tpu.wait_indirect_dma semaphore(%arg11 : memref<!tpu.dma_semaphore, #tpu.memory_space<semaphore_mem>>) src(%dma_wait3A_569 : memref<32768x128xf32, #tpu.memory_space<hbm>>) dst(%dma_wait3A_563 : memref<128x128xf32, #tpu.memory_space<vmem>>)
    %get3A_570 = arith.constant 6 : i32
    %get3A_571 = arith.index_cast %get3A_570 : i32 to index
    %get3A_572 = arith.constant 0 : index
    %get3A_573 = tpu.vector_load %arg7[%get3A_571, %get3A_572] {strides = array<i32>} : memref<16x128xf32, #tpu.memory_space<vmem>>, vector<16xf32>,
    %iota3A_574 = tpu.iota {dimensions = array<i32: 0>} : vector<16xi32>
    %add3A_575 = arith.constant 0 : i32
    %add3A_576 = vector.broadcast %add3A_575 : i32 to vector<16xi32>
    %add3A_577 = arith.addi %iota3A_574, %add3A_576 : vector<16xi32>
    tpu.vector_store_idx %arg9[%add3A_577, %broadcast_in_dim3A_3], %get3A_573 : memref<256x128xf32, #tpu.memory_space<vmem>>[vector<16xi32>, vector<16xi32>], vector<16xf32>,
    %get3A_578 = arith.constant 6 : i32
    %get3A_579 = arith.index_cast %get3A_578 : i32 to index
    %get3A_580 = arith.constant 16 : index
    %get3A_581 = tpu.vector_load %arg7[%get3A_579, %get3A_580] {strides = array<i32>} : memref<16x128xf32, #tpu.memory_space<vmem>>, vector<16xf32>,
    %iota3A_582 = tpu.iota {dimensions = array<i32: 0>} : vector<16xi32>
    %add3A_583 = arith.constant 16 : i32
    %add3A_584 = vector.broadcast %add3A_583 : i32 to vector<16xi32>
    %add3A_585 = arith.addi %iota3A_582, %add3A_584 : vector<16xi32>
    tpu.vector_store_idx %arg9[%add3A_585, %broadcast_in_dim3A_3], %get3A_581 : memref<256x128xf32, #tpu.memory_space<vmem>>[vector<16xi32>, vector<16xi32>], vector<16xf32>,
    %get3A_586 = arith.constant 6 : i32
    %get3A_587 = arith.index_cast %get3A_586 : i32 to index
    %get3A_588 = arith.constant 32 : index
    %get3A_589 = tpu.vector_load %arg7[%get3A_587, %get3A_588] {strides = array<i32>} : memref<16x128xf32, #tpu.memory_space<vmem>>, vector<16xf32>,
    %iota3A_590 = tpu.iota {dimensions = array<i32: 0>} : vector<16xi32>
    %add3A_591 = arith.constant 32 : i32
    %add3A_592 = vector.broadcast %add3A_591 : i32 to vector<16xi32>
    %add3A_593 = arith.addi %iota3A_590, %add3A_592 : vector<16xi32>
    tpu.vector_store_idx %arg9[%add3A_593, %broadcast_in_dim3A_3], %get3A_589 : memref<256x128xf32, #tpu.memory_space<vmem>>[vector<16xi32>, vector<16xi32>], vector<16xf32>,
    %get3A_594 = arith.constant 6 : i32
    %get3A_595 = arith.index_cast %get3A_594 : i32 to index
    %get3A_596 = arith.constant 48 : index
    %get3A_597 = tpu.vector_load %arg7[%get3A_595, %get3A_596] {strides = array<i32>} : memref<16x128xf32, #tpu.memory_space<vmem>>, vector<16xf32>,
    %iota3A_598 = tpu.iota {dimensions = array<i32: 0>} : vector<16xi32>
    %add3A_599 = arith.constant 48 : i32
    %add3A_600 = vector.broadcast %add3A_599 : i32 to vector<16xi32>
    %add3A_601 = arith.addi %iota3A_598, %add3A_600 : vector<16xi32>
    tpu.vector_store_idx %arg9[%add3A_601, %broadcast_in_dim3A_3], %get3A_597 : memref<256x128xf32, #tpu.memory_space<vmem>>[vector<16xi32>, vector<16xi32>], vector<16xf32>,
    %get3A_602 = arith.constant 6 : i32
    %get3A_603 = arith.index_cast %get3A_602 : i32 to index
    %get3A_604 = arith.constant 64 : index
    %get3A_605 = tpu.vector_load %arg7[%get3A_603, %get3A_604] {strides = array<i32>} : memref<16x128xf32, #tpu.memory_space<vmem>>, vector<16xf32>,
    %iota3A_606 = tpu.iota {dimensions = array<i32: 0>} : vector<16xi32>
    %add3A_607 = arith.constant 64 : i32
    %add3A_608 = vector.broadcast %add3A_607 : i32 to vector<16xi32>
    %add3A_609 = arith.addi %iota3A_606, %add3A_608 : vector<16xi32>
    tpu.vector_store_idx %arg9[%add3A_609, %broadcast_in_dim3A_3], %get3A_605 : memref<256x128xf32, #tpu.memory_space<vmem>>[vector<16xi32>, vector<16xi32>], vector<16xf32>,
    %get3A_610 = arith.constant 6 : i32
    %get3A_611 = arith.index_cast %get3A_610 : i32 to index
    %get3A_612 = arith.constant 80 : index
    %get3A_613 = tpu.vector_load %arg7[%get3A_611, %get3A_612] {strides = array<i32>} : memref<16x128xf32, #tpu.memory_space<vmem>>, vector<16xf32>,
    %iota3A_614 = tpu.iota {dimensions = array<i32: 0>} : vector<16xi32>
    %add3A_615 = arith.constant 80 : i32
    %add3A_616 = vector.broadcast %add3A_615 : i32 to vector<16xi32>
    %add3A_617 = arith.addi %iota3A_614, %add3A_616 : vector<16xi32>
    tpu.vector_store_idx %arg9[%add3A_617, %broadcast_in_dim3A_3], %get3A_613 : memref<256x128xf32, #tpu.memory_space<vmem>>[vector<16xi32>, vector<16xi32>], vector<16xf32>,
    %get3A_618 = arith.constant 6 : i32
    %get3A_619 = arith.index_cast %get3A_618 : i32 to index
    %get3A_620 = arith.constant 96 : index
    %get3A_621 = tpu.vector_load %arg7[%get3A_619, %get3A_620] {strides = array<i32>} : memref<16x128xf32, #tpu.memory_space<vmem>>, vector<16xf32>,
    %iota3A_622 = tpu.iota {dimensions = array<i32: 0>} : vector<16xi32>
    %add3A_623 = arith.constant 96 : i32
    %add3A_624 = vector.broadcast %add3A_623 : i32 to vector<16xi32>
    %add3A_625 = arith.addi %iota3A_622, %add3A_624 : vector<16xi32>
    tpu.vector_store_idx %arg9[%add3A_625, %broadcast_in_dim3A_3], %get3A_621 : memref<256x128xf32, #tpu.memory_space<vmem>>[vector<16xi32>, vector<16xi32>], vector<16xf32>,
    %get3A_626 = arith.constant 6 : i32
    %get3A_627 = arith.index_cast %get3A_626 : i32 to index
    %get3A_628 = arith.constant 112 : index
    %get3A_629 = tpu.vector_load %arg7[%get3A_627, %get3A_628] {strides = array<i32>} : memref<16x128xf32, #tpu.memory_space<vmem>>, vector<16xf32>,
    %iota3A_630 = tpu.iota {dimensions = array<i32: 0>} : vector<16xi32>
    %add3A_631 = arith.constant 112 : i32
    %add3A_632 = vector.broadcast %add3A_631 : i32 to vector<16xi32>
    %add3A_633 = arith.addi %iota3A_630, %add3A_632 : vector<16xi32>
    tpu.vector_store_idx %arg9[%add3A_633, %broadcast_in_dim3A_3], %get3A_629 : memref<256x128xf32, #tpu.memory_space<vmem>>[vector<16xi32>, vector<16xi32>], vector<16xf32>,
    %get3A_634 = arith.constant 7 : i32
    %get3A_635 = arith.index_cast %get3A_634 : i32 to index
    %get3A_636 = arith.constant 0 : index
    %get3A_637 = tpu.vector_load %arg7[%get3A_635, %get3A_636] {strides = array<i32>} : memref<16x128xf32, #tpu.memory_space<vmem>>, vector<16xf32>,
    %iota3A_638 = tpu.iota {dimensions = array<i32: 0>} : vector<16xi32>
    %add3A_639 = arith.constant 128 : i32
    %add3A_640 = vector.broadcast %add3A_639 : i32 to vector<16xi32>
    %add3A_641 = arith.addi %iota3A_638, %add3A_640 : vector<16xi32>
    tpu.vector_store_idx %arg9[%add3A_641, %broadcast_in_dim3A_3], %get3A_637 : memref<256x128xf32, #tpu.memory_space<vmem>>[vector<16xi32>, vector<16xi32>], vector<16xf32>,
    %get3A_642 = arith.constant 7 : i32
    %get3A_643 = arith.index_cast %get3A_642 : i32 to index
    %get3A_644 = arith.constant 16 : index
    %get3A_645 = tpu.vector_load %arg7[%get3A_643, %get3A_644] {strides = array<i32>} : memref<16x128xf32, #tpu.memory_space<vmem>>, vector<16xf32>,
    %iota3A_646 = tpu.iota {dimensions = array<i32: 0>} : vector<16xi32>
    %add3A_647 = arith.constant 144 : i32
    %add3A_648 = vector.broadcast %add3A_647 : i32 to vector<16xi32>
    %add3A_649 = arith.addi %iota3A_646, %add3A_648 : vector<16xi32>
    tpu.vector_store_idx %arg9[%add3A_649, %broadcast_in_dim3A_3], %get3A_645 : memref<256x128xf32, #tpu.memory_space<vmem>>[vector<16xi32>, vector<16xi32>], vector<16xf32>,
    %get3A_650 = arith.constant 7 : i32
    %get3A_651 = arith.index_cast %get3A_650 : i32 to index
    %get3A_652 = arith.constant 32 : index
    %get3A_653 = tpu.vector_load %arg7[%get3A_651, %get3A_652] {strides = array<i32>} : memref<16x128xf32, #tpu.memory_space<vmem>>, vector<16xf32>,
    %iota3A_654 = tpu.iota {dimensions = array<i32: 0>} : vector<16xi32>
    %add3A_655 = arith.constant 160 : i32
    %add3A_656 = vector.broadcast %add3A_655 : i32 to vector<16xi32>
    %add3A_657 = arith.addi %iota3A_654, %add3A_656 : vector<16xi32>
    tpu.vector_store_idx %arg9[%add3A_657, %broadcast_in_dim3A_3], %get3A_653 : memref<256x128xf32, #tpu.memory_space<vmem>>[vector<16xi32>, vector<16xi32>], vector<16xf32>,
    %get3A_658 = arith.constant 7 : i32
    %get3A_659 = arith.index_cast %get3A_658 : i32 to index
    %get3A_660 = arith.constant 48 : index
    %get3A_661 = tpu.vector_load %arg7[%get3A_659, %get3A_660] {strides = array<i32>} : memref<16x128xf32, #tpu.memory_space<vmem>>, vector<16xf32>,
    %iota3A_662 = tpu.iota {dimensions = array<i32: 0>} : vector<16xi32>
    %add3A_663 = arith.constant 176 : i32
    %add3A_664 = vector.broadcast %add3A_663 : i32 to vector<16xi32>
    %add3A_665 = arith.addi %iota3A_662, %add3A_664 : vector<16xi32>
    tpu.vector_store_idx %arg9[%add3A_665, %broadcast_in_dim3A_3], %get3A_661 : memref<256x128xf32, #tpu.memory_space<vmem>>[vector<16xi32>, vector<16xi32>], vector<16xf32>,
    %get3A_666 = arith.constant 7 : i32
    %get3A_667 = arith.index_cast %get3A_666 : i32 to index
    %get3A_668 = arith.constant 64 : index
    %get3A_669 = tpu.vector_load %arg7[%get3A_667, %get3A_668] {strides = array<i32>} : memref<16x128xf32, #tpu.memory_space<vmem>>, vector<16xf32>,
    %iota3A_670 = tpu.iota {dimensions = array<i32: 0>} : vector<16xi32>
    %add3A_671 = arith.constant 192 : i32
    %add3A_672 = vector.broadcast %add3A_671 : i32 to vector<16xi32>
    %add3A_673 = arith.addi %iota3A_670, %add3A_672 : vector<16xi32>
    tpu.vector_store_idx %arg9[%add3A_673, %broadcast_in_dim3A_3], %get3A_669 : memref<256x128xf32, #tpu.memory_space<vmem>>[vector<16xi32>, vector<16xi32>], vector<16xf32>,
    %get3A_674 = arith.constant 7 : i32
    %get3A_675 = arith.index_cast %get3A_674 : i32 to index
    %get3A_676 = arith.constant 80 : index
    %get3A_677 = tpu.vector_load %arg7[%get3A_675, %get3A_676] {strides = array<i32>} : memref<16x128xf32, #tpu.memory_space<vmem>>, vector<16xf32>,
    %iota3A_678 = tpu.iota {dimensions = array<i32: 0>} : vector<16xi32>
    %add3A_679 = arith.constant 208 : i32
    %add3A_680 = vector.broadcast %add3A_679 : i32 to vector<16xi32>
    %add3A_681 = arith.addi %iota3A_678, %add3A_680 : vector<16xi32>
    tpu.vector_store_idx %arg9[%add3A_681, %broadcast_in_dim3A_3], %get3A_677 : memref<256x128xf32, #tpu.memory_space<vmem>>[vector<16xi32>, vector<16xi32>], vector<16xf32>,
    %get3A_682 = arith.constant 7 : i32
    %get3A_683 = arith.index_cast %get3A_682 : i32 to index
    %get3A_684 = arith.constant 96 : index
    %get3A_685 = tpu.vector_load %arg7[%get3A_683, %get3A_684] {strides = array<i32>} : memref<16x128xf32, #tpu.memory_space<vmem>>, vector<16xf32>,
    %iota3A_686 = tpu.iota {dimensions = array<i32: 0>} : vector<16xi32>
    %add3A_687 = arith.constant 224 : i32
    %add3A_688 = vector.broadcast %add3A_687 : i32 to vector<16xi32>
    %add3A_689 = arith.addi %iota3A_686, %add3A_688 : vector<16xi32>
    tpu.vector_store_idx %arg9[%add3A_689, %broadcast_in_dim3A_3], %get3A_685 : memref<256x128xf32, #tpu.memory_space<vmem>>[vector<16xi32>, vector<16xi32>], vector<16xf32>,
    %get3A_690 = arith.constant 7 : i32
    %get3A_691 = arith.index_cast %get3A_690 : i32 to index
    %get3A_692 = arith.constant 112 : index
    %get3A_693 = tpu.vector_load %arg7[%get3A_691, %get3A_692] {strides = array<i32>} : memref<16x128xf32, #tpu.memory_space<vmem>>, vector<16xf32>,
    %iota3A_694 = tpu.iota {dimensions = array<i32: 0>} : vector<16xi32>
    %add3A_695 = arith.constant 240 : i32
    %add3A_696 = vector.broadcast %add3A_695 : i32 to vector<16xi32>
    %add3A_697 = arith.addi %iota3A_694, %add3A_696 : vector<16xi32>
    tpu.vector_store_idx %arg9[%add3A_697, %broadcast_in_dim3A_3], %get3A_693 : memref<256x128xf32, #tpu.memory_space<vmem>>[vector<16xi32>, vector<16xi32>], vector<16xf32>,
    %add3A_698 = arith.constant 768 : i32
    %add3A_699 = arith.addi %mul3A_2, %add3A_698 : i32
    "tpu.region"() ({
      %run_scoped3A = tpu.sem_alloc : memref<!tpu.dma_semaphore, #tpu.memory_space<semaphore_mem>>
      %dma_start3A_1360 = arith.constant 0 : i32
      %dma_start3A_1361 = tpu.memref_slice %arg5[%add3A_699, %dma_start3A_1360] : memref<65536x128xf32, #tpu.memory_space<hbm>> -> memref<256x128xf32, #tpu.memory_space<hbm>>
      %dma_start3A_1362 = arith.constant 0 : i32
      %dma_start3A_1363 = tpu.memref_slice %arg5[%add3A_699, %dma_start3A_1362] : memref<65536x128xf32, #tpu.memory_space<hbm>> -> memref<256x128xf32, #tpu.memory_space<hbm>>
      tpu.enqueue_dma source(%arg9 : memref<256x128xf32, #tpu.memory_space<vmem>>) target(%dma_start3A_1363 : memref<256x128xf32, #tpu.memory_space<hbm>>) target_semaphore(%run_scoped3A : memref<!tpu.dma_semaphore, #tpu.memory_space<semaphore_mem>>)
      %dma_wait3A_1364 = arith.constant 0 : i32
      %dma_wait3A_1365 = tpu.memref_slice %arg5[%add3A_699, %dma_wait3A_1364] : memref<65536x128xf32, #tpu.memory_space<hbm>> -> memref<256x128xf32, #tpu.memory_space<hbm>>
      %dma_wait3A_1366 = arith.constant 0 : i32
      %dma_wait3A_1367 = tpu.memref_slice %arg5[%add3A_699, %dma_wait3A_1366] : memref<65536x128xf32, #tpu.memory_space<hbm>> -> memref<256x128xf32, #tpu.memory_space<hbm>>
      tpu.wait_dma2 semaphore(%run_scoped3A : memref<!tpu.dma_semaphore, #tpu.memory_space<semaphore_mem>>) src(%arg9 : memref<256x128xf32, #tpu.memory_space<vmem>>) dst(%dma_wait3A_1367 : memref<256x128xf32, #tpu.memory_space<hbm>>)
      tpu.yield
    }) : () -> ()
    %dma_start3A_700 = arith.constant 10 : i32
    %dma_start3A_701 = arith.constant 0 : i32
    %dma_start3A_702 = arith.constant 0 : i32
    %dma_start3A_703 = tpu.memref_slice %arg9[%dma_start3A_701, %dma_start3A_702] : memref<256x128xf32, #tpu.memory_space<vmem>> -> memref<128x128xf32, #tpu.memory_space<vmem>>
    %dma_start3A_704 = arith.constant 0 : i32
    %dma_start3A_705 = tpu.memref_slice %arg6[%dma_start3A_700, %dma_start3A_704] : memref<16x128xi32, #tpu.memory_space<vmem>> -> memref<1x128xi32, #tpu.memory_space<vmem>>
    %dma_start3A_706 = tpu.memref_squeeze %dma_start3A_705 : memref<1x128xi32, #tpu.memory_space<vmem>> -> memref<128xi32, #tpu.memory_space<vmem>>
    %dma_start3A_707 = arith.constant 0 : i32
    %dma_start3A_708 = arith.constant 0 : i32
    %dma_start3A_709 = tpu.memref_slice %arg2[%dma_start3A_707, %dma_start3A_708] : memref<32768x128xf32, #tpu.memory_space<hbm>> -> memref<32768x128xf32, #tpu.memory_space<hbm>>
    tpu.enqueue_indirect_dma source(%dma_start3A_709 : memref<32768x128xf32, #tpu.memory_space<hbm>>) target(%dma_start3A_703 : memref<128x128xf32, #tpu.memory_space<vmem>>) offsets(%dma_start3A_706 : memref<128xi32, #tpu.memory_space<vmem>>) semaphore(%arg11 : memref<!tpu.dma_semaphore, #tpu.memory_space<semaphore_mem>>)
    %dma_start3A_710 = arith.constant 11 : i32
    %dma_start3A_711 = arith.constant 128 : i32
    %dma_start3A_712 = arith.constant 0 : i32
    %dma_start3A_713 = tpu.memref_slice %arg9[%dma_start3A_711, %dma_start3A_712] : memref<256x128xf32, #tpu.memory_space<vmem>> -> memref<128x128xf32, #tpu.memory_space<vmem>>
    %dma_start3A_714 = arith.constant 0 : i32
    %dma_start3A_715 = tpu.memref_slice %arg6[%dma_start3A_710, %dma_start3A_714] : memref<16x128xi32, #tpu.memory_space<vmem>> -> memref<1x128xi32, #tpu.memory_space<vmem>>
    %dma_start3A_716 = tpu.memref_squeeze %dma_start3A_715 : memref<1x128xi32, #tpu.memory_space<vmem>> -> memref<128xi32, #tpu.memory_space<vmem>>
    %dma_start3A_717 = arith.constant 0 : i32
    %dma_start3A_718 = arith.constant 0 : i32
    %dma_start3A_719 = tpu.memref_slice %arg2[%dma_start3A_717, %dma_start3A_718] : memref<32768x128xf32, #tpu.memory_space<hbm>> -> memref<32768x128xf32, #tpu.memory_space<hbm>>
    tpu.enqueue_indirect_dma source(%dma_start3A_719 : memref<32768x128xf32, #tpu.memory_space<hbm>>) target(%dma_start3A_713 : memref<128x128xf32, #tpu.memory_space<vmem>>) offsets(%dma_start3A_716 : memref<128xi32, #tpu.memory_space<vmem>>) semaphore(%arg11 : memref<!tpu.dma_semaphore, #tpu.memory_space<semaphore_mem>>)
    %dma_wait3A_720 = arith.constant 8 : i32
    %dma_wait3A_721 = arith.constant 0 : i32
    %dma_wait3A_722 = arith.constant 0 : i32
    %dma_wait3A_723 = tpu.memref_slice %arg8[%dma_wait3A_721, %dma_wait3A_722] : memref<256x128xf32, #tpu.memory_space<vmem>> -> memref<128x128xf32, #tpu.memory_space<vmem>>
    %dma_wait3A_724 = arith.constant 0 : i32
    %dma_wait3A_725 = tpu.memref_slice %arg6[%dma_wait3A_720, %dma_wait3A_724] : memref<16x128xi32, #tpu.memory_space<vmem>> -> memref<1x128xi32, #tpu.memory_space<vmem>>
    %dma_wait3A_726 = tpu.memref_squeeze %dma_wait3A_725 : memref<1x128xi32, #tpu.memory_space<vmem>> -> memref<128xi32, #tpu.memory_space<vmem>>
    %dma_wait3A_727 = arith.constant 0 : i32
    %dma_wait3A_728 = arith.constant 0 : i32
    %dma_wait3A_729 = tpu.memref_slice %arg2[%dma_wait3A_727, %dma_wait3A_728] : memref<32768x128xf32, #tpu.memory_space<hbm>> -> memref<32768x128xf32, #tpu.memory_space<hbm>>
    tpu.wait_indirect_dma semaphore(%arg10 : memref<!tpu.dma_semaphore, #tpu.memory_space<semaphore_mem>>) src(%dma_wait3A_729 : memref<32768x128xf32, #tpu.memory_space<hbm>>) dst(%dma_wait3A_723 : memref<128x128xf32, #tpu.memory_space<vmem>>)
    %dma_wait3A_730 = arith.constant 9 : i32
    %dma_wait3A_731 = arith.constant 128 : i32
    %dma_wait3A_732 = arith.constant 0 : i32
    %dma_wait3A_733 = tpu.memref_slice %arg8[%dma_wait3A_731, %dma_wait3A_732] : memref<256x128xf32, #tpu.memory_space<vmem>> -> memref<128x128xf32, #tpu.memory_space<vmem>>
    %dma_wait3A_734 = arith.constant 0 : i32
    %dma_wait3A_735 = tpu.memref_slice %arg6[%dma_wait3A_730, %dma_wait3A_734] : memref<16x128xi32, #tpu.memory_space<vmem>> -> memref<1x128xi32, #tpu.memory_space<vmem>>
    %dma_wait3A_736 = tpu.memref_squeeze %dma_wait3A_735 : memref<1x128xi32, #tpu.memory_space<vmem>> -> memref<128xi32, #tpu.memory_space<vmem>>
    %dma_wait3A_737 = arith.constant 0 : i32
    %dma_wait3A_738 = arith.constant 0 : i32
    %dma_wait3A_739 = tpu.memref_slice %arg2[%dma_wait3A_737, %dma_wait3A_738] : memref<32768x128xf32, #tpu.memory_space<hbm>> -> memref<32768x128xf32, #tpu.memory_space<hbm>>
    tpu.wait_indirect_dma semaphore(%arg10 : memref<!tpu.dma_semaphore, #tpu.memory_space<semaphore_mem>>) src(%dma_wait3A_739 : memref<32768x128xf32, #tpu.memory_space<hbm>>) dst(%dma_wait3A_733 : memref<128x128xf32, #tpu.memory_space<vmem>>)
    %get3A_740 = arith.constant 8 : i32
    %get3A_741 = arith.index_cast %get3A_740 : i32 to index
    %get3A_742 = arith.constant 0 : index
    %get3A_743 = tpu.vector_load %arg7[%get3A_741, %get3A_742] {strides = array<i32>} : memref<16x128xf32, #tpu.memory_space<vmem>>, vector<16xf32>,
    %iota3A_744 = tpu.iota {dimensions = array<i32: 0>} : vector<16xi32>
    %add3A_745 = arith.constant 0 : i32
    %add3A_746 = vector.broadcast %add3A_745 : i32 to vector<16xi32>
    %add3A_747 = arith.addi %iota3A_744, %add3A_746 : vector<16xi32>
    tpu.vector_store_idx %arg8[%add3A_747, %broadcast_in_dim3A_3], %get3A_743 : memref<256x128xf32, #tpu.memory_space<vmem>>[vector<16xi32>, vector<16xi32>], vector<16xf32>,
    %get3A_748 = arith.constant 8 : i32
    %get3A_749 = arith.index_cast %get3A_748 : i32 to index
    %get3A_750 = arith.constant 16 : index
    %get3A_751 = tpu.vector_load %arg7[%get3A_749, %get3A_750] {strides = array<i32>} : memref<16x128xf32, #tpu.memory_space<vmem>>, vector<16xf32>,
    %iota3A_752 = tpu.iota {dimensions = array<i32: 0>} : vector<16xi32>
    %add3A_753 = arith.constant 16 : i32
    %add3A_754 = vector.broadcast %add3A_753 : i32 to vector<16xi32>
    %add3A_755 = arith.addi %iota3A_752, %add3A_754 : vector<16xi32>
    tpu.vector_store_idx %arg8[%add3A_755, %broadcast_in_dim3A_3], %get3A_751 : memref<256x128xf32, #tpu.memory_space<vmem>>[vector<16xi32>, vector<16xi32>], vector<16xf32>,
    %get3A_756 = arith.constant 8 : i32
    %get3A_757 = arith.index_cast %get3A_756 : i32 to index
    %get3A_758 = arith.constant 32 : index
    %get3A_759 = tpu.vector_load %arg7[%get3A_757, %get3A_758] {strides = array<i32>} : memref<16x128xf32, #tpu.memory_space<vmem>>, vector<16xf32>,
    %iota3A_760 = tpu.iota {dimensions = array<i32: 0>} : vector<16xi32>
    %add3A_761 = arith.constant 32 : i32
    %add3A_762 = vector.broadcast %add3A_761 : i32 to vector<16xi32>
    %add3A_763 = arith.addi %iota3A_760, %add3A_762 : vector<16xi32>
    tpu.vector_store_idx %arg8[%add3A_763, %broadcast_in_dim3A_3], %get3A_759 : memref<256x128xf32, #tpu.memory_space<vmem>>[vector<16xi32>, vector<16xi32>], vector<16xf32>,
    %get3A_764 = arith.constant 8 : i32
    %get3A_765 = arith.index_cast %get3A_764 : i32 to index
    %get3A_766 = arith.constant 48 : index
    %get3A_767 = tpu.vector_load %arg7[%get3A_765, %get3A_766] {strides = array<i32>} : memref<16x128xf32, #tpu.memory_space<vmem>>, vector<16xf32>,
    %iota3A_768 = tpu.iota {dimensions = array<i32: 0>} : vector<16xi32>
    %add3A_769 = arith.constant 48 : i32
    %add3A_770 = vector.broadcast %add3A_769 : i32 to vector<16xi32>
    %add3A_771 = arith.addi %iota3A_768, %add3A_770 : vector<16xi32>
    tpu.vector_store_idx %arg8[%add3A_771, %broadcast_in_dim3A_3], %get3A_767 : memref<256x128xf32, #tpu.memory_space<vmem>>[vector<16xi32>, vector<16xi32>], vector<16xf32>,
    %get3A_772 = arith.constant 8 : i32
    %get3A_773 = arith.index_cast %get3A_772 : i32 to index
    %get3A_774 = arith.constant 64 : index
    %get3A_775 = tpu.vector_load %arg7[%get3A_773, %get3A_774] {strides = array<i32>} : memref<16x128xf32, #tpu.memory_space<vmem>>, vector<16xf32>,
    %iota3A_776 = tpu.iota {dimensions = array<i32: 0>} : vector<16xi32>
    %add3A_777 = arith.constant 64 : i32
    %add3A_778 = vector.broadcast %add3A_777 : i32 to vector<16xi32>
    %add3A_779 = arith.addi %iota3A_776, %add3A_778 : vector<16xi32>
    tpu.vector_store_idx %arg8[%add3A_779, %broadcast_in_dim3A_3], %get3A_775 : memref<256x128xf32, #tpu.memory_space<vmem>>[vector<16xi32>, vector<16xi32>], vector<16xf32>,
    %get3A_780 = arith.constant 8 : i32
    %get3A_781 = arith.index_cast %get3A_780 : i32 to index
    %get3A_782 = arith.constant 80 : index
    %get3A_783 = tpu.vector_load %arg7[%get3A_781, %get3A_782] {strides = array<i32>} : memref<16x128xf32, #tpu.memory_space<vmem>>, vector<16xf32>,
    %iota3A_784 = tpu.iota {dimensions = array<i32: 0>} : vector<16xi32>
    %add3A_785 = arith.constant 80 : i32
    %add3A_786 = vector.broadcast %add3A_785 : i32 to vector<16xi32>
    %add3A_787 = arith.addi %iota3A_784, %add3A_786 : vector<16xi32>
    tpu.vector_store_idx %arg8[%add3A_787, %broadcast_in_dim3A_3], %get3A_783 : memref<256x128xf32, #tpu.memory_space<vmem>>[vector<16xi32>, vector<16xi32>], vector<16xf32>,
    %get3A_788 = arith.constant 8 : i32
    %get3A_789 = arith.index_cast %get3A_788 : i32 to index
    %get3A_790 = arith.constant 96 : index
    %get3A_791 = tpu.vector_load %arg7[%get3A_789, %get3A_790] {strides = array<i32>} : memref<16x128xf32, #tpu.memory_space<vmem>>, vector<16xf32>,
    %iota3A_792 = tpu.iota {dimensions = array<i32: 0>} : vector<16xi32>
    %add3A_793 = arith.constant 96 : i32
    %add3A_794 = vector.broadcast %add3A_793 : i32 to vector<16xi32>
    %add3A_795 = arith.addi %iota3A_792, %add3A_794 : vector<16xi32>
    tpu.vector_store_idx %arg8[%add3A_795, %broadcast_in_dim3A_3], %get3A_791 : memref<256x128xf32, #tpu.memory_space<vmem>>[vector<16xi32>, vector<16xi32>], vector<16xf32>,
    %get3A_796 = arith.constant 8 : i32
    %get3A_797 = arith.index_cast %get3A_796 : i32 to index
    %get3A_798 = arith.constant 112 : index
    %get3A_799 = tpu.vector_load %arg7[%get3A_797, %get3A_798] {strides = array<i32>} : memref<16x128xf32, #tpu.memory_space<vmem>>, vector<16xf32>,
    %iota3A_800 = tpu.iota {dimensions = array<i32: 0>} : vector<16xi32>
    %add3A_801 = arith.constant 112 : i32
    %add3A_802 = vector.broadcast %add3A_801 : i32 to vector<16xi32>
    %add3A_803 = arith.addi %iota3A_800, %add3A_802 : vector<16xi32>
    tpu.vector_store_idx %arg8[%add3A_803, %broadcast_in_dim3A_3], %get3A_799 : memref<256x128xf32, #tpu.memory_space<vmem>>[vector<16xi32>, vector<16xi32>], vector<16xf32>,
    %get3A_804 = arith.constant 9 : i32
    %get3A_805 = arith.index_cast %get3A_804 : i32 to index
    %get3A_806 = arith.constant 0 : index
    %get3A_807 = tpu.vector_load %arg7[%get3A_805, %get3A_806] {strides = array<i32>} : memref<16x128xf32, #tpu.memory_space<vmem>>, vector<16xf32>,
    %iota3A_808 = tpu.iota {dimensions = array<i32: 0>} : vector<16xi32>
    %add3A_809 = arith.constant 128 : i32
    %add3A_810 = vector.broadcast %add3A_809 : i32 to vector<16xi32>
    %add3A_811 = arith.addi %iota3A_808, %add3A_810 : vector<16xi32>
    tpu.vector_store_idx %arg8[%add3A_811, %broadcast_in_dim3A_3], %get3A_807 : memref<256x128xf32, #tpu.memory_space<vmem>>[vector<16xi32>, vector<16xi32>], vector<16xf32>,
    %get3A_812 = arith.constant 9 : i32
    %get3A_813 = arith.index_cast %get3A_812 : i32 to index
    %get3A_814 = arith.constant 16 : index
    %get3A_815 = tpu.vector_load %arg7[%get3A_813, %get3A_814] {strides = array<i32>} : memref<16x128xf32, #tpu.memory_space<vmem>>, vector<16xf32>,
    %iota3A_816 = tpu.iota {dimensions = array<i32: 0>} : vector<16xi32>
    %add3A_817 = arith.constant 144 : i32
    %add3A_818 = vector.broadcast %add3A_817 : i32 to vector<16xi32>
    %add3A_819 = arith.addi %iota3A_816, %add3A_818 : vector<16xi32>
    tpu.vector_store_idx %arg8[%add3A_819, %broadcast_in_dim3A_3], %get3A_815 : memref<256x128xf32, #tpu.memory_space<vmem>>[vector<16xi32>, vector<16xi32>], vector<16xf32>,
    %get3A_820 = arith.constant 9 : i32
    %get3A_821 = arith.index_cast %get3A_820 : i32 to index
    %get3A_822 = arith.constant 32 : index
    %get3A_823 = tpu.vector_load %arg7[%get3A_821, %get3A_822] {strides = array<i32>} : memref<16x128xf32, #tpu.memory_space<vmem>>, vector<16xf32>,
    %iota3A_824 = tpu.iota {dimensions = array<i32: 0>} : vector<16xi32>
    %add3A_825 = arith.constant 160 : i32
    %add3A_826 = vector.broadcast %add3A_825 : i32 to vector<16xi32>
    %add3A_827 = arith.addi %iota3A_824, %add3A_826 : vector<16xi32>
    tpu.vector_store_idx %arg8[%add3A_827, %broadcast_in_dim3A_3], %get3A_823 : memref<256x128xf32, #tpu.memory_space<vmem>>[vector<16xi32>, vector<16xi32>], vector<16xf32>,
    %get3A_828 = arith.constant 9 : i32
    %get3A_829 = arith.index_cast %get3A_828 : i32 to index
    %get3A_830 = arith.constant 48 : index
    %get3A_831 = tpu.vector_load %arg7[%get3A_829, %get3A_830] {strides = array<i32>} : memref<16x128xf32, #tpu.memory_space<vmem>>, vector<16xf32>,
    %iota3A_832 = tpu.iota {dimensions = array<i32: 0>} : vector<16xi32>
    %add3A_833 = arith.constant 176 : i32
    %add3A_834 = vector.broadcast %add3A_833 : i32 to vector<16xi32>
    %add3A_835 = arith.addi %iota3A_832, %add3A_834 : vector<16xi32>
    tpu.vector_store_idx %arg8[%add3A_835, %broadcast_in_dim3A_3], %get3A_831 : memref<256x128xf32, #tpu.memory_space<vmem>>[vector<16xi32>, vector<16xi32>], vector<16xf32>,
    %get3A_836 = arith.constant 9 : i32
    %get3A_837 = arith.index_cast %get3A_836 : i32 to index
    %get3A_838 = arith.constant 64 : index
    %get3A_839 = tpu.vector_load %arg7[%get3A_837, %get3A_838] {strides = array<i32>} : memref<16x128xf32, #tpu.memory_space<vmem>>, vector<16xf32>,
    %iota3A_840 = tpu.iota {dimensions = array<i32: 0>} : vector<16xi32>
    %add3A_841 = arith.constant 192 : i32
    %add3A_842 = vector.broadcast %add3A_841 : i32 to vector<16xi32>
    %add3A_843 = arith.addi %iota3A_840, %add3A_842 : vector<16xi32>
    tpu.vector_store_idx %arg8[%add3A_843, %broadcast_in_dim3A_3], %get3A_839 : memref<256x128xf32, #tpu.memory_space<vmem>>[vector<16xi32>, vector<16xi32>], vector<16xf32>,
    %get3A_844 = arith.constant 9 : i32
    %get3A_845 = arith.index_cast %get3A_844 : i32 to index
    %get3A_846 = arith.constant 80 : index
    %get3A_847 = tpu.vector_load %arg7[%get3A_845, %get3A_846] {strides = array<i32>} : memref<16x128xf32, #tpu.memory_space<vmem>>, vector<16xf32>,
    %iota3A_848 = tpu.iota {dimensions = array<i32: 0>} : vector<16xi32>
    %add3A_849 = arith.constant 208 : i32
    %add3A_850 = vector.broadcast %add3A_849 : i32 to vector<16xi32>
    %add3A_851 = arith.addi %iota3A_848, %add3A_850 : vector<16xi32>
    tpu.vector_store_idx %arg8[%add3A_851, %broadcast_in_dim3A_3], %get3A_847 : memref<256x128xf32, #tpu.memory_space<vmem>>[vector<16xi32>, vector<16xi32>], vector<16xf32>,
    %get3A_852 = arith.constant 9 : i32
    %get3A_853 = arith.index_cast %get3A_852 : i32 to index
    %get3A_854 = arith.constant 96 : index
    %get3A_855 = tpu.vector_load %arg7[%get3A_853, %get3A_854] {strides = array<i32>} : memref<16x128xf32, #tpu.memory_space<vmem>>, vector<16xf32>,
    %iota3A_856 = tpu.iota {dimensions = array<i32: 0>} : vector<16xi32>
    %add3A_857 = arith.constant 224 : i32
    %add3A_858 = vector.broadcast %add3A_857 : i32 to vector<16xi32>
    %add3A_859 = arith.addi %iota3A_856, %add3A_858 : vector<16xi32>
    tpu.vector_store_idx %arg8[%add3A_859, %broadcast_in_dim3A_3], %get3A_855 : memref<256x128xf32, #tpu.memory_space<vmem>>[vector<16xi32>, vector<16xi32>], vector<16xf32>,
    %get3A_860 = arith.constant 9 : i32
    %get3A_861 = arith.index_cast %get3A_860 : i32 to index
    %get3A_862 = arith.constant 112 : index
    %get3A_863 = tpu.vector_load %arg7[%get3A_861, %get3A_862] {strides = array<i32>} : memref<16x128xf32, #tpu.memory_space<vmem>>, vector<16xf32>,
    %iota3A_864 = tpu.iota {dimensions = array<i32: 0>} : vector<16xi32>
    %add3A_865 = arith.constant 240 : i32
    %add3A_866 = vector.broadcast %add3A_865 : i32 to vector<16xi32>
    %add3A_867 = arith.addi %iota3A_864, %add3A_866 : vector<16xi32>
    tpu.vector_store_idx %arg8[%add3A_867, %broadcast_in_dim3A_3], %get3A_863 : memref<256x128xf32, #tpu.memory_space<vmem>>[vector<16xi32>, vector<16xi32>], vector<16xf32>,
    %add3A_868 = arith.constant 1024 : i32
    %add3A_869 = arith.addi %mul3A_2, %add3A_868 : i32
    "tpu.region"() ({
      %run_scoped3A = tpu.sem_alloc : memref<!tpu.dma_semaphore, #tpu.memory_space<semaphore_mem>>
      %dma_start3A_1360 = arith.constant 0 : i32
      %dma_start3A_1361 = tpu.memref_slice %arg5[%add3A_869, %dma_start3A_1360] : memref<65536x128xf32, #tpu.memory_space<hbm>> -> memref<256x128xf32, #tpu.memory_space<hbm>>
      %dma_start3A_1362 = arith.constant 0 : i32
      %dma_start3A_1363 = tpu.memref_slice %arg5[%add3A_869, %dma_start3A_1362] : memref<65536x128xf32, #tpu.memory_space<hbm>> -> memref<256x128xf32, #tpu.memory_space<hbm>>
      tpu.enqueue_dma source(%arg8 : memref<256x128xf32, #tpu.memory_space<vmem>>) target(%dma_start3A_1363 : memref<256x128xf32, #tpu.memory_space<hbm>>) target_semaphore(%run_scoped3A : memref<!tpu.dma_semaphore, #tpu.memory_space<semaphore_mem>>)
      %dma_wait3A_1364 = arith.constant 0 : i32
      %dma_wait3A_1365 = tpu.memref_slice %arg5[%add3A_869, %dma_wait3A_1364] : memref<65536x128xf32, #tpu.memory_space<hbm>> -> memref<256x128xf32, #tpu.memory_space<hbm>>
      %dma_wait3A_1366 = arith.constant 0 : i32
      %dma_wait3A_1367 = tpu.memref_slice %arg5[%add3A_869, %dma_wait3A_1366] : memref<65536x128xf32, #tpu.memory_space<hbm>> -> memref<256x128xf32, #tpu.memory_space<hbm>>
      tpu.wait_dma2 semaphore(%run_scoped3A : memref<!tpu.dma_semaphore, #tpu.memory_space<semaphore_mem>>) src(%arg8 : memref<256x128xf32, #tpu.memory_space<vmem>>) dst(%dma_wait3A_1367 : memref<256x128xf32, #tpu.memory_space<hbm>>)
      tpu.yield
    }) : () -> ()
    %dma_start3A_870 = arith.constant 12 : i32
    %dma_start3A_871 = arith.constant 0 : i32
    %dma_start3A_872 = arith.constant 0 : i32
    %dma_start3A_873 = tpu.memref_slice %arg8[%dma_start3A_871, %dma_start3A_872] : memref<256x128xf32, #tpu.memory_space<vmem>> -> memref<128x128xf32, #tpu.memory_space<vmem>>
    %dma_start3A_874 = arith.constant 0 : i32
    %dma_start3A_875 = tpu.memref_slice %arg6[%dma_start3A_870, %dma_start3A_874] : memref<16x128xi32, #tpu.memory_space<vmem>> -> memref<1x128xi32, #tpu.memory_space<vmem>>
    %dma_start3A_876 = tpu.memref_squeeze %dma_start3A_875 : memref<1x128xi32, #tpu.memory_space<vmem>> -> memref<128xi32, #tpu.memory_space<vmem>>
    %dma_start3A_877 = arith.constant 0 : i32
    %dma_start3A_878 = arith.constant 0 : i32
    %dma_start3A_879 = tpu.memref_slice %arg2[%dma_start3A_877, %dma_start3A_878] : memref<32768x128xf32, #tpu.memory_space<hbm>> -> memref<32768x128xf32, #tpu.memory_space<hbm>>
    tpu.enqueue_indirect_dma source(%dma_start3A_879 : memref<32768x128xf32, #tpu.memory_space<hbm>>) target(%dma_start3A_873 : memref<128x128xf32, #tpu.memory_space<vmem>>) offsets(%dma_start3A_876 : memref<128xi32, #tpu.memory_space<vmem>>) semaphore(%arg10 : memref<!tpu.dma_semaphore, #tpu.memory_space<semaphore_mem>>)
    %dma_start3A_880 = arith.constant 13 : i32
    %dma_start3A_881 = arith.constant 128 : i32
    %dma_start3A_882 = arith.constant 0 : i32
    %dma_start3A_883 = tpu.memref_slice %arg8[%dma_start3A_881, %dma_start3A_882] : memref<256x128xf32, #tpu.memory_space<vmem>> -> memref<128x128xf32, #tpu.memory_space<vmem>>
    %dma_start3A_884 = arith.constant 0 : i32
    %dma_start3A_885 = tpu.memref_slice %arg6[%dma_start3A_880, %dma_start3A_884] : memref<16x128xi32, #tpu.memory_space<vmem>> -> memref<1x128xi32, #tpu.memory_space<vmem>>
    %dma_start3A_886 = tpu.memref_squeeze %dma_start3A_885 : memref<1x128xi32, #tpu.memory_space<vmem>> -> memref<128xi32, #tpu.memory_space<vmem>>
    %dma_start3A_887 = arith.constant 0 : i32
    %dma_start3A_888 = arith.constant 0 : i32
    %dma_start3A_889 = tpu.memref_slice %arg2[%dma_start3A_887, %dma_start3A_888] : memref<32768x128xf32, #tpu.memory_space<hbm>> -> memref<32768x128xf32, #tpu.memory_space<hbm>>
    tpu.enqueue_indirect_dma source(%dma_start3A_889 : memref<32768x128xf32, #tpu.memory_space<hbm>>) target(%dma_start3A_883 : memref<128x128xf32, #tpu.memory_space<vmem>>) offsets(%dma_start3A_886 : memref<128xi32, #tpu.memory_space<vmem>>) semaphore(%arg10 : memref<!tpu.dma_semaphore, #tpu.memory_space<semaphore_mem>>)
    %dma_wait3A_890 = arith.constant 10 : i32
    %dma_wait3A_891 = arith.constant 0 : i32
    %dma_wait3A_892 = arith.constant 0 : i32
    %dma_wait3A_893 = tpu.memref_slice %arg9[%dma_wait3A_891, %dma_wait3A_892] : memref<256x128xf32, #tpu.memory_space<vmem>> -> memref<128x128xf32, #tpu.memory_space<vmem>>
    %dma_wait3A_894 = arith.constant 0 : i32
    %dma_wait3A_895 = tpu.memref_slice %arg6[%dma_wait3A_890, %dma_wait3A_894] : memref<16x128xi32, #tpu.memory_space<vmem>> -> memref<1x128xi32, #tpu.memory_space<vmem>>
    %dma_wait3A_896 = tpu.memref_squeeze %dma_wait3A_895 : memref<1x128xi32, #tpu.memory_space<vmem>> -> memref<128xi32, #tpu.memory_space<vmem>>
    %dma_wait3A_897 = arith.constant 0 : i32
    %dma_wait3A_898 = arith.constant 0 : i32
    %dma_wait3A_899 = tpu.memref_slice %arg2[%dma_wait3A_897, %dma_wait3A_898] : memref<32768x128xf32, #tpu.memory_space<hbm>> -> memref<32768x128xf32, #tpu.memory_space<hbm>>
    tpu.wait_indirect_dma semaphore(%arg11 : memref<!tpu.dma_semaphore, #tpu.memory_space<semaphore_mem>>) src(%dma_wait3A_899 : memref<32768x128xf32, #tpu.memory_space<hbm>>) dst(%dma_wait3A_893 : memref<128x128xf32, #tpu.memory_space<vmem>>)
    %dma_wait3A_900 = arith.constant 11 : i32
    %dma_wait3A_901 = arith.constant 128 : i32
    %dma_wait3A_902 = arith.constant 0 : i32
    %dma_wait3A_903 = tpu.memref_slice %arg9[%dma_wait3A_901, %dma_wait3A_902] : memref<256x128xf32, #tpu.memory_space<vmem>> -> memref<128x128xf32, #tpu.memory_space<vmem>>
    %dma_wait3A_904 = arith.constant 0 : i32
    %dma_wait3A_905 = tpu.memref_slice %arg6[%dma_wait3A_900, %dma_wait3A_904] : memref<16x128xi32, #tpu.memory_space<vmem>> -> memref<1x128xi32, #tpu.memory_space<vmem>>
    %dma_wait3A_906 = tpu.memref_squeeze %dma_wait3A_905 : memref<1x128xi32, #tpu.memory_space<vmem>> -> memref<128xi32, #tpu.memory_space<vmem>>
    %dma_wait3A_907 = arith.constant 0 : i32
    %dma_wait3A_908 = arith.constant 0 : i32
    %dma_wait3A_909 = tpu.memref_slice %arg2[%dma_wait3A_907, %dma_wait3A_908] : memref<32768x128xf32, #tpu.memory_space<hbm>> -> memref<32768x128xf32, #tpu.memory_space<hbm>>
    tpu.wait_indirect_dma semaphore(%arg11 : memref<!tpu.dma_semaphore, #tpu.memory_space<semaphore_mem>>) src(%dma_wait3A_909 : memref<32768x128xf32, #tpu.memory_space<hbm>>) dst(%dma_wait3A_903 : memref<128x128xf32, #tpu.memory_space<vmem>>)
    %get3A_910 = arith.constant 10 : i32
    %get3A_911 = arith.index_cast %get3A_910 : i32 to index
    %get3A_912 = arith.constant 0 : index
    %get3A_913 = tpu.vector_load %arg7[%get3A_911, %get3A_912] {strides = array<i32>} : memref<16x128xf32, #tpu.memory_space<vmem>>, vector<16xf32>,
    %iota3A_914 = tpu.iota {dimensions = array<i32: 0>} : vector<16xi32>
    %add3A_915 = arith.constant 0 : i32
    %add3A_916 = vector.broadcast %add3A_915 : i32 to vector<16xi32>
    %add3A_917 = arith.addi %iota3A_914, %add3A_916 : vector<16xi32>
    tpu.vector_store_idx %arg9[%add3A_917, %broadcast_in_dim3A_3], %get3A_913 : memref<256x128xf32, #tpu.memory_space<vmem>>[vector<16xi32>, vector<16xi32>], vector<16xf32>,
    %get3A_918 = arith.constant 10 : i32
    %get3A_919 = arith.index_cast %get3A_918 : i32 to index
    %get3A_920 = arith.constant 16 : index
    %get3A_921 = tpu.vector_load %arg7[%get3A_919, %get3A_920] {strides = array<i32>} : memref<16x128xf32, #tpu.memory_space<vmem>>, vector<16xf32>,
    %iota3A_922 = tpu.iota {dimensions = array<i32: 0>} : vector<16xi32>
    %add3A_923 = arith.constant 16 : i32
    %add3A_924 = vector.broadcast %add3A_923 : i32 to vector<16xi32>
    %add3A_925 = arith.addi %iota3A_922, %add3A_924 : vector<16xi32>
    tpu.vector_store_idx %arg9[%add3A_925, %broadcast_in_dim3A_3], %get3A_921 : memref<256x128xf32, #tpu.memory_space<vmem>>[vector<16xi32>, vector<16xi32>], vector<16xf32>,
    %get3A_926 = arith.constant 10 : i32
    %get3A_927 = arith.index_cast %get3A_926 : i32 to index
    %get3A_928 = arith.constant 32 : index
    %get3A_929 = tpu.vector_load %arg7[%get3A_927, %get3A_928] {strides = array<i32>} : memref<16x128xf32, #tpu.memory_space<vmem>>, vector<16xf32>,
    %iota3A_930 = tpu.iota {dimensions = array<i32: 0>} : vector<16xi32>
    %add3A_931 = arith.constant 32 : i32
    %add3A_932 = vector.broadcast %add3A_931 : i32 to vector<16xi32>
    %add3A_933 = arith.addi %iota3A_930, %add3A_932 : vector<16xi32>
    tpu.vector_store_idx %arg9[%add3A_933, %broadcast_in_dim3A_3], %get3A_929 : memref<256x128xf32, #tpu.memory_space<vmem>>[vector<16xi32>, vector<16xi32>], vector<16xf32>,
    %get3A_934 = arith.constant 10 : i32
    %get3A_935 = arith.index_cast %get3A_934 : i32 to index
    %get3A_936 = arith.constant 48 : index
    %get3A_937 = tpu.vector_load %arg7[%get3A_935, %get3A_936] {strides = array<i32>} : memref<16x128xf32, #tpu.memory_space<vmem>>, vector<16xf32>,
    %iota3A_938 = tpu.iota {dimensions = array<i32: 0>} : vector<16xi32>
    %add3A_939 = arith.constant 48 : i32
    %add3A_940 = vector.broadcast %add3A_939 : i32 to vector<16xi32>
    %add3A_941 = arith.addi %iota3A_938, %add3A_940 : vector<16xi32>
    tpu.vector_store_idx %arg9[%add3A_941, %broadcast_in_dim3A_3], %get3A_937 : memref<256x128xf32, #tpu.memory_space<vmem>>[vector<16xi32>, vector<16xi32>], vector<16xf32>,
    %get3A_942 = arith.constant 10 : i32
    %get3A_943 = arith.index_cast %get3A_942 : i32 to index
    %get3A_944 = arith.constant 64 : index
    %get3A_945 = tpu.vector_load %arg7[%get3A_943, %get3A_944] {strides = array<i32>} : memref<16x128xf32, #tpu.memory_space<vmem>>, vector<16xf32>,
    %iota3A_946 = tpu.iota {dimensions = array<i32: 0>} : vector<16xi32>
    %add3A_947 = arith.constant 64 : i32
    %add3A_948 = vector.broadcast %add3A_947 : i32 to vector<16xi32>
    %add3A_949 = arith.addi %iota3A_946, %add3A_948 : vector<16xi32>
    tpu.vector_store_idx %arg9[%add3A_949, %broadcast_in_dim3A_3], %get3A_945 : memref<256x128xf32, #tpu.memory_space<vmem>>[vector<16xi32>, vector<16xi32>], vector<16xf32>,
    %get3A_950 = arith.constant 10 : i32
    %get3A_951 = arith.index_cast %get3A_950 : i32 to index
    %get3A_952 = arith.constant 80 : index
    %get3A_953 = tpu.vector_load %arg7[%get3A_951, %get3A_952] {strides = array<i32>} : memref<16x128xf32, #tpu.memory_space<vmem>>, vector<16xf32>,
    %iota3A_954 = tpu.iota {dimensions = array<i32: 0>} : vector<16xi32>
    %add3A_955 = arith.constant 80 : i32
    %add3A_956 = vector.broadcast %add3A_955 : i32 to vector<16xi32>
    %add3A_957 = arith.addi %iota3A_954, %add3A_956 : vector<16xi32>
    tpu.vector_store_idx %arg9[%add3A_957, %broadcast_in_dim3A_3], %get3A_953 : memref<256x128xf32, #tpu.memory_space<vmem>>[vector<16xi32>, vector<16xi32>], vector<16xf32>,
    %get3A_958 = arith.constant 10 : i32
    %get3A_959 = arith.index_cast %get3A_958 : i32 to index
    %get3A_960 = arith.constant 96 : index
    %get3A_961 = tpu.vector_load %arg7[%get3A_959, %get3A_960] {strides = array<i32>} : memref<16x128xf32, #tpu.memory_space<vmem>>, vector<16xf32>,
    %iota3A_962 = tpu.iota {dimensions = array<i32: 0>} : vector<16xi32>
    %add3A_963 = arith.constant 96 : i32
    %add3A_964 = vector.broadcast %add3A_963 : i32 to vector<16xi32>
    %add3A_965 = arith.addi %iota3A_962, %add3A_964 : vector<16xi32>
    tpu.vector_store_idx %arg9[%add3A_965, %broadcast_in_dim3A_3], %get3A_961 : memref<256x128xf32, #tpu.memory_space<vmem>>[vector<16xi32>, vector<16xi32>], vector<16xf32>,
    %get3A_966 = arith.constant 10 : i32
    %get3A_967 = arith.index_cast %get3A_966 : i32 to index
    %get3A_968 = arith.constant 112 : index
    %get3A_969 = tpu.vector_load %arg7[%get3A_967, %get3A_968] {strides = array<i32>} : memref<16x128xf32, #tpu.memory_space<vmem>>, vector<16xf32>,
    %iota3A_970 = tpu.iota {dimensions = array<i32: 0>} : vector<16xi32>
    %add3A_971 = arith.constant 112 : i32
    %add3A_972 = vector.broadcast %add3A_971 : i32 to vector<16xi32>
    %add3A_973 = arith.addi %iota3A_970, %add3A_972 : vector<16xi32>
    tpu.vector_store_idx %arg9[%add3A_973, %broadcast_in_dim3A_3], %get3A_969 : memref<256x128xf32, #tpu.memory_space<vmem>>[vector<16xi32>, vector<16xi32>], vector<16xf32>,
    %get3A_974 = arith.constant 11 : i32
    %get3A_975 = arith.index_cast %get3A_974 : i32 to index
    %get3A_976 = arith.constant 0 : index
    %get3A_977 = tpu.vector_load %arg7[%get3A_975, %get3A_976] {strides = array<i32>} : memref<16x128xf32, #tpu.memory_space<vmem>>, vector<16xf32>,
    %iota3A_978 = tpu.iota {dimensions = array<i32: 0>} : vector<16xi32>
    %add3A_979 = arith.constant 128 : i32
    %add3A_980 = vector.broadcast %add3A_979 : i32 to vector<16xi32>
    %add3A_981 = arith.addi %iota3A_978, %add3A_980 : vector<16xi32>
    tpu.vector_store_idx %arg9[%add3A_981, %broadcast_in_dim3A_3], %get3A_977 : memref<256x128xf32, #tpu.memory_space<vmem>>[vector<16xi32>, vector<16xi32>], vector<16xf32>,
    %get3A_982 = arith.constant 11 : i32
    %get3A_983 = arith.index_cast %get3A_982 : i32 to index
    %get3A_984 = arith.constant 16 : index
    %get3A_985 = tpu.vector_load %arg7[%get3A_983, %get3A_984] {strides = array<i32>} : memref<16x128xf32, #tpu.memory_space<vmem>>, vector<16xf32>,
    %iota3A_986 = tpu.iota {dimensions = array<i32: 0>} : vector<16xi32>
    %add3A_987 = arith.constant 144 : i32
    %add3A_988 = vector.broadcast %add3A_987 : i32 to vector<16xi32>
    %add3A_989 = arith.addi %iota3A_986, %add3A_988 : vector<16xi32>
    tpu.vector_store_idx %arg9[%add3A_989, %broadcast_in_dim3A_3], %get3A_985 : memref<256x128xf32, #tpu.memory_space<vmem>>[vector<16xi32>, vector<16xi32>], vector<16xf32>,
    %get3A_990 = arith.constant 11 : i32
    %get3A_991 = arith.index_cast %get3A_990 : i32 to index
    %get3A_992 = arith.constant 32 : index
    %get3A_993 = tpu.vector_load %arg7[%get3A_991, %get3A_992] {strides = array<i32>} : memref<16x128xf32, #tpu.memory_space<vmem>>, vector<16xf32>,
    %iota3A_994 = tpu.iota {dimensions = array<i32: 0>} : vector<16xi32>
    %add3A_995 = arith.constant 160 : i32
    %add3A_996 = vector.broadcast %add3A_995 : i32 to vector<16xi32>
    %add3A_997 = arith.addi %iota3A_994, %add3A_996 : vector<16xi32>
    tpu.vector_store_idx %arg9[%add3A_997, %broadcast_in_dim3A_3], %get3A_993 : memref<256x128xf32, #tpu.memory_space<vmem>>[vector<16xi32>, vector<16xi32>], vector<16xf32>,
    %get3A_998 = arith.constant 11 : i32
    %get3A_999 = arith.index_cast %get3A_998 : i32 to index
    %get3A_1000 = arith.constant 48 : index
    %get3A_1001 = tpu.vector_load %arg7[%get3A_999, %get3A_1000] {strides = array<i32>} : memref<16x128xf32, #tpu.memory_space<vmem>>, vector<16xf32>,
    %iota3A_1002 = tpu.iota {dimensions = array<i32: 0>} : vector<16xi32>
    %add3A_1003 = arith.constant 176 : i32
    %add3A_1004 = vector.broadcast %add3A_1003 : i32 to vector<16xi32>
    %add3A_1005 = arith.addi %iota3A_1002, %add3A_1004 : vector<16xi32>
    tpu.vector_store_idx %arg9[%add3A_1005, %broadcast_in_dim3A_3], %get3A_1001 : memref<256x128xf32, #tpu.memory_space<vmem>>[vector<16xi32>, vector<16xi32>], vector<16xf32>,
    %get3A_1006 = arith.constant 11 : i32
    %get3A_1007 = arith.index_cast %get3A_1006 : i32 to index
    %get3A_1008 = arith.constant 64 : index
    %get3A_1009 = tpu.vector_load %arg7[%get3A_1007, %get3A_1008] {strides = array<i32>} : memref<16x128xf32, #tpu.memory_space<vmem>>, vector<16xf32>,
    %iota3A_1010 = tpu.iota {dimensions = array<i32: 0>} : vector<16xi32>
    %add3A_1011 = arith.constant 192 : i32
    %add3A_1012 = vector.broadcast %add3A_1011 : i32 to vector<16xi32>
    %add3A_1013 = arith.addi %iota3A_1010, %add3A_1012 : vector<16xi32>
    tpu.vector_store_idx %arg9[%add3A_1013, %broadcast_in_dim3A_3], %get3A_1009 : memref<256x128xf32, #tpu.memory_space<vmem>>[vector<16xi32>, vector<16xi32>], vector<16xf32>,
    %get3A_1014 = arith.constant 11 : i32
    %get3A_1015 = arith.index_cast %get3A_1014 : i32 to index
    %get3A_1016 = arith.constant 80 : index
    %get3A_1017 = tpu.vector_load %arg7[%get3A_1015, %get3A_1016] {strides = array<i32>} : memref<16x128xf32, #tpu.memory_space<vmem>>, vector<16xf32>,
    %iota3A_1018 = tpu.iota {dimensions = array<i32: 0>} : vector<16xi32>
    %add3A_1019 = arith.constant 208 : i32
    %add3A_1020 = vector.broadcast %add3A_1019 : i32 to vector<16xi32>
    %add3A_1021 = arith.addi %iota3A_1018, %add3A_1020 : vector<16xi32>
    tpu.vector_store_idx %arg9[%add3A_1021, %broadcast_in_dim3A_3], %get3A_1017 : memref<256x128xf32, #tpu.memory_space<vmem>>[vector<16xi32>, vector<16xi32>], vector<16xf32>,
    %get3A_1022 = arith.constant 11 : i32
    %get3A_1023 = arith.index_cast %get3A_1022 : i32 to index
    %get3A_1024 = arith.constant 96 : index
    %get3A_1025 = tpu.vector_load %arg7[%get3A_1023, %get3A_1024] {strides = array<i32>} : memref<16x128xf32, #tpu.memory_space<vmem>>, vector<16xf32>,
    %iota3A_1026 = tpu.iota {dimensions = array<i32: 0>} : vector<16xi32>
    %add3A_1027 = arith.constant 224 : i32
    %add3A_1028 = vector.broadcast %add3A_1027 : i32 to vector<16xi32>
    %add3A_1029 = arith.addi %iota3A_1026, %add3A_1028 : vector<16xi32>
    tpu.vector_store_idx %arg9[%add3A_1029, %broadcast_in_dim3A_3], %get3A_1025 : memref<256x128xf32, #tpu.memory_space<vmem>>[vector<16xi32>, vector<16xi32>], vector<16xf32>,
    %get3A_1030 = arith.constant 11 : i32
    %get3A_1031 = arith.index_cast %get3A_1030 : i32 to index
    %get3A_1032 = arith.constant 112 : index
    %get3A_1033 = tpu.vector_load %arg7[%get3A_1031, %get3A_1032] {strides = array<i32>} : memref<16x128xf32, #tpu.memory_space<vmem>>, vector<16xf32>,
    %iota3A_1034 = tpu.iota {dimensions = array<i32: 0>} : vector<16xi32>
    %add3A_1035 = arith.constant 240 : i32
    %add3A_1036 = vector.broadcast %add3A_1035 : i32 to vector<16xi32>
    %add3A_1037 = arith.addi %iota3A_1034, %add3A_1036 : vector<16xi32>
    tpu.vector_store_idx %arg9[%add3A_1037, %broadcast_in_dim3A_3], %get3A_1033 : memref<256x128xf32, #tpu.memory_space<vmem>>[vector<16xi32>, vector<16xi32>], vector<16xf32>,
    %add3A_1038 = arith.constant 1280 : i32
    %add3A_1039 = arith.addi %mul3A_2, %add3A_1038 : i32
    "tpu.region"() ({
      %run_scoped3A = tpu.sem_alloc : memref<!tpu.dma_semaphore, #tpu.memory_space<semaphore_mem>>
      %dma_start3A_1360 = arith.constant 0 : i32
      %dma_start3A_1361 = tpu.memref_slice %arg5[%add3A_1039, %dma_start3A_1360] : memref<65536x128xf32, #tpu.memory_space<hbm>> -> memref<256x128xf32, #tpu.memory_space<hbm>>
      %dma_start3A_1362 = arith.constant 0 : i32
      %dma_start3A_1363 = tpu.memref_slice %arg5[%add3A_1039, %dma_start3A_1362] : memref<65536x128xf32, #tpu.memory_space<hbm>> -> memref<256x128xf32, #tpu.memory_space<hbm>>
      tpu.enqueue_dma source(%arg9 : memref<256x128xf32, #tpu.memory_space<vmem>>) target(%dma_start3A_1363 : memref<256x128xf32, #tpu.memory_space<hbm>>) target_semaphore(%run_scoped3A : memref<!tpu.dma_semaphore, #tpu.memory_space<semaphore_mem>>)
      %dma_wait3A_1364 = arith.constant 0 : i32
      %dma_wait3A_1365 = tpu.memref_slice %arg5[%add3A_1039, %dma_wait3A_1364] : memref<65536x128xf32, #tpu.memory_space<hbm>> -> memref<256x128xf32, #tpu.memory_space<hbm>>
      %dma_wait3A_1366 = arith.constant 0 : i32
      %dma_wait3A_1367 = tpu.memref_slice %arg5[%add3A_1039, %dma_wait3A_1366] : memref<65536x128xf32, #tpu.memory_space<hbm>> -> memref<256x128xf32, #tpu.memory_space<hbm>>
      tpu.wait_dma2 semaphore(%run_scoped3A : memref<!tpu.dma_semaphore, #tpu.memory_space<semaphore_mem>>) src(%arg9 : memref<256x128xf32, #tpu.memory_space<vmem>>) dst(%dma_wait3A_1367 : memref<256x128xf32, #tpu.memory_space<hbm>>)
      tpu.yield
    }) : () -> ()
    %dma_start3A_1040 = arith.constant 14 : i32
    %dma_start3A_1041 = arith.constant 0 : i32
    %dma_start3A_1042 = arith.constant 0 : i32
    %dma_start3A_1043 = tpu.memref_slice %arg9[%dma_start3A_1041, %dma_start3A_1042] : memref<256x128xf32, #tpu.memory_space<vmem>> -> memref<128x128xf32, #tpu.memory_space<vmem>>
    %dma_start3A_1044 = arith.constant 0 : i32
    %dma_start3A_1045 = tpu.memref_slice %arg6[%dma_start3A_1040, %dma_start3A_1044] : memref<16x128xi32, #tpu.memory_space<vmem>> -> memref<1x128xi32, #tpu.memory_space<vmem>>
    %dma_start3A_1046 = tpu.memref_squeeze %dma_start3A_1045 : memref<1x128xi32, #tpu.memory_space<vmem>> -> memref<128xi32, #tpu.memory_space<vmem>>
    %dma_start3A_1047 = arith.constant 0 : i32
    %dma_start3A_1048 = arith.constant 0 : i32
    %dma_start3A_1049 = tpu.memref_slice %arg2[%dma_start3A_1047, %dma_start3A_1048] : memref<32768x128xf32, #tpu.memory_space<hbm>> -> memref<32768x128xf32, #tpu.memory_space<hbm>>
    tpu.enqueue_indirect_dma source(%dma_start3A_1049 : memref<32768x128xf32, #tpu.memory_space<hbm>>) target(%dma_start3A_1043 : memref<128x128xf32, #tpu.memory_space<vmem>>) offsets(%dma_start3A_1046 : memref<128xi32, #tpu.memory_space<vmem>>) semaphore(%arg11 : memref<!tpu.dma_semaphore, #tpu.memory_space<semaphore_mem>>)
    %dma_start3A_1050 = arith.constant 15 : i32
    %dma_start3A_1051 = arith.constant 128 : i32
    %dma_start3A_1052 = arith.constant 0 : i32
    %dma_start3A_1053 = tpu.memref_slice %arg9[%dma_start3A_1051, %dma_start3A_1052] : memref<256x128xf32, #tpu.memory_space<vmem>> -> memref<128x128xf32, #tpu.memory_space<vmem>>
    %dma_start3A_1054 = arith.constant 0 : i32
    %dma_start3A_1055 = tpu.memref_slice %arg6[%dma_start3A_1050, %dma_start3A_1054] : memref<16x128xi32, #tpu.memory_space<vmem>> -> memref<1x128xi32, #tpu.memory_space<vmem>>
    %dma_start3A_1056 = tpu.memref_squeeze %dma_start3A_1055 : memref<1x128xi32, #tpu.memory_space<vmem>> -> memref<128xi32, #tpu.memory_space<vmem>>
    %dma_start3A_1057 = arith.constant 0 : i32
    %dma_start3A_1058 = arith.constant 0 : i32
    %dma_start3A_1059 = tpu.memref_slice %arg2[%dma_start3A_1057, %dma_start3A_1058] : memref<32768x128xf32, #tpu.memory_space<hbm>> -> memref<32768x128xf32, #tpu.memory_space<hbm>>
    tpu.enqueue_indirect_dma source(%dma_start3A_1059 : memref<32768x128xf32, #tpu.memory_space<hbm>>) target(%dma_start3A_1053 : memref<128x128xf32, #tpu.memory_space<vmem>>) offsets(%dma_start3A_1056 : memref<128xi32, #tpu.memory_space<vmem>>) semaphore(%arg11 : memref<!tpu.dma_semaphore, #tpu.memory_space<semaphore_mem>>)
    %dma_wait3A_1060 = arith.constant 12 : i32
    %dma_wait3A_1061 = arith.constant 0 : i32
    %dma_wait3A_1062 = arith.constant 0 : i32
    %dma_wait3A_1063 = tpu.memref_slice %arg8[%dma_wait3A_1061, %dma_wait3A_1062] : memref<256x128xf32, #tpu.memory_space<vmem>> -> memref<128x128xf32, #tpu.memory_space<vmem>>
    %dma_wait3A_1064 = arith.constant 0 : i32
    %dma_wait3A_1065 = tpu.memref_slice %arg6[%dma_wait3A_1060, %dma_wait3A_1064] : memref<16x128xi32, #tpu.memory_space<vmem>> -> memref<1x128xi32, #tpu.memory_space<vmem>>
    %dma_wait3A_1066 = tpu.memref_squeeze %dma_wait3A_1065 : memref<1x128xi32, #tpu.memory_space<vmem>> -> memref<128xi32, #tpu.memory_space<vmem>>
    %dma_wait3A_1067 = arith.constant 0 : i32
    %dma_wait3A_1068 = arith.constant 0 : i32
    %dma_wait3A_1069 = tpu.memref_slice %arg2[%dma_wait3A_1067, %dma_wait3A_1068] : memref<32768x128xf32, #tpu.memory_space<hbm>> -> memref<32768x128xf32, #tpu.memory_space<hbm>>
    tpu.wait_indirect_dma semaphore(%arg10 : memref<!tpu.dma_semaphore, #tpu.memory_space<semaphore_mem>>) src(%dma_wait3A_1069 : memref<32768x128xf32, #tpu.memory_space<hbm>>) dst(%dma_wait3A_1063 : memref<128x128xf32, #tpu.memory_space<vmem>>)
    %dma_wait3A_1070 = arith.constant 13 : i32
    %dma_wait3A_1071 = arith.constant 128 : i32
    %dma_wait3A_1072 = arith.constant 0 : i32
    %dma_wait3A_1073 = tpu.memref_slice %arg8[%dma_wait3A_1071, %dma_wait3A_1072] : memref<256x128xf32, #tpu.memory_space<vmem>> -> memref<128x128xf32, #tpu.memory_space<vmem>>
    %dma_wait3A_1074 = arith.constant 0 : i32
    %dma_wait3A_1075 = tpu.memref_slice %arg6[%dma_wait3A_1070, %dma_wait3A_1074] : memref<16x128xi32, #tpu.memory_space<vmem>> -> memref<1x128xi32, #tpu.memory_space<vmem>>
    %dma_wait3A_1076 = tpu.memref_squeeze %dma_wait3A_1075 : memref<1x128xi32, #tpu.memory_space<vmem>> -> memref<128xi32, #tpu.memory_space<vmem>>
    %dma_wait3A_1077 = arith.constant 0 : i32
    %dma_wait3A_1078 = arith.constant 0 : i32
    %dma_wait3A_1079 = tpu.memref_slice %arg2[%dma_wait3A_1077, %dma_wait3A_1078] : memref<32768x128xf32, #tpu.memory_space<hbm>> -> memref<32768x128xf32, #tpu.memory_space<hbm>>
    tpu.wait_indirect_dma semaphore(%arg10 : memref<!tpu.dma_semaphore, #tpu.memory_space<semaphore_mem>>) src(%dma_wait3A_1079 : memref<32768x128xf32, #tpu.memory_space<hbm>>) dst(%dma_wait3A_1073 : memref<128x128xf32, #tpu.memory_space<vmem>>)
    %get3A_1080 = arith.constant 12 : i32
    %get3A_1081 = arith.index_cast %get3A_1080 : i32 to index
    %get3A_1082 = arith.constant 0 : index
    %get3A_1083 = tpu.vector_load %arg7[%get3A_1081, %get3A_1082] {strides = array<i32>} : memref<16x128xf32, #tpu.memory_space<vmem>>, vector<16xf32>,
    %iota3A_1084 = tpu.iota {dimensions = array<i32: 0>} : vector<16xi32>
    %add3A_1085 = arith.constant 0 : i32
    %add3A_1086 = vector.broadcast %add3A_1085 : i32 to vector<16xi32>
    %add3A_1087 = arith.addi %iota3A_1084, %add3A_1086 : vector<16xi32>
    tpu.vector_store_idx %arg8[%add3A_1087, %broadcast_in_dim3A_3], %get3A_1083 : memref<256x128xf32, #tpu.memory_space<vmem>>[vector<16xi32>, vector<16xi32>], vector<16xf32>,
    %get3A_1088 = arith.constant 12 : i32
    %get3A_1089 = arith.index_cast %get3A_1088 : i32 to index
    %get3A_1090 = arith.constant 16 : index
    %get3A_1091 = tpu.vector_load %arg7[%get3A_1089, %get3A_1090] {strides = array<i32>} : memref<16x128xf32, #tpu.memory_space<vmem>>, vector<16xf32>,
    %iota3A_1092 = tpu.iota {dimensions = array<i32: 0>} : vector<16xi32>
    %add3A_1093 = arith.constant 16 : i32
    %add3A_1094 = vector.broadcast %add3A_1093 : i32 to vector<16xi32>
    %add3A_1095 = arith.addi %iota3A_1092, %add3A_1094 : vector<16xi32>
    tpu.vector_store_idx %arg8[%add3A_1095, %broadcast_in_dim3A_3], %get3A_1091 : memref<256x128xf32, #tpu.memory_space<vmem>>[vector<16xi32>, vector<16xi32>], vector<16xf32>,
    %get3A_1096 = arith.constant 12 : i32
    %get3A_1097 = arith.index_cast %get3A_1096 : i32 to index
    %get3A_1098 = arith.constant 32 : index
    %get3A_1099 = tpu.vector_load %arg7[%get3A_1097, %get3A_1098] {strides = array<i32>} : memref<16x128xf32, #tpu.memory_space<vmem>>, vector<16xf32>,
    %iota3A_1100 = tpu.iota {dimensions = array<i32: 0>} : vector<16xi32>
    %add3A_1101 = arith.constant 32 : i32
    %add3A_1102 = vector.broadcast %add3A_1101 : i32 to vector<16xi32>
    %add3A_1103 = arith.addi %iota3A_1100, %add3A_1102 : vector<16xi32>
    tpu.vector_store_idx %arg8[%add3A_1103, %broadcast_in_dim3A_3], %get3A_1099 : memref<256x128xf32, #tpu.memory_space<vmem>>[vector<16xi32>, vector<16xi32>], vector<16xf32>,
    %get3A_1104 = arith.constant 12 : i32
    %get3A_1105 = arith.index_cast %get3A_1104 : i32 to index
    %get3A_1106 = arith.constant 48 : index
    %get3A_1107 = tpu.vector_load %arg7[%get3A_1105, %get3A_1106] {strides = array<i32>} : memref<16x128xf32, #tpu.memory_space<vmem>>, vector<16xf32>,
    %iota3A_1108 = tpu.iota {dimensions = array<i32: 0>} : vector<16xi32>
    %add3A_1109 = arith.constant 48 : i32
    %add3A_1110 = vector.broadcast %add3A_1109 : i32 to vector<16xi32>
    %add3A_1111 = arith.addi %iota3A_1108, %add3A_1110 : vector<16xi32>
    tpu.vector_store_idx %arg8[%add3A_1111, %broadcast_in_dim3A_3], %get3A_1107 : memref<256x128xf32, #tpu.memory_space<vmem>>[vector<16xi32>, vector<16xi32>], vector<16xf32>,
    %get3A_1112 = arith.constant 12 : i32
    %get3A_1113 = arith.index_cast %get3A_1112 : i32 to index
    %get3A_1114 = arith.constant 64 : index
    %get3A_1115 = tpu.vector_load %arg7[%get3A_1113, %get3A_1114] {strides = array<i32>} : memref<16x128xf32, #tpu.memory_space<vmem>>, vector<16xf32>,
    %iota3A_1116 = tpu.iota {dimensions = array<i32: 0>} : vector<16xi32>
    %add3A_1117 = arith.constant 64 : i32
    %add3A_1118 = vector.broadcast %add3A_1117 : i32 to vector<16xi32>
    %add3A_1119 = arith.addi %iota3A_1116, %add3A_1118 : vector<16xi32>
    tpu.vector_store_idx %arg8[%add3A_1119, %broadcast_in_dim3A_3], %get3A_1115 : memref<256x128xf32, #tpu.memory_space<vmem>>[vector<16xi32>, vector<16xi32>], vector<16xf32>,
    %get3A_1120 = arith.constant 12 : i32
    %get3A_1121 = arith.index_cast %get3A_1120 : i32 to index
    %get3A_1122 = arith.constant 80 : index
    %get3A_1123 = tpu.vector_load %arg7[%get3A_1121, %get3A_1122] {strides = array<i32>} : memref<16x128xf32, #tpu.memory_space<vmem>>, vector<16xf32>,
    %iota3A_1124 = tpu.iota {dimensions = array<i32: 0>} : vector<16xi32>
    %add3A_1125 = arith.constant 80 : i32
    %add3A_1126 = vector.broadcast %add3A_1125 : i32 to vector<16xi32>
    %add3A_1127 = arith.addi %iota3A_1124, %add3A_1126 : vector<16xi32>
    tpu.vector_store_idx %arg8[%add3A_1127, %broadcast_in_dim3A_3], %get3A_1123 : memref<256x128xf32, #tpu.memory_space<vmem>>[vector<16xi32>, vector<16xi32>], vector<16xf32>,
    %get3A_1128 = arith.constant 12 : i32
    %get3A_1129 = arith.index_cast %get3A_1128 : i32 to index
    %get3A_1130 = arith.constant 96 : index
    %get3A_1131 = tpu.vector_load %arg7[%get3A_1129, %get3A_1130] {strides = array<i32>} : memref<16x128xf32, #tpu.memory_space<vmem>>, vector<16xf32>,
    %iota3A_1132 = tpu.iota {dimensions = array<i32: 0>} : vector<16xi32>
    %add3A_1133 = arith.constant 96 : i32
    %add3A_1134 = vector.broadcast %add3A_1133 : i32 to vector<16xi32>
    %add3A_1135 = arith.addi %iota3A_1132, %add3A_1134 : vector<16xi32>
    tpu.vector_store_idx %arg8[%add3A_1135, %broadcast_in_dim3A_3], %get3A_1131 : memref<256x128xf32, #tpu.memory_space<vmem>>[vector<16xi32>, vector<16xi32>], vector<16xf32>,
    %get3A_1136 = arith.constant 12 : i32
    %get3A_1137 = arith.index_cast %get3A_1136 : i32 to index
    %get3A_1138 = arith.constant 112 : index
    %get3A_1139 = tpu.vector_load %arg7[%get3A_1137, %get3A_1138] {strides = array<i32>} : memref<16x128xf32, #tpu.memory_space<vmem>>, vector<16xf32>,
    %iota3A_1140 = tpu.iota {dimensions = array<i32: 0>} : vector<16xi32>
    %add3A_1141 = arith.constant 112 : i32
    %add3A_1142 = vector.broadcast %add3A_1141 : i32 to vector<16xi32>
    %add3A_1143 = arith.addi %iota3A_1140, %add3A_1142 : vector<16xi32>
    tpu.vector_store_idx %arg8[%add3A_1143, %broadcast_in_dim3A_3], %get3A_1139 : memref<256x128xf32, #tpu.memory_space<vmem>>[vector<16xi32>, vector<16xi32>], vector<16xf32>,
    %get3A_1144 = arith.constant 13 : i32
    %get3A_1145 = arith.index_cast %get3A_1144 : i32 to index
    %get3A_1146 = arith.constant 0 : index
    %get3A_1147 = tpu.vector_load %arg7[%get3A_1145, %get3A_1146] {strides = array<i32>} : memref<16x128xf32, #tpu.memory_space<vmem>>, vector<16xf32>,
    %iota3A_1148 = tpu.iota {dimensions = array<i32: 0>} : vector<16xi32>
    %add3A_1149 = arith.constant 128 : i32
    %add3A_1150 = vector.broadcast %add3A_1149 : i32 to vector<16xi32>
    %add3A_1151 = arith.addi %iota3A_1148, %add3A_1150 : vector<16xi32>
    tpu.vector_store_idx %arg8[%add3A_1151, %broadcast_in_dim3A_3], %get3A_1147 : memref<256x128xf32, #tpu.memory_space<vmem>>[vector<16xi32>, vector<16xi32>], vector<16xf32>,
    %get3A_1152 = arith.constant 13 : i32
    %get3A_1153 = arith.index_cast %get3A_1152 : i32 to index
    %get3A_1154 = arith.constant 16 : index
    %get3A_1155 = tpu.vector_load %arg7[%get3A_1153, %get3A_1154] {strides = array<i32>} : memref<16x128xf32, #tpu.memory_space<vmem>>, vector<16xf32>,
    %iota3A_1156 = tpu.iota {dimensions = array<i32: 0>} : vector<16xi32>
    %add3A_1157 = arith.constant 144 : i32
    %add3A_1158 = vector.broadcast %add3A_1157 : i32 to vector<16xi32>
    %add3A_1159 = arith.addi %iota3A_1156, %add3A_1158 : vector<16xi32>
    tpu.vector_store_idx %arg8[%add3A_1159, %broadcast_in_dim3A_3], %get3A_1155 : memref<256x128xf32, #tpu.memory_space<vmem>>[vector<16xi32>, vector<16xi32>], vector<16xf32>,
    %get3A_1160 = arith.constant 13 : i32
    %get3A_1161 = arith.index_cast %get3A_1160 : i32 to index
    %get3A_1162 = arith.constant 32 : index
    %get3A_1163 = tpu.vector_load %arg7[%get3A_1161, %get3A_1162] {strides = array<i32>} : memref<16x128xf32, #tpu.memory_space<vmem>>, vector<16xf32>,
    %iota3A_1164 = tpu.iota {dimensions = array<i32: 0>} : vector<16xi32>
    %add3A_1165 = arith.constant 160 : i32
    %add3A_1166 = vector.broadcast %add3A_1165 : i32 to vector<16xi32>
    %add3A_1167 = arith.addi %iota3A_1164, %add3A_1166 : vector<16xi32>
    tpu.vector_store_idx %arg8[%add3A_1167, %broadcast_in_dim3A_3], %get3A_1163 : memref<256x128xf32, #tpu.memory_space<vmem>>[vector<16xi32>, vector<16xi32>], vector<16xf32>,
    %get3A_1168 = arith.constant 13 : i32
    %get3A_1169 = arith.index_cast %get3A_1168 : i32 to index
    %get3A_1170 = arith.constant 48 : index
    %get3A_1171 = tpu.vector_load %arg7[%get3A_1169, %get3A_1170] {strides = array<i32>} : memref<16x128xf32, #tpu.memory_space<vmem>>, vector<16xf32>,
    %iota3A_1172 = tpu.iota {dimensions = array<i32: 0>} : vector<16xi32>
    %add3A_1173 = arith.constant 176 : i32
    %add3A_1174 = vector.broadcast %add3A_1173 : i32 to vector<16xi32>
    %add3A_1175 = arith.addi %iota3A_1172, %add3A_1174 : vector<16xi32>
    tpu.vector_store_idx %arg8[%add3A_1175, %broadcast_in_dim3A_3], %get3A_1171 : memref<256x128xf32, #tpu.memory_space<vmem>>[vector<16xi32>, vector<16xi32>], vector<16xf32>,
    %get3A_1176 = arith.constant 13 : i32
    %get3A_1177 = arith.index_cast %get3A_1176 : i32 to index
    %get3A_1178 = arith.constant 64 : index
    %get3A_1179 = tpu.vector_load %arg7[%get3A_1177, %get3A_1178] {strides = array<i32>} : memref<16x128xf32, #tpu.memory_space<vmem>>, vector<16xf32>,
    %iota3A_1180 = tpu.iota {dimensions = array<i32: 0>} : vector<16xi32>
    %add3A_1181 = arith.constant 192 : i32
    %add3A_1182 = vector.broadcast %add3A_1181 : i32 to vector<16xi32>
    %add3A_1183 = arith.addi %iota3A_1180, %add3A_1182 : vector<16xi32>
    tpu.vector_store_idx %arg8[%add3A_1183, %broadcast_in_dim3A_3], %get3A_1179 : memref<256x128xf32, #tpu.memory_space<vmem>>[vector<16xi32>, vector<16xi32>], vector<16xf32>,
    %get3A_1184 = arith.constant 13 : i32
    %get3A_1185 = arith.index_cast %get3A_1184 : i32 to index
    %get3A_1186 = arith.constant 80 : index
    %get3A_1187 = tpu.vector_load %arg7[%get3A_1185, %get3A_1186] {strides = array<i32>} : memref<16x128xf32, #tpu.memory_space<vmem>>, vector<16xf32>,
    %iota3A_1188 = tpu.iota {dimensions = array<i32: 0>} : vector<16xi32>
    %add3A_1189 = arith.constant 208 : i32
    %add3A_1190 = vector.broadcast %add3A_1189 : i32 to vector<16xi32>
    %add3A_1191 = arith.addi %iota3A_1188, %add3A_1190 : vector<16xi32>
    tpu.vector_store_idx %arg8[%add3A_1191, %broadcast_in_dim3A_3], %get3A_1187 : memref<256x128xf32, #tpu.memory_space<vmem>>[vector<16xi32>, vector<16xi32>], vector<16xf32>,
    %get3A_1192 = arith.constant 13 : i32
    %get3A_1193 = arith.index_cast %get3A_1192 : i32 to index
    %get3A_1194 = arith.constant 96 : index
    %get3A_1195 = tpu.vector_load %arg7[%get3A_1193, %get3A_1194] {strides = array<i32>} : memref<16x128xf32, #tpu.memory_space<vmem>>, vector<16xf32>,
    %iota3A_1196 = tpu.iota {dimensions = array<i32: 0>} : vector<16xi32>
    %add3A_1197 = arith.constant 224 : i32
    %add3A_1198 = vector.broadcast %add3A_1197 : i32 to vector<16xi32>
    %add3A_1199 = arith.addi %iota3A_1196, %add3A_1198 : vector<16xi32>
    tpu.vector_store_idx %arg8[%add3A_1199, %broadcast_in_dim3A_3], %get3A_1195 : memref<256x128xf32, #tpu.memory_space<vmem>>[vector<16xi32>, vector<16xi32>], vector<16xf32>,
    %get3A_1200 = arith.constant 13 : i32
    %get3A_1201 = arith.index_cast %get3A_1200 : i32 to index
    %get3A_1202 = arith.constant 112 : index
    %get3A_1203 = tpu.vector_load %arg7[%get3A_1201, %get3A_1202] {strides = array<i32>} : memref<16x128xf32, #tpu.memory_space<vmem>>, vector<16xf32>,
    %iota3A_1204 = tpu.iota {dimensions = array<i32: 0>} : vector<16xi32>
    %add3A_1205 = arith.constant 240 : i32
    %add3A_1206 = vector.broadcast %add3A_1205 : i32 to vector<16xi32>
    %add3A_1207 = arith.addi %iota3A_1204, %add3A_1206 : vector<16xi32>
    tpu.vector_store_idx %arg8[%add3A_1207, %broadcast_in_dim3A_3], %get3A_1203 : memref<256x128xf32, #tpu.memory_space<vmem>>[vector<16xi32>, vector<16xi32>], vector<16xf32>,
    %add3A_1208 = arith.constant 1536 : i32
    %add3A_1209 = arith.addi %mul3A_2, %add3A_1208 : i32
    "tpu.region"() ({
      %run_scoped3A = tpu.sem_alloc : memref<!tpu.dma_semaphore, #tpu.memory_space<semaphore_mem>>
      %dma_start3A_1360 = arith.constant 0 : i32
      %dma_start3A_1361 = tpu.memref_slice %arg5[%add3A_1209, %dma_start3A_1360] : memref<65536x128xf32, #tpu.memory_space<hbm>> -> memref<256x128xf32, #tpu.memory_space<hbm>>
      %dma_start3A_1362 = arith.constant 0 : i32
      %dma_start3A_1363 = tpu.memref_slice %arg5[%add3A_1209, %dma_start3A_1362] : memref<65536x128xf32, #tpu.memory_space<hbm>> -> memref<256x128xf32, #tpu.memory_space<hbm>>
      tpu.enqueue_dma source(%arg8 : memref<256x128xf32, #tpu.memory_space<vmem>>) target(%dma_start3A_1363 : memref<256x128xf32, #tpu.memory_space<hbm>>) target_semaphore(%run_scoped3A : memref<!tpu.dma_semaphore, #tpu.memory_space<semaphore_mem>>)
      %dma_wait3A_1364 = arith.constant 0 : i32
      %dma_wait3A_1365 = tpu.memref_slice %arg5[%add3A_1209, %dma_wait3A_1364] : memref<65536x128xf32, #tpu.memory_space<hbm>> -> memref<256x128xf32, #tpu.memory_space<hbm>>
      %dma_wait3A_1366 = arith.constant 0 : i32
      %dma_wait3A_1367 = tpu.memref_slice %arg5[%add3A_1209, %dma_wait3A_1366] : memref<65536x128xf32, #tpu.memory_space<hbm>> -> memref<256x128xf32, #tpu.memory_space<hbm>>
      tpu.wait_dma2 semaphore(%run_scoped3A : memref<!tpu.dma_semaphore, #tpu.memory_space<semaphore_mem>>) src(%arg8 : memref<256x128xf32, #tpu.memory_space<vmem>>) dst(%dma_wait3A_1367 : memref<256x128xf32, #tpu.memory_space<hbm>>)
      tpu.yield
    }) : () -> ()
    %dma_wait3A_1210 = arith.constant 14 : i32
    %dma_wait3A_1211 = arith.constant 0 : i32
    %dma_wait3A_1212 = arith.constant 0 : i32
    %dma_wait3A_1213 = tpu.memref_slice %arg9[%dma_wait3A_1211, %dma_wait3A_1212] : memref<256x128xf32, #tpu.memory_space<vmem>> -> memref<128x128xf32, #tpu.memory_space<vmem>>
    %dma_wait3A_1214 = arith.constant 0 : i32
    %dma_wait3A_1215 = tpu.memref_slice %arg6[%dma_wait3A_1210, %dma_wait3A_1214] : memref<16x128xi32, #tpu.memory_space<vmem>> -> memref<1x128xi32, #tpu.memory_space<vmem>>
    %dma_wait3A_1216 = tpu.memref_squeeze %dma_wait3A_1215 : memref<1x128xi32, #tpu.memory_space<vmem>> -> memref<128xi32, #tpu.memory_space<vmem>>
    %dma_wait3A_1217 = arith.constant 0 : i32
    %dma_wait3A_1218 = arith.constant 0 : i32
    %dma_wait3A_1219 = tpu.memref_slice %arg2[%dma_wait3A_1217, %dma_wait3A_1218] : memref<32768x128xf32, #tpu.memory_space<hbm>> -> memref<32768x128xf32, #tpu.memory_space<hbm>>
    tpu.wait_indirect_dma semaphore(%arg11 : memref<!tpu.dma_semaphore, #tpu.memory_space<semaphore_mem>>) src(%dma_wait3A_1219 : memref<32768x128xf32, #tpu.memory_space<hbm>>) dst(%dma_wait3A_1213 : memref<128x128xf32, #tpu.memory_space<vmem>>)
    %dma_wait3A_1220 = arith.constant 15 : i32
    %dma_wait3A_1221 = arith.constant 128 : i32
    %dma_wait3A_1222 = arith.constant 0 : i32
    %dma_wait3A_1223 = tpu.memref_slice %arg9[%dma_wait3A_1221, %dma_wait3A_1222] : memref<256x128xf32, #tpu.memory_space<vmem>> -> memref<128x128xf32, #tpu.memory_space<vmem>>
    %dma_wait3A_1224 = arith.constant 0 : i32
    %dma_wait3A_1225 = tpu.memref_slice %arg6[%dma_wait3A_1220, %dma_wait3A_1224] : memref<16x128xi32, #tpu.memory_space<vmem>> -> memref<1x128xi32, #tpu.memory_space<vmem>>
    %dma_wait3A_1226 = tpu.memref_squeeze %dma_wait3A_1225 : memref<1x128xi32, #tpu.memory_space<vmem>> -> memref<128xi32, #tpu.memory_space<vmem>>
    %dma_wait3A_1227 = arith.constant 0 : i32
    %dma_wait3A_1228 = arith.constant 0 : i32
    %dma_wait3A_1229 = tpu.memref_slice %arg2[%dma_wait3A_1227, %dma_wait3A_1228] : memref<32768x128xf32, #tpu.memory_space<hbm>> -> memref<32768x128xf32, #tpu.memory_space<hbm>>
    tpu.wait_indirect_dma semaphore(%arg11 : memref<!tpu.dma_semaphore, #tpu.memory_space<semaphore_mem>>) src(%dma_wait3A_1229 : memref<32768x128xf32, #tpu.memory_space<hbm>>) dst(%dma_wait3A_1223 : memref<128x128xf32, #tpu.memory_space<vmem>>)
    %get3A_1230 = arith.constant 14 : i32
    %get3A_1231 = arith.index_cast %get3A_1230 : i32 to index
    %get3A_1232 = arith.constant 0 : index
    %get3A_1233 = tpu.vector_load %arg7[%get3A_1231, %get3A_1232] {strides = array<i32>} : memref<16x128xf32, #tpu.memory_space<vmem>>, vector<16xf32>,
    %iota3A_1234 = tpu.iota {dimensions = array<i32: 0>} : vector<16xi32>
    %add3A_1235 = arith.constant 0 : i32
    %add3A_1236 = vector.broadcast %add3A_1235 : i32 to vector<16xi32>
    %add3A_1237 = arith.addi %iota3A_1234, %add3A_1236 : vector<16xi32>
    tpu.vector_store_idx %arg9[%add3A_1237, %broadcast_in_dim3A_3], %get3A_1233 : memref<256x128xf32, #tpu.memory_space<vmem>>[vector<16xi32>, vector<16xi32>], vector<16xf32>,
    %get3A_1238 = arith.constant 14 : i32
    %get3A_1239 = arith.index_cast %get3A_1238 : i32 to index
    %get3A_1240 = arith.constant 16 : index
    %get3A_1241 = tpu.vector_load %arg7[%get3A_1239, %get3A_1240] {strides = array<i32>} : memref<16x128xf32, #tpu.memory_space<vmem>>, vector<16xf32>,
    %iota3A_1242 = tpu.iota {dimensions = array<i32: 0>} : vector<16xi32>
    %add3A_1243 = arith.constant 16 : i32
    %add3A_1244 = vector.broadcast %add3A_1243 : i32 to vector<16xi32>
    %add3A_1245 = arith.addi %iota3A_1242, %add3A_1244 : vector<16xi32>
    tpu.vector_store_idx %arg9[%add3A_1245, %broadcast_in_dim3A_3], %get3A_1241 : memref<256x128xf32, #tpu.memory_space<vmem>>[vector<16xi32>, vector<16xi32>], vector<16xf32>,
    %get3A_1246 = arith.constant 14 : i32
    %get3A_1247 = arith.index_cast %get3A_1246 : i32 to index
    %get3A_1248 = arith.constant 32 : index
    %get3A_1249 = tpu.vector_load %arg7[%get3A_1247, %get3A_1248] {strides = array<i32>} : memref<16x128xf32, #tpu.memory_space<vmem>>, vector<16xf32>,
    %iota3A_1250 = tpu.iota {dimensions = array<i32: 0>} : vector<16xi32>
    %add3A_1251 = arith.constant 32 : i32
    %add3A_1252 = vector.broadcast %add3A_1251 : i32 to vector<16xi32>
    %add3A_1253 = arith.addi %iota3A_1250, %add3A_1252 : vector<16xi32>
    tpu.vector_store_idx %arg9[%add3A_1253, %broadcast_in_dim3A_3], %get3A_1249 : memref<256x128xf32, #tpu.memory_space<vmem>>[vector<16xi32>, vector<16xi32>], vector<16xf32>,
    %get3A_1254 = arith.constant 14 : i32
    %get3A_1255 = arith.index_cast %get3A_1254 : i32 to index
    %get3A_1256 = arith.constant 48 : index
    %get3A_1257 = tpu.vector_load %arg7[%get3A_1255, %get3A_1256] {strides = array<i32>} : memref<16x128xf32, #tpu.memory_space<vmem>>, vector<16xf32>,
    %iota3A_1258 = tpu.iota {dimensions = array<i32: 0>} : vector<16xi32>
    %add3A_1259 = arith.constant 48 : i32
    %add3A_1260 = vector.broadcast %add3A_1259 : i32 to vector<16xi32>
    %add3A_1261 = arith.addi %iota3A_1258, %add3A_1260 : vector<16xi32>
    tpu.vector_store_idx %arg9[%add3A_1261, %broadcast_in_dim3A_3], %get3A_1257 : memref<256x128xf32, #tpu.memory_space<vmem>>[vector<16xi32>, vector<16xi32>], vector<16xf32>,
    %get3A_1262 = arith.constant 14 : i32
    %get3A_1263 = arith.index_cast %get3A_1262 : i32 to index
    %get3A_1264 = arith.constant 64 : index
    %get3A_1265 = tpu.vector_load %arg7[%get3A_1263, %get3A_1264] {strides = array<i32>} : memref<16x128xf32, #tpu.memory_space<vmem>>, vector<16xf32>,
    %iota3A_1266 = tpu.iota {dimensions = array<i32: 0>} : vector<16xi32>
    %add3A_1267 = arith.constant 64 : i32
    %add3A_1268 = vector.broadcast %add3A_1267 : i32 to vector<16xi32>
    %add3A_1269 = arith.addi %iota3A_1266, %add3A_1268 : vector<16xi32>
    tpu.vector_store_idx %arg9[%add3A_1269, %broadcast_in_dim3A_3], %get3A_1265 : memref<256x128xf32, #tpu.memory_space<vmem>>[vector<16xi32>, vector<16xi32>], vector<16xf32>,
    %get3A_1270 = arith.constant 14 : i32
    %get3A_1271 = arith.index_cast %get3A_1270 : i32 to index
    %get3A_1272 = arith.constant 80 : index
    %get3A_1273 = tpu.vector_load %arg7[%get3A_1271, %get3A_1272] {strides = array<i32>} : memref<16x128xf32, #tpu.memory_space<vmem>>, vector<16xf32>,
    %iota3A_1274 = tpu.iota {dimensions = array<i32: 0>} : vector<16xi32>
    %add3A_1275 = arith.constant 80 : i32
    %add3A_1276 = vector.broadcast %add3A_1275 : i32 to vector<16xi32>
    %add3A_1277 = arith.addi %iota3A_1274, %add3A_1276 : vector<16xi32>
    tpu.vector_store_idx %arg9[%add3A_1277, %broadcast_in_dim3A_3], %get3A_1273 : memref<256x128xf32, #tpu.memory_space<vmem>>[vector<16xi32>, vector<16xi32>], vector<16xf32>,
    %get3A_1278 = arith.constant 14 : i32
    %get3A_1279 = arith.index_cast %get3A_1278 : i32 to index
    %get3A_1280 = arith.constant 96 : index
    %get3A_1281 = tpu.vector_load %arg7[%get3A_1279, %get3A_1280] {strides = array<i32>} : memref<16x128xf32, #tpu.memory_space<vmem>>, vector<16xf32>,
    %iota3A_1282 = tpu.iota {dimensions = array<i32: 0>} : vector<16xi32>
    %add3A_1283 = arith.constant 96 : i32
    %add3A_1284 = vector.broadcast %add3A_1283 : i32 to vector<16xi32>
    %add3A_1285 = arith.addi %iota3A_1282, %add3A_1284 : vector<16xi32>
    tpu.vector_store_idx %arg9[%add3A_1285, %broadcast_in_dim3A_3], %get3A_1281 : memref<256x128xf32, #tpu.memory_space<vmem>>[vector<16xi32>, vector<16xi32>], vector<16xf32>,
    %get3A_1286 = arith.constant 14 : i32
    %get3A_1287 = arith.index_cast %get3A_1286 : i32 to index
    %get3A_1288 = arith.constant 112 : index
    %get3A_1289 = tpu.vector_load %arg7[%get3A_1287, %get3A_1288] {strides = array<i32>} : memref<16x128xf32, #tpu.memory_space<vmem>>, vector<16xf32>,
    %iota3A_1290 = tpu.iota {dimensions = array<i32: 0>} : vector<16xi32>
    %add3A_1291 = arith.constant 112 : i32
    %add3A_1292 = vector.broadcast %add3A_1291 : i32 to vector<16xi32>
    %add3A_1293 = arith.addi %iota3A_1290, %add3A_1292 : vector<16xi32>
    tpu.vector_store_idx %arg9[%add3A_1293, %broadcast_in_dim3A_3], %get3A_1289 : memref<256x128xf32, #tpu.memory_space<vmem>>[vector<16xi32>, vector<16xi32>], vector<16xf32>,
    %get3A_1294 = arith.constant 15 : i32
    %get3A_1295 = arith.index_cast %get3A_1294 : i32 to index
    %get3A_1296 = arith.constant 0 : index
    %get3A_1297 = tpu.vector_load %arg7[%get3A_1295, %get3A_1296] {strides = array<i32>} : memref<16x128xf32, #tpu.memory_space<vmem>>, vector<16xf32>,
    %iota3A_1298 = tpu.iota {dimensions = array<i32: 0>} : vector<16xi32>
    %add3A_1299 = arith.constant 128 : i32
    %add3A_1300 = vector.broadcast %add3A_1299 : i32 to vector<16xi32>
    %add3A_1301 = arith.addi %iota3A_1298, %add3A_1300 : vector<16xi32>
    tpu.vector_store_idx %arg9[%add3A_1301, %broadcast_in_dim3A_3], %get3A_1297 : memref<256x128xf32, #tpu.memory_space<vmem>>[vector<16xi32>, vector<16xi32>], vector<16xf32>,
    %get3A_1302 = arith.constant 15 : i32
    %get3A_1303 = arith.index_cast %get3A_1302 : i32 to index
    %get3A_1304 = arith.constant 16 : index
    %get3A_1305 = tpu.vector_load %arg7[%get3A_1303, %get3A_1304] {strides = array<i32>} : memref<16x128xf32, #tpu.memory_space<vmem>>, vector<16xf32>,
    %iota3A_1306 = tpu.iota {dimensions = array<i32: 0>} : vector<16xi32>
    %add3A_1307 = arith.constant 144 : i32
    %add3A_1308 = vector.broadcast %add3A_1307 : i32 to vector<16xi32>
    %add3A_1309 = arith.addi %iota3A_1306, %add3A_1308 : vector<16xi32>
    tpu.vector_store_idx %arg9[%add3A_1309, %broadcast_in_dim3A_3], %get3A_1305 : memref<256x128xf32, #tpu.memory_space<vmem>>[vector<16xi32>, vector<16xi32>], vector<16xf32>,
    %get3A_1310 = arith.constant 15 : i32
    %get3A_1311 = arith.index_cast %get3A_1310 : i32 to index
    %get3A_1312 = arith.constant 32 : index
    %get3A_1313 = tpu.vector_load %arg7[%get3A_1311, %get3A_1312] {strides = array<i32>} : memref<16x128xf32, #tpu.memory_space<vmem>>, vector<16xf32>,
    %iota3A_1314 = tpu.iota {dimensions = array<i32: 0>} : vector<16xi32>
    %add3A_1315 = arith.constant 160 : i32
    %add3A_1316 = vector.broadcast %add3A_1315 : i32 to vector<16xi32>
    %add3A_1317 = arith.addi %iota3A_1314, %add3A_1316 : vector<16xi32>
    tpu.vector_store_idx %arg9[%add3A_1317, %broadcast_in_dim3A_3], %get3A_1313 : memref<256x128xf32, #tpu.memory_space<vmem>>[vector<16xi32>, vector<16xi32>], vector<16xf32>,
    %get3A_1318 = arith.constant 15 : i32
    %get3A_1319 = arith.index_cast %get3A_1318 : i32 to index
    %get3A_1320 = arith.constant 48 : index
    %get3A_1321 = tpu.vector_load %arg7[%get3A_1319, %get3A_1320] {strides = array<i32>} : memref<16x128xf32, #tpu.memory_space<vmem>>, vector<16xf32>,
    %iota3A_1322 = tpu.iota {dimensions = array<i32: 0>} : vector<16xi32>
    %add3A_1323 = arith.constant 176 : i32
    %add3A_1324 = vector.broadcast %add3A_1323 : i32 to vector<16xi32>
    %add3A_1325 = arith.addi %iota3A_1322, %add3A_1324 : vector<16xi32>
    tpu.vector_store_idx %arg9[%add3A_1325, %broadcast_in_dim3A_3], %get3A_1321 : memref<256x128xf32, #tpu.memory_space<vmem>>[vector<16xi32>, vector<16xi32>], vector<16xf32>,
    %get3A_1326 = arith.constant 15 : i32
    %get3A_1327 = arith.index_cast %get3A_1326 : i32 to index
    %get3A_1328 = arith.constant 64 : index
    %get3A_1329 = tpu.vector_load %arg7[%get3A_1327, %get3A_1328] {strides = array<i32>} : memref<16x128xf32, #tpu.memory_space<vmem>>, vector<16xf32>,
    %iota3A_1330 = tpu.iota {dimensions = array<i32: 0>} : vector<16xi32>
    %add3A_1331 = arith.constant 192 : i32
    %add3A_1332 = vector.broadcast %add3A_1331 : i32 to vector<16xi32>
    %add3A_1333 = arith.addi %iota3A_1330, %add3A_1332 : vector<16xi32>
    tpu.vector_store_idx %arg9[%add3A_1333, %broadcast_in_dim3A_3], %get3A_1329 : memref<256x128xf32, #tpu.memory_space<vmem>>[vector<16xi32>, vector<16xi32>], vector<16xf32>,
    %get3A_1334 = arith.constant 15 : i32
    %get3A_1335 = arith.index_cast %get3A_1334 : i32 to index
    %get3A_1336 = arith.constant 80 : index
    %get3A_1337 = tpu.vector_load %arg7[%get3A_1335, %get3A_1336] {strides = array<i32>} : memref<16x128xf32, #tpu.memory_space<vmem>>, vector<16xf32>,
    %iota3A_1338 = tpu.iota {dimensions = array<i32: 0>} : vector<16xi32>
    %add3A_1339 = arith.constant 208 : i32
    %add3A_1340 = vector.broadcast %add3A_1339 : i32 to vector<16xi32>
    %add3A_1341 = arith.addi %iota3A_1338, %add3A_1340 : vector<16xi32>
    tpu.vector_store_idx %arg9[%add3A_1341, %broadcast_in_dim3A_3], %get3A_1337 : memref<256x128xf32, #tpu.memory_space<vmem>>[vector<16xi32>, vector<16xi32>], vector<16xf32>,
    %get3A_1342 = arith.constant 15 : i32
    %get3A_1343 = arith.index_cast %get3A_1342 : i32 to index
    %get3A_1344 = arith.constant 96 : index
    %get3A_1345 = tpu.vector_load %arg7[%get3A_1343, %get3A_1344] {strides = array<i32>} : memref<16x128xf32, #tpu.memory_space<vmem>>, vector<16xf32>,
    %iota3A_1346 = tpu.iota {dimensions = array<i32: 0>} : vector<16xi32>
    %add3A_1347 = arith.constant 224 : i32
    %add3A_1348 = vector.broadcast %add3A_1347 : i32 to vector<16xi32>
    %add3A_1349 = arith.addi %iota3A_1346, %add3A_1348 : vector<16xi32>
    tpu.vector_store_idx %arg9[%add3A_1349, %broadcast_in_dim3A_3], %get3A_1345 : memref<256x128xf32, #tpu.memory_space<vmem>>[vector<16xi32>, vector<16xi32>], vector<16xf32>,
    %get3A_1350 = arith.constant 15 : i32
    %get3A_1351 = arith.index_cast %get3A_1350 : i32 to index
    %get3A_1352 = arith.constant 112 : index
    %get3A_1353 = tpu.vector_load %arg7[%get3A_1351, %get3A_1352] {strides = array<i32>} : memref<16x128xf32, #tpu.memory_space<vmem>>, vector<16xf32>,
    %iota3A_1354 = tpu.iota {dimensions = array<i32: 0>} : vector<16xi32>
    %add3A_1355 = arith.constant 240 : i32
    %add3A_1356 = vector.broadcast %add3A_1355 : i32 to vector<16xi32>
    %add3A_1357 = arith.addi %iota3A_1354, %add3A_1356 : vector<16xi32>
    tpu.vector_store_idx %arg9[%add3A_1357, %broadcast_in_dim3A_3], %get3A_1353 : memref<256x128xf32, #tpu.memory_space<vmem>>[vector<16xi32>, vector<16xi32>], vector<16xf32>,
    %add3A_1358 = arith.constant 1792 : i32
    %add3A_1359 = arith.addi %mul3A_2, %add3A_1358 : i32
    "tpu.region"() ({
      %run_scoped3A = tpu.sem_alloc : memref<!tpu.dma_semaphore, #tpu.memory_space<semaphore_mem>>
      %dma_start3A_1360 = arith.constant 0 : i32
      %dma_start3A_1361 = tpu.memref_slice %arg5[%add3A_1359, %dma_start3A_1360] : memref<65536x128xf32, #tpu.memory_space<hbm>> -> memref<256x128xf32, #tpu.memory_space<hbm>>
      %dma_start3A_1362 = arith.constant 0 : i32
      %dma_start3A_1363 = tpu.memref_slice %arg5[%add3A_1359, %dma_start3A_1362] : memref<65536x128xf32, #tpu.memory_space<hbm>> -> memref<256x128xf32, #tpu.memory_space<hbm>>
      tpu.enqueue_dma source(%arg9 : memref<256x128xf32, #tpu.memory_space<vmem>>) target(%dma_start3A_1363 : memref<256x128xf32, #tpu.memory_space<hbm>>) target_semaphore(%run_scoped3A : memref<!tpu.dma_semaphore, #tpu.memory_space<semaphore_mem>>)
      %dma_wait3A_1364 = arith.constant 0 : i32
      %dma_wait3A_1365 = tpu.memref_slice %arg5[%add3A_1359, %dma_wait3A_1364] : memref<65536x128xf32, #tpu.memory_space<hbm>> -> memref<256x128xf32, #tpu.memory_space<hbm>>
      %dma_wait3A_1366 = arith.constant 0 : i32
      %dma_wait3A_1367 = tpu.memref_slice %arg5[%add3A_1359, %dma_wait3A_1366] : memref<65536x128xf32, #tpu.memory_space<hbm>> -> memref<256x128xf32, #tpu.memory_space<hbm>>
      tpu.wait_dma2 semaphore(%run_scoped3A : memref<!tpu.dma_semaphore, #tpu.memory_space<semaphore_mem>>) src(%arg9 : memref<256x128xf32, #tpu.memory_space<vmem>>) dst(%dma_wait3A_1367 : memref<256x128xf32, #tpu.memory_space<hbm>>)
      tpu.yield
    }) : () -> ()
    return
  }
}

#map = affine_map<(d0, d1) -> (0, 0)>
#map1 = affine_map<(d0, d1) -> (0, 0, 0)>
module attributes {stable_mosaic.version = 14 : i64} {
  func.func @_sc_gather_body(%arg0: i32, %arg1: i32, %arg2: memref<32768x128xf32, #tpu.memory_space<hbm>>, %arg3: memref<32x16x128xi32, #tpu.memory_space<hbm>>, %arg4: memref<32x16x128xf32, #tpu.memory_space<hbm>>, %arg5: memref<65536x128xf32, #tpu.memory_space<hbm>>, %arg6: memref<16x128xi32, #tpu.memory_space<vmem>>, %arg7: memref<16x128xf32, #tpu.memory_space<vmem>>, %arg8: memref<256x128xf32, #tpu.memory_space<vmem>>, %arg9: memref<256x128xf32, #tpu.memory_space<vmem>>, %arg10: memref<!tpu.dma_semaphore, #tpu.memory_space<semaphore_mem>>, %arg11: memref<!tpu.dma_semaphore, #tpu.memory_space<semaphore_mem>>) attributes {dimension_semantics = [#tpu.dimension_semantics<core_parallel>, #tpu.dimension_semantics<subcore_parallel>], iteration_bounds = array<i64: 2, 16>, scalar_prefetch = 0 : i64, scratch_operands = 6 : i64, tpu.core_type = #tpu.core_type<sc_vector_subcore>, window_params = [{transform_indices = #map}, {transform_indices = #map1}, {transform_indices = #map1}, {transform_indices = #map}]} {
    %mul3A = arith.constant 2 : i32
    %mul3A_0 = arith.muli %arg1, %mul3A : i32
    %add3A = arith.addi %mul3A_0, %arg0 : i32
    %mul3A_1 = arith.constant 2048 : i32
    %mul3A_2 = arith.muli %add3A, %mul3A_1 : i32
    "tpu.region"() ({
      %run_scoped3A = tpu.sem_alloc : memref<!tpu.dma_semaphore, #tpu.memory_space<semaphore_mem>>
      %dma_start3A_1360 = arith.constant 0 : i32
      %dma_start3A_1361 = arith.constant 0 : i32
      %dma_start3A_1362 = tpu.memref_slice %arg3[%add3A, %dma_start3A_1360, %dma_start3A_1361] : memref<32x16x128xi32, #tpu.memory_space<hbm>> -> memref<1x16x128xi32, #tpu.memory_space<hbm>>
      %dma_start3A_1363 = tpu.memref_squeeze %dma_start3A_1362 : memref<1x16x128xi32, #tpu.memory_space<hbm>> -> memref<16x128xi32, #tpu.memory_space<hbm>>
      %dma_start3A_1364 = arith.constant 0 : i32
      %dma_start3A_1365 = arith.constant 0 : i32
      %dma_start3A_1366 = tpu.memref_slice %arg3[%add3A, %dma_start3A_1364, %dma_start3A_1365] : memref<32x16x128xi32, #tpu.memory_space<hbm>> -> memref<1x16x128xi32, #tpu.memory_space<hbm>>
      %dma_start3A_1367 = tpu.memref_squeeze %dma_start3A_1366 : memref<1x16x128xi32, #tpu.memory_space<hbm>> -> memref<16x128xi32, #tpu.memory_space<hbm>>
      tpu.enqueue_dma source(%dma_start3A_1367 : memref<16x128xi32, #tpu.memory_space<hbm>>) target(%arg6 : memref<16x128xi32, #tpu.memory_space<vmem>>) target_semaphore(%run_scoped3A : memref<!tpu.dma_semaphore, #tpu.memory_space<semaphore_mem>>)
      %dma_wait3A_1368 = arith.constant 0 : i32
      %dma_wait3A_1369 = arith.constant 0 : i32
      %dma_wait3A_1370 = tpu.memref_slice %arg3[%add3A, %dma_wait3A_1368, %dma_wait3A_1369] : memref<32x16x128xi32, #tpu.memory_space<hbm>> -> memref<1x16x128xi32, #tpu.memory_space<hbm>>
      %dma_wait3A_1371 = tpu.memref_squeeze %dma_wait3A_1370 : memref<1x16x128xi32, #tpu.memory_space<hbm>> -> memref<16x128xi32, #tpu.memory_space<hbm>>
      %dma_wait3A_1372 = arith.constant 0 : i32
      %dma_wait3A_1373 = arith.constant 0 : i32
      %dma_wait3A_1374 = tpu.memref_slice %arg3[%add3A, %dma_wait3A_1372, %dma_wait3A_1373] : memref<32x16x128xi32, #tpu.memory_space<hbm>> -> memref<1x16x128xi32, #tpu.memory_space<hbm>>
      %dma_wait3A_1375 = tpu.memref_squeeze %dma_wait3A_1374 : memref<1x16x128xi32, #tpu.memory_space<hbm>> -> memref<16x128xi32, #tpu.memory_space<hbm>>
      tpu.wait_dma2 semaphore(%run_scoped3A : memref<!tpu.dma_semaphore, #tpu.memory_space<semaphore_mem>>) src(%dma_wait3A_1375 : memref<16x128xi32, #tpu.memory_space<hbm>>) dst(%arg6 : memref<16x128xi32, #tpu.memory_space<vmem>>)
      tpu.yield
    }) : () -> ()
    "tpu.region"() ({
      %run_scoped3A = tpu.sem_alloc : memref<!tpu.dma_semaphore, #tpu.memory_space<semaphore_mem>>
      %dma_start3A_1360 = arith.constant 0 : i32
      %dma_start3A_1361 = arith.constant 0 : i32
      %dma_start3A_1362 = tpu.memref_slice %arg4[%add3A, %dma_start3A_1360, %dma_start3A_1361] : memref<32x16x128xf32, #tpu.memory_space<hbm>> -> memref<1x16x128xf32, #tpu.memory_space<hbm>>
      %dma_start3A_1363 = tpu.memref_squeeze %dma_start3A_1362 : memref<1x16x128xf32, #tpu.memory_space<hbm>> -> memref<16x128xf32, #tpu.memory_space<hbm>>
      %dma_start3A_1364 = arith.constant 0 : i32
      %dma_start3A_1365 = arith.constant 0 : i32
      %dma_start3A_1366 = tpu.memref_slice %arg4[%add3A, %dma_start3A_1364, %dma_start3A_1365] : memref<32x16x128xf32, #tpu.memory_space<hbm>> -> memref<1x16x128xf32, #tpu.memory_space<hbm>>
      %dma_start3A_1367 = tpu.memref_squeeze %dma_start3A_1366 : memref<1x16x128xf32, #tpu.memory_space<hbm>> -> memref<16x128xf32, #tpu.memory_space<hbm>>
      tpu.enqueue_dma source(%dma_start3A_1367 : memref<16x128xf32, #tpu.memory_space<hbm>>) target(%arg7 : memref<16x128xf32, #tpu.memory_space<vmem>>) target_semaphore(%run_scoped3A : memref<!tpu.dma_semaphore, #tpu.memory_space<semaphore_mem>>)
      %dma_wait3A_1368 = arith.constant 0 : i32
      %dma_wait3A_1369 = arith.constant 0 : i32
      %dma_wait3A_1370 = tpu.memref_slice %arg4[%add3A, %dma_wait3A_1368, %dma_wait3A_1369] : memref<32x16x128xf32, #tpu.memory_space<hbm>> -> memref<1x16x128xf32, #tpu.memory_space<hbm>>
      %dma_wait3A_1371 = tpu.memref_squeeze %dma_wait3A_1370 : memref<1x16x128xf32, #tpu.memory_space<hbm>> -> memref<16x128xf32, #tpu.memory_space<hbm>>
      %dma_wait3A_1372 = arith.constant 0 : i32
      %dma_wait3A_1373 = arith.constant 0 : i32
      %dma_wait3A_1374 = tpu.memref_slice %arg4[%add3A, %dma_wait3A_1372, %dma_wait3A_1373] : memref<32x16x128xf32, #tpu.memory_space<hbm>> -> memref<1x16x128xf32, #tpu.memory_space<hbm>>
      %dma_wait3A_1375 = tpu.memref_squeeze %dma_wait3A_1374 : memref<1x16x128xf32, #tpu.memory_space<hbm>> -> memref<16x128xf32, #tpu.memory_space<hbm>>
      tpu.wait_dma2 semaphore(%run_scoped3A : memref<!tpu.dma_semaphore, #tpu.memory_space<semaphore_mem>>) src(%dma_wait3A_1375 : memref<16x128xf32, #tpu.memory_space<hbm>>) dst(%arg7 : memref<16x128xf32, #tpu.memory_space<vmem>>)
      tpu.yield
    }) : () -> ()
    %broadcast_in_dim3A = arith.constant 64 : i32
    %broadcast_in_dim3A_3 = vector.broadcast %broadcast_in_dim3A : i32 to vector<16xi32>
    %dma_start3A = arith.constant 0 : i32
    %dma_start3A_4 = arith.constant 0 : i32
    %dma_start3A_5 = arith.constant 0 : i32
    %dma_start3A_6 = tpu.memref_slice %arg8[%dma_start3A_4, %dma_start3A_5] : memref<256x128xf32, #tpu.memory_space<vmem>> -> memref<128x128xf32, #tpu.memory_space<vmem>>
    %dma_start3A_7 = arith.constant 0 : i32
    %dma_start3A_8 = tpu.memref_slice %arg6[%dma_start3A, %dma_start3A_7] : memref<16x128xi32, #tpu.memory_space<vmem>> -> memref<1x128xi32, #tpu.memory_space<vmem>>
    %dma_start3A_9 = tpu.memref_squeeze %dma_start3A_8 : memref<1x128xi32, #tpu.memory_space<vmem>> -> memref<128xi32, #tpu.memory_space<vmem>>
    %dma_start3A_10 = arith.constant 0 : i32
    %dma_start3A_11 = arith.constant 0 : i32
    %dma_start3A_12 = tpu.memref_slice %arg2[%dma_start3A_10, %dma_start3A_11] : memref<32768x128xf32, #tpu.memory_space<hbm>> -> memref<32768x128xf32, #tpu.memory_space<hbm>>
    tpu.enqueue_indirect_dma source(%dma_start3A_12 : memref<32768x128xf32, #tpu.memory_space<hbm>>) target(%dma_start3A_6 : memref<128x128xf32, #tpu.memory_space<vmem>>) offsets(%dma_start3A_9 : memref<128xi32, #tpu.memory_space<vmem>>) semaphore(%arg10 : memref<!tpu.dma_semaphore, #tpu.memory_space<semaphore_mem>>)
    %dma_start3A_13 = arith.constant 1 : i32
    %dma_start3A_14 = arith.constant 128 : i32
    %dma_start3A_15 = arith.constant 0 : i32
    %dma_start3A_16 = tpu.memref_slice %arg8[%dma_start3A_14, %dma_start3A_15] : memref<256x128xf32, #tpu.memory_space<vmem>> -> memref<128x128xf32, #tpu.memory_space<vmem>>
    %dma_start3A_17 = arith.constant 0 : i32
    %dma_start3A_18 = tpu.memref_slice %arg6[%dma_start3A_13, %dma_start3A_17] : memref<16x128xi32, #tpu.memory_space<vmem>> -> memref<1x128xi32, #tpu.memory_space<vmem>>
    %dma_start3A_19 = tpu.memref_squeeze %dma_start3A_18 : memref<1x128xi32, #tpu.memory_space<vmem>> -> memref<128xi32, #tpu.memory_space<vmem>>
    %dma_start3A_20 = arith.constant 0 : i32
    %dma_start3A_21 = arith.constant 0 : i32
    %dma_start3A_22 = tpu.memref_slice %arg2[%dma_start3A_20, %dma_start3A_21] : memref<32768x128xf32, #tpu.memory_space<hbm>> -> memref<32768x128xf32, #tpu.memory_space<hbm>>
    tpu.enqueue_indirect_dma source(%dma_start3A_22 : memref<32768x128xf32, #tpu.memory_space<hbm>>) target(%dma_start3A_16 : memref<128x128xf32, #tpu.memory_space<vmem>>) offsets(%dma_start3A_19 : memref<128xi32, #tpu.memory_space<vmem>>) semaphore(%arg10 : memref<!tpu.dma_semaphore, #tpu.memory_space<semaphore_mem>>)
    %dma_start3A_23 = arith.constant 2 : i32
    %dma_start3A_24 = arith.constant 0 : i32
    %dma_start3A_25 = arith.constant 0 : i32
    %dma_start3A_26 = tpu.memref_slice %arg9[%dma_start3A_24, %dma_start3A_25] : memref<256x128xf32, #tpu.memory_space<vmem>> -> memref<128x128xf32, #tpu.memory_space<vmem>>
    %dma_start3A_27 = arith.constant 0 : i32
    %dma_start3A_28 = tpu.memref_slice %arg6[%dma_start3A_23, %dma_start3A_27] : memref<16x128xi32, #tpu.memory_space<vmem>> -> memref<1x128xi32, #tpu.memory_space<vmem>>
    %dma_start3A_29 = tpu.memref_squeeze %dma_start3A_28 : memref<1x128xi32, #tpu.memory_space<vmem>> -> memref<128xi32, #tpu.memory_space<vmem>>
    %dma_start3A_30 = arith.constant 0 : i32
    %dma_start3A_31 = arith.constant 0 : i32
    %dma_start3A_32 = tpu.memref_slice %arg2[%dma_start3A_30, %dma_start3A_31] : memref<32768x128xf32, #tpu.memory_space<hbm>> -> memref<32768x128xf32, #tpu.memory_space<hbm>>
    tpu.enqueue_indirect_dma source(%dma_start3A_32 : memref<32768x128xf32, #tpu.memory_space<hbm>>) target(%dma_start3A_26 : memref<128x128xf32, #tpu.memory_space<vmem>>) offsets(%dma_start3A_29 : memref<128xi32, #tpu.memory_space<vmem>>) semaphore(%arg11 : memref<!tpu.dma_semaphore, #tpu.memory_space<semaphore_mem>>)
    %dma_start3A_33 = arith.constant 3 : i32
    %dma_start3A_34 = arith.constant 128 : i32
    %dma_start3A_35 = arith.constant 0 : i32
    %dma_start3A_36 = tpu.memref_slice %arg9[%dma_start3A_34, %dma_start3A_35] : memref<256x128xf32, #tpu.memory_space<vmem>> -> memref<128x128xf32, #tpu.memory_space<vmem>>
    %dma_start3A_37 = arith.constant 0 : i32
    %dma_start3A_38 = tpu.memref_slice %arg6[%dma_start3A_33, %dma_start3A_37] : memref<16x128xi32, #tpu.memory_space<vmem>> -> memref<1x128xi32, #tpu.memory_space<vmem>>
    %dma_start3A_39 = tpu.memref_squeeze %dma_start3A_38 : memref<1x128xi32, #tpu.memory_space<vmem>> -> memref<128xi32, #tpu.memory_space<vmem>>
    %dma_start3A_40 = arith.constant 0 : i32
    %dma_start3A_41 = arith.constant 0 : i32
    %dma_start3A_42 = tpu.memref_slice %arg2[%dma_start3A_40, %dma_start3A_41] : memref<32768x128xf32, #tpu.memory_space<hbm>> -> memref<32768x128xf32, #tpu.memory_space<hbm>>
    tpu.enqueue_indirect_dma source(%dma_start3A_42 : memref<32768x128xf32, #tpu.memory_space<hbm>>) target(%dma_start3A_36 : memref<128x128xf32, #tpu.memory_space<vmem>>) offsets(%dma_start3A_39 : memref<128xi32, #tpu.memory_space<vmem>>) semaphore(%arg11 : memref<!tpu.dma_semaphore, #tpu.memory_space<semaphore_mem>>)
    %dma_wait3A = arith.constant 0 : i32
    %dma_wait3A_43 = arith.constant 0 : i32
    %dma_wait3A_44 = arith.constant 0 : i32
    %dma_wait3A_45 = tpu.memref_slice %arg8[%dma_wait3A_43, %dma_wait3A_44] : memref<256x128xf32, #tpu.memory_space<vmem>> -> memref<128x128xf32, #tpu.memory_space<vmem>>
    %dma_wait3A_46 = arith.constant 0 : i32
    %dma_wait3A_47 = tpu.memref_slice %arg6[%dma_wait3A, %dma_wait3A_46] : memref<16x128xi32, #tpu.memory_space<vmem>> -> memref<1x128xi32, #tpu.memory_space<vmem>>
    %dma_wait3A_48 = tpu.memref_squeeze %dma_wait3A_47 : memref<1x128xi32, #tpu.memory_space<vmem>> -> memref<128xi32, #tpu.memory_space<vmem>>
    %dma_wait3A_49 = arith.constant 0 : i32
    %dma_wait3A_50 = arith.constant 0 : i32
    %dma_wait3A_51 = tpu.memref_slice %arg2[%dma_wait3A_49, %dma_wait3A_50] : memref<32768x128xf32, #tpu.memory_space<hbm>> -> memref<32768x128xf32, #tpu.memory_space<hbm>>
    tpu.wait_indirect_dma semaphore(%arg10 : memref<!tpu.dma_semaphore, #tpu.memory_space<semaphore_mem>>) src(%dma_wait3A_51 : memref<32768x128xf32, #tpu.memory_space<hbm>>) dst(%dma_wait3A_45 : memref<128x128xf32, #tpu.memory_space<vmem>>)
    %dma_wait3A_52 = arith.constant 1 : i32
    %dma_wait3A_53 = arith.constant 128 : i32
    %dma_wait3A_54 = arith.constant 0 : i32
    %dma_wait3A_55 = tpu.memref_slice %arg8[%dma_wait3A_53, %dma_wait3A_54] : memref<256x128xf32, #tpu.memory_space<vmem>> -> memref<128x128xf32, #tpu.memory_space<vmem>>
    %dma_wait3A_56 = arith.constant 0 : i32
    %dma_wait3A_57 = tpu.memref_slice %arg6[%dma_wait3A_52, %dma_wait3A_56] : memref<16x128xi32, #tpu.memory_space<vmem>> -> memref<1x128xi32, #tpu.memory_space<vmem>>
    %dma_wait3A_58 = tpu.memref_squeeze %dma_wait3A_57 : memref<1x128xi32, #tpu.memory_space<vmem>> -> memref<128xi32, #tpu.memory_space<vmem>>
    %dma_wait3A_59 = arith.constant 0 : i32
    %dma_wait3A_60 = arith.constant 0 : i32
    %dma_wait3A_61 = tpu.memref_slice %arg2[%dma_wait3A_59, %dma_wait3A_60] : memref<32768x128xf32, #tpu.memory_space<hbm>> -> memref<32768x128xf32, #tpu.memory_space<hbm>>
    tpu.wait_indirect_dma semaphore(%arg10 : memref<!tpu.dma_semaphore, #tpu.memory_space<semaphore_mem>>) src(%dma_wait3A_61 : memref<32768x128xf32, #tpu.memory_space<hbm>>) dst(%dma_wait3A_55 : memref<128x128xf32, #tpu.memory_space<vmem>>)
    %get3A = arith.constant 0 : i32
    %get3A_62 = arith.index_cast %get3A : i32 to index
    %get3A_63 = arith.constant 0 : index
    %get3A_64 = tpu.vector_load %arg7[%get3A_62, %get3A_63] {strides = array<i32>} : memref<16x128xf32, #tpu.memory_space<vmem>>, vector<16xf32>,
    %iota3A = tpu.iota {dimensions = array<i32: 0>} : vector<16xi32>
    %add3A_65 = arith.constant 0 : i32
    %add3A_66 = vector.broadcast %add3A_65 : i32 to vector<16xi32>
    %add3A_67 = arith.addi %iota3A, %add3A_66 : vector<16xi32>
    tpu.vector_store_idx %arg8[%add3A_67, %broadcast_in_dim3A_3], %get3A_64 : memref<256x128xf32, #tpu.memory_space<vmem>>[vector<16xi32>, vector<16xi32>], vector<16xf32>,
    %get3A_68 = arith.constant 0 : i32
    %get3A_69 = arith.index_cast %get3A_68 : i32 to index
    %get3A_70 = arith.constant 16 : index
    %get3A_71 = tpu.vector_load %arg7[%get3A_69, %get3A_70] {strides = array<i32>} : memref<16x128xf32, #tpu.memory_space<vmem>>, vector<16xf32>,
    %iota3A_72 = tpu.iota {dimensions = array<i32: 0>} : vector<16xi32>
    %add3A_73 = arith.constant 16 : i32
    %add3A_74 = vector.broadcast %add3A_73 : i32 to vector<16xi32>
    %add3A_75 = arith.addi %iota3A_72, %add3A_74 : vector<16xi32>
    tpu.vector_store_idx %arg8[%add3A_75, %broadcast_in_dim3A_3], %get3A_71 : memref<256x128xf32, #tpu.memory_space<vmem>>[vector<16xi32>, vector<16xi32>], vector<16xf32>,
    %get3A_76 = arith.constant 0 : i32
    %get3A_77 = arith.index_cast %get3A_76 : i32 to index
    %get3A_78 = arith.constant 32 : index
    %get3A_79 = tpu.vector_load %arg7[%get3A_77, %get3A_78] {strides = array<i32>} : memref<16x128xf32, #tpu.memory_space<vmem>>, vector<16xf32>,
    %iota3A_80 = tpu.iota {dimensions = array<i32: 0>} : vector<16xi32>
    %add3A_81 = arith.constant 32 : i32
    %add3A_82 = vector.broadcast %add3A_81 : i32 to vector<16xi32>
    %add3A_83 = arith.addi %iota3A_80, %add3A_82 : vector<16xi32>
    tpu.vector_store_idx %arg8[%add3A_83, %broadcast_in_dim3A_3], %get3A_79 : memref<256x128xf32, #tpu.memory_space<vmem>>[vector<16xi32>, vector<16xi32>], vector<16xf32>,
    %get3A_84 = arith.constant 0 : i32
    %get3A_85 = arith.index_cast %get3A_84 : i32 to index
    %get3A_86 = arith.constant 48 : index
    %get3A_87 = tpu.vector_load %arg7[%get3A_85, %get3A_86] {strides = array<i32>} : memref<16x128xf32, #tpu.memory_space<vmem>>, vector<16xf32>,
    %iota3A_88 = tpu.iota {dimensions = array<i32: 0>} : vector<16xi32>
    %add3A_89 = arith.constant 48 : i32
    %add3A_90 = vector.broadcast %add3A_89 : i32 to vector<16xi32>
    %add3A_91 = arith.addi %iota3A_88, %add3A_90 : vector<16xi32>
    tpu.vector_store_idx %arg8[%add3A_91, %broadcast_in_dim3A_3], %get3A_87 : memref<256x128xf32, #tpu.memory_space<vmem>>[vector<16xi32>, vector<16xi32>], vector<16xf32>,
    %get3A_92 = arith.constant 0 : i32
    %get3A_93 = arith.index_cast %get3A_92 : i32 to index
    %get3A_94 = arith.constant 64 : index
    %get3A_95 = tpu.vector_load %arg7[%get3A_93, %get3A_94] {strides = array<i32>} : memref<16x128xf32, #tpu.memory_space<vmem>>, vector<16xf32>,
    %iota3A_96 = tpu.iota {dimensions = array<i32: 0>} : vector<16xi32>
    %add3A_97 = arith.constant 64 : i32
    %add3A_98 = vector.broadcast %add3A_97 : i32 to vector<16xi32>
    %add3A_99 = arith.addi %iota3A_96, %add3A_98 : vector<16xi32>
    tpu.vector_store_idx %arg8[%add3A_99, %broadcast_in_dim3A_3], %get3A_95 : memref<256x128xf32, #tpu.memory_space<vmem>>[vector<16xi32>, vector<16xi32>], vector<16xf32>,
    %get3A_100 = arith.constant 0 : i32
    %get3A_101 = arith.index_cast %get3A_100 : i32 to index
    %get3A_102 = arith.constant 80 : index
    %get3A_103 = tpu.vector_load %arg7[%get3A_101, %get3A_102] {strides = array<i32>} : memref<16x128xf32, #tpu.memory_space<vmem>>, vector<16xf32>,
    %iota3A_104 = tpu.iota {dimensions = array<i32: 0>} : vector<16xi32>
    %add3A_105 = arith.constant 80 : i32
    %add3A_106 = vector.broadcast %add3A_105 : i32 to vector<16xi32>
    %add3A_107 = arith.addi %iota3A_104, %add3A_106 : vector<16xi32>
    tpu.vector_store_idx %arg8[%add3A_107, %broadcast_in_dim3A_3], %get3A_103 : memref<256x128xf32, #tpu.memory_space<vmem>>[vector<16xi32>, vector<16xi32>], vector<16xf32>,
    %get3A_108 = arith.constant 0 : i32
    %get3A_109 = arith.index_cast %get3A_108 : i32 to index
    %get3A_110 = arith.constant 96 : index
    %get3A_111 = tpu.vector_load %arg7[%get3A_109, %get3A_110] {strides = array<i32>} : memref<16x128xf32, #tpu.memory_space<vmem>>, vector<16xf32>,
    %iota3A_112 = tpu.iota {dimensions = array<i32: 0>} : vector<16xi32>
    %add3A_113 = arith.constant 96 : i32
    %add3A_114 = vector.broadcast %add3A_113 : i32 to vector<16xi32>
    %add3A_115 = arith.addi %iota3A_112, %add3A_114 : vector<16xi32>
    tpu.vector_store_idx %arg8[%add3A_115, %broadcast_in_dim3A_3], %get3A_111 : memref<256x128xf32, #tpu.memory_space<vmem>>[vector<16xi32>, vector<16xi32>], vector<16xf32>,
    %get3A_116 = arith.constant 0 : i32
    %get3A_117 = arith.index_cast %get3A_116 : i32 to index
    %get3A_118 = arith.constant 112 : index
    %get3A_119 = tpu.vector_load %arg7[%get3A_117, %get3A_118] {strides = array<i32>} : memref<16x128xf32, #tpu.memory_space<vmem>>, vector<16xf32>,
    %iota3A_120 = tpu.iota {dimensions = array<i32: 0>} : vector<16xi32>
    %add3A_121 = arith.constant 112 : i32
    %add3A_122 = vector.broadcast %add3A_121 : i32 to vector<16xi32>
    %add3A_123 = arith.addi %iota3A_120, %add3A_122 : vector<16xi32>
    tpu.vector_store_idx %arg8[%add3A_123, %broadcast_in_dim3A_3], %get3A_119 : memref<256x128xf32, #tpu.memory_space<vmem>>[vector<16xi32>, vector<16xi32>], vector<16xf32>,
    %get3A_124 = arith.constant 1 : i32
    %get3A_125 = arith.index_cast %get3A_124 : i32 to index
    %get3A_126 = arith.constant 0 : index
    %get3A_127 = tpu.vector_load %arg7[%get3A_125, %get3A_126] {strides = array<i32>} : memref<16x128xf32, #tpu.memory_space<vmem>>, vector<16xf32>,
    %iota3A_128 = tpu.iota {dimensions = array<i32: 0>} : vector<16xi32>
    %add3A_129 = arith.constant 128 : i32
    %add3A_130 = vector.broadcast %add3A_129 : i32 to vector<16xi32>
    %add3A_131 = arith.addi %iota3A_128, %add3A_130 : vector<16xi32>
    tpu.vector_store_idx %arg8[%add3A_131, %broadcast_in_dim3A_3], %get3A_127 : memref<256x128xf32, #tpu.memory_space<vmem>>[vector<16xi32>, vector<16xi32>], vector<16xf32>,
    %get3A_132 = arith.constant 1 : i32
    %get3A_133 = arith.index_cast %get3A_132 : i32 to index
    %get3A_134 = arith.constant 16 : index
    %get3A_135 = tpu.vector_load %arg7[%get3A_133, %get3A_134] {strides = array<i32>} : memref<16x128xf32, #tpu.memory_space<vmem>>, vector<16xf32>,
    %iota3A_136 = tpu.iota {dimensions = array<i32: 0>} : vector<16xi32>
    %add3A_137 = arith.constant 144 : i32
    %add3A_138 = vector.broadcast %add3A_137 : i32 to vector<16xi32>
    %add3A_139 = arith.addi %iota3A_136, %add3A_138 : vector<16xi32>
    tpu.vector_store_idx %arg8[%add3A_139, %broadcast_in_dim3A_3], %get3A_135 : memref<256x128xf32, #tpu.memory_space<vmem>>[vector<16xi32>, vector<16xi32>], vector<16xf32>,
    %get3A_140 = arith.constant 1 : i32
    %get3A_141 = arith.index_cast %get3A_140 : i32 to index
    %get3A_142 = arith.constant 32 : index
    %get3A_143 = tpu.vector_load %arg7[%get3A_141, %get3A_142] {strides = array<i32>} : memref<16x128xf32, #tpu.memory_space<vmem>>, vector<16xf32>,
    %iota3A_144 = tpu.iota {dimensions = array<i32: 0>} : vector<16xi32>
    %add3A_145 = arith.constant 160 : i32
    %add3A_146 = vector.broadcast %add3A_145 : i32 to vector<16xi32>
    %add3A_147 = arith.addi %iota3A_144, %add3A_146 : vector<16xi32>
    tpu.vector_store_idx %arg8[%add3A_147, %broadcast_in_dim3A_3], %get3A_143 : memref<256x128xf32, #tpu.memory_space<vmem>>[vector<16xi32>, vector<16xi32>], vector<16xf32>,
    %get3A_148 = arith.constant 1 : i32
    %get3A_149 = arith.index_cast %get3A_148 : i32 to index
    %get3A_150 = arith.constant 48 : index
    %get3A_151 = tpu.vector_load %arg7[%get3A_149, %get3A_150] {strides = array<i32>} : memref<16x128xf32, #tpu.memory_space<vmem>>, vector<16xf32>,
    %iota3A_152 = tpu.iota {dimensions = array<i32: 0>} : vector<16xi32>
    %add3A_153 = arith.constant 176 : i32
    %add3A_154 = vector.broadcast %add3A_153 : i32 to vector<16xi32>
    %add3A_155 = arith.addi %iota3A_152, %add3A_154 : vector<16xi32>
    tpu.vector_store_idx %arg8[%add3A_155, %broadcast_in_dim3A_3], %get3A_151 : memref<256x128xf32, #tpu.memory_space<vmem>>[vector<16xi32>, vector<16xi32>], vector<16xf32>,
    %get3A_156 = arith.constant 1 : i32
    %get3A_157 = arith.index_cast %get3A_156 : i32 to index
    %get3A_158 = arith.constant 64 : index
    %get3A_159 = tpu.vector_load %arg7[%get3A_157, %get3A_158] {strides = array<i32>} : memref<16x128xf32, #tpu.memory_space<vmem>>, vector<16xf32>,
    %iota3A_160 = tpu.iota {dimensions = array<i32: 0>} : vector<16xi32>
    %add3A_161 = arith.constant 192 : i32
    %add3A_162 = vector.broadcast %add3A_161 : i32 to vector<16xi32>
    %add3A_163 = arith.addi %iota3A_160, %add3A_162 : vector<16xi32>
    tpu.vector_store_idx %arg8[%add3A_163, %broadcast_in_dim3A_3], %get3A_159 : memref<256x128xf32, #tpu.memory_space<vmem>>[vector<16xi32>, vector<16xi32>], vector<16xf32>,
    %get3A_164 = arith.constant 1 : i32
    %get3A_165 = arith.index_cast %get3A_164 : i32 to index
    %get3A_166 = arith.constant 80 : index
    %get3A_167 = tpu.vector_load %arg7[%get3A_165, %get3A_166] {strides = array<i32>} : memref<16x128xf32, #tpu.memory_space<vmem>>, vector<16xf32>,
    %iota3A_168 = tpu.iota {dimensions = array<i32: 0>} : vector<16xi32>
    %add3A_169 = arith.constant 208 : i32
    %add3A_170 = vector.broadcast %add3A_169 : i32 to vector<16xi32>
    %add3A_171 = arith.addi %iota3A_168, %add3A_170 : vector<16xi32>
    tpu.vector_store_idx %arg8[%add3A_171, %broadcast_in_dim3A_3], %get3A_167 : memref<256x128xf32, #tpu.memory_space<vmem>>[vector<16xi32>, vector<16xi32>], vector<16xf32>,
    %get3A_172 = arith.constant 1 : i32
    %get3A_173 = arith.index_cast %get3A_172 : i32 to index
    %get3A_174 = arith.constant 96 : index
    %get3A_175 = tpu.vector_load %arg7[%get3A_173, %get3A_174] {strides = array<i32>} : memref<16x128xf32, #tpu.memory_space<vmem>>, vector<16xf32>,
    %iota3A_176 = tpu.iota {dimensions = array<i32: 0>} : vector<16xi32>
    %add3A_177 = arith.constant 224 : i32
    %add3A_178 = vector.broadcast %add3A_177 : i32 to vector<16xi32>
    %add3A_179 = arith.addi %iota3A_176, %add3A_178 : vector<16xi32>
    tpu.vector_store_idx %arg8[%add3A_179, %broadcast_in_dim3A_3], %get3A_175 : memref<256x128xf32, #tpu.memory_space<vmem>>[vector<16xi32>, vector<16xi32>], vector<16xf32>,
    %get3A_180 = arith.constant 1 : i32
    %get3A_181 = arith.index_cast %get3A_180 : i32 to index
    %get3A_182 = arith.constant 112 : index
    %get3A_183 = tpu.vector_load %arg7[%get3A_181, %get3A_182] {strides = array<i32>} : memref<16x128xf32, #tpu.memory_space<vmem>>, vector<16xf32>,
    %iota3A_184 = tpu.iota {dimensions = array<i32: 0>} : vector<16xi32>
    %add3A_185 = arith.constant 240 : i32
    %add3A_186 = vector.broadcast %add3A_185 : i32 to vector<16xi32>
    %add3A_187 = arith.addi %iota3A_184, %add3A_186 : vector<16xi32>
    tpu.vector_store_idx %arg8[%add3A_187, %broadcast_in_dim3A_3], %get3A_183 : memref<256x128xf32, #tpu.memory_space<vmem>>[vector<16xi32>, vector<16xi32>], vector<16xf32>,
    %add3A_188 = arith.constant 0 : i32
    %add3A_189 = arith.addi %mul3A_2, %add3A_188 : i32
    "tpu.region"() ({
      %run_scoped3A = tpu.sem_alloc : memref<!tpu.dma_semaphore, #tpu.memory_space<semaphore_mem>>
      %dma_start3A_1360 = arith.constant 0 : i32
      %dma_start3A_1361 = tpu.memref_slice %arg5[%add3A_189, %dma_start3A_1360] : memref<65536x128xf32, #tpu.memory_space<hbm>> -> memref<256x128xf32, #tpu.memory_space<hbm>>
      %dma_start3A_1362 = arith.constant 0 : i32
      %dma_start3A_1363 = tpu.memref_slice %arg5[%add3A_189, %dma_start3A_1362] : memref<65536x128xf32, #tpu.memory_space<hbm>> -> memref<256x128xf32, #tpu.memory_space<hbm>>
      tpu.enqueue_dma source(%arg8 : memref<256x128xf32, #tpu.memory_space<vmem>>) target(%dma_start3A_1363 : memref<256x128xf32, #tpu.memory_space<hbm>>) target_semaphore(%run_scoped3A : memref<!tpu.dma_semaphore, #tpu.memory_space<semaphore_mem>>)
      %dma_wait3A_1364 = arith.constant 0 : i32
      %dma_wait3A_1365 = tpu.memref_slice %arg5[%add3A_189, %dma_wait3A_1364] : memref<65536x128xf32, #tpu.memory_space<hbm>> -> memref<256x128xf32, #tpu.memory_space<hbm>>
      %dma_wait3A_1366 = arith.constant 0 : i32
      %dma_wait3A_1367 = tpu.memref_slice %arg5[%add3A_189, %dma_wait3A_1366] : memref<65536x128xf32, #tpu.memory_space<hbm>> -> memref<256x128xf32, #tpu.memory_space<hbm>>
      tpu.wait_dma2 semaphore(%run_scoped3A : memref<!tpu.dma_semaphore, #tpu.memory_space<semaphore_mem>>) src(%arg8 : memref<256x128xf32, #tpu.memory_space<vmem>>) dst(%dma_wait3A_1367 : memref<256x128xf32, #tpu.memory_space<hbm>>)
      tpu.yield
    }) : () -> ()
    %dma_start3A_190 = arith.constant 4 : i32
    %dma_start3A_191 = arith.constant 0 : i32
    %dma_start3A_192 = arith.constant 0 : i32
    %dma_start3A_193 = tpu.memref_slice %arg8[%dma_start3A_191, %dma_start3A_192] : memref<256x128xf32, #tpu.memory_space<vmem>> -> memref<128x128xf32, #tpu.memory_space<vmem>>
    %dma_start3A_194 = arith.constant 0 : i32
    %dma_start3A_195 = tpu.memref_slice %arg6[%dma_start3A_190, %dma_start3A_194] : memref<16x128xi32, #tpu.memory_space<vmem>> -> memref<1x128xi32, #tpu.memory_space<vmem>>
    %dma_start3A_196 = tpu.memref_squeeze %dma_start3A_195 : memref<1x128xi32, #tpu.memory_space<vmem>> -> memref<128xi32, #tpu.memory_space<vmem>>
    %dma_start3A_197 = arith.constant 0 : i32
    %dma_start3A_198 = arith.constant 0 : i32
    %dma_start3A_199 = tpu.memref_slice %arg2[%dma_start3A_197, %dma_start3A_198] : memref<32768x128xf32, #tpu.memory_space<hbm>> -> memref<32768x128xf32, #tpu.memory_space<hbm>>
    tpu.enqueue_indirect_dma source(%dma_start3A_199 : memref<32768x128xf32, #tpu.memory_space<hbm>>) target(%dma_start3A_193 : memref<128x128xf32, #tpu.memory_space<vmem>>) offsets(%dma_start3A_196 : memref<128xi32, #tpu.memory_space<vmem>>) semaphore(%arg10 : memref<!tpu.dma_semaphore, #tpu.memory_space<semaphore_mem>>)
    %dma_start3A_200 = arith.constant 5 : i32
    %dma_start3A_201 = arith.constant 128 : i32
    %dma_start3A_202 = arith.constant 0 : i32
    %dma_start3A_203 = tpu.memref_slice %arg8[%dma_start3A_201, %dma_start3A_202] : memref<256x128xf32, #tpu.memory_space<vmem>> -> memref<128x128xf32, #tpu.memory_space<vmem>>
    %dma_start3A_204 = arith.constant 0 : i32
    %dma_start3A_205 = tpu.memref_slice %arg6[%dma_start3A_200, %dma_start3A_204] : memref<16x128xi32, #tpu.memory_space<vmem>> -> memref<1x128xi32, #tpu.memory_space<vmem>>
    %dma_start3A_206 = tpu.memref_squeeze %dma_start3A_205 : memref<1x128xi32, #tpu.memory_space<vmem>> -> memref<128xi32, #tpu.memory_space<vmem>>
    %dma_start3A_207 = arith.constant 0 : i32
    %dma_start3A_208 = arith.constant 0 : i32
    %dma_start3A_209 = tpu.memref_slice %arg2[%dma_start3A_207, %dma_start3A_208] : memref<32768x128xf32, #tpu.memory_space<hbm>> -> memref<32768x128xf32, #tpu.memory_space<hbm>>
    tpu.enqueue_indirect_dma source(%dma_start3A_209 : memref<32768x128xf32, #tpu.memory_space<hbm>>) target(%dma_start3A_203 : memref<128x128xf32, #tpu.memory_space<vmem>>) offsets(%dma_start3A_206 : memref<128xi32, #tpu.memory_space<vmem>>) semaphore(%arg10 : memref<!tpu.dma_semaphore, #tpu.memory_space<semaphore_mem>>)
    %dma_wait3A_210 = arith.constant 2 : i32
    %dma_wait3A_211 = arith.constant 0 : i32
    %dma_wait3A_212 = arith.constant 0 : i32
    %dma_wait3A_213 = tpu.memref_slice %arg9[%dma_wait3A_211, %dma_wait3A_212] : memref<256x128xf32, #tpu.memory_space<vmem>> -> memref<128x128xf32, #tpu.memory_space<vmem>>
    %dma_wait3A_214 = arith.constant 0 : i32
    %dma_wait3A_215 = tpu.memref_slice %arg6[%dma_wait3A_210, %dma_wait3A_214] : memref<16x128xi32, #tpu.memory_space<vmem>> -> memref<1x128xi32, #tpu.memory_space<vmem>>
    %dma_wait3A_216 = tpu.memref_squeeze %dma_wait3A_215 : memref<1x128xi32, #tpu.memory_space<vmem>> -> memref<128xi32, #tpu.memory_space<vmem>>
    %dma_wait3A_217 = arith.constant 0 : i32
    %dma_wait3A_218 = arith.constant 0 : i32
    %dma_wait3A_219 = tpu.memref_slice %arg2[%dma_wait3A_217, %dma_wait3A_218] : memref<32768x128xf32, #tpu.memory_space<hbm>> -> memref<32768x128xf32, #tpu.memory_space<hbm>>
    tpu.wait_indirect_dma semaphore(%arg11 : memref<!tpu.dma_semaphore, #tpu.memory_space<semaphore_mem>>) src(%dma_wait3A_219 : memref<32768x128xf32, #tpu.memory_space<hbm>>) dst(%dma_wait3A_213 : memref<128x128xf32, #tpu.memory_space<vmem>>)
    %dma_wait3A_220 = arith.constant 3 : i32
    %dma_wait3A_221 = arith.constant 128 : i32
    %dma_wait3A_222 = arith.constant 0 : i32
    %dma_wait3A_223 = tpu.memref_slice %arg9[%dma_wait3A_221, %dma_wait3A_222] : memref<256x128xf32, #tpu.memory_space<vmem>> -> memref<128x128xf32, #tpu.memory_space<vmem>>
    %dma_wait3A_224 = arith.constant 0 : i32
    %dma_wait3A_225 = tpu.memref_slice %arg6[%dma_wait3A_220, %dma_wait3A_224] : memref<16x128xi32, #tpu.memory_space<vmem>> -> memref<1x128xi32, #tpu.memory_space<vmem>>
    %dma_wait3A_226 = tpu.memref_squeeze %dma_wait3A_225 : memref<1x128xi32, #tpu.memory_space<vmem>> -> memref<128xi32, #tpu.memory_space<vmem>>
    %dma_wait3A_227 = arith.constant 0 : i32
    %dma_wait3A_228 = arith.constant 0 : i32
    %dma_wait3A_229 = tpu.memref_slice %arg2[%dma_wait3A_227, %dma_wait3A_228] : memref<32768x128xf32, #tpu.memory_space<hbm>> -> memref<32768x128xf32, #tpu.memory_space<hbm>>
    tpu.wait_indirect_dma semaphore(%arg11 : memref<!tpu.dma_semaphore, #tpu.memory_space<semaphore_mem>>) src(%dma_wait3A_229 : memref<32768x128xf32, #tpu.memory_space<hbm>>) dst(%dma_wait3A_223 : memref<128x128xf32, #tpu.memory_space<vmem>>)
    %get3A_230 = arith.constant 2 : i32
    %get3A_231 = arith.index_cast %get3A_230 : i32 to index
    %get3A_232 = arith.constant 0 : index
    %get3A_233 = tpu.vector_load %arg7[%get3A_231, %get3A_232] {strides = array<i32>} : memref<16x128xf32, #tpu.memory_space<vmem>>, vector<16xf32>,
    %iota3A_234 = tpu.iota {dimensions = array<i32: 0>} : vector<16xi32>
    %add3A_235 = arith.constant 0 : i32
    %add3A_236 = vector.broadcast %add3A_235 : i32 to vector<16xi32>
    %add3A_237 = arith.addi %iota3A_234, %add3A_236 : vector<16xi32>
    tpu.vector_store_idx %arg9[%add3A_237, %broadcast_in_dim3A_3], %get3A_233 : memref<256x128xf32, #tpu.memory_space<vmem>>[vector<16xi32>, vector<16xi32>], vector<16xf32>,
    %get3A_238 = arith.constant 2 : i32
    %get3A_239 = arith.index_cast %get3A_238 : i32 to index
    %get3A_240 = arith.constant 16 : index
    %get3A_241 = tpu.vector_load %arg7[%get3A_239, %get3A_240] {strides = array<i32>} : memref<16x128xf32, #tpu.memory_space<vmem>>, vector<16xf32>,
    %iota3A_242 = tpu.iota {dimensions = array<i32: 0>} : vector<16xi32>
    %add3A_243 = arith.constant 16 : i32
    %add3A_244 = vector.broadcast %add3A_243 : i32 to vector<16xi32>
    %add3A_245 = arith.addi %iota3A_242, %add3A_244 : vector<16xi32>
    tpu.vector_store_idx %arg9[%add3A_245, %broadcast_in_dim3A_3], %get3A_241 : memref<256x128xf32, #tpu.memory_space<vmem>>[vector<16xi32>, vector<16xi32>], vector<16xf32>,
    %get3A_246 = arith.constant 2 : i32
    %get3A_247 = arith.index_cast %get3A_246 : i32 to index
    %get3A_248 = arith.constant 32 : index
    %get3A_249 = tpu.vector_load %arg7[%get3A_247, %get3A_248] {strides = array<i32>} : memref<16x128xf32, #tpu.memory_space<vmem>>, vector<16xf32>,
    %iota3A_250 = tpu.iota {dimensions = array<i32: 0>} : vector<16xi32>
    %add3A_251 = arith.constant 32 : i32
    %add3A_252 = vector.broadcast %add3A_251 : i32 to vector<16xi32>
    %add3A_253 = arith.addi %iota3A_250, %add3A_252 : vector<16xi32>
    tpu.vector_store_idx %arg9[%add3A_253, %broadcast_in_dim3A_3], %get3A_249 : memref<256x128xf32, #tpu.memory_space<vmem>>[vector<16xi32>, vector<16xi32>], vector<16xf32>,
    %get3A_254 = arith.constant 2 : i32
    %get3A_255 = arith.index_cast %get3A_254 : i32 to index
    %get3A_256 = arith.constant 48 : index
    %get3A_257 = tpu.vector_load %arg7[%get3A_255, %get3A_256] {strides = array<i32>} : memref<16x128xf32, #tpu.memory_space<vmem>>, vector<16xf32>,
    %iota3A_258 = tpu.iota {dimensions = array<i32: 0>} : vector<16xi32>
    %add3A_259 = arith.constant 48 : i32
    %add3A_260 = vector.broadcast %add3A_259 : i32 to vector<16xi32>
    %add3A_261 = arith.addi %iota3A_258, %add3A_260 : vector<16xi32>
    tpu.vector_store_idx %arg9[%add3A_261, %broadcast_in_dim3A_3], %get3A_257 : memref<256x128xf32, #tpu.memory_space<vmem>>[vector<16xi32>, vector<16xi32>], vector<16xf32>,
    %get3A_262 = arith.constant 2 : i32
    %get3A_263 = arith.index_cast %get3A_262 : i32 to index
    %get3A_264 = arith.constant 64 : index
    %get3A_265 = tpu.vector_load %arg7[%get3A_263, %get3A_264] {strides = array<i32>} : memref<16x128xf32, #tpu.memory_space<vmem>>, vector<16xf32>,
    %iota3A_266 = tpu.iota {dimensions = array<i32: 0>} : vector<16xi32>
    %add3A_267 = arith.constant 64 : i32
    %add3A_268 = vector.broadcast %add3A_267 : i32 to vector<16xi32>
    %add3A_269 = arith.addi %iota3A_266, %add3A_268 : vector<16xi32>
    tpu.vector_store_idx %arg9[%add3A_269, %broadcast_in_dim3A_3], %get3A_265 : memref<256x128xf32, #tpu.memory_space<vmem>>[vector<16xi32>, vector<16xi32>], vector<16xf32>,
    %get3A_270 = arith.constant 2 : i32
    %get3A_271 = arith.index_cast %get3A_270 : i32 to index
    %get3A_272 = arith.constant 80 : index
    %get3A_273 = tpu.vector_load %arg7[%get3A_271, %get3A_272] {strides = array<i32>} : memref<16x128xf32, #tpu.memory_space<vmem>>, vector<16xf32>,
    %iota3A_274 = tpu.iota {dimensions = array<i32: 0>} : vector<16xi32>
    %add3A_275 = arith.constant 80 : i32
    %add3A_276 = vector.broadcast %add3A_275 : i32 to vector<16xi32>
    %add3A_277 = arith.addi %iota3A_274, %add3A_276 : vector<16xi32>
    tpu.vector_store_idx %arg9[%add3A_277, %broadcast_in_dim3A_3], %get3A_273 : memref<256x128xf32, #tpu.memory_space<vmem>>[vector<16xi32>, vector<16xi32>], vector<16xf32>,
    %get3A_278 = arith.constant 2 : i32
    %get3A_279 = arith.index_cast %get3A_278 : i32 to index
    %get3A_280 = arith.constant 96 : index
    %get3A_281 = tpu.vector_load %arg7[%get3A_279, %get3A_280] {strides = array<i32>} : memref<16x128xf32, #tpu.memory_space<vmem>>, vector<16xf32>,
    %iota3A_282 = tpu.iota {dimensions = array<i32: 0>} : vector<16xi32>
    %add3A_283 = arith.constant 96 : i32
    %add3A_284 = vector.broadcast %add3A_283 : i32 to vector<16xi32>
    %add3A_285 = arith.addi %iota3A_282, %add3A_284 : vector<16xi32>
    tpu.vector_store_idx %arg9[%add3A_285, %broadcast_in_dim3A_3], %get3A_281 : memref<256x128xf32, #tpu.memory_space<vmem>>[vector<16xi32>, vector<16xi32>], vector<16xf32>,
    %get3A_286 = arith.constant 2 : i32
    %get3A_287 = arith.index_cast %get3A_286 : i32 to index
    %get3A_288 = arith.constant 112 : index
    %get3A_289 = tpu.vector_load %arg7[%get3A_287, %get3A_288] {strides = array<i32>} : memref<16x128xf32, #tpu.memory_space<vmem>>, vector<16xf32>,
    %iota3A_290 = tpu.iota {dimensions = array<i32: 0>} : vector<16xi32>
    %add3A_291 = arith.constant 112 : i32
    %add3A_292 = vector.broadcast %add3A_291 : i32 to vector<16xi32>
    %add3A_293 = arith.addi %iota3A_290, %add3A_292 : vector<16xi32>
    tpu.vector_store_idx %arg9[%add3A_293, %broadcast_in_dim3A_3], %get3A_289 : memref<256x128xf32, #tpu.memory_space<vmem>>[vector<16xi32>, vector<16xi32>], vector<16xf32>,
    %get3A_294 = arith.constant 3 : i32
    %get3A_295 = arith.index_cast %get3A_294 : i32 to index
    %get3A_296 = arith.constant 0 : index
    %get3A_297 = tpu.vector_load %arg7[%get3A_295, %get3A_296] {strides = array<i32>} : memref<16x128xf32, #tpu.memory_space<vmem>>, vector<16xf32>,
    %iota3A_298 = tpu.iota {dimensions = array<i32: 0>} : vector<16xi32>
    %add3A_299 = arith.constant 128 : i32
    %add3A_300 = vector.broadcast %add3A_299 : i32 to vector<16xi32>
    %add3A_301 = arith.addi %iota3A_298, %add3A_300 : vector<16xi32>
    tpu.vector_store_idx %arg9[%add3A_301, %broadcast_in_dim3A_3], %get3A_297 : memref<256x128xf32, #tpu.memory_space<vmem>>[vector<16xi32>, vector<16xi32>], vector<16xf32>,
    %get3A_302 = arith.constant 3 : i32
    %get3A_303 = arith.index_cast %get3A_302 : i32 to index
    %get3A_304 = arith.constant 16 : index
    %get3A_305 = tpu.vector_load %arg7[%get3A_303, %get3A_304] {strides = array<i32>} : memref<16x128xf32, #tpu.memory_space<vmem>>, vector<16xf32>,
    %iota3A_306 = tpu.iota {dimensions = array<i32: 0>} : vector<16xi32>
    %add3A_307 = arith.constant 144 : i32
    %add3A_308 = vector.broadcast %add3A_307 : i32 to vector<16xi32>
    %add3A_309 = arith.addi %iota3A_306, %add3A_308 : vector<16xi32>
    tpu.vector_store_idx %arg9[%add3A_309, %broadcast_in_dim3A_3], %get3A_305 : memref<256x128xf32, #tpu.memory_space<vmem>>[vector<16xi32>, vector<16xi32>], vector<16xf32>,
    %get3A_310 = arith.constant 3 : i32
    %get3A_311 = arith.index_cast %get3A_310 : i32 to index
    %get3A_312 = arith.constant 32 : index
    %get3A_313 = tpu.vector_load %arg7[%get3A_311, %get3A_312] {strides = array<i32>} : memref<16x128xf32, #tpu.memory_space<vmem>>, vector<16xf32>,
    %iota3A_314 = tpu.iota {dimensions = array<i32: 0>} : vector<16xi32>
    %add3A_315 = arith.constant 160 : i32
    %add3A_316 = vector.broadcast %add3A_315 : i32 to vector<16xi32>
    %add3A_317 = arith.addi %iota3A_314, %add3A_316 : vector<16xi32>
    tpu.vector_store_idx %arg9[%add3A_317, %broadcast_in_dim3A_3], %get3A_313 : memref<256x128xf32, #tpu.memory_space<vmem>>[vector<16xi32>, vector<16xi32>], vector<16xf32>,
    %get3A_318 = arith.constant 3 : i32
    %get3A_319 = arith.index_cast %get3A_318 : i32 to index
    %get3A_320 = arith.constant 48 : index
    %get3A_321 = tpu.vector_load %arg7[%get3A_319, %get3A_320] {strides = array<i32>} : memref<16x128xf32, #tpu.memory_space<vmem>>, vector<16xf32>,
    %iota3A_322 = tpu.iota {dimensions = array<i32: 0>} : vector<16xi32>
    %add3A_323 = arith.constant 176 : i32
    %add3A_324 = vector.broadcast %add3A_323 : i32 to vector<16xi32>
    %add3A_325 = arith.addi %iota3A_322, %add3A_324 : vector<16xi32>
    tpu.vector_store_idx %arg9[%add3A_325, %broadcast_in_dim3A_3], %get3A_321 : memref<256x128xf32, #tpu.memory_space<vmem>>[vector<16xi32>, vector<16xi32>], vector<16xf32>,
    %get3A_326 = arith.constant 3 : i32
    %get3A_327 = arith.index_cast %get3A_326 : i32 to index
    %get3A_328 = arith.constant 64 : index
    %get3A_329 = tpu.vector_load %arg7[%get3A_327, %get3A_328] {strides = array<i32>} : memref<16x128xf32, #tpu.memory_space<vmem>>, vector<16xf32>,
    %iota3A_330 = tpu.iota {dimensions = array<i32: 0>} : vector<16xi32>
    %add3A_331 = arith.constant 192 : i32
    %add3A_332 = vector.broadcast %add3A_331 : i32 to vector<16xi32>
    %add3A_333 = arith.addi %iota3A_330, %add3A_332 : vector<16xi32>
    tpu.vector_store_idx %arg9[%add3A_333, %broadcast_in_dim3A_3], %get3A_329 : memref<256x128xf32, #tpu.memory_space<vmem>>[vector<16xi32>, vector<16xi32>], vector<16xf32>,
    %get3A_334 = arith.constant 3 : i32
    %get3A_335 = arith.index_cast %get3A_334 : i32 to index
    %get3A_336 = arith.constant 80 : index
    %get3A_337 = tpu.vector_load %arg7[%get3A_335, %get3A_336] {strides = array<i32>} : memref<16x128xf32, #tpu.memory_space<vmem>>, vector<16xf32>,
    %iota3A_338 = tpu.iota {dimensions = array<i32: 0>} : vector<16xi32>
    %add3A_339 = arith.constant 208 : i32
    %add3A_340 = vector.broadcast %add3A_339 : i32 to vector<16xi32>
    %add3A_341 = arith.addi %iota3A_338, %add3A_340 : vector<16xi32>
    tpu.vector_store_idx %arg9[%add3A_341, %broadcast_in_dim3A_3], %get3A_337 : memref<256x128xf32, #tpu.memory_space<vmem>>[vector<16xi32>, vector<16xi32>], vector<16xf32>,
    %get3A_342 = arith.constant 3 : i32
    %get3A_343 = arith.index_cast %get3A_342 : i32 to index
    %get3A_344 = arith.constant 96 : index
    %get3A_345 = tpu.vector_load %arg7[%get3A_343, %get3A_344] {strides = array<i32>} : memref<16x128xf32, #tpu.memory_space<vmem>>, vector<16xf32>,
    %iota3A_346 = tpu.iota {dimensions = array<i32: 0>} : vector<16xi32>
    %add3A_347 = arith.constant 224 : i32
    %add3A_348 = vector.broadcast %add3A_347 : i32 to vector<16xi32>
    %add3A_349 = arith.addi %iota3A_346, %add3A_348 : vector<16xi32>
    tpu.vector_store_idx %arg9[%add3A_349, %broadcast_in_dim3A_3], %get3A_345 : memref<256x128xf32, #tpu.memory_space<vmem>>[vector<16xi32>, vector<16xi32>], vector<16xf32>,
    %get3A_350 = arith.constant 3 : i32
    %get3A_351 = arith.index_cast %get3A_350 : i32 to index
    %get3A_352 = arith.constant 112 : index
    %get3A_353 = tpu.vector_load %arg7[%get3A_351, %get3A_352] {strides = array<i32>} : memref<16x128xf32, #tpu.memory_space<vmem>>, vector<16xf32>,
    %iota3A_354 = tpu.iota {dimensions = array<i32: 0>} : vector<16xi32>
    %add3A_355 = arith.constant 240 : i32
    %add3A_356 = vector.broadcast %add3A_355 : i32 to vector<16xi32>
    %add3A_357 = arith.addi %iota3A_354, %add3A_356 : vector<16xi32>
    tpu.vector_store_idx %arg9[%add3A_357, %broadcast_in_dim3A_3], %get3A_353 : memref<256x128xf32, #tpu.memory_space<vmem>>[vector<16xi32>, vector<16xi32>], vector<16xf32>,
    %add3A_358 = arith.constant 256 : i32
    %add3A_359 = arith.addi %mul3A_2, %add3A_358 : i32
    "tpu.region"() ({
      %run_scoped3A = tpu.sem_alloc : memref<!tpu.dma_semaphore, #tpu.memory_space<semaphore_mem>>
      %dma_start3A_1360 = arith.constant 0 : i32
      %dma_start3A_1361 = tpu.memref_slice %arg5[%add3A_359, %dma_start3A_1360] : memref<65536x128xf32, #tpu.memory_space<hbm>> -> memref<256x128xf32, #tpu.memory_space<hbm>>
      %dma_start3A_1362 = arith.constant 0 : i32
      %dma_start3A_1363 = tpu.memref_slice %arg5[%add3A_359, %dma_start3A_1362] : memref<65536x128xf32, #tpu.memory_space<hbm>> -> memref<256x128xf32, #tpu.memory_space<hbm>>
      tpu.enqueue_dma source(%arg9 : memref<256x128xf32, #tpu.memory_space<vmem>>) target(%dma_start3A_1363 : memref<256x128xf32, #tpu.memory_space<hbm>>) target_semaphore(%run_scoped3A : memref<!tpu.dma_semaphore, #tpu.memory_space<semaphore_mem>>)
      %dma_wait3A_1364 = arith.constant 0 : i32
      %dma_wait3A_1365 = tpu.memref_slice %arg5[%add3A_359, %dma_wait3A_1364] : memref<65536x128xf32, #tpu.memory_space<hbm>> -> memref<256x128xf32, #tpu.memory_space<hbm>>
      %dma_wait3A_1366 = arith.constant 0 : i32
      %dma_wait3A_1367 = tpu.memref_slice %arg5[%add3A_359, %dma_wait3A_1366] : memref<65536x128xf32, #tpu.memory_space<hbm>> -> memref<256x128xf32, #tpu.memory_space<hbm>>
      tpu.wait_dma2 semaphore(%run_scoped3A : memref<!tpu.dma_semaphore, #tpu.memory_space<semaphore_mem>>) src(%arg9 : memref<256x128xf32, #tpu.memory_space<vmem>>) dst(%dma_wait3A_1367 : memref<256x128xf32, #tpu.memory_space<hbm>>)
      tpu.yield
    }) : () -> ()
    %dma_start3A_360 = arith.constant 6 : i32
    %dma_start3A_361 = arith.constant 0 : i32
    %dma_start3A_362 = arith.constant 0 : i32
    %dma_start3A_363 = tpu.memref_slice %arg9[%dma_start3A_361, %dma_start3A_362] : memref<256x128xf32, #tpu.memory_space<vmem>> -> memref<128x128xf32, #tpu.memory_space<vmem>>
    %dma_start3A_364 = arith.constant 0 : i32
    %dma_start3A_365 = tpu.memref_slice %arg6[%dma_start3A_360, %dma_start3A_364] : memref<16x128xi32, #tpu.memory_space<vmem>> -> memref<1x128xi32, #tpu.memory_space<vmem>>
    %dma_start3A_366 = tpu.memref_squeeze %dma_start3A_365 : memref<1x128xi32, #tpu.memory_space<vmem>> -> memref<128xi32, #tpu.memory_space<vmem>>
    %dma_start3A_367 = arith.constant 0 : i32
    %dma_start3A_368 = arith.constant 0 : i32
    %dma_start3A_369 = tpu.memref_slice %arg2[%dma_start3A_367, %dma_start3A_368] : memref<32768x128xf32, #tpu.memory_space<hbm>> -> memref<32768x128xf32, #tpu.memory_space<hbm>>
    tpu.enqueue_indirect_dma source(%dma_start3A_369 : memref<32768x128xf32, #tpu.memory_space<hbm>>) target(%dma_start3A_363 : memref<128x128xf32, #tpu.memory_space<vmem>>) offsets(%dma_start3A_366 : memref<128xi32, #tpu.memory_space<vmem>>) semaphore(%arg11 : memref<!tpu.dma_semaphore, #tpu.memory_space<semaphore_mem>>)
    %dma_start3A_370 = arith.constant 7 : i32
    %dma_start3A_371 = arith.constant 128 : i32
    %dma_start3A_372 = arith.constant 0 : i32
    %dma_start3A_373 = tpu.memref_slice %arg9[%dma_start3A_371, %dma_start3A_372] : memref<256x128xf32, #tpu.memory_space<vmem>> -> memref<128x128xf32, #tpu.memory_space<vmem>>
    %dma_start3A_374 = arith.constant 0 : i32
    %dma_start3A_375 = tpu.memref_slice %arg6[%dma_start3A_370, %dma_start3A_374] : memref<16x128xi32, #tpu.memory_space<vmem>> -> memref<1x128xi32, #tpu.memory_space<vmem>>
    %dma_start3A_376 = tpu.memref_squeeze %dma_start3A_375 : memref<1x128xi32, #tpu.memory_space<vmem>> -> memref<128xi32, #tpu.memory_space<vmem>>
    %dma_start3A_377 = arith.constant 0 : i32
    %dma_start3A_378 = arith.constant 0 : i32
    %dma_start3A_379 = tpu.memref_slice %arg2[%dma_start3A_377, %dma_start3A_378] : memref<32768x128xf32, #tpu.memory_space<hbm>> -> memref<32768x128xf32, #tpu.memory_space<hbm>>
    tpu.enqueue_indirect_dma source(%dma_start3A_379 : memref<32768x128xf32, #tpu.memory_space<hbm>>) target(%dma_start3A_373 : memref<128x128xf32, #tpu.memory_space<vmem>>) offsets(%dma_start3A_376 : memref<128xi32, #tpu.memory_space<vmem>>) semaphore(%arg11 : memref<!tpu.dma_semaphore, #tpu.memory_space<semaphore_mem>>)
    %dma_wait3A_380 = arith.constant 4 : i32
    %dma_wait3A_381 = arith.constant 0 : i32
    %dma_wait3A_382 = arith.constant 0 : i32
    %dma_wait3A_383 = tpu.memref_slice %arg8[%dma_wait3A_381, %dma_wait3A_382] : memref<256x128xf32, #tpu.memory_space<vmem>> -> memref<128x128xf32, #tpu.memory_space<vmem>>
    %dma_wait3A_384 = arith.constant 0 : i32
    %dma_wait3A_385 = tpu.memref_slice %arg6[%dma_wait3A_380, %dma_wait3A_384] : memref<16x128xi32, #tpu.memory_space<vmem>> -> memref<1x128xi32, #tpu.memory_space<vmem>>
    %dma_wait3A_386 = tpu.memref_squeeze %dma_wait3A_385 : memref<1x128xi32, #tpu.memory_space<vmem>> -> memref<128xi32, #tpu.memory_space<vmem>>
    %dma_wait3A_387 = arith.constant 0 : i32
    %dma_wait3A_388 = arith.constant 0 : i32
    %dma_wait3A_389 = tpu.memref_slice %arg2[%dma_wait3A_387, %dma_wait3A_388] : memref<32768x128xf32, #tpu.memory_space<hbm>> -> memref<32768x128xf32, #tpu.memory_space<hbm>>
    tpu.wait_indirect_dma semaphore(%arg10 : memref<!tpu.dma_semaphore, #tpu.memory_space<semaphore_mem>>) src(%dma_wait3A_389 : memref<32768x128xf32, #tpu.memory_space<hbm>>) dst(%dma_wait3A_383 : memref<128x128xf32, #tpu.memory_space<vmem>>)
    %dma_wait3A_390 = arith.constant 5 : i32
    %dma_wait3A_391 = arith.constant 128 : i32
    %dma_wait3A_392 = arith.constant 0 : i32
    %dma_wait3A_393 = tpu.memref_slice %arg8[%dma_wait3A_391, %dma_wait3A_392] : memref<256x128xf32, #tpu.memory_space<vmem>> -> memref<128x128xf32, #tpu.memory_space<vmem>>
    %dma_wait3A_394 = arith.constant 0 : i32
    %dma_wait3A_395 = tpu.memref_slice %arg6[%dma_wait3A_390, %dma_wait3A_394] : memref<16x128xi32, #tpu.memory_space<vmem>> -> memref<1x128xi32, #tpu.memory_space<vmem>>
    %dma_wait3A_396 = tpu.memref_squeeze %dma_wait3A_395 : memref<1x128xi32, #tpu.memory_space<vmem>> -> memref<128xi32, #tpu.memory_space<vmem>>
    %dma_wait3A_397 = arith.constant 0 : i32
    %dma_wait3A_398 = arith.constant 0 : i32
    %dma_wait3A_399 = tpu.memref_slice %arg2[%dma_wait3A_397, %dma_wait3A_398] : memref<32768x128xf32, #tpu.memory_space<hbm>> -> memref<32768x128xf32, #tpu.memory_space<hbm>>
    tpu.wait_indirect_dma semaphore(%arg10 : memref<!tpu.dma_semaphore, #tpu.memory_space<semaphore_mem>>) src(%dma_wait3A_399 : memref<32768x128xf32, #tpu.memory_space<hbm>>) dst(%dma_wait3A_393 : memref<128x128xf32, #tpu.memory_space<vmem>>)
    %get3A_400 = arith.constant 4 : i32
    %get3A_401 = arith.index_cast %get3A_400 : i32 to index
    %get3A_402 = arith.constant 0 : index
    %get3A_403 = tpu.vector_load %arg7[%get3A_401, %get3A_402] {strides = array<i32>} : memref<16x128xf32, #tpu.memory_space<vmem>>, vector<16xf32>,
    %iota3A_404 = tpu.iota {dimensions = array<i32: 0>} : vector<16xi32>
    %add3A_405 = arith.constant 0 : i32
    %add3A_406 = vector.broadcast %add3A_405 : i32 to vector<16xi32>
    %add3A_407 = arith.addi %iota3A_404, %add3A_406 : vector<16xi32>
    tpu.vector_store_idx %arg8[%add3A_407, %broadcast_in_dim3A_3], %get3A_403 : memref<256x128xf32, #tpu.memory_space<vmem>>[vector<16xi32>, vector<16xi32>], vector<16xf32>,
    %get3A_408 = arith.constant 4 : i32
    %get3A_409 = arith.index_cast %get3A_408 : i32 to index
    %get3A_410 = arith.constant 16 : index
    %get3A_411 = tpu.vector_load %arg7[%get3A_409, %get3A_410] {strides = array<i32>} : memref<16x128xf32, #tpu.memory_space<vmem>>, vector<16xf32>,
    %iota3A_412 = tpu.iota {dimensions = array<i32: 0>} : vector<16xi32>
    %add3A_413 = arith.constant 16 : i32
    %add3A_414 = vector.broadcast %add3A_413 : i32 to vector<16xi32>
    %add3A_415 = arith.addi %iota3A_412, %add3A_414 : vector<16xi32>
    tpu.vector_store_idx %arg8[%add3A_415, %broadcast_in_dim3A_3], %get3A_411 : memref<256x128xf32, #tpu.memory_space<vmem>>[vector<16xi32>, vector<16xi32>], vector<16xf32>,
    %get3A_416 = arith.constant 4 : i32
    %get3A_417 = arith.index_cast %get3A_416 : i32 to index
    %get3A_418 = arith.constant 32 : index
    %get3A_419 = tpu.vector_load %arg7[%get3A_417, %get3A_418] {strides = array<i32>} : memref<16x128xf32, #tpu.memory_space<vmem>>, vector<16xf32>,
    %iota3A_420 = tpu.iota {dimensions = array<i32: 0>} : vector<16xi32>
    %add3A_421 = arith.constant 32 : i32
    %add3A_422 = vector.broadcast %add3A_421 : i32 to vector<16xi32>
    %add3A_423 = arith.addi %iota3A_420, %add3A_422 : vector<16xi32>
    tpu.vector_store_idx %arg8[%add3A_423, %broadcast_in_dim3A_3], %get3A_419 : memref<256x128xf32, #tpu.memory_space<vmem>>[vector<16xi32>, vector<16xi32>], vector<16xf32>,
    %get3A_424 = arith.constant 4 : i32
    %get3A_425 = arith.index_cast %get3A_424 : i32 to index
    %get3A_426 = arith.constant 48 : index
    %get3A_427 = tpu.vector_load %arg7[%get3A_425, %get3A_426] {strides = array<i32>} : memref<16x128xf32, #tpu.memory_space<vmem>>, vector<16xf32>,
    %iota3A_428 = tpu.iota {dimensions = array<i32: 0>} : vector<16xi32>
    %add3A_429 = arith.constant 48 : i32
    %add3A_430 = vector.broadcast %add3A_429 : i32 to vector<16xi32>
    %add3A_431 = arith.addi %iota3A_428, %add3A_430 : vector<16xi32>
    tpu.vector_store_idx %arg8[%add3A_431, %broadcast_in_dim3A_3], %get3A_427 : memref<256x128xf32, #tpu.memory_space<vmem>>[vector<16xi32>, vector<16xi32>], vector<16xf32>,
    %get3A_432 = arith.constant 4 : i32
    %get3A_433 = arith.index_cast %get3A_432 : i32 to index
    %get3A_434 = arith.constant 64 : index
    %get3A_435 = tpu.vector_load %arg7[%get3A_433, %get3A_434] {strides = array<i32>} : memref<16x128xf32, #tpu.memory_space<vmem>>, vector<16xf32>,
    %iota3A_436 = tpu.iota {dimensions = array<i32: 0>} : vector<16xi32>
    %add3A_437 = arith.constant 64 : i32
    %add3A_438 = vector.broadcast %add3A_437 : i32 to vector<16xi32>
    %add3A_439 = arith.addi %iota3A_436, %add3A_438 : vector<16xi32>
    tpu.vector_store_idx %arg8[%add3A_439, %broadcast_in_dim3A_3], %get3A_435 : memref<256x128xf32, #tpu.memory_space<vmem>>[vector<16xi32>, vector<16xi32>], vector<16xf32>,
    %get3A_440 = arith.constant 4 : i32
    %get3A_441 = arith.index_cast %get3A_440 : i32 to index
    %get3A_442 = arith.constant 80 : index
    %get3A_443 = tpu.vector_load %arg7[%get3A_441, %get3A_442] {strides = array<i32>} : memref<16x128xf32, #tpu.memory_space<vmem>>, vector<16xf32>,
    %iota3A_444 = tpu.iota {dimensions = array<i32: 0>} : vector<16xi32>
    %add3A_445 = arith.constant 80 : i32
    %add3A_446 = vector.broadcast %add3A_445 : i32 to vector<16xi32>
    %add3A_447 = arith.addi %iota3A_444, %add3A_446 : vector<16xi32>
    tpu.vector_store_idx %arg8[%add3A_447, %broadcast_in_dim3A_3], %get3A_443 : memref<256x128xf32, #tpu.memory_space<vmem>>[vector<16xi32>, vector<16xi32>], vector<16xf32>,
    %get3A_448 = arith.constant 4 : i32
    %get3A_449 = arith.index_cast %get3A_448 : i32 to index
    %get3A_450 = arith.constant 96 : index
    %get3A_451 = tpu.vector_load %arg7[%get3A_449, %get3A_450] {strides = array<i32>} : memref<16x128xf32, #tpu.memory_space<vmem>>, vector<16xf32>,
    %iota3A_452 = tpu.iota {dimensions = array<i32: 0>} : vector<16xi32>
    %add3A_453 = arith.constant 96 : i32
    %add3A_454 = vector.broadcast %add3A_453 : i32 to vector<16xi32>
    %add3A_455 = arith.addi %iota3A_452, %add3A_454 : vector<16xi32>
    tpu.vector_store_idx %arg8[%add3A_455, %broadcast_in_dim3A_3], %get3A_451 : memref<256x128xf32, #tpu.memory_space<vmem>>[vector<16xi32>, vector<16xi32>], vector<16xf32>,
    %get3A_456 = arith.constant 4 : i32
    %get3A_457 = arith.index_cast %get3A_456 : i32 to index
    %get3A_458 = arith.constant 112 : index
    %get3A_459 = tpu.vector_load %arg7[%get3A_457, %get3A_458] {strides = array<i32>} : memref<16x128xf32, #tpu.memory_space<vmem>>, vector<16xf32>,
    %iota3A_460 = tpu.iota {dimensions = array<i32: 0>} : vector<16xi32>
    %add3A_461 = arith.constant 112 : i32
    %add3A_462 = vector.broadcast %add3A_461 : i32 to vector<16xi32>
    %add3A_463 = arith.addi %iota3A_460, %add3A_462 : vector<16xi32>
    tpu.vector_store_idx %arg8[%add3A_463, %broadcast_in_dim3A_3], %get3A_459 : memref<256x128xf32, #tpu.memory_space<vmem>>[vector<16xi32>, vector<16xi32>], vector<16xf32>,
    %get3A_464 = arith.constant 5 : i32
    %get3A_465 = arith.index_cast %get3A_464 : i32 to index
    %get3A_466 = arith.constant 0 : index
    %get3A_467 = tpu.vector_load %arg7[%get3A_465, %get3A_466] {strides = array<i32>} : memref<16x128xf32, #tpu.memory_space<vmem>>, vector<16xf32>,
    %iota3A_468 = tpu.iota {dimensions = array<i32: 0>} : vector<16xi32>
    %add3A_469 = arith.constant 128 : i32
    %add3A_470 = vector.broadcast %add3A_469 : i32 to vector<16xi32>
    %add3A_471 = arith.addi %iota3A_468, %add3A_470 : vector<16xi32>
    tpu.vector_store_idx %arg8[%add3A_471, %broadcast_in_dim3A_3], %get3A_467 : memref<256x128xf32, #tpu.memory_space<vmem>>[vector<16xi32>, vector<16xi32>], vector<16xf32>,
    %get3A_472 = arith.constant 5 : i32
    %get3A_473 = arith.index_cast %get3A_472 : i32 to index
    %get3A_474 = arith.constant 16 : index
    %get3A_475 = tpu.vector_load %arg7[%get3A_473, %get3A_474] {strides = array<i32>} : memref<16x128xf32, #tpu.memory_space<vmem>>, vector<16xf32>,
    %iota3A_476 = tpu.iota {dimensions = array<i32: 0>} : vector<16xi32>
    %add3A_477 = arith.constant 144 : i32
    %add3A_478 = vector.broadcast %add3A_477 : i32 to vector<16xi32>
    %add3A_479 = arith.addi %iota3A_476, %add3A_478 : vector<16xi32>
    tpu.vector_store_idx %arg8[%add3A_479, %broadcast_in_dim3A_3], %get3A_475 : memref<256x128xf32, #tpu.memory_space<vmem>>[vector<16xi32>, vector<16xi32>], vector<16xf32>,
    %get3A_480 = arith.constant 5 : i32
    %get3A_481 = arith.index_cast %get3A_480 : i32 to index
    %get3A_482 = arith.constant 32 : index
    %get3A_483 = tpu.vector_load %arg7[%get3A_481, %get3A_482] {strides = array<i32>} : memref<16x128xf32, #tpu.memory_space<vmem>>, vector<16xf32>,
    %iota3A_484 = tpu.iota {dimensions = array<i32: 0>} : vector<16xi32>
    %add3A_485 = arith.constant 160 : i32
    %add3A_486 = vector.broadcast %add3A_485 : i32 to vector<16xi32>
    %add3A_487 = arith.addi %iota3A_484, %add3A_486 : vector<16xi32>
    tpu.vector_store_idx %arg8[%add3A_487, %broadcast_in_dim3A_3], %get3A_483 : memref<256x128xf32, #tpu.memory_space<vmem>>[vector<16xi32>, vector<16xi32>], vector<16xf32>,
    %get3A_488 = arith.constant 5 : i32
    %get3A_489 = arith.index_cast %get3A_488 : i32 to index
    %get3A_490 = arith.constant 48 : index
    %get3A_491 = tpu.vector_load %arg7[%get3A_489, %get3A_490] {strides = array<i32>} : memref<16x128xf32, #tpu.memory_space<vmem>>, vector<16xf32>,
    %iota3A_492 = tpu.iota {dimensions = array<i32: 0>} : vector<16xi32>
    %add3A_493 = arith.constant 176 : i32
    %add3A_494 = vector.broadcast %add3A_493 : i32 to vector<16xi32>
    %add3A_495 = arith.addi %iota3A_492, %add3A_494 : vector<16xi32>
    tpu.vector_store_idx %arg8[%add3A_495, %broadcast_in_dim3A_3], %get3A_491 : memref<256x128xf32, #tpu.memory_space<vmem>>[vector<16xi32>, vector<16xi32>], vector<16xf32>,
    %get3A_496 = arith.constant 5 : i32
    %get3A_497 = arith.index_cast %get3A_496 : i32 to index
    %get3A_498 = arith.constant 64 : index
    %get3A_499 = tpu.vector_load %arg7[%get3A_497, %get3A_498] {strides = array<i32>} : memref<16x128xf32, #tpu.memory_space<vmem>>, vector<16xf32>,
    %iota3A_500 = tpu.iota {dimensions = array<i32: 0>} : vector<16xi32>
    %add3A_501 = arith.constant 192 : i32
    %add3A_502 = vector.broadcast %add3A_501 : i32 to vector<16xi32>
    %add3A_503 = arith.addi %iota3A_500, %add3A_502 : vector<16xi32>
    tpu.vector_store_idx %arg8[%add3A_503, %broadcast_in_dim3A_3], %get3A_499 : memref<256x128xf32, #tpu.memory_space<vmem>>[vector<16xi32>, vector<16xi32>], vector<16xf32>,
    %get3A_504 = arith.constant 5 : i32
    %get3A_505 = arith.index_cast %get3A_504 : i32 to index
    %get3A_506 = arith.constant 80 : index
    %get3A_507 = tpu.vector_load %arg7[%get3A_505, %get3A_506] {strides = array<i32>} : memref<16x128xf32, #tpu.memory_space<vmem>>, vector<16xf32>,
    %iota3A_508 = tpu.iota {dimensions = array<i32: 0>} : vector<16xi32>
    %add3A_509 = arith.constant 208 : i32
    %add3A_510 = vector.broadcast %add3A_509 : i32 to vector<16xi32>
    %add3A_511 = arith.addi %iota3A_508, %add3A_510 : vector<16xi32>
    tpu.vector_store_idx %arg8[%add3A_511, %broadcast_in_dim3A_3], %get3A_507 : memref<256x128xf32, #tpu.memory_space<vmem>>[vector<16xi32>, vector<16xi32>], vector<16xf32>,
    %get3A_512 = arith.constant 5 : i32
    %get3A_513 = arith.index_cast %get3A_512 : i32 to index
    %get3A_514 = arith.constant 96 : index
    %get3A_515 = tpu.vector_load %arg7[%get3A_513, %get3A_514] {strides = array<i32>} : memref<16x128xf32, #tpu.memory_space<vmem>>, vector<16xf32>,
    %iota3A_516 = tpu.iota {dimensions = array<i32: 0>} : vector<16xi32>
    %add3A_517 = arith.constant 224 : i32
    %add3A_518 = vector.broadcast %add3A_517 : i32 to vector<16xi32>
    %add3A_519 = arith.addi %iota3A_516, %add3A_518 : vector<16xi32>
    tpu.vector_store_idx %arg8[%add3A_519, %broadcast_in_dim3A_3], %get3A_515 : memref<256x128xf32, #tpu.memory_space<vmem>>[vector<16xi32>, vector<16xi32>], vector<16xf32>,
    %get3A_520 = arith.constant 5 : i32
    %get3A_521 = arith.index_cast %get3A_520 : i32 to index
    %get3A_522 = arith.constant 112 : index
    %get3A_523 = tpu.vector_load %arg7[%get3A_521, %get3A_522] {strides = array<i32>} : memref<16x128xf32, #tpu.memory_space<vmem>>, vector<16xf32>,
    %iota3A_524 = tpu.iota {dimensions = array<i32: 0>} : vector<16xi32>
    %add3A_525 = arith.constant 240 : i32
    %add3A_526 = vector.broadcast %add3A_525 : i32 to vector<16xi32>
    %add3A_527 = arith.addi %iota3A_524, %add3A_526 : vector<16xi32>
    tpu.vector_store_idx %arg8[%add3A_527, %broadcast_in_dim3A_3], %get3A_523 : memref<256x128xf32, #tpu.memory_space<vmem>>[vector<16xi32>, vector<16xi32>], vector<16xf32>,
    %add3A_528 = arith.constant 512 : i32
    %add3A_529 = arith.addi %mul3A_2, %add3A_528 : i32
    "tpu.region"() ({
      %run_scoped3A = tpu.sem_alloc : memref<!tpu.dma_semaphore, #tpu.memory_space<semaphore_mem>>
      %dma_start3A_1360 = arith.constant 0 : i32
      %dma_start3A_1361 = tpu.memref_slice %arg5[%add3A_529, %dma_start3A_1360] : memref<65536x128xf32, #tpu.memory_space<hbm>> -> memref<256x128xf32, #tpu.memory_space<hbm>>
      %dma_start3A_1362 = arith.constant 0 : i32
      %dma_start3A_1363 = tpu.memref_slice %arg5[%add3A_529, %dma_start3A_1362] : memref<65536x128xf32, #tpu.memory_space<hbm>> -> memref<256x128xf32, #tpu.memory_space<hbm>>
      tpu.enqueue_dma source(%arg8 : memref<256x128xf32, #tpu.memory_space<vmem>>) target(%dma_start3A_1363 : memref<256x128xf32, #tpu.memory_space<hbm>>) target_semaphore(%run_scoped3A : memref<!tpu.dma_semaphore, #tpu.memory_space<semaphore_mem>>)
      %dma_wait3A_1364 = arith.constant 0 : i32
      %dma_wait3A_1365 = tpu.memref_slice %arg5[%add3A_529, %dma_wait3A_1364] : memref<65536x128xf32, #tpu.memory_space<hbm>> -> memref<256x128xf32, #tpu.memory_space<hbm>>
      %dma_wait3A_1366 = arith.constant 0 : i32
      %dma_wait3A_1367 = tpu.memref_slice %arg5[%add3A_529, %dma_wait3A_1366] : memref<65536x128xf32, #tpu.memory_space<hbm>> -> memref<256x128xf32, #tpu.memory_space<hbm>>
      tpu.wait_dma2 semaphore(%run_scoped3A : memref<!tpu.dma_semaphore, #tpu.memory_space<semaphore_mem>>) src(%arg8 : memref<256x128xf32, #tpu.memory_space<vmem>>) dst(%dma_wait3A_1367 : memref<256x128xf32, #tpu.memory_space<hbm>>)
      tpu.yield
    }) : () -> ()
    %dma_start3A_530 = arith.constant 8 : i32
    %dma_start3A_531 = arith.constant 0 : i32
    %dma_start3A_532 = arith.constant 0 : i32
    %dma_start3A_533 = tpu.memref_slice %arg8[%dma_start3A_531, %dma_start3A_532] : memref<256x128xf32, #tpu.memory_space<vmem>> -> memref<128x128xf32, #tpu.memory_space<vmem>>
    %dma_start3A_534 = arith.constant 0 : i32
    %dma_start3A_535 = tpu.memref_slice %arg6[%dma_start3A_530, %dma_start3A_534] : memref<16x128xi32, #tpu.memory_space<vmem>> -> memref<1x128xi32, #tpu.memory_space<vmem>>
    %dma_start3A_536 = tpu.memref_squeeze %dma_start3A_535 : memref<1x128xi32, #tpu.memory_space<vmem>> -> memref<128xi32, #tpu.memory_space<vmem>>
    %dma_start3A_537 = arith.constant 0 : i32
    %dma_start3A_538 = arith.constant 0 : i32
    %dma_start3A_539 = tpu.memref_slice %arg2[%dma_start3A_537, %dma_start3A_538] : memref<32768x128xf32, #tpu.memory_space<hbm>> -> memref<32768x128xf32, #tpu.memory_space<hbm>>
    tpu.enqueue_indirect_dma source(%dma_start3A_539 : memref<32768x128xf32, #tpu.memory_space<hbm>>) target(%dma_start3A_533 : memref<128x128xf32, #tpu.memory_space<vmem>>) offsets(%dma_start3A_536 : memref<128xi32, #tpu.memory_space<vmem>>) semaphore(%arg10 : memref<!tpu.dma_semaphore, #tpu.memory_space<semaphore_mem>>)
    %dma_start3A_540 = arith.constant 9 : i32
    %dma_start3A_541 = arith.constant 128 : i32
    %dma_start3A_542 = arith.constant 0 : i32
    %dma_start3A_543 = tpu.memref_slice %arg8[%dma_start3A_541, %dma_start3A_542] : memref<256x128xf32, #tpu.memory_space<vmem>> -> memref<128x128xf32, #tpu.memory_space<vmem>>
    %dma_start3A_544 = arith.constant 0 : i32
    %dma_start3A_545 = tpu.memref_slice %arg6[%dma_start3A_540, %dma_start3A_544] : memref<16x128xi32, #tpu.memory_space<vmem>> -> memref<1x128xi32, #tpu.memory_space<vmem>>
    %dma_start3A_546 = tpu.memref_squeeze %dma_start3A_545 : memref<1x128xi32, #tpu.memory_space<vmem>> -> memref<128xi32, #tpu.memory_space<vmem>>
    %dma_start3A_547 = arith.constant 0 : i32
    %dma_start3A_548 = arith.constant 0 : i32
    %dma_start3A_549 = tpu.memref_slice %arg2[%dma_start3A_547, %dma_start3A_548] : memref<32768x128xf32, #tpu.memory_space<hbm>> -> memref<32768x128xf32, #tpu.memory_space<hbm>>
    tpu.enqueue_indirect_dma source(%dma_start3A_549 : memref<32768x128xf32, #tpu.memory_space<hbm>>) target(%dma_start3A_543 : memref<128x128xf32, #tpu.memory_space<vmem>>) offsets(%dma_start3A_546 : memref<128xi32, #tpu.memory_space<vmem>>) semaphore(%arg10 : memref<!tpu.dma_semaphore, #tpu.memory_space<semaphore_mem>>)
    %dma_wait3A_550 = arith.constant 6 : i32
    %dma_wait3A_551 = arith.constant 0 : i32
    %dma_wait3A_552 = arith.constant 0 : i32
    %dma_wait3A_553 = tpu.memref_slice %arg9[%dma_wait3A_551, %dma_wait3A_552] : memref<256x128xf32, #tpu.memory_space<vmem>> -> memref<128x128xf32, #tpu.memory_space<vmem>>
    %dma_wait3A_554 = arith.constant 0 : i32
    %dma_wait3A_555 = tpu.memref_slice %arg6[%dma_wait3A_550, %dma_wait3A_554] : memref<16x128xi32, #tpu.memory_space<vmem>> -> memref<1x128xi32, #tpu.memory_space<vmem>>
    %dma_wait3A_556 = tpu.memref_squeeze %dma_wait3A_555 : memref<1x128xi32, #tpu.memory_space<vmem>> -> memref<128xi32, #tpu.memory_space<vmem>>
    %dma_wait3A_557 = arith.constant 0 : i32
    %dma_wait3A_558 = arith.constant 0 : i32
    %dma_wait3A_559 = tpu.memref_slice %arg2[%dma_wait3A_557, %dma_wait3A_558] : memref<32768x128xf32, #tpu.memory_space<hbm>> -> memref<32768x128xf32, #tpu.memory_space<hbm>>
    tpu.wait_indirect_dma semaphore(%arg11 : memref<!tpu.dma_semaphore, #tpu.memory_space<semaphore_mem>>) src(%dma_wait3A_559 : memref<32768x128xf32, #tpu.memory_space<hbm>>) dst(%dma_wait3A_553 : memref<128x128xf32, #tpu.memory_space<vmem>>)
    %dma_wait3A_560 = arith.constant 7 : i32
    %dma_wait3A_561 = arith.constant 128 : i32
    %dma_wait3A_562 = arith.constant 0 : i32
    %dma_wait3A_563 = tpu.memref_slice %arg9[%dma_wait3A_561, %dma_wait3A_562] : memref<256x128xf32, #tpu.memory_space<vmem>> -> memref<128x128xf32, #tpu.memory_space<vmem>>
    %dma_wait3A_564 = arith.constant 0 : i32
    %dma_wait3A_565 = tpu.memref_slice %arg6[%dma_wait3A_560, %dma_wait3A_564] : memref<16x128xi32, #tpu.memory_space<vmem>> -> memref<1x128xi32, #tpu.memory_space<vmem>>
    %dma_wait3A_566 = tpu.memref_squeeze %dma_wait3A_565 : memref<1x128xi32, #tpu.memory_space<vmem>> -> memref<128xi32, #tpu.memory_space<vmem>>
    %dma_wait3A_567 = arith.constant 0 : i32
    %dma_wait3A_568 = arith.constant 0 : i32
    %dma_wait3A_569 = tpu.memref_slice %arg2[%dma_wait3A_567, %dma_wait3A_568] : memref<32768x128xf32, #tpu.memory_space<hbm>> -> memref<32768x128xf32, #tpu.memory_space<hbm>>
    tpu.wait_indirect_dma semaphore(%arg11 : memref<!tpu.dma_semaphore, #tpu.memory_space<semaphore_mem>>) src(%dma_wait3A_569 : memref<32768x128xf32, #tpu.memory_space<hbm>>) dst(%dma_wait3A_563 : memref<128x128xf32, #tpu.memory_space<vmem>>)
    %get3A_570 = arith.constant 6 : i32
    %get3A_571 = arith.index_cast %get3A_570 : i32 to index
    %get3A_572 = arith.constant 0 : index
    %get3A_573 = tpu.vector_load %arg7[%get3A_571, %get3A_572] {strides = array<i32>} : memref<16x128xf32, #tpu.memory_space<vmem>>, vector<16xf32>,
    %iota3A_574 = tpu.iota {dimensions = array<i32: 0>} : vector<16xi32>
    %add3A_575 = arith.constant 0 : i32
    %add3A_576 = vector.broadcast %add3A_575 : i32 to vector<16xi32>
    %add3A_577 = arith.addi %iota3A_574, %add3A_576 : vector<16xi32>
    tpu.vector_store_idx %arg9[%add3A_577, %broadcast_in_dim3A_3], %get3A_573 : memref<256x128xf32, #tpu.memory_space<vmem>>[vector<16xi32>, vector<16xi32>], vector<16xf32>,
    %get3A_578 = arith.constant 6 : i32
    %get3A_579 = arith.index_cast %get3A_578 : i32 to index
    %get3A_580 = arith.constant 16 : index
    %get3A_581 = tpu.vector_load %arg7[%get3A_579, %get3A_580] {strides = array<i32>} : memref<16x128xf32, #tpu.memory_space<vmem>>, vector<16xf32>,
    %iota3A_582 = tpu.iota {dimensions = array<i32: 0>} : vector<16xi32>
    %add3A_583 = arith.constant 16 : i32
    %add3A_584 = vector.broadcast %add3A_583 : i32 to vector<16xi32>
    %add3A_585 = arith.addi %iota3A_582, %add3A_584 : vector<16xi32>
    tpu.vector_store_idx %arg9[%add3A_585, %broadcast_in_dim3A_3], %get3A_581 : memref<256x128xf32, #tpu.memory_space<vmem>>[vector<16xi32>, vector<16xi32>], vector<16xf32>,
    %get3A_586 = arith.constant 6 : i32
    %get3A_587 = arith.index_cast %get3A_586 : i32 to index
    %get3A_588 = arith.constant 32 : index
    %get3A_589 = tpu.vector_load %arg7[%get3A_587, %get3A_588] {strides = array<i32>} : memref<16x128xf32, #tpu.memory_space<vmem>>, vector<16xf32>,
    %iota3A_590 = tpu.iota {dimensions = array<i32: 0>} : vector<16xi32>
    %add3A_591 = arith.constant 32 : i32
    %add3A_592 = vector.broadcast %add3A_591 : i32 to vector<16xi32>
    %add3A_593 = arith.addi %iota3A_590, %add3A_592 : vector<16xi32>
    tpu.vector_store_idx %arg9[%add3A_593, %broadcast_in_dim3A_3], %get3A_589 : memref<256x128xf32, #tpu.memory_space<vmem>>[vector<16xi32>, vector<16xi32>], vector<16xf32>,
    %get3A_594 = arith.constant 6 : i32
    %get3A_595 = arith.index_cast %get3A_594 : i32 to index
    %get3A_596 = arith.constant 48 : index
    %get3A_597 = tpu.vector_load %arg7[%get3A_595, %get3A_596] {strides = array<i32>} : memref<16x128xf32, #tpu.memory_space<vmem>>, vector<16xf32>,
    %iota3A_598 = tpu.iota {dimensions = array<i32: 0>} : vector<16xi32>
    %add3A_599 = arith.constant 48 : i32
    %add3A_600 = vector.broadcast %add3A_599 : i32 to vector<16xi32>
    %add3A_601 = arith.addi %iota3A_598, %add3A_600 : vector<16xi32>
    tpu.vector_store_idx %arg9[%add3A_601, %broadcast_in_dim3A_3], %get3A_597 : memref<256x128xf32, #tpu.memory_space<vmem>>[vector<16xi32>, vector<16xi32>], vector<16xf32>,
    %get3A_602 = arith.constant 6 : i32
    %get3A_603 = arith.index_cast %get3A_602 : i32 to index
    %get3A_604 = arith.constant 64 : index
    %get3A_605 = tpu.vector_load %arg7[%get3A_603, %get3A_604] {strides = array<i32>} : memref<16x128xf32, #tpu.memory_space<vmem>>, vector<16xf32>,
    %iota3A_606 = tpu.iota {dimensions = array<i32: 0>} : vector<16xi32>
    %add3A_607 = arith.constant 64 : i32
    %add3A_608 = vector.broadcast %add3A_607 : i32 to vector<16xi32>
    %add3A_609 = arith.addi %iota3A_606, %add3A_608 : vector<16xi32>
    tpu.vector_store_idx %arg9[%add3A_609, %broadcast_in_dim3A_3], %get3A_605 : memref<256x128xf32, #tpu.memory_space<vmem>>[vector<16xi32>, vector<16xi32>], vector<16xf32>,
    %get3A_610 = arith.constant 6 : i32
    %get3A_611 = arith.index_cast %get3A_610 : i32 to index
    %get3A_612 = arith.constant 80 : index
    %get3A_613 = tpu.vector_load %arg7[%get3A_611, %get3A_612] {strides = array<i32>} : memref<16x128xf32, #tpu.memory_space<vmem>>, vector<16xf32>,
    %iota3A_614 = tpu.iota {dimensions = array<i32: 0>} : vector<16xi32>
    %add3A_615 = arith.constant 80 : i32
    %add3A_616 = vector.broadcast %add3A_615 : i32 to vector<16xi32>
    %add3A_617 = arith.addi %iota3A_614, %add3A_616 : vector<16xi32>
    tpu.vector_store_idx %arg9[%add3A_617, %broadcast_in_dim3A_3], %get3A_613 : memref<256x128xf32, #tpu.memory_space<vmem>>[vector<16xi32>, vector<16xi32>], vector<16xf32>,
    %get3A_618 = arith.constant 6 : i32
    %get3A_619 = arith.index_cast %get3A_618 : i32 to index
    %get3A_620 = arith.constant 96 : index
    %get3A_621 = tpu.vector_load %arg7[%get3A_619, %get3A_620] {strides = array<i32>} : memref<16x128xf32, #tpu.memory_space<vmem>>, vector<16xf32>,
    %iota3A_622 = tpu.iota {dimensions = array<i32: 0>} : vector<16xi32>
    %add3A_623 = arith.constant 96 : i32
    %add3A_624 = vector.broadcast %add3A_623 : i32 to vector<16xi32>
    %add3A_625 = arith.addi %iota3A_622, %add3A_624 : vector<16xi32>
    tpu.vector_store_idx %arg9[%add3A_625, %broadcast_in_dim3A_3], %get3A_621 : memref<256x128xf32, #tpu.memory_space<vmem>>[vector<16xi32>, vector<16xi32>], vector<16xf32>,
    %get3A_626 = arith.constant 6 : i32
    %get3A_627 = arith.index_cast %get3A_626 : i32 to index
    %get3A_628 = arith.constant 112 : index
    %get3A_629 = tpu.vector_load %arg7[%get3A_627, %get3A_628] {strides = array<i32>} : memref<16x128xf32, #tpu.memory_space<vmem>>, vector<16xf32>,
    %iota3A_630 = tpu.iota {dimensions = array<i32: 0>} : vector<16xi32>
    %add3A_631 = arith.constant 112 : i32
    %add3A_632 = vector.broadcast %add3A_631 : i32 to vector<16xi32>
    %add3A_633 = arith.addi %iota3A_630, %add3A_632 : vector<16xi32>
    tpu.vector_store_idx %arg9[%add3A_633, %broadcast_in_dim3A_3], %get3A_629 : memref<256x128xf32, #tpu.memory_space<vmem>>[vector<16xi32>, vector<16xi32>], vector<16xf32>,
    %get3A_634 = arith.constant 7 : i32
    %get3A_635 = arith.index_cast %get3A_634 : i32 to index
    %get3A_636 = arith.constant 0 : index
    %get3A_637 = tpu.vector_load %arg7[%get3A_635, %get3A_636] {strides = array<i32>} : memref<16x128xf32, #tpu.memory_space<vmem>>, vector<16xf32>,
    %iota3A_638 = tpu.iota {dimensions = array<i32: 0>} : vector<16xi32>
    %add3A_639 = arith.constant 128 : i32
    %add3A_640 = vector.broadcast %add3A_639 : i32 to vector<16xi32>
    %add3A_641 = arith.addi %iota3A_638, %add3A_640 : vector<16xi32>
    tpu.vector_store_idx %arg9[%add3A_641, %broadcast_in_dim3A_3], %get3A_637 : memref<256x128xf32, #tpu.memory_space<vmem>>[vector<16xi32>, vector<16xi32>], vector<16xf32>,
    %get3A_642 = arith.constant 7 : i32
    %get3A_643 = arith.index_cast %get3A_642 : i32 to index
    %get3A_644 = arith.constant 16 : index
    %get3A_645 = tpu.vector_load %arg7[%get3A_643, %get3A_644] {strides = array<i32>} : memref<16x128xf32, #tpu.memory_space<vmem>>, vector<16xf32>,
    %iota3A_646 = tpu.iota {dimensions = array<i32: 0>} : vector<16xi32>
    %add3A_647 = arith.constant 144 : i32
    %add3A_648 = vector.broadcast %add3A_647 : i32 to vector<16xi32>
    %add3A_649 = arith.addi %iota3A_646, %add3A_648 : vector<16xi32>
    tpu.vector_store_idx %arg9[%add3A_649, %broadcast_in_dim3A_3], %get3A_645 : memref<256x128xf32, #tpu.memory_space<vmem>>[vector<16xi32>, vector<16xi32>], vector<16xf32>,
    %get3A_650 = arith.constant 7 : i32
    %get3A_651 = arith.index_cast %get3A_650 : i32 to index
    %get3A_652 = arith.constant 32 : index
    %get3A_653 = tpu.vector_load %arg7[%get3A_651, %get3A_652] {strides = array<i32>} : memref<16x128xf32, #tpu.memory_space<vmem>>, vector<16xf32>,
    %iota3A_654 = tpu.iota {dimensions = array<i32: 0>} : vector<16xi32>
    %add3A_655 = arith.constant 160 : i32
    %add3A_656 = vector.broadcast %add3A_655 : i32 to vector<16xi32>
    %add3A_657 = arith.addi %iota3A_654, %add3A_656 : vector<16xi32>
    tpu.vector_store_idx %arg9[%add3A_657, %broadcast_in_dim3A_3], %get3A_653 : memref<256x128xf32, #tpu.memory_space<vmem>>[vector<16xi32>, vector<16xi32>], vector<16xf32>,
    %get3A_658 = arith.constant 7 : i32
    %get3A_659 = arith.index_cast %get3A_658 : i32 to index
    %get3A_660 = arith.constant 48 : index
    %get3A_661 = tpu.vector_load %arg7[%get3A_659, %get3A_660] {strides = array<i32>} : memref<16x128xf32, #tpu.memory_space<vmem>>, vector<16xf32>,
    %iota3A_662 = tpu.iota {dimensions = array<i32: 0>} : vector<16xi32>
    %add3A_663 = arith.constant 176 : i32
    %add3A_664 = vector.broadcast %add3A_663 : i32 to vector<16xi32>
    %add3A_665 = arith.addi %iota3A_662, %add3A_664 : vector<16xi32>
    tpu.vector_store_idx %arg9[%add3A_665, %broadcast_in_dim3A_3], %get3A_661 : memref<256x128xf32, #tpu.memory_space<vmem>>[vector<16xi32>, vector<16xi32>], vector<16xf32>,
    %get3A_666 = arith.constant 7 : i32
    %get3A_667 = arith.index_cast %get3A_666 : i32 to index
    %get3A_668 = arith.constant 64 : index
    %get3A_669 = tpu.vector_load %arg7[%get3A_667, %get3A_668] {strides = array<i32>} : memref<16x128xf32, #tpu.memory_space<vmem>>, vector<16xf32>,
    %iota3A_670 = tpu.iota {dimensions = array<i32: 0>} : vector<16xi32>
    %add3A_671 = arith.constant 192 : i32
    %add3A_672 = vector.broadcast %add3A_671 : i32 to vector<16xi32>
    %add3A_673 = arith.addi %iota3A_670, %add3A_672 : vector<16xi32>
    tpu.vector_store_idx %arg9[%add3A_673, %broadcast_in_dim3A_3], %get3A_669 : memref<256x128xf32, #tpu.memory_space<vmem>>[vector<16xi32>, vector<16xi32>], vector<16xf32>,
    %get3A_674 = arith.constant 7 : i32
    %get3A_675 = arith.index_cast %get3A_674 : i32 to index
    %get3A_676 = arith.constant 80 : index
    %get3A_677 = tpu.vector_load %arg7[%get3A_675, %get3A_676] {strides = array<i32>} : memref<16x128xf32, #tpu.memory_space<vmem>>, vector<16xf32>,
    %iota3A_678 = tpu.iota {dimensions = array<i32: 0>} : vector<16xi32>
    %add3A_679 = arith.constant 208 : i32
    %add3A_680 = vector.broadcast %add3A_679 : i32 to vector<16xi32>
    %add3A_681 = arith.addi %iota3A_678, %add3A_680 : vector<16xi32>
    tpu.vector_store_idx %arg9[%add3A_681, %broadcast_in_dim3A_3], %get3A_677 : memref<256x128xf32, #tpu.memory_space<vmem>>[vector<16xi32>, vector<16xi32>], vector<16xf32>,
    %get3A_682 = arith.constant 7 : i32
    %get3A_683 = arith.index_cast %get3A_682 : i32 to index
    %get3A_684 = arith.constant 96 : index
    %get3A_685 = tpu.vector_load %arg7[%get3A_683, %get3A_684] {strides = array<i32>} : memref<16x128xf32, #tpu.memory_space<vmem>>, vector<16xf32>,
    %iota3A_686 = tpu.iota {dimensions = array<i32: 0>} : vector<16xi32>
    %add3A_687 = arith.constant 224 : i32
    %add3A_688 = vector.broadcast %add3A_687 : i32 to vector<16xi32>
    %add3A_689 = arith.addi %iota3A_686, %add3A_688 : vector<16xi32>
    tpu.vector_store_idx %arg9[%add3A_689, %broadcast_in_dim3A_3], %get3A_685 : memref<256x128xf32, #tpu.memory_space<vmem>>[vector<16xi32>, vector<16xi32>], vector<16xf32>,
    %get3A_690 = arith.constant 7 : i32
    %get3A_691 = arith.index_cast %get3A_690 : i32 to index
    %get3A_692 = arith.constant 112 : index
    %get3A_693 = tpu.vector_load %arg7[%get3A_691, %get3A_692] {strides = array<i32>} : memref<16x128xf32, #tpu.memory_space<vmem>>, vector<16xf32>,
    %iota3A_694 = tpu.iota {dimensions = array<i32: 0>} : vector<16xi32>
    %add3A_695 = arith.constant 240 : i32
    %add3A_696 = vector.broadcast %add3A_695 : i32 to vector<16xi32>
    %add3A_697 = arith.addi %iota3A_694, %add3A_696 : vector<16xi32>
    tpu.vector_store_idx %arg9[%add3A_697, %broadcast_in_dim3A_3], %get3A_693 : memref<256x128xf32, #tpu.memory_space<vmem>>[vector<16xi32>, vector<16xi32>], vector<16xf32>,
    %add3A_698 = arith.constant 768 : i32
    %add3A_699 = arith.addi %mul3A_2, %add3A_698 : i32
    "tpu.region"() ({
      %run_scoped3A = tpu.sem_alloc : memref<!tpu.dma_semaphore, #tpu.memory_space<semaphore_mem>>
      %dma_start3A_1360 = arith.constant 0 : i32
      %dma_start3A_1361 = tpu.memref_slice %arg5[%add3A_699, %dma_start3A_1360] : memref<65536x128xf32, #tpu.memory_space<hbm>> -> memref<256x128xf32, #tpu.memory_space<hbm>>
      %dma_start3A_1362 = arith.constant 0 : i32
      %dma_start3A_1363 = tpu.memref_slice %arg5[%add3A_699, %dma_start3A_1362] : memref<65536x128xf32, #tpu.memory_space<hbm>> -> memref<256x128xf32, #tpu.memory_space<hbm>>
      tpu.enqueue_dma source(%arg9 : memref<256x128xf32, #tpu.memory_space<vmem>>) target(%dma_start3A_1363 : memref<256x128xf32, #tpu.memory_space<hbm>>) target_semaphore(%run_scoped3A : memref<!tpu.dma_semaphore, #tpu.memory_space<semaphore_mem>>)
      %dma_wait3A_1364 = arith.constant 0 : i32
      %dma_wait3A_1365 = tpu.memref_slice %arg5[%add3A_699, %dma_wait3A_1364] : memref<65536x128xf32, #tpu.memory_space<hbm>> -> memref<256x128xf32, #tpu.memory_space<hbm>>
      %dma_wait3A_1366 = arith.constant 0 : i32
      %dma_wait3A_1367 = tpu.memref_slice %arg5[%add3A_699, %dma_wait3A_1366] : memref<65536x128xf32, #tpu.memory_space<hbm>> -> memref<256x128xf32, #tpu.memory_space<hbm>>
      tpu.wait_dma2 semaphore(%run_scoped3A : memref<!tpu.dma_semaphore, #tpu.memory_space<semaphore_mem>>) src(%arg9 : memref<256x128xf32, #tpu.memory_space<vmem>>) dst(%dma_wait3A_1367 : memref<256x128xf32, #tpu.memory_space<hbm>>)
      tpu.yield
    }) : () -> ()
    %dma_start3A_700 = arith.constant 10 : i32
    %dma_start3A_701 = arith.constant 0 : i32
    %dma_start3A_702 = arith.constant 0 : i32
    %dma_start3A_703 = tpu.memref_slice %arg9[%dma_start3A_701, %dma_start3A_702] : memref<256x128xf32, #tpu.memory_space<vmem>> -> memref<128x128xf32, #tpu.memory_space<vmem>>
    %dma_start3A_704 = arith.constant 0 : i32
    %dma_start3A_705 = tpu.memref_slice %arg6[%dma_start3A_700, %dma_start3A_704] : memref<16x128xi32, #tpu.memory_space<vmem>> -> memref<1x128xi32, #tpu.memory_space<vmem>>
    %dma_start3A_706 = tpu.memref_squeeze %dma_start3A_705 : memref<1x128xi32, #tpu.memory_space<vmem>> -> memref<128xi32, #tpu.memory_space<vmem>>
    %dma_start3A_707 = arith.constant 0 : i32
    %dma_start3A_708 = arith.constant 0 : i32
    %dma_start3A_709 = tpu.memref_slice %arg2[%dma_start3A_707, %dma_start3A_708] : memref<32768x128xf32, #tpu.memory_space<hbm>> -> memref<32768x128xf32, #tpu.memory_space<hbm>>
    tpu.enqueue_indirect_dma source(%dma_start3A_709 : memref<32768x128xf32, #tpu.memory_space<hbm>>) target(%dma_start3A_703 : memref<128x128xf32, #tpu.memory_space<vmem>>) offsets(%dma_start3A_706 : memref<128xi32, #tpu.memory_space<vmem>>) semaphore(%arg11 : memref<!tpu.dma_semaphore, #tpu.memory_space<semaphore_mem>>)
    %dma_start3A_710 = arith.constant 11 : i32
    %dma_start3A_711 = arith.constant 128 : i32
    %dma_start3A_712 = arith.constant 0 : i32
    %dma_start3A_713 = tpu.memref_slice %arg9[%dma_start3A_711, %dma_start3A_712] : memref<256x128xf32, #tpu.memory_space<vmem>> -> memref<128x128xf32, #tpu.memory_space<vmem>>
    %dma_start3A_714 = arith.constant 0 : i32
    %dma_start3A_715 = tpu.memref_slice %arg6[%dma_start3A_710, %dma_start3A_714] : memref<16x128xi32, #tpu.memory_space<vmem>> -> memref<1x128xi32, #tpu.memory_space<vmem>>
    %dma_start3A_716 = tpu.memref_squeeze %dma_start3A_715 : memref<1x128xi32, #tpu.memory_space<vmem>> -> memref<128xi32, #tpu.memory_space<vmem>>
    %dma_start3A_717 = arith.constant 0 : i32
    %dma_start3A_718 = arith.constant 0 : i32
    %dma_start3A_719 = tpu.memref_slice %arg2[%dma_start3A_717, %dma_start3A_718] : memref<32768x128xf32, #tpu.memory_space<hbm>> -> memref<32768x128xf32, #tpu.memory_space<hbm>>
    tpu.enqueue_indirect_dma source(%dma_start3A_719 : memref<32768x128xf32, #tpu.memory_space<hbm>>) target(%dma_start3A_713 : memref<128x128xf32, #tpu.memory_space<vmem>>) offsets(%dma_start3A_716 : memref<128xi32, #tpu.memory_space<vmem>>) semaphore(%arg11 : memref<!tpu.dma_semaphore, #tpu.memory_space<semaphore_mem>>)
    %dma_wait3A_720 = arith.constant 8 : i32
    %dma_wait3A_721 = arith.constant 0 : i32
    %dma_wait3A_722 = arith.constant 0 : i32
    %dma_wait3A_723 = tpu.memref_slice %arg8[%dma_wait3A_721, %dma_wait3A_722] : memref<256x128xf32, #tpu.memory_space<vmem>> -> memref<128x128xf32, #tpu.memory_space<vmem>>
    %dma_wait3A_724 = arith.constant 0 : i32
    %dma_wait3A_725 = tpu.memref_slice %arg6[%dma_wait3A_720, %dma_wait3A_724] : memref<16x128xi32, #tpu.memory_space<vmem>> -> memref<1x128xi32, #tpu.memory_space<vmem>>
    %dma_wait3A_726 = tpu.memref_squeeze %dma_wait3A_725 : memref<1x128xi32, #tpu.memory_space<vmem>> -> memref<128xi32, #tpu.memory_space<vmem>>
    %dma_wait3A_727 = arith.constant 0 : i32
    %dma_wait3A_728 = arith.constant 0 : i32
    %dma_wait3A_729 = tpu.memref_slice %arg2[%dma_wait3A_727, %dma_wait3A_728] : memref<32768x128xf32, #tpu.memory_space<hbm>> -> memref<32768x128xf32, #tpu.memory_space<hbm>>
    tpu.wait_indirect_dma semaphore(%arg10 : memref<!tpu.dma_semaphore, #tpu.memory_space<semaphore_mem>>) src(%dma_wait3A_729 : memref<32768x128xf32, #tpu.memory_space<hbm>>) dst(%dma_wait3A_723 : memref<128x128xf32, #tpu.memory_space<vmem>>)
    %dma_wait3A_730 = arith.constant 9 : i32
    %dma_wait3A_731 = arith.constant 128 : i32
    %dma_wait3A_732 = arith.constant 0 : i32
    %dma_wait3A_733 = tpu.memref_slice %arg8[%dma_wait3A_731, %dma_wait3A_732] : memref<256x128xf32, #tpu.memory_space<vmem>> -> memref<128x128xf32, #tpu.memory_space<vmem>>
    %dma_wait3A_734 = arith.constant 0 : i32
    %dma_wait3A_735 = tpu.memref_slice %arg6[%dma_wait3A_730, %dma_wait3A_734] : memref<16x128xi32, #tpu.memory_space<vmem>> -> memref<1x128xi32, #tpu.memory_space<vmem>>
    %dma_wait3A_736 = tpu.memref_squeeze %dma_wait3A_735 : memref<1x128xi32, #tpu.memory_space<vmem>> -> memref<128xi32, #tpu.memory_space<vmem>>
    %dma_wait3A_737 = arith.constant 0 : i32
    %dma_wait3A_738 = arith.constant 0 : i32
    %dma_wait3A_739 = tpu.memref_slice %arg2[%dma_wait3A_737, %dma_wait3A_738] : memref<32768x128xf32, #tpu.memory_space<hbm>> -> memref<32768x128xf32, #tpu.memory_space<hbm>>
    tpu.wait_indirect_dma semaphore(%arg10 : memref<!tpu.dma_semaphore, #tpu.memory_space<semaphore_mem>>) src(%dma_wait3A_739 : memref<32768x128xf32, #tpu.memory_space<hbm>>) dst(%dma_wait3A_733 : memref<128x128xf32, #tpu.memory_space<vmem>>)
    %get3A_740 = arith.constant 8 : i32
    %get3A_741 = arith.index_cast %get3A_740 : i32 to index
    %get3A_742 = arith.constant 0 : index
    %get3A_743 = tpu.vector_load %arg7[%get3A_741, %get3A_742] {strides = array<i32>} : memref<16x128xf32, #tpu.memory_space<vmem>>, vector<16xf32>,
    %iota3A_744 = tpu.iota {dimensions = array<i32: 0>} : vector<16xi32>
    %add3A_745 = arith.constant 0 : i32
    %add3A_746 = vector.broadcast %add3A_745 : i32 to vector<16xi32>
    %add3A_747 = arith.addi %iota3A_744, %add3A_746 : vector<16xi32>
    tpu.vector_store_idx %arg8[%add3A_747, %broadcast_in_dim3A_3], %get3A_743 : memref<256x128xf32, #tpu.memory_space<vmem>>[vector<16xi32>, vector<16xi32>], vector<16xf32>,
    %get3A_748 = arith.constant 8 : i32
    %get3A_749 = arith.index_cast %get3A_748 : i32 to index
    %get3A_750 = arith.constant 16 : index
    %get3A_751 = tpu.vector_load %arg7[%get3A_749, %get3A_750] {strides = array<i32>} : memref<16x128xf32, #tpu.memory_space<vmem>>, vector<16xf32>,
    %iota3A_752 = tpu.iota {dimensions = array<i32: 0>} : vector<16xi32>
    %add3A_753 = arith.constant 16 : i32
    %add3A_754 = vector.broadcast %add3A_753 : i32 to vector<16xi32>
    %add3A_755 = arith.addi %iota3A_752, %add3A_754 : vector<16xi32>
    tpu.vector_store_idx %arg8[%add3A_755, %broadcast_in_dim3A_3], %get3A_751 : memref<256x128xf32, #tpu.memory_space<vmem>>[vector<16xi32>, vector<16xi32>], vector<16xf32>,
    %get3A_756 = arith.constant 8 : i32
    %get3A_757 = arith.index_cast %get3A_756 : i32 to index
    %get3A_758 = arith.constant 32 : index
    %get3A_759 = tpu.vector_load %arg7[%get3A_757, %get3A_758] {strides = array<i32>} : memref<16x128xf32, #tpu.memory_space<vmem>>, vector<16xf32>,
    %iota3A_760 = tpu.iota {dimensions = array<i32: 0>} : vector<16xi32>
    %add3A_761 = arith.constant 32 : i32
    %add3A_762 = vector.broadcast %add3A_761 : i32 to vector<16xi32>
    %add3A_763 = arith.addi %iota3A_760, %add3A_762 : vector<16xi32>
    tpu.vector_store_idx %arg8[%add3A_763, %broadcast_in_dim3A_3], %get3A_759 : memref<256x128xf32, #tpu.memory_space<vmem>>[vector<16xi32>, vector<16xi32>], vector<16xf32>,
    %get3A_764 = arith.constant 8 : i32
    %get3A_765 = arith.index_cast %get3A_764 : i32 to index
    %get3A_766 = arith.constant 48 : index
    %get3A_767 = tpu.vector_load %arg7[%get3A_765, %get3A_766] {strides = array<i32>} : memref<16x128xf32, #tpu.memory_space<vmem>>, vector<16xf32>,
    %iota3A_768 = tpu.iota {dimensions = array<i32: 0>} : vector<16xi32>
    %add3A_769 = arith.constant 48 : i32
    %add3A_770 = vector.broadcast %add3A_769 : i32 to vector<16xi32>
    %add3A_771 = arith.addi %iota3A_768, %add3A_770 : vector<16xi32>
    tpu.vector_store_idx %arg8[%add3A_771, %broadcast_in_dim3A_3], %get3A_767 : memref<256x128xf32, #tpu.memory_space<vmem>>[vector<16xi32>, vector<16xi32>], vector<16xf32>,
    %get3A_772 = arith.constant 8 : i32
    %get3A_773 = arith.index_cast %get3A_772 : i32 to index
    %get3A_774 = arith.constant 64 : index
    %get3A_775 = tpu.vector_load %arg7[%get3A_773, %get3A_774] {strides = array<i32>} : memref<16x128xf32, #tpu.memory_space<vmem>>, vector<16xf32>,
    %iota3A_776 = tpu.iota {dimensions = array<i32: 0>} : vector<16xi32>
    %add3A_777 = arith.constant 64 : i32
    %add3A_778 = vector.broadcast %add3A_777 : i32 to vector<16xi32>
    %add3A_779 = arith.addi %iota3A_776, %add3A_778 : vector<16xi32>
    tpu.vector_store_idx %arg8[%add3A_779, %broadcast_in_dim3A_3], %get3A_775 : memref<256x128xf32, #tpu.memory_space<vmem>>[vector<16xi32>, vector<16xi32>], vector<16xf32>,
    %get3A_780 = arith.constant 8 : i32
    %get3A_781 = arith.index_cast %get3A_780 : i32 to index
    %get3A_782 = arith.constant 80 : index
    %get3A_783 = tpu.vector_load %arg7[%get3A_781, %get3A_782] {strides = array<i32>} : memref<16x128xf32, #tpu.memory_space<vmem>>, vector<16xf32>,
    %iota3A_784 = tpu.iota {dimensions = array<i32: 0>} : vector<16xi32>
    %add3A_785 = arith.constant 80 : i32
    %add3A_786 = vector.broadcast %add3A_785 : i32 to vector<16xi32>
    %add3A_787 = arith.addi %iota3A_784, %add3A_786 : vector<16xi32>
    tpu.vector_store_idx %arg8[%add3A_787, %broadcast_in_dim3A_3], %get3A_783 : memref<256x128xf32, #tpu.memory_space<vmem>>[vector<16xi32>, vector<16xi32>], vector<16xf32>,
    %get3A_788 = arith.constant 8 : i32
    %get3A_789 = arith.index_cast %get3A_788 : i32 to index
    %get3A_790 = arith.constant 96 : index
    %get3A_791 = tpu.vector_load %arg7[%get3A_789, %get3A_790] {strides = array<i32>} : memref<16x128xf32, #tpu.memory_space<vmem>>, vector<16xf32>,
    %iota3A_792 = tpu.iota {dimensions = array<i32: 0>} : vector<16xi32>
    %add3A_793 = arith.constant 96 : i32
    %add3A_794 = vector.broadcast %add3A_793 : i32 to vector<16xi32>
    %add3A_795 = arith.addi %iota3A_792, %add3A_794 : vector<16xi32>
    tpu.vector_store_idx %arg8[%add3A_795, %broadcast_in_dim3A_3], %get3A_791 : memref<256x128xf32, #tpu.memory_space<vmem>>[vector<16xi32>, vector<16xi32>], vector<16xf32>,
    %get3A_796 = arith.constant 8 : i32
    %get3A_797 = arith.index_cast %get3A_796 : i32 to index
    %get3A_798 = arith.constant 112 : index
    %get3A_799 = tpu.vector_load %arg7[%get3A_797, %get3A_798] {strides = array<i32>} : memref<16x128xf32, #tpu.memory_space<vmem>>, vector<16xf32>,
    %iota3A_800 = tpu.iota {dimensions = array<i32: 0>} : vector<16xi32>
    %add3A_801 = arith.constant 112 : i32
    %add3A_802 = vector.broadcast %add3A_801 : i32 to vector<16xi32>
    %add3A_803 = arith.addi %iota3A_800, %add3A_802 : vector<16xi32>
    tpu.vector_store_idx %arg8[%add3A_803, %broadcast_in_dim3A_3], %get3A_799 : memref<256x128xf32, #tpu.memory_space<vmem>>[vector<16xi32>, vector<16xi32>], vector<16xf32>,
    %get3A_804 = arith.constant 9 : i32
    %get3A_805 = arith.index_cast %get3A_804 : i32 to index
    %get3A_806 = arith.constant 0 : index
    %get3A_807 = tpu.vector_load %arg7[%get3A_805, %get3A_806] {strides = array<i32>} : memref<16x128xf32, #tpu.memory_space<vmem>>, vector<16xf32>,
    %iota3A_808 = tpu.iota {dimensions = array<i32: 0>} : vector<16xi32>
    %add3A_809 = arith.constant 128 : i32
    %add3A_810 = vector.broadcast %add3A_809 : i32 to vector<16xi32>
    %add3A_811 = arith.addi %iota3A_808, %add3A_810 : vector<16xi32>
    tpu.vector_store_idx %arg8[%add3A_811, %broadcast_in_dim3A_3], %get3A_807 : memref<256x128xf32, #tpu.memory_space<vmem>>[vector<16xi32>, vector<16xi32>], vector<16xf32>,
    %get3A_812 = arith.constant 9 : i32
    %get3A_813 = arith.index_cast %get3A_812 : i32 to index
    %get3A_814 = arith.constant 16 : index
    %get3A_815 = tpu.vector_load %arg7[%get3A_813, %get3A_814] {strides = array<i32>} : memref<16x128xf32, #tpu.memory_space<vmem>>, vector<16xf32>,
    %iota3A_816 = tpu.iota {dimensions = array<i32: 0>} : vector<16xi32>
    %add3A_817 = arith.constant 144 : i32
    %add3A_818 = vector.broadcast %add3A_817 : i32 to vector<16xi32>
    %add3A_819 = arith.addi %iota3A_816, %add3A_818 : vector<16xi32>
    tpu.vector_store_idx %arg8[%add3A_819, %broadcast_in_dim3A_3], %get3A_815 : memref<256x128xf32, #tpu.memory_space<vmem>>[vector<16xi32>, vector<16xi32>], vector<16xf32>,
    %get3A_820 = arith.constant 9 : i32
    %get3A_821 = arith.index_cast %get3A_820 : i32 to index
    %get3A_822 = arith.constant 32 : index
    %get3A_823 = tpu.vector_load %arg7[%get3A_821, %get3A_822] {strides = array<i32>} : memref<16x128xf32, #tpu.memory_space<vmem>>, vector<16xf32>,
    %iota3A_824 = tpu.iota {dimensions = array<i32: 0>} : vector<16xi32>
    %add3A_825 = arith.constant 160 : i32
    %add3A_826 = vector.broadcast %add3A_825 : i32 to vector<16xi32>
    %add3A_827 = arith.addi %iota3A_824, %add3A_826 : vector<16xi32>
    tpu.vector_store_idx %arg8[%add3A_827, %broadcast_in_dim3A_3], %get3A_823 : memref<256x128xf32, #tpu.memory_space<vmem>>[vector<16xi32>, vector<16xi32>], vector<16xf32>,
    %get3A_828 = arith.constant 9 : i32
    %get3A_829 = arith.index_cast %get3A_828 : i32 to index
    %get3A_830 = arith.constant 48 : index
    %get3A_831 = tpu.vector_load %arg7[%get3A_829, %get3A_830] {strides = array<i32>} : memref<16x128xf32, #tpu.memory_space<vmem>>, vector<16xf32>,
    %iota3A_832 = tpu.iota {dimensions = array<i32: 0>} : vector<16xi32>
    %add3A_833 = arith.constant 176 : i32
    %add3A_834 = vector.broadcast %add3A_833 : i32 to vector<16xi32>
    %add3A_835 = arith.addi %iota3A_832, %add3A_834 : vector<16xi32>
    tpu.vector_store_idx %arg8[%add3A_835, %broadcast_in_dim3A_3], %get3A_831 : memref<256x128xf32, #tpu.memory_space<vmem>>[vector<16xi32>, vector<16xi32>], vector<16xf32>,
    %get3A_836 = arith.constant 9 : i32
    %get3A_837 = arith.index_cast %get3A_836 : i32 to index
    %get3A_838 = arith.constant 64 : index
    %get3A_839 = tpu.vector_load %arg7[%get3A_837, %get3A_838] {strides = array<i32>} : memref<16x128xf32, #tpu.memory_space<vmem>>, vector<16xf32>,
    %iota3A_840 = tpu.iota {dimensions = array<i32: 0>} : vector<16xi32>
    %add3A_841 = arith.constant 192 : i32
    %add3A_842 = vector.broadcast %add3A_841 : i32 to vector<16xi32>
    %add3A_843 = arith.addi %iota3A_840, %add3A_842 : vector<16xi32>
    tpu.vector_store_idx %arg8[%add3A_843, %broadcast_in_dim3A_3], %get3A_839 : memref<256x128xf32, #tpu.memory_space<vmem>>[vector<16xi32>, vector<16xi32>], vector<16xf32>,
    %get3A_844 = arith.constant 9 : i32
    %get3A_845 = arith.index_cast %get3A_844 : i32 to index
    %get3A_846 = arith.constant 80 : index
    %get3A_847 = tpu.vector_load %arg7[%get3A_845, %get3A_846] {strides = array<i32>} : memref<16x128xf32, #tpu.memory_space<vmem>>, vector<16xf32>,
    %iota3A_848 = tpu.iota {dimensions = array<i32: 0>} : vector<16xi32>
    %add3A_849 = arith.constant 208 : i32
    %add3A_850 = vector.broadcast %add3A_849 : i32 to vector<16xi32>
    %add3A_851 = arith.addi %iota3A_848, %add3A_850 : vector<16xi32>
    tpu.vector_store_idx %arg8[%add3A_851, %broadcast_in_dim3A_3], %get3A_847 : memref<256x128xf32, #tpu.memory_space<vmem>>[vector<16xi32>, vector<16xi32>], vector<16xf32>,
    %get3A_852 = arith.constant 9 : i32
    %get3A_853 = arith.index_cast %get3A_852 : i32 to index
    %get3A_854 = arith.constant 96 : index
    %get3A_855 = tpu.vector_load %arg7[%get3A_853, %get3A_854] {strides = array<i32>} : memref<16x128xf32, #tpu.memory_space<vmem>>, vector<16xf32>,
    %iota3A_856 = tpu.iota {dimensions = array<i32: 0>} : vector<16xi32>
    %add3A_857 = arith.constant 224 : i32
    %add3A_858 = vector.broadcast %add3A_857 : i32 to vector<16xi32>
    %add3A_859 = arith.addi %iota3A_856, %add3A_858 : vector<16xi32>
    tpu.vector_store_idx %arg8[%add3A_859, %broadcast_in_dim3A_3], %get3A_855 : memref<256x128xf32, #tpu.memory_space<vmem>>[vector<16xi32>, vector<16xi32>], vector<16xf32>,
    %get3A_860 = arith.constant 9 : i32
    %get3A_861 = arith.index_cast %get3A_860 : i32 to index
    %get3A_862 = arith.constant 112 : index
    %get3A_863 = tpu.vector_load %arg7[%get3A_861, %get3A_862] {strides = array<i32>} : memref<16x128xf32, #tpu.memory_space<vmem>>, vector<16xf32>,
    %iota3A_864 = tpu.iota {dimensions = array<i32: 0>} : vector<16xi32>
    %add3A_865 = arith.constant 240 : i32
    %add3A_866 = vector.broadcast %add3A_865 : i32 to vector<16xi32>
    %add3A_867 = arith.addi %iota3A_864, %add3A_866 : vector<16xi32>
    tpu.vector_store_idx %arg8[%add3A_867, %broadcast_in_dim3A_3], %get3A_863 : memref<256x128xf32, #tpu.memory_space<vmem>>[vector<16xi32>, vector<16xi32>], vector<16xf32>,
    %add3A_868 = arith.constant 1024 : i32
    %add3A_869 = arith.addi %mul3A_2, %add3A_868 : i32
    "tpu.region"() ({
      %run_scoped3A = tpu.sem_alloc : memref<!tpu.dma_semaphore, #tpu.memory_space<semaphore_mem>>
      %dma_start3A_1360 = arith.constant 0 : i32
      %dma_start3A_1361 = tpu.memref_slice %arg5[%add3A_869, %dma_start3A_1360] : memref<65536x128xf32, #tpu.memory_space<hbm>> -> memref<256x128xf32, #tpu.memory_space<hbm>>
      %dma_start3A_1362 = arith.constant 0 : i32
      %dma_start3A_1363 = tpu.memref_slice %arg5[%add3A_869, %dma_start3A_1362] : memref<65536x128xf32, #tpu.memory_space<hbm>> -> memref<256x128xf32, #tpu.memory_space<hbm>>
      tpu.enqueue_dma source(%arg8 : memref<256x128xf32, #tpu.memory_space<vmem>>) target(%dma_start3A_1363 : memref<256x128xf32, #tpu.memory_space<hbm>>) target_semaphore(%run_scoped3A : memref<!tpu.dma_semaphore, #tpu.memory_space<semaphore_mem>>)
      %dma_wait3A_1364 = arith.constant 0 : i32
      %dma_wait3A_1365 = tpu.memref_slice %arg5[%add3A_869, %dma_wait3A_1364] : memref<65536x128xf32, #tpu.memory_space<hbm>> -> memref<256x128xf32, #tpu.memory_space<hbm>>
      %dma_wait3A_1366 = arith.constant 0 : i32
      %dma_wait3A_1367 = tpu.memref_slice %arg5[%add3A_869, %dma_wait3A_1366] : memref<65536x128xf32, #tpu.memory_space<hbm>> -> memref<256x128xf32, #tpu.memory_space<hbm>>
      tpu.wait_dma2 semaphore(%run_scoped3A : memref<!tpu.dma_semaphore, #tpu.memory_space<semaphore_mem>>) src(%arg8 : memref<256x128xf32, #tpu.memory_space<vmem>>) dst(%dma_wait3A_1367 : memref<256x128xf32, #tpu.memory_space<hbm>>)
      tpu.yield
    }) : () -> ()
    %dma_start3A_870 = arith.constant 12 : i32
    %dma_start3A_871 = arith.constant 0 : i32
    %dma_start3A_872 = arith.constant 0 : i32
    %dma_start3A_873 = tpu.memref_slice %arg8[%dma_start3A_871, %dma_start3A_872] : memref<256x128xf32, #tpu.memory_space<vmem>> -> memref<128x128xf32, #tpu.memory_space<vmem>>
    %dma_start3A_874 = arith.constant 0 : i32
    %dma_start3A_875 = tpu.memref_slice %arg6[%dma_start3A_870, %dma_start3A_874] : memref<16x128xi32, #tpu.memory_space<vmem>> -> memref<1x128xi32, #tpu.memory_space<vmem>>
    %dma_start3A_876 = tpu.memref_squeeze %dma_start3A_875 : memref<1x128xi32, #tpu.memory_space<vmem>> -> memref<128xi32, #tpu.memory_space<vmem>>
    %dma_start3A_877 = arith.constant 0 : i32
    %dma_start3A_878 = arith.constant 0 : i32
    %dma_start3A_879 = tpu.memref_slice %arg2[%dma_start3A_877, %dma_start3A_878] : memref<32768x128xf32, #tpu.memory_space<hbm>> -> memref<32768x128xf32, #tpu.memory_space<hbm>>
    tpu.enqueue_indirect_dma source(%dma_start3A_879 : memref<32768x128xf32, #tpu.memory_space<hbm>>) target(%dma_start3A_873 : memref<128x128xf32, #tpu.memory_space<vmem>>) offsets(%dma_start3A_876 : memref<128xi32, #tpu.memory_space<vmem>>) semaphore(%arg10 : memref<!tpu.dma_semaphore, #tpu.memory_space<semaphore_mem>>)
    %dma_start3A_880 = arith.constant 13 : i32
    %dma_start3A_881 = arith.constant 128 : i32
    %dma_start3A_882 = arith.constant 0 : i32
    %dma_start3A_883 = tpu.memref_slice %arg8[%dma_start3A_881, %dma_start3A_882] : memref<256x128xf32, #tpu.memory_space<vmem>> -> memref<128x128xf32, #tpu.memory_space<vmem>>
    %dma_start3A_884 = arith.constant 0 : i32
    %dma_start3A_885 = tpu.memref_slice %arg6[%dma_start3A_880, %dma_start3A_884] : memref<16x128xi32, #tpu.memory_space<vmem>> -> memref<1x128xi32, #tpu.memory_space<vmem>>
    %dma_start3A_886 = tpu.memref_squeeze %dma_start3A_885 : memref<1x128xi32, #tpu.memory_space<vmem>> -> memref<128xi32, #tpu.memory_space<vmem>>
    %dma_start3A_887 = arith.constant 0 : i32
    %dma_start3A_888 = arith.constant 0 : i32
    %dma_start3A_889 = tpu.memref_slice %arg2[%dma_start3A_887, %dma_start3A_888] : memref<32768x128xf32, #tpu.memory_space<hbm>> -> memref<32768x128xf32, #tpu.memory_space<hbm>>
    tpu.enqueue_indirect_dma source(%dma_start3A_889 : memref<32768x128xf32, #tpu.memory_space<hbm>>) target(%dma_start3A_883 : memref<128x128xf32, #tpu.memory_space<vmem>>) offsets(%dma_start3A_886 : memref<128xi32, #tpu.memory_space<vmem>>) semaphore(%arg10 : memref<!tpu.dma_semaphore, #tpu.memory_space<semaphore_mem>>)
    %dma_wait3A_890 = arith.constant 10 : i32
    %dma_wait3A_891 = arith.constant 0 : i32
    %dma_wait3A_892 = arith.constant 0 : i32
    %dma_wait3A_893 = tpu.memref_slice %arg9[%dma_wait3A_891, %dma_wait3A_892] : memref<256x128xf32, #tpu.memory_space<vmem>> -> memref<128x128xf32, #tpu.memory_space<vmem>>
    %dma_wait3A_894 = arith.constant 0 : i32
    %dma_wait3A_895 = tpu.memref_slice %arg6[%dma_wait3A_890, %dma_wait3A_894] : memref<16x128xi32, #tpu.memory_space<vmem>> -> memref<1x128xi32, #tpu.memory_space<vmem>>
    %dma_wait3A_896 = tpu.memref_squeeze %dma_wait3A_895 : memref<1x128xi32, #tpu.memory_space<vmem>> -> memref<128xi32, #tpu.memory_space<vmem>>
    %dma_wait3A_897 = arith.constant 0 : i32
    %dma_wait3A_898 = arith.constant 0 : i32
    %dma_wait3A_899 = tpu.memref_slice %arg2[%dma_wait3A_897, %dma_wait3A_898] : memref<32768x128xf32, #tpu.memory_space<hbm>> -> memref<32768x128xf32, #tpu.memory_space<hbm>>
    tpu.wait_indirect_dma semaphore(%arg11 : memref<!tpu.dma_semaphore, #tpu.memory_space<semaphore_mem>>) src(%dma_wait3A_899 : memref<32768x128xf32, #tpu.memory_space<hbm>>) dst(%dma_wait3A_893 : memref<128x128xf32, #tpu.memory_space<vmem>>)
    %dma_wait3A_900 = arith.constant 11 : i32
    %dma_wait3A_901 = arith.constant 128 : i32
    %dma_wait3A_902 = arith.constant 0 : i32
    %dma_wait3A_903 = tpu.memref_slice %arg9[%dma_wait3A_901, %dma_wait3A_902] : memref<256x128xf32, #tpu.memory_space<vmem>> -> memref<128x128xf32, #tpu.memory_space<vmem>>
    %dma_wait3A_904 = arith.constant 0 : i32
    %dma_wait3A_905 = tpu.memref_slice %arg6[%dma_wait3A_900, %dma_wait3A_904] : memref<16x128xi32, #tpu.memory_space<vmem>> -> memref<1x128xi32, #tpu.memory_space<vmem>>
    %dma_wait3A_906 = tpu.memref_squeeze %dma_wait3A_905 : memref<1x128xi32, #tpu.memory_space<vmem>> -> memref<128xi32, #tpu.memory_space<vmem>>
    %dma_wait3A_907 = arith.constant 0 : i32
    %dma_wait3A_908 = arith.constant 0 : i32
    %dma_wait3A_909 = tpu.memref_slice %arg2[%dma_wait3A_907, %dma_wait3A_908] : memref<32768x128xf32, #tpu.memory_space<hbm>> -> memref<32768x128xf32, #tpu.memory_space<hbm>>
    tpu.wait_indirect_dma semaphore(%arg11 : memref<!tpu.dma_semaphore, #tpu.memory_space<semaphore_mem>>) src(%dma_wait3A_909 : memref<32768x128xf32, #tpu.memory_space<hbm>>) dst(%dma_wait3A_903 : memref<128x128xf32, #tpu.memory_space<vmem>>)
    %get3A_910 = arith.constant 10 : i32
    %get3A_911 = arith.index_cast %get3A_910 : i32 to index
    %get3A_912 = arith.constant 0 : index
    %get3A_913 = tpu.vector_load %arg7[%get3A_911, %get3A_912] {strides = array<i32>} : memref<16x128xf32, #tpu.memory_space<vmem>>, vector<16xf32>,
    %iota3A_914 = tpu.iota {dimensions = array<i32: 0>} : vector<16xi32>
    %add3A_915 = arith.constant 0 : i32
    %add3A_916 = vector.broadcast %add3A_915 : i32 to vector<16xi32>
    %add3A_917 = arith.addi %iota3A_914, %add3A_916 : vector<16xi32>
    tpu.vector_store_idx %arg9[%add3A_917, %broadcast_in_dim3A_3], %get3A_913 : memref<256x128xf32, #tpu.memory_space<vmem>>[vector<16xi32>, vector<16xi32>], vector<16xf32>,
    %get3A_918 = arith.constant 10 : i32
    %get3A_919 = arith.index_cast %get3A_918 : i32 to index
    %get3A_920 = arith.constant 16 : index
    %get3A_921 = tpu.vector_load %arg7[%get3A_919, %get3A_920] {strides = array<i32>} : memref<16x128xf32, #tpu.memory_space<vmem>>, vector<16xf32>,
    %iota3A_922 = tpu.iota {dimensions = array<i32: 0>} : vector<16xi32>
    %add3A_923 = arith.constant 16 : i32
    %add3A_924 = vector.broadcast %add3A_923 : i32 to vector<16xi32>
    %add3A_925 = arith.addi %iota3A_922, %add3A_924 : vector<16xi32>
    tpu.vector_store_idx %arg9[%add3A_925, %broadcast_in_dim3A_3], %get3A_921 : memref<256x128xf32, #tpu.memory_space<vmem>>[vector<16xi32>, vector<16xi32>], vector<16xf32>,
    %get3A_926 = arith.constant 10 : i32
    %get3A_927 = arith.index_cast %get3A_926 : i32 to index
    %get3A_928 = arith.constant 32 : index
    %get3A_929 = tpu.vector_load %arg7[%get3A_927, %get3A_928] {strides = array<i32>} : memref<16x128xf32, #tpu.memory_space<vmem>>, vector<16xf32>,
    %iota3A_930 = tpu.iota {dimensions = array<i32: 0>} : vector<16xi32>
    %add3A_931 = arith.constant 32 : i32
    %add3A_932 = vector.broadcast %add3A_931 : i32 to vector<16xi32>
    %add3A_933 = arith.addi %iota3A_930, %add3A_932 : vector<16xi32>
    tpu.vector_store_idx %arg9[%add3A_933, %broadcast_in_dim3A_3], %get3A_929 : memref<256x128xf32, #tpu.memory_space<vmem>>[vector<16xi32>, vector<16xi32>], vector<16xf32>,
    %get3A_934 = arith.constant 10 : i32
    %get3A_935 = arith.index_cast %get3A_934 : i32 to index
    %get3A_936 = arith.constant 48 : index
    %get3A_937 = tpu.vector_load %arg7[%get3A_935, %get3A_936] {strides = array<i32>} : memref<16x128xf32, #tpu.memory_space<vmem>>, vector<16xf32>,
    %iota3A_938 = tpu.iota {dimensions = array<i32: 0>} : vector<16xi32>
    %add3A_939 = arith.constant 48 : i32
    %add3A_940 = vector.broadcast %add3A_939 : i32 to vector<16xi32>
    %add3A_941 = arith.addi %iota3A_938, %add3A_940 : vector<16xi32>
    tpu.vector_store_idx %arg9[%add3A_941, %broadcast_in_dim3A_3], %get3A_937 : memref<256x128xf32, #tpu.memory_space<vmem>>[vector<16xi32>, vector<16xi32>], vector<16xf32>,
    %get3A_942 = arith.constant 10 : i32
    %get3A_943 = arith.index_cast %get3A_942 : i32 to index
    %get3A_944 = arith.constant 64 : index
    %get3A_945 = tpu.vector_load %arg7[%get3A_943, %get3A_944] {strides = array<i32>} : memref<16x128xf32, #tpu.memory_space<vmem>>, vector<16xf32>,
    %iota3A_946 = tpu.iota {dimensions = array<i32: 0>} : vector<16xi32>
    %add3A_947 = arith.constant 64 : i32
    %add3A_948 = vector.broadcast %add3A_947 : i32 to vector<16xi32>
    %add3A_949 = arith.addi %iota3A_946, %add3A_948 : vector<16xi32>
    tpu.vector_store_idx %arg9[%add3A_949, %broadcast_in_dim3A_3], %get3A_945 : memref<256x128xf32, #tpu.memory_space<vmem>>[vector<16xi32>, vector<16xi32>], vector<16xf32>,
    %get3A_950 = arith.constant 10 : i32
    %get3A_951 = arith.index_cast %get3A_950 : i32 to index
    %get3A_952 = arith.constant 80 : index
    %get3A_953 = tpu.vector_load %arg7[%get3A_951, %get3A_952] {strides = array<i32>} : memref<16x128xf32, #tpu.memory_space<vmem>>, vector<16xf32>,
    %iota3A_954 = tpu.iota {dimensions = array<i32: 0>} : vector<16xi32>
    %add3A_955 = arith.constant 80 : i32
    %add3A_956 = vector.broadcast %add3A_955 : i32 to vector<16xi32>
    %add3A_957 = arith.addi %iota3A_954, %add3A_956 : vector<16xi32>
    tpu.vector_store_idx %arg9[%add3A_957, %broadcast_in_dim3A_3], %get3A_953 : memref<256x128xf32, #tpu.memory_space<vmem>>[vector<16xi32>, vector<16xi32>], vector<16xf32>,
    %get3A_958 = arith.constant 10 : i32
    %get3A_959 = arith.index_cast %get3A_958 : i32 to index
    %get3A_960 = arith.constant 96 : index
    %get3A_961 = tpu.vector_load %arg7[%get3A_959, %get3A_960] {strides = array<i32>} : memref<16x128xf32, #tpu.memory_space<vmem>>, vector<16xf32>,
    %iota3A_962 = tpu.iota {dimensions = array<i32: 0>} : vector<16xi32>
    %add3A_963 = arith.constant 96 : i32
    %add3A_964 = vector.broadcast %add3A_963 : i32 to vector<16xi32>
    %add3A_965 = arith.addi %iota3A_962, %add3A_964 : vector<16xi32>
    tpu.vector_store_idx %arg9[%add3A_965, %broadcast_in_dim3A_3], %get3A_961 : memref<256x128xf32, #tpu.memory_space<vmem>>[vector<16xi32>, vector<16xi32>], vector<16xf32>,
    %get3A_966 = arith.constant 10 : i32
    %get3A_967 = arith.index_cast %get3A_966 : i32 to index
    %get3A_968 = arith.constant 112 : index
    %get3A_969 = tpu.vector_load %arg7[%get3A_967, %get3A_968] {strides = array<i32>} : memref<16x128xf32, #tpu.memory_space<vmem>>, vector<16xf32>,
    %iota3A_970 = tpu.iota {dimensions = array<i32: 0>} : vector<16xi32>
    %add3A_971 = arith.constant 112 : i32
    %add3A_972 = vector.broadcast %add3A_971 : i32 to vector<16xi32>
    %add3A_973 = arith.addi %iota3A_970, %add3A_972 : vector<16xi32>
    tpu.vector_store_idx %arg9[%add3A_973, %broadcast_in_dim3A_3], %get3A_969 : memref<256x128xf32, #tpu.memory_space<vmem>>[vector<16xi32>, vector<16xi32>], vector<16xf32>,
    %get3A_974 = arith.constant 11 : i32
    %get3A_975 = arith.index_cast %get3A_974 : i32 to index
    %get3A_976 = arith.constant 0 : index
    %get3A_977 = tpu.vector_load %arg7[%get3A_975, %get3A_976] {strides = array<i32>} : memref<16x128xf32, #tpu.memory_space<vmem>>, vector<16xf32>,
    %iota3A_978 = tpu.iota {dimensions = array<i32: 0>} : vector<16xi32>
    %add3A_979 = arith.constant 128 : i32
    %add3A_980 = vector.broadcast %add3A_979 : i32 to vector<16xi32>
    %add3A_981 = arith.addi %iota3A_978, %add3A_980 : vector<16xi32>
    tpu.vector_store_idx %arg9[%add3A_981, %broadcast_in_dim3A_3], %get3A_977 : memref<256x128xf32, #tpu.memory_space<vmem>>[vector<16xi32>, vector<16xi32>], vector<16xf32>,
    %get3A_982 = arith.constant 11 : i32
    %get3A_983 = arith.index_cast %get3A_982 : i32 to index
    %get3A_984 = arith.constant 16 : index
    %get3A_985 = tpu.vector_load %arg7[%get3A_983, %get3A_984] {strides = array<i32>} : memref<16x128xf32, #tpu.memory_space<vmem>>, vector<16xf32>,
    %iota3A_986 = tpu.iota {dimensions = array<i32: 0>} : vector<16xi32>
    %add3A_987 = arith.constant 144 : i32
    %add3A_988 = vector.broadcast %add3A_987 : i32 to vector<16xi32>
    %add3A_989 = arith.addi %iota3A_986, %add3A_988 : vector<16xi32>
    tpu.vector_store_idx %arg9[%add3A_989, %broadcast_in_dim3A_3], %get3A_985 : memref<256x128xf32, #tpu.memory_space<vmem>>[vector<16xi32>, vector<16xi32>], vector<16xf32>,
    %get3A_990 = arith.constant 11 : i32
    %get3A_991 = arith.index_cast %get3A_990 : i32 to index
    %get3A_992 = arith.constant 32 : index
    %get3A_993 = tpu.vector_load %arg7[%get3A_991, %get3A_992] {strides = array<i32>} : memref<16x128xf32, #tpu.memory_space<vmem>>, vector<16xf32>,
    %iota3A_994 = tpu.iota {dimensions = array<i32: 0>} : vector<16xi32>
    %add3A_995 = arith.constant 160 : i32
    %add3A_996 = vector.broadcast %add3A_995 : i32 to vector<16xi32>
    %add3A_997 = arith.addi %iota3A_994, %add3A_996 : vector<16xi32>
    tpu.vector_store_idx %arg9[%add3A_997, %broadcast_in_dim3A_3], %get3A_993 : memref<256x128xf32, #tpu.memory_space<vmem>>[vector<16xi32>, vector<16xi32>], vector<16xf32>,
    %get3A_998 = arith.constant 11 : i32
    %get3A_999 = arith.index_cast %get3A_998 : i32 to index
    %get3A_1000 = arith.constant 48 : index
    %get3A_1001 = tpu.vector_load %arg7[%get3A_999, %get3A_1000] {strides = array<i32>} : memref<16x128xf32, #tpu.memory_space<vmem>>, vector<16xf32>,
    %iota3A_1002 = tpu.iota {dimensions = array<i32: 0>} : vector<16xi32>
    %add3A_1003 = arith.constant 176 : i32
    %add3A_1004 = vector.broadcast %add3A_1003 : i32 to vector<16xi32>
    %add3A_1005 = arith.addi %iota3A_1002, %add3A_1004 : vector<16xi32>
    tpu.vector_store_idx %arg9[%add3A_1005, %broadcast_in_dim3A_3], %get3A_1001 : memref<256x128xf32, #tpu.memory_space<vmem>>[vector<16xi32>, vector<16xi32>], vector<16xf32>,
    %get3A_1006 = arith.constant 11 : i32
    %get3A_1007 = arith.index_cast %get3A_1006 : i32 to index
    %get3A_1008 = arith.constant 64 : index
    %get3A_1009 = tpu.vector_load %arg7[%get3A_1007, %get3A_1008] {strides = array<i32>} : memref<16x128xf32, #tpu.memory_space<vmem>>, vector<16xf32>,
    %iota3A_1010 = tpu.iota {dimensions = array<i32: 0>} : vector<16xi32>
    %add3A_1011 = arith.constant 192 : i32
    %add3A_1012 = vector.broadcast %add3A_1011 : i32 to vector<16xi32>
    %add3A_1013 = arith.addi %iota3A_1010, %add3A_1012 : vector<16xi32>
    tpu.vector_store_idx %arg9[%add3A_1013, %broadcast_in_dim3A_3], %get3A_1009 : memref<256x128xf32, #tpu.memory_space<vmem>>[vector<16xi32>, vector<16xi32>], vector<16xf32>,
    %get3A_1014 = arith.constant 11 : i32
    %get3A_1015 = arith.index_cast %get3A_1014 : i32 to index
    %get3A_1016 = arith.constant 80 : index
    %get3A_1017 = tpu.vector_load %arg7[%get3A_1015, %get3A_1016] {strides = array<i32>} : memref<16x128xf32, #tpu.memory_space<vmem>>, vector<16xf32>,
    %iota3A_1018 = tpu.iota {dimensions = array<i32: 0>} : vector<16xi32>
    %add3A_1019 = arith.constant 208 : i32
    %add3A_1020 = vector.broadcast %add3A_1019 : i32 to vector<16xi32>
    %add3A_1021 = arith.addi %iota3A_1018, %add3A_1020 : vector<16xi32>
    tpu.vector_store_idx %arg9[%add3A_1021, %broadcast_in_dim3A_3], %get3A_1017 : memref<256x128xf32, #tpu.memory_space<vmem>>[vector<16xi32>, vector<16xi32>], vector<16xf32>,
    %get3A_1022 = arith.constant 11 : i32
    %get3A_1023 = arith.index_cast %get3A_1022 : i32 to index
    %get3A_1024 = arith.constant 96 : index
    %get3A_1025 = tpu.vector_load %arg7[%get3A_1023, %get3A_1024] {strides = array<i32>} : memref<16x128xf32, #tpu.memory_space<vmem>>, vector<16xf32>,
    %iota3A_1026 = tpu.iota {dimensions = array<i32: 0>} : vector<16xi32>
    %add3A_1027 = arith.constant 224 : i32
    %add3A_1028 = vector.broadcast %add3A_1027 : i32 to vector<16xi32>
    %add3A_1029 = arith.addi %iota3A_1026, %add3A_1028 : vector<16xi32>
    tpu.vector_store_idx %arg9[%add3A_1029, %broadcast_in_dim3A_3], %get3A_1025 : memref<256x128xf32, #tpu.memory_space<vmem>>[vector<16xi32>, vector<16xi32>], vector<16xf32>,
    %get3A_1030 = arith.constant 11 : i32
    %get3A_1031 = arith.index_cast %get3A_1030 : i32 to index
    %get3A_1032 = arith.constant 112 : index
    %get3A_1033 = tpu.vector_load %arg7[%get3A_1031, %get3A_1032] {strides = array<i32>} : memref<16x128xf32, #tpu.memory_space<vmem>>, vector<16xf32>,
    %iota3A_1034 = tpu.iota {dimensions = array<i32: 0>} : vector<16xi32>
    %add3A_1035 = arith.constant 240 : i32
    %add3A_1036 = vector.broadcast %add3A_1035 : i32 to vector<16xi32>
    %add3A_1037 = arith.addi %iota3A_1034, %add3A_1036 : vector<16xi32>
    tpu.vector_store_idx %arg9[%add3A_1037, %broadcast_in_dim3A_3], %get3A_1033 : memref<256x128xf32, #tpu.memory_space<vmem>>[vector<16xi32>, vector<16xi32>], vector<16xf32>,
    %add3A_1038 = arith.constant 1280 : i32
    %add3A_1039 = arith.addi %mul3A_2, %add3A_1038 : i32
    "tpu.region"() ({
      %run_scoped3A = tpu.sem_alloc : memref<!tpu.dma_semaphore, #tpu.memory_space<semaphore_mem>>
      %dma_start3A_1360 = arith.constant 0 : i32
      %dma_start3A_1361 = tpu.memref_slice %arg5[%add3A_1039, %dma_start3A_1360] : memref<65536x128xf32, #tpu.memory_space<hbm>> -> memref<256x128xf32, #tpu.memory_space<hbm>>
      %dma_start3A_1362 = arith.constant 0 : i32
      %dma_start3A_1363 = tpu.memref_slice %arg5[%add3A_1039, %dma_start3A_1362] : memref<65536x128xf32, #tpu.memory_space<hbm>> -> memref<256x128xf32, #tpu.memory_space<hbm>>
      tpu.enqueue_dma source(%arg9 : memref<256x128xf32, #tpu.memory_space<vmem>>) target(%dma_start3A_1363 : memref<256x128xf32, #tpu.memory_space<hbm>>) target_semaphore(%run_scoped3A : memref<!tpu.dma_semaphore, #tpu.memory_space<semaphore_mem>>)
      %dma_wait3A_1364 = arith.constant 0 : i32
      %dma_wait3A_1365 = tpu.memref_slice %arg5[%add3A_1039, %dma_wait3A_1364] : memref<65536x128xf32, #tpu.memory_space<hbm>> -> memref<256x128xf32, #tpu.memory_space<hbm>>
      %dma_wait3A_1366 = arith.constant 0 : i32
      %dma_wait3A_1367 = tpu.memref_slice %arg5[%add3A_1039, %dma_wait3A_1366] : memref<65536x128xf32, #tpu.memory_space<hbm>> -> memref<256x128xf32, #tpu.memory_space<hbm>>
      tpu.wait_dma2 semaphore(%run_scoped3A : memref<!tpu.dma_semaphore, #tpu.memory_space<semaphore_mem>>) src(%arg9 : memref<256x128xf32, #tpu.memory_space<vmem>>) dst(%dma_wait3A_1367 : memref<256x128xf32, #tpu.memory_space<hbm>>)
      tpu.yield
    }) : () -> ()
    %dma_start3A_1040 = arith.constant 14 : i32
    %dma_start3A_1041 = arith.constant 0 : i32
    %dma_start3A_1042 = arith.constant 0 : i32
    %dma_start3A_1043 = tpu.memref_slice %arg9[%dma_start3A_1041, %dma_start3A_1042] : memref<256x128xf32, #tpu.memory_space<vmem>> -> memref<128x128xf32, #tpu.memory_space<vmem>>
    %dma_start3A_1044 = arith.constant 0 : i32
    %dma_start3A_1045 = tpu.memref_slice %arg6[%dma_start3A_1040, %dma_start3A_1044] : memref<16x128xi32, #tpu.memory_space<vmem>> -> memref<1x128xi32, #tpu.memory_space<vmem>>
    %dma_start3A_1046 = tpu.memref_squeeze %dma_start3A_1045 : memref<1x128xi32, #tpu.memory_space<vmem>> -> memref<128xi32, #tpu.memory_space<vmem>>
    %dma_start3A_1047 = arith.constant 0 : i32
    %dma_start3A_1048 = arith.constant 0 : i32
    %dma_start3A_1049 = tpu.memref_slice %arg2[%dma_start3A_1047, %dma_start3A_1048] : memref<32768x128xf32, #tpu.memory_space<hbm>> -> memref<32768x128xf32, #tpu.memory_space<hbm>>
    tpu.enqueue_indirect_dma source(%dma_start3A_1049 : memref<32768x128xf32, #tpu.memory_space<hbm>>) target(%dma_start3A_1043 : memref<128x128xf32, #tpu.memory_space<vmem>>) offsets(%dma_start3A_1046 : memref<128xi32, #tpu.memory_space<vmem>>) semaphore(%arg11 : memref<!tpu.dma_semaphore, #tpu.memory_space<semaphore_mem>>)
    %dma_start3A_1050 = arith.constant 15 : i32
    %dma_start3A_1051 = arith.constant 128 : i32
    %dma_start3A_1052 = arith.constant 0 : i32
    %dma_start3A_1053 = tpu.memref_slice %arg9[%dma_start3A_1051, %dma_start3A_1052] : memref<256x128xf32, #tpu.memory_space<vmem>> -> memref<128x128xf32, #tpu.memory_space<vmem>>
    %dma_start3A_1054 = arith.constant 0 : i32
    %dma_start3A_1055 = tpu.memref_slice %arg6[%dma_start3A_1050, %dma_start3A_1054] : memref<16x128xi32, #tpu.memory_space<vmem>> -> memref<1x128xi32, #tpu.memory_space<vmem>>
    %dma_start3A_1056 = tpu.memref_squeeze %dma_start3A_1055 : memref<1x128xi32, #tpu.memory_space<vmem>> -> memref<128xi32, #tpu.memory_space<vmem>>
    %dma_start3A_1057 = arith.constant 0 : i32
    %dma_start3A_1058 = arith.constant 0 : i32
    %dma_start3A_1059 = tpu.memref_slice %arg2[%dma_start3A_1057, %dma_start3A_1058] : memref<32768x128xf32, #tpu.memory_space<hbm>> -> memref<32768x128xf32, #tpu.memory_space<hbm>>
    tpu.enqueue_indirect_dma source(%dma_start3A_1059 : memref<32768x128xf32, #tpu.memory_space<hbm>>) target(%dma_start3A_1053 : memref<128x128xf32, #tpu.memory_space<vmem>>) offsets(%dma_start3A_1056 : memref<128xi32, #tpu.memory_space<vmem>>) semaphore(%arg11 : memref<!tpu.dma_semaphore, #tpu.memory_space<semaphore_mem>>)
    %dma_wait3A_1060 = arith.constant 12 : i32
    %dma_wait3A_1061 = arith.constant 0 : i32
    %dma_wait3A_1062 = arith.constant 0 : i32
    %dma_wait3A_1063 = tpu.memref_slice %arg8[%dma_wait3A_1061, %dma_wait3A_1062] : memref<256x128xf32, #tpu.memory_space<vmem>> -> memref<128x128xf32, #tpu.memory_space<vmem>>
    %dma_wait3A_1064 = arith.constant 0 : i32
    %dma_wait3A_1065 = tpu.memref_slice %arg6[%dma_wait3A_1060, %dma_wait3A_1064] : memref<16x128xi32, #tpu.memory_space<vmem>> -> memref<1x128xi32, #tpu.memory_space<vmem>>
    %dma_wait3A_1066 = tpu.memref_squeeze %dma_wait3A_1065 : memref<1x128xi32, #tpu.memory_space<vmem>> -> memref<128xi32, #tpu.memory_space<vmem>>
    %dma_wait3A_1067 = arith.constant 0 : i32
    %dma_wait3A_1068 = arith.constant 0 : i32
    %dma_wait3A_1069 = tpu.memref_slice %arg2[%dma_wait3A_1067, %dma_wait3A_1068] : memref<32768x128xf32, #tpu.memory_space<hbm>> -> memref<32768x128xf32, #tpu.memory_space<hbm>>
    tpu.wait_indirect_dma semaphore(%arg10 : memref<!tpu.dma_semaphore, #tpu.memory_space<semaphore_mem>>) src(%dma_wait3A_1069 : memref<32768x128xf32, #tpu.memory_space<hbm>>) dst(%dma_wait3A_1063 : memref<128x128xf32, #tpu.memory_space<vmem>>)
    %dma_wait3A_1070 = arith.constant 13 : i32
    %dma_wait3A_1071 = arith.constant 128 : i32
    %dma_wait3A_1072 = arith.constant 0 : i32
    %dma_wait3A_1073 = tpu.memref_slice %arg8[%dma_wait3A_1071, %dma_wait3A_1072] : memref<256x128xf32, #tpu.memory_space<vmem>> -> memref<128x128xf32, #tpu.memory_space<vmem>>
    %dma_wait3A_1074 = arith.constant 0 : i32
    %dma_wait3A_1075 = tpu.memref_slice %arg6[%dma_wait3A_1070, %dma_wait3A_1074] : memref<16x128xi32, #tpu.memory_space<vmem>> -> memref<1x128xi32, #tpu.memory_space<vmem>>
    %dma_wait3A_1076 = tpu.memref_squeeze %dma_wait3A_1075 : memref<1x128xi32, #tpu.memory_space<vmem>> -> memref<128xi32, #tpu.memory_space<vmem>>
    %dma_wait3A_1077 = arith.constant 0 : i32
    %dma_wait3A_1078 = arith.constant 0 : i32
    %dma_wait3A_1079 = tpu.memref_slice %arg2[%dma_wait3A_1077, %dma_wait3A_1078] : memref<32768x128xf32, #tpu.memory_space<hbm>> -> memref<32768x128xf32, #tpu.memory_space<hbm>>
    tpu.wait_indirect_dma semaphore(%arg10 : memref<!tpu.dma_semaphore, #tpu.memory_space<semaphore_mem>>) src(%dma_wait3A_1079 : memref<32768x128xf32, #tpu.memory_space<hbm>>) dst(%dma_wait3A_1073 : memref<128x128xf32, #tpu.memory_space<vmem>>)
    %get3A_1080 = arith.constant 12 : i32
    %get3A_1081 = arith.index_cast %get3A_1080 : i32 to index
    %get3A_1082 = arith.constant 0 : index
    %get3A_1083 = tpu.vector_load %arg7[%get3A_1081, %get3A_1082] {strides = array<i32>} : memref<16x128xf32, #tpu.memory_space<vmem>>, vector<16xf32>,
    %iota3A_1084 = tpu.iota {dimensions = array<i32: 0>} : vector<16xi32>
    %add3A_1085 = arith.constant 0 : i32
    %add3A_1086 = vector.broadcast %add3A_1085 : i32 to vector<16xi32>
    %add3A_1087 = arith.addi %iota3A_1084, %add3A_1086 : vector<16xi32>
    tpu.vector_store_idx %arg8[%add3A_1087, %broadcast_in_dim3A_3], %get3A_1083 : memref<256x128xf32, #tpu.memory_space<vmem>>[vector<16xi32>, vector<16xi32>], vector<16xf32>,
    %get3A_1088 = arith.constant 12 : i32
    %get3A_1089 = arith.index_cast %get3A_1088 : i32 to index
    %get3A_1090 = arith.constant 16 : index
    %get3A_1091 = tpu.vector_load %arg7[%get3A_1089, %get3A_1090] {strides = array<i32>} : memref<16x128xf32, #tpu.memory_space<vmem>>, vector<16xf32>,
    %iota3A_1092 = tpu.iota {dimensions = array<i32: 0>} : vector<16xi32>
    %add3A_1093 = arith.constant 16 : i32
    %add3A_1094 = vector.broadcast %add3A_1093 : i32 to vector<16xi32>
    %add3A_1095 = arith.addi %iota3A_1092, %add3A_1094 : vector<16xi32>
    tpu.vector_store_idx %arg8[%add3A_1095, %broadcast_in_dim3A_3], %get3A_1091 : memref<256x128xf32, #tpu.memory_space<vmem>>[vector<16xi32>, vector<16xi32>], vector<16xf32>,
    %get3A_1096 = arith.constant 12 : i32
    %get3A_1097 = arith.index_cast %get3A_1096 : i32 to index
    %get3A_1098 = arith.constant 32 : index
    %get3A_1099 = tpu.vector_load %arg7[%get3A_1097, %get3A_1098] {strides = array<i32>} : memref<16x128xf32, #tpu.memory_space<vmem>>, vector<16xf32>,
    %iota3A_1100 = tpu.iota {dimensions = array<i32: 0>} : vector<16xi32>
    %add3A_1101 = arith.constant 32 : i32
    %add3A_1102 = vector.broadcast %add3A_1101 : i32 to vector<16xi32>
    %add3A_1103 = arith.addi %iota3A_1100, %add3A_1102 : vector<16xi32>
    tpu.vector_store_idx %arg8[%add3A_1103, %broadcast_in_dim3A_3], %get3A_1099 : memref<256x128xf32, #tpu.memory_space<vmem>>[vector<16xi32>, vector<16xi32>], vector<16xf32>,
    %get3A_1104 = arith.constant 12 : i32
    %get3A_1105 = arith.index_cast %get3A_1104 : i32 to index
    %get3A_1106 = arith.constant 48 : index
    %get3A_1107 = tpu.vector_load %arg7[%get3A_1105, %get3A_1106] {strides = array<i32>} : memref<16x128xf32, #tpu.memory_space<vmem>>, vector<16xf32>,
    %iota3A_1108 = tpu.iota {dimensions = array<i32: 0>} : vector<16xi32>
    %add3A_1109 = arith.constant 48 : i32
    %add3A_1110 = vector.broadcast %add3A_1109 : i32 to vector<16xi32>
    %add3A_1111 = arith.addi %iota3A_1108, %add3A_1110 : vector<16xi32>
    tpu.vector_store_idx %arg8[%add3A_1111, %broadcast_in_dim3A_3], %get3A_1107 : memref<256x128xf32, #tpu.memory_space<vmem>>[vector<16xi32>, vector<16xi32>], vector<16xf32>,
    %get3A_1112 = arith.constant 12 : i32
    %get3A_1113 = arith.index_cast %get3A_1112 : i32 to index
    %get3A_1114 = arith.constant 64 : index
    %get3A_1115 = tpu.vector_load %arg7[%get3A_1113, %get3A_1114] {strides = array<i32>} : memref<16x128xf32, #tpu.memory_space<vmem>>, vector<16xf32>,
    %iota3A_1116 = tpu.iota {dimensions = array<i32: 0>} : vector<16xi32>
    %add3A_1117 = arith.constant 64 : i32
    %add3A_1118 = vector.broadcast %add3A_1117 : i32 to vector<16xi32>
    %add3A_1119 = arith.addi %iota3A_1116, %add3A_1118 : vector<16xi32>
    tpu.vector_store_idx %arg8[%add3A_1119, %broadcast_in_dim3A_3], %get3A_1115 : memref<256x128xf32, #tpu.memory_space<vmem>>[vector<16xi32>, vector<16xi32>], vector<16xf32>,
    %get3A_1120 = arith.constant 12 : i32
    %get3A_1121 = arith.index_cast %get3A_1120 : i32 to index
    %get3A_1122 = arith.constant 80 : index
    %get3A_1123 = tpu.vector_load %arg7[%get3A_1121, %get3A_1122] {strides = array<i32>} : memref<16x128xf32, #tpu.memory_space<vmem>>, vector<16xf32>,
    %iota3A_1124 = tpu.iota {dimensions = array<i32: 0>} : vector<16xi32>
    %add3A_1125 = arith.constant 80 : i32
    %add3A_1126 = vector.broadcast %add3A_1125 : i32 to vector<16xi32>
    %add3A_1127 = arith.addi %iota3A_1124, %add3A_1126 : vector<16xi32>
    tpu.vector_store_idx %arg8[%add3A_1127, %broadcast_in_dim3A_3], %get3A_1123 : memref<256x128xf32, #tpu.memory_space<vmem>>[vector<16xi32>, vector<16xi32>], vector<16xf32>,
    %get3A_1128 = arith.constant 12 : i32
    %get3A_1129 = arith.index_cast %get3A_1128 : i32 to index
    %get3A_1130 = arith.constant 96 : index
    %get3A_1131 = tpu.vector_load %arg7[%get3A_1129, %get3A_1130] {strides = array<i32>} : memref<16x128xf32, #tpu.memory_space<vmem>>, vector<16xf32>,
    %iota3A_1132 = tpu.iota {dimensions = array<i32: 0>} : vector<16xi32>
    %add3A_1133 = arith.constant 96 : i32
    %add3A_1134 = vector.broadcast %add3A_1133 : i32 to vector<16xi32>
    %add3A_1135 = arith.addi %iota3A_1132, %add3A_1134 : vector<16xi32>
    tpu.vector_store_idx %arg8[%add3A_1135, %broadcast_in_dim3A_3], %get3A_1131 : memref<256x128xf32, #tpu.memory_space<vmem>>[vector<16xi32>, vector<16xi32>], vector<16xf32>,
    %get3A_1136 = arith.constant 12 : i32
    %get3A_1137 = arith.index_cast %get3A_1136 : i32 to index
    %get3A_1138 = arith.constant 112 : index
    %get3A_1139 = tpu.vector_load %arg7[%get3A_1137, %get3A_1138] {strides = array<i32>} : memref<16x128xf32, #tpu.memory_space<vmem>>, vector<16xf32>,
    %iota3A_1140 = tpu.iota {dimensions = array<i32: 0>} : vector<16xi32>
    %add3A_1141 = arith.constant 112 : i32
    %add3A_1142 = vector.broadcast %add3A_1141 : i32 to vector<16xi32>
    %add3A_1143 = arith.addi %iota3A_1140, %add3A_1142 : vector<16xi32>
    tpu.vector_store_idx %arg8[%add3A_1143, %broadcast_in_dim3A_3], %get3A_1139 : memref<256x128xf32, #tpu.memory_space<vmem>>[vector<16xi32>, vector<16xi32>], vector<16xf32>,
    %get3A_1144 = arith.constant 13 : i32
    %get3A_1145 = arith.index_cast %get3A_1144 : i32 to index
    %get3A_1146 = arith.constant 0 : index
    %get3A_1147 = tpu.vector_load %arg7[%get3A_1145, %get3A_1146] {strides = array<i32>} : memref<16x128xf32, #tpu.memory_space<vmem>>, vector<16xf32>,
    %iota3A_1148 = tpu.iota {dimensions = array<i32: 0>} : vector<16xi32>
    %add3A_1149 = arith.constant 128 : i32
    %add3A_1150 = vector.broadcast %add3A_1149 : i32 to vector<16xi32>
    %add3A_1151 = arith.addi %iota3A_1148, %add3A_1150 : vector<16xi32>
    tpu.vector_store_idx %arg8[%add3A_1151, %broadcast_in_dim3A_3], %get3A_1147 : memref<256x128xf32, #tpu.memory_space<vmem>>[vector<16xi32>, vector<16xi32>], vector<16xf32>,
    %get3A_1152 = arith.constant 13 : i32
    %get3A_1153 = arith.index_cast %get3A_1152 : i32 to index
    %get3A_1154 = arith.constant 16 : index
    %get3A_1155 = tpu.vector_load %arg7[%get3A_1153, %get3A_1154] {strides = array<i32>} : memref<16x128xf32, #tpu.memory_space<vmem>>, vector<16xf32>,
    %iota3A_1156 = tpu.iota {dimensions = array<i32: 0>} : vector<16xi32>
    %add3A_1157 = arith.constant 144 : i32
    %add3A_1158 = vector.broadcast %add3A_1157 : i32 to vector<16xi32>
    %add3A_1159 = arith.addi %iota3A_1156, %add3A_1158 : vector<16xi32>
    tpu.vector_store_idx %arg8[%add3A_1159, %broadcast_in_dim3A_3], %get3A_1155 : memref<256x128xf32, #tpu.memory_space<vmem>>[vector<16xi32>, vector<16xi32>], vector<16xf32>,
    %get3A_1160 = arith.constant 13 : i32
    %get3A_1161 = arith.index_cast %get3A_1160 : i32 to index
    %get3A_1162 = arith.constant 32 : index
    %get3A_1163 = tpu.vector_load %arg7[%get3A_1161, %get3A_1162] {strides = array<i32>} : memref<16x128xf32, #tpu.memory_space<vmem>>, vector<16xf32>,
    %iota3A_1164 = tpu.iota {dimensions = array<i32: 0>} : vector<16xi32>
    %add3A_1165 = arith.constant 160 : i32
    %add3A_1166 = vector.broadcast %add3A_1165 : i32 to vector<16xi32>
    %add3A_1167 = arith.addi %iota3A_1164, %add3A_1166 : vector<16xi32>
    tpu.vector_store_idx %arg8[%add3A_1167, %broadcast_in_dim3A_3], %get3A_1163 : memref<256x128xf32, #tpu.memory_space<vmem>>[vector<16xi32>, vector<16xi32>], vector<16xf32>,
    %get3A_1168 = arith.constant 13 : i32
    %get3A_1169 = arith.index_cast %get3A_1168 : i32 to index
    %get3A_1170 = arith.constant 48 : index
    %get3A_1171 = tpu.vector_load %arg7[%get3A_1169, %get3A_1170] {strides = array<i32>} : memref<16x128xf32, #tpu.memory_space<vmem>>, vector<16xf32>,
    %iota3A_1172 = tpu.iota {dimensions = array<i32: 0>} : vector<16xi32>
    %add3A_1173 = arith.constant 176 : i32
    %add3A_1174 = vector.broadcast %add3A_1173 : i32 to vector<16xi32>
    %add3A_1175 = arith.addi %iota3A_1172, %add3A_1174 : vector<16xi32>
    tpu.vector_store_idx %arg8[%add3A_1175, %broadcast_in_dim3A_3], %get3A_1171 : memref<256x128xf32, #tpu.memory_space<vmem>>[vector<16xi32>, vector<16xi32>], vector<16xf32>,
    %get3A_1176 = arith.constant 13 : i32
    %get3A_1177 = arith.index_cast %get3A_1176 : i32 to index
    %get3A_1178 = arith.constant 64 : index
    %get3A_1179 = tpu.vector_load %arg7[%get3A_1177, %get3A_1178] {strides = array<i32>} : memref<16x128xf32, #tpu.memory_space<vmem>>, vector<16xf32>,
    %iota3A_1180 = tpu.iota {dimensions = array<i32: 0>} : vector<16xi32>
    %add3A_1181 = arith.constant 192 : i32
    %add3A_1182 = vector.broadcast %add3A_1181 : i32 to vector<16xi32>
    %add3A_1183 = arith.addi %iota3A_1180, %add3A_1182 : vector<16xi32>
    tpu.vector_store_idx %arg8[%add3A_1183, %broadcast_in_dim3A_3], %get3A_1179 : memref<256x128xf32, #tpu.memory_space<vmem>>[vector<16xi32>, vector<16xi32>], vector<16xf32>,
    %get3A_1184 = arith.constant 13 : i32
    %get3A_1185 = arith.index_cast %get3A_1184 : i32 to index
    %get3A_1186 = arith.constant 80 : index
    %get3A_1187 = tpu.vector_load %arg7[%get3A_1185, %get3A_1186] {strides = array<i32>} : memref<16x128xf32, #tpu.memory_space<vmem>>, vector<16xf32>,
    %iota3A_1188 = tpu.iota {dimensions = array<i32: 0>} : vector<16xi32>
    %add3A_1189 = arith.constant 208 : i32
    %add3A_1190 = vector.broadcast %add3A_1189 : i32 to vector<16xi32>
    %add3A_1191 = arith.addi %iota3A_1188, %add3A_1190 : vector<16xi32>
    tpu.vector_store_idx %arg8[%add3A_1191, %broadcast_in_dim3A_3], %get3A_1187 : memref<256x128xf32, #tpu.memory_space<vmem>>[vector<16xi32>, vector<16xi32>], vector<16xf32>,
    %get3A_1192 = arith.constant 13 : i32
    %get3A_1193 = arith.index_cast %get3A_1192 : i32 to index
    %get3A_1194 = arith.constant 96 : index
    %get3A_1195 = tpu.vector_load %arg7[%get3A_1193, %get3A_1194] {strides = array<i32>} : memref<16x128xf32, #tpu.memory_space<vmem>>, vector<16xf32>,
    %iota3A_1196 = tpu.iota {dimensions = array<i32: 0>} : vector<16xi32>
    %add3A_1197 = arith.constant 224 : i32
    %add3A_1198 = vector.broadcast %add3A_1197 : i32 to vector<16xi32>
    %add3A_1199 = arith.addi %iota3A_1196, %add3A_1198 : vector<16xi32>
    tpu.vector_store_idx %arg8[%add3A_1199, %broadcast_in_dim3A_3], %get3A_1195 : memref<256x128xf32, #tpu.memory_space<vmem>>[vector<16xi32>, vector<16xi32>], vector<16xf32>,
    %get3A_1200 = arith.constant 13 : i32
    %get3A_1201 = arith.index_cast %get3A_1200 : i32 to index
    %get3A_1202 = arith.constant 112 : index
    %get3A_1203 = tpu.vector_load %arg7[%get3A_1201, %get3A_1202] {strides = array<i32>} : memref<16x128xf32, #tpu.memory_space<vmem>>, vector<16xf32>,
    %iota3A_1204 = tpu.iota {dimensions = array<i32: 0>} : vector<16xi32>
    %add3A_1205 = arith.constant 240 : i32
    %add3A_1206 = vector.broadcast %add3A_1205 : i32 to vector<16xi32>
    %add3A_1207 = arith.addi %iota3A_1204, %add3A_1206 : vector<16xi32>
    tpu.vector_store_idx %arg8[%add3A_1207, %broadcast_in_dim3A_3], %get3A_1203 : memref<256x128xf32, #tpu.memory_space<vmem>>[vector<16xi32>, vector<16xi32>], vector<16xf32>,
    %add3A_1208 = arith.constant 1536 : i32
    %add3A_1209 = arith.addi %mul3A_2, %add3A_1208 : i32
    "tpu.region"() ({
      %run_scoped3A = tpu.sem_alloc : memref<!tpu.dma_semaphore, #tpu.memory_space<semaphore_mem>>
      %dma_start3A_1360 = arith.constant 0 : i32
      %dma_start3A_1361 = tpu.memref_slice %arg5[%add3A_1209, %dma_start3A_1360] : memref<65536x128xf32, #tpu.memory_space<hbm>> -> memref<256x128xf32, #tpu.memory_space<hbm>>
      %dma_start3A_1362 = arith.constant 0 : i32
      %dma_start3A_1363 = tpu.memref_slice %arg5[%add3A_1209, %dma_start3A_1362] : memref<65536x128xf32, #tpu.memory_space<hbm>> -> memref<256x128xf32, #tpu.memory_space<hbm>>
      tpu.enqueue_dma source(%arg8 : memref<256x128xf32, #tpu.memory_space<vmem>>) target(%dma_start3A_1363 : memref<256x128xf32, #tpu.memory_space<hbm>>) target_semaphore(%run_scoped3A : memref<!tpu.dma_semaphore, #tpu.memory_space<semaphore_mem>>)
      %dma_wait3A_1364 = arith.constant 0 : i32
      %dma_wait3A_1365 = tpu.memref_slice %arg5[%add3A_1209, %dma_wait3A_1364] : memref<65536x128xf32, #tpu.memory_space<hbm>> -> memref<256x128xf32, #tpu.memory_space<hbm>>
      %dma_wait3A_1366 = arith.constant 0 : i32
      %dma_wait3A_1367 = tpu.memref_slice %arg5[%add3A_1209, %dma_wait3A_1366] : memref<65536x128xf32, #tpu.memory_space<hbm>> -> memref<256x128xf32, #tpu.memory_space<hbm>>
      tpu.wait_dma2 semaphore(%run_scoped3A : memref<!tpu.dma_semaphore, #tpu.memory_space<semaphore_mem>>) src(%arg8 : memref<256x128xf32, #tpu.memory_space<vmem>>) dst(%dma_wait3A_1367 : memref<256x128xf32, #tpu.memory_space<hbm>>)
      tpu.yield
    }) : () -> ()
    %dma_wait3A_1210 = arith.constant 14 : i32
    %dma_wait3A_1211 = arith.constant 0 : i32
    %dma_wait3A_1212 = arith.constant 0 : i32
    %dma_wait3A_1213 = tpu.memref_slice %arg9[%dma_wait3A_1211, %dma_wait3A_1212] : memref<256x128xf32, #tpu.memory_space<vmem>> -> memref<128x128xf32, #tpu.memory_space<vmem>>
    %dma_wait3A_1214 = arith.constant 0 : i32
    %dma_wait3A_1215 = tpu.memref_slice %arg6[%dma_wait3A_1210, %dma_wait3A_1214] : memref<16x128xi32, #tpu.memory_space<vmem>> -> memref<1x128xi32, #tpu.memory_space<vmem>>
    %dma_wait3A_1216 = tpu.memref_squeeze %dma_wait3A_1215 : memref<1x128xi32, #tpu.memory_space<vmem>> -> memref<128xi32, #tpu.memory_space<vmem>>
    %dma_wait3A_1217 = arith.constant 0 : i32
    %dma_wait3A_1218 = arith.constant 0 : i32
    %dma_wait3A_1219 = tpu.memref_slice %arg2[%dma_wait3A_1217, %dma_wait3A_1218] : memref<32768x128xf32, #tpu.memory_space<hbm>> -> memref<32768x128xf32, #tpu.memory_space<hbm>>
    tpu.wait_indirect_dma semaphore(%arg11 : memref<!tpu.dma_semaphore, #tpu.memory_space<semaphore_mem>>) src(%dma_wait3A_1219 : memref<32768x128xf32, #tpu.memory_space<hbm>>) dst(%dma_wait3A_1213 : memref<128x128xf32, #tpu.memory_space<vmem>>)
    %dma_wait3A_1220 = arith.constant 15 : i32
    %dma_wait3A_1221 = arith.constant 128 : i32
    %dma_wait3A_1222 = arith.constant 0 : i32
    %dma_wait3A_1223 = tpu.memref_slice %arg9[%dma_wait3A_1221, %dma_wait3A_1222] : memref<256x128xf32, #tpu.memory_space<vmem>> -> memref<128x128xf32, #tpu.memory_space<vmem>>
    %dma_wait3A_1224 = arith.constant 0 : i32
    %dma_wait3A_1225 = tpu.memref_slice %arg6[%dma_wait3A_1220, %dma_wait3A_1224] : memref<16x128xi32, #tpu.memory_space<vmem>> -> memref<1x128xi32, #tpu.memory_space<vmem>>
    %dma_wait3A_1226 = tpu.memref_squeeze %dma_wait3A_1225 : memref<1x128xi32, #tpu.memory_space<vmem>> -> memref<128xi32, #tpu.memory_space<vmem>>
    %dma_wait3A_1227 = arith.constant 0 : i32
    %dma_wait3A_1228 = arith.constant 0 : i32
    %dma_wait3A_1229 = tpu.memref_slice %arg2[%dma_wait3A_1227, %dma_wait3A_1228] : memref<32768x128xf32, #tpu.memory_space<hbm>> -> memref<32768x128xf32, #tpu.memory_space<hbm>>
    tpu.wait_indirect_dma semaphore(%arg11 : memref<!tpu.dma_semaphore, #tpu.memory_space<semaphore_mem>>) src(%dma_wait3A_1229 : memref<32768x128xf32, #tpu.memory_space<hbm>>) dst(%dma_wait3A_1223 : memref<128x128xf32, #tpu.memory_space<vmem>>)
    %get3A_1230 = arith.constant 14 : i32
    %get3A_1231 = arith.index_cast %get3A_1230 : i32 to index
    %get3A_1232 = arith.constant 0 : index
    %get3A_1233 = tpu.vector_load %arg7[%get3A_1231, %get3A_1232] {strides = array<i32>} : memref<16x128xf32, #tpu.memory_space<vmem>>, vector<16xf32>,
    %iota3A_1234 = tpu.iota {dimensions = array<i32: 0>} : vector<16xi32>
    %add3A_1235 = arith.constant 0 : i32
    %add3A_1236 = vector.broadcast %add3A_1235 : i32 to vector<16xi32>
    %add3A_1237 = arith.addi %iota3A_1234, %add3A_1236 : vector<16xi32>
    tpu.vector_store_idx %arg9[%add3A_1237, %broadcast_in_dim3A_3], %get3A_1233 : memref<256x128xf32, #tpu.memory_space<vmem>>[vector<16xi32>, vector<16xi32>], vector<16xf32>,
    %get3A_1238 = arith.constant 14 : i32
    %get3A_1239 = arith.index_cast %get3A_1238 : i32 to index
    %get3A_1240 = arith.constant 16 : index
    %get3A_1241 = tpu.vector_load %arg7[%get3A_1239, %get3A_1240] {strides = array<i32>} : memref<16x128xf32, #tpu.memory_space<vmem>>, vector<16xf32>,
    %iota3A_1242 = tpu.iota {dimensions = array<i32: 0>} : vector<16xi32>
    %add3A_1243 = arith.constant 16 : i32
    %add3A_1244 = vector.broadcast %add3A_1243 : i32 to vector<16xi32>
    %add3A_1245 = arith.addi %iota3A_1242, %add3A_1244 : vector<16xi32>
    tpu.vector_store_idx %arg9[%add3A_1245, %broadcast_in_dim3A_3], %get3A_1241 : memref<256x128xf32, #tpu.memory_space<vmem>>[vector<16xi32>, vector<16xi32>], vector<16xf32>,
    %get3A_1246 = arith.constant 14 : i32
    %get3A_1247 = arith.index_cast %get3A_1246 : i32 to index
    %get3A_1248 = arith.constant 32 : index
    %get3A_1249 = tpu.vector_load %arg7[%get3A_1247, %get3A_1248] {strides = array<i32>} : memref<16x128xf32, #tpu.memory_space<vmem>>, vector<16xf32>,
    %iota3A_1250 = tpu.iota {dimensions = array<i32: 0>} : vector<16xi32>
    %add3A_1251 = arith.constant 32 : i32
    %add3A_1252 = vector.broadcast %add3A_1251 : i32 to vector<16xi32>
    %add3A_1253 = arith.addi %iota3A_1250, %add3A_1252 : vector<16xi32>
    tpu.vector_store_idx %arg9[%add3A_1253, %broadcast_in_dim3A_3], %get3A_1249 : memref<256x128xf32, #tpu.memory_space<vmem>>[vector<16xi32>, vector<16xi32>], vector<16xf32>,
    %get3A_1254 = arith.constant 14 : i32
    %get3A_1255 = arith.index_cast %get3A_1254 : i32 to index
    %get3A_1256 = arith.constant 48 : index
    %get3A_1257 = tpu.vector_load %arg7[%get3A_1255, %get3A_1256] {strides = array<i32>} : memref<16x128xf32, #tpu.memory_space<vmem>>, vector<16xf32>,
    %iota3A_1258 = tpu.iota {dimensions = array<i32: 0>} : vector<16xi32>
    %add3A_1259 = arith.constant 48 : i32
    %add3A_1260 = vector.broadcast %add3A_1259 : i32 to vector<16xi32>
    %add3A_1261 = arith.addi %iota3A_1258, %add3A_1260 : vector<16xi32>
    tpu.vector_store_idx %arg9[%add3A_1261, %broadcast_in_dim3A_3], %get3A_1257 : memref<256x128xf32, #tpu.memory_space<vmem>>[vector<16xi32>, vector<16xi32>], vector<16xf32>,
    %get3A_1262 = arith.constant 14 : i32
    %get3A_1263 = arith.index_cast %get3A_1262 : i32 to index
    %get3A_1264 = arith.constant 64 : index
    %get3A_1265 = tpu.vector_load %arg7[%get3A_1263, %get3A_1264] {strides = array<i32>} : memref<16x128xf32, #tpu.memory_space<vmem>>, vector<16xf32>,
    %iota3A_1266 = tpu.iota {dimensions = array<i32: 0>} : vector<16xi32>
    %add3A_1267 = arith.constant 64 : i32
    %add3A_1268 = vector.broadcast %add3A_1267 : i32 to vector<16xi32>
    %add3A_1269 = arith.addi %iota3A_1266, %add3A_1268 : vector<16xi32>
    tpu.vector_store_idx %arg9[%add3A_1269, %broadcast_in_dim3A_3], %get3A_1265 : memref<256x128xf32, #tpu.memory_space<vmem>>[vector<16xi32>, vector<16xi32>], vector<16xf32>,
    %get3A_1270 = arith.constant 14 : i32
    %get3A_1271 = arith.index_cast %get3A_1270 : i32 to index
    %get3A_1272 = arith.constant 80 : index
    %get3A_1273 = tpu.vector_load %arg7[%get3A_1271, %get3A_1272] {strides = array<i32>} : memref<16x128xf32, #tpu.memory_space<vmem>>, vector<16xf32>,
    %iota3A_1274 = tpu.iota {dimensions = array<i32: 0>} : vector<16xi32>
    %add3A_1275 = arith.constant 80 : i32
    %add3A_1276 = vector.broadcast %add3A_1275 : i32 to vector<16xi32>
    %add3A_1277 = arith.addi %iota3A_1274, %add3A_1276 : vector<16xi32>
    tpu.vector_store_idx %arg9[%add3A_1277, %broadcast_in_dim3A_3], %get3A_1273 : memref<256x128xf32, #tpu.memory_space<vmem>>[vector<16xi32>, vector<16xi32>], vector<16xf32>,
    %get3A_1278 = arith.constant 14 : i32
    %get3A_1279 = arith.index_cast %get3A_1278 : i32 to index
    %get3A_1280 = arith.constant 96 : index
    %get3A_1281 = tpu.vector_load %arg7[%get3A_1279, %get3A_1280] {strides = array<i32>} : memref<16x128xf32, #tpu.memory_space<vmem>>, vector<16xf32>,
    %iota3A_1282 = tpu.iota {dimensions = array<i32: 0>} : vector<16xi32>
    %add3A_1283 = arith.constant 96 : i32
    %add3A_1284 = vector.broadcast %add3A_1283 : i32 to vector<16xi32>
    %add3A_1285 = arith.addi %iota3A_1282, %add3A_1284 : vector<16xi32>
    tpu.vector_store_idx %arg9[%add3A_1285, %broadcast_in_dim3A_3], %get3A_1281 : memref<256x128xf32, #tpu.memory_space<vmem>>[vector<16xi32>, vector<16xi32>], vector<16xf32>,
    %get3A_1286 = arith.constant 14 : i32
    %get3A_1287 = arith.index_cast %get3A_1286 : i32 to index
    %get3A_1288 = arith.constant 112 : index
    %get3A_1289 = tpu.vector_load %arg7[%get3A_1287, %get3A_1288] {strides = array<i32>} : memref<16x128xf32, #tpu.memory_space<vmem>>, vector<16xf32>,
    %iota3A_1290 = tpu.iota {dimensions = array<i32: 0>} : vector<16xi32>
    %add3A_1291 = arith.constant 112 : i32
    %add3A_1292 = vector.broadcast %add3A_1291 : i32 to vector<16xi32>
    %add3A_1293 = arith.addi %iota3A_1290, %add3A_1292 : vector<16xi32>
    tpu.vector_store_idx %arg9[%add3A_1293, %broadcast_in_dim3A_3], %get3A_1289 : memref<256x128xf32, #tpu.memory_space<vmem>>[vector<16xi32>, vector<16xi32>], vector<16xf32>,
    %get3A_1294 = arith.constant 15 : i32
    %get3A_1295 = arith.index_cast %get3A_1294 : i32 to index
    %get3A_1296 = arith.constant 0 : index
    %get3A_1297 = tpu.vector_load %arg7[%get3A_1295, %get3A_1296] {strides = array<i32>} : memref<16x128xf32, #tpu.memory_space<vmem>>, vector<16xf32>,
    %iota3A_1298 = tpu.iota {dimensions = array<i32: 0>} : vector<16xi32>
    %add3A_1299 = arith.constant 128 : i32
    %add3A_1300 = vector.broadcast %add3A_1299 : i32 to vector<16xi32>
    %add3A_1301 = arith.addi %iota3A_1298, %add3A_1300 : vector<16xi32>
    tpu.vector_store_idx %arg9[%add3A_1301, %broadcast_in_dim3A_3], %get3A_1297 : memref<256x128xf32, #tpu.memory_space<vmem>>[vector<16xi32>, vector<16xi32>], vector<16xf32>,
    %get3A_1302 = arith.constant 15 : i32
    %get3A_1303 = arith.index_cast %get3A_1302 : i32 to index
    %get3A_1304 = arith.constant 16 : index
    %get3A_1305 = tpu.vector_load %arg7[%get3A_1303, %get3A_1304] {strides = array<i32>} : memref<16x128xf32, #tpu.memory_space<vmem>>, vector<16xf32>,
    %iota3A_1306 = tpu.iota {dimensions = array<i32: 0>} : vector<16xi32>
    %add3A_1307 = arith.constant 144 : i32
    %add3A_1308 = vector.broadcast %add3A_1307 : i32 to vector<16xi32>
    %add3A_1309 = arith.addi %iota3A_1306, %add3A_1308 : vector<16xi32>
    tpu.vector_store_idx %arg9[%add3A_1309, %broadcast_in_dim3A_3], %get3A_1305 : memref<256x128xf32, #tpu.memory_space<vmem>>[vector<16xi32>, vector<16xi32>], vector<16xf32>,
    %get3A_1310 = arith.constant 15 : i32
    %get3A_1311 = arith.index_cast %get3A_1310 : i32 to index
    %get3A_1312 = arith.constant 32 : index
    %get3A_1313 = tpu.vector_load %arg7[%get3A_1311, %get3A_1312] {strides = array<i32>} : memref<16x128xf32, #tpu.memory_space<vmem>>, vector<16xf32>,
    %iota3A_1314 = tpu.iota {dimensions = array<i32: 0>} : vector<16xi32>
    %add3A_1315 = arith.constant 160 : i32
    %add3A_1316 = vector.broadcast %add3A_1315 : i32 to vector<16xi32>
    %add3A_1317 = arith.addi %iota3A_1314, %add3A_1316 : vector<16xi32>
    tpu.vector_store_idx %arg9[%add3A_1317, %broadcast_in_dim3A_3], %get3A_1313 : memref<256x128xf32, #tpu.memory_space<vmem>>[vector<16xi32>, vector<16xi32>], vector<16xf32>,
    %get3A_1318 = arith.constant 15 : i32
    %get3A_1319 = arith.index_cast %get3A_1318 : i32 to index
    %get3A_1320 = arith.constant 48 : index
    %get3A_1321 = tpu.vector_load %arg7[%get3A_1319, %get3A_1320] {strides = array<i32>} : memref<16x128xf32, #tpu.memory_space<vmem>>, vector<16xf32>,
    %iota3A_1322 = tpu.iota {dimensions = array<i32: 0>} : vector<16xi32>
    %add3A_1323 = arith.constant 176 : i32
    %add3A_1324 = vector.broadcast %add3A_1323 : i32 to vector<16xi32>
    %add3A_1325 = arith.addi %iota3A_1322, %add3A_1324 : vector<16xi32>
    tpu.vector_store_idx %arg9[%add3A_1325, %broadcast_in_dim3A_3], %get3A_1321 : memref<256x128xf32, #tpu.memory_space<vmem>>[vector<16xi32>, vector<16xi32>], vector<16xf32>,
    %get3A_1326 = arith.constant 15 : i32
    %get3A_1327 = arith.index_cast %get3A_1326 : i32 to index
    %get3A_1328 = arith.constant 64 : index
    %get3A_1329 = tpu.vector_load %arg7[%get3A_1327, %get3A_1328] {strides = array<i32>} : memref<16x128xf32, #tpu.memory_space<vmem>>, vector<16xf32>,
    %iota3A_1330 = tpu.iota {dimensions = array<i32: 0>} : vector<16xi32>
    %add3A_1331 = arith.constant 192 : i32
    %add3A_1332 = vector.broadcast %add3A_1331 : i32 to vector<16xi32>
    %add3A_1333 = arith.addi %iota3A_1330, %add3A_1332 : vector<16xi32>
    tpu.vector_store_idx %arg9[%add3A_1333, %broadcast_in_dim3A_3], %get3A_1329 : memref<256x128xf32, #tpu.memory_space<vmem>>[vector<16xi32>, vector<16xi32>], vector<16xf32>,
    %get3A_1334 = arith.constant 15 : i32
    %get3A_1335 = arith.index_cast %get3A_1334 : i32 to index
    %get3A_1336 = arith.constant 80 : index
    %get3A_1337 = tpu.vector_load %arg7[%get3A_1335, %get3A_1336] {strides = array<i32>} : memref<16x128xf32, #tpu.memory_space<vmem>>, vector<16xf32>,
    %iota3A_1338 = tpu.iota {dimensions = array<i32: 0>} : vector<16xi32>
    %add3A_1339 = arith.constant 208 : i32
    %add3A_1340 = vector.broadcast %add3A_1339 : i32 to vector<16xi32>
    %add3A_1341 = arith.addi %iota3A_1338, %add3A_1340 : vector<16xi32>
    tpu.vector_store_idx %arg9[%add3A_1341, %broadcast_in_dim3A_3], %get3A_1337 : memref<256x128xf32, #tpu.memory_space<vmem>>[vector<16xi32>, vector<16xi32>], vector<16xf32>,
    %get3A_1342 = arith.constant 15 : i32
    %get3A_1343 = arith.index_cast %get3A_1342 : i32 to index
    %get3A_1344 = arith.constant 96 : index
    %get3A_1345 = tpu.vector_load %arg7[%get3A_1343, %get3A_1344] {strides = array<i32>} : memref<16x128xf32, #tpu.memory_space<vmem>>, vector<16xf32>,
    %iota3A_1346 = tpu.iota {dimensions = array<i32: 0>} : vector<16xi32>
    %add3A_1347 = arith.constant 224 : i32
    %add3A_1348 = vector.broadcast %add3A_1347 : i32 to vector<16xi32>
    %add3A_1349 = arith.addi %iota3A_1346, %add3A_1348 : vector<16xi32>
    tpu.vector_store_idx %arg9[%add3A_1349, %broadcast_in_dim3A_3], %get3A_1345 : memref<256x128xf32, #tpu.memory_space<vmem>>[vector<16xi32>, vector<16xi32>], vector<16xf32>,
    %get3A_1350 = arith.constant 15 : i32
    %get3A_1351 = arith.index_cast %get3A_1350 : i32 to index
    %get3A_1352 = arith.constant 112 : index
    %get3A_1353 = tpu.vector_load %arg7[%get3A_1351, %get3A_1352] {strides = array<i32>} : memref<16x128xf32, #tpu.memory_space<vmem>>, vector<16xf32>,
    %iota3A_1354 = tpu.iota {dimensions = array<i32: 0>} : vector<16xi32>
    %add3A_1355 = arith.constant 240 : i32
    %add3A_1356 = vector.broadcast %add3A_1355 : i32 to vector<16xi32>
    %add3A_1357 = arith.addi %iota3A_1354, %add3A_1356 : vector<16xi32>
    tpu.vector_store_idx %arg9[%add3A_1357, %broadcast_in_dim3A_3], %get3A_1353 : memref<256x128xf32, #tpu.memory_space<vmem>>[vector<16xi32>, vector<16xi32>], vector<16xf32>,
    %add3A_1358 = arith.constant 1792 : i32
    %add3A_1359 = arith.addi %mul3A_2, %add3A_1358 : i32
    "tpu.region"() ({
      %run_scoped3A = tpu.sem_alloc : memref<!tpu.dma_semaphore, #tpu.memory_space<semaphore_mem>>
      %dma_start3A_1360 = arith.constant 0 : i32
      %dma_start3A_1361 = tpu.memref_slice %arg5[%add3A_1359, %dma_start3A_1360] : memref<65536x128xf32, #tpu.memory_space<hbm>> -> memref<256x128xf32, #tpu.memory_space<hbm>>
      %dma_start3A_1362 = arith.constant 0 : i32
      %dma_start3A_1363 = tpu.memref_slice %arg5[%add3A_1359, %dma_start3A_1362] : memref<65536x128xf32, #tpu.memory_space<hbm>> -> memref<256x128xf32, #tpu.memory_space<hbm>>
      tpu.enqueue_dma source(%arg9 : memref<256x128xf32, #tpu.memory_space<vmem>>) target(%dma_start3A_1363 : memref<256x128xf32, #tpu.memory_space<hbm>>) target_semaphore(%run_scoped3A : memref<!tpu.dma_semaphore, #tpu.memory_space<semaphore_mem>>)
      %dma_wait3A_1364 = arith.constant 0 : i32
      %dma_wait3A_1365 = tpu.memref_slice %arg5[%add3A_1359, %dma_wait3A_1364] : memref<65536x128xf32, #tpu.memory_space<hbm>> -> memref<256x128xf32, #tpu.memory_space<hbm>>
      %dma_wait3A_1366 = arith.constant 0 : i32
      %dma_wait3A_1367 = tpu.memref_slice %arg5[%add3A_1359, %dma_wait3A_1366] : memref<65536x128xf32, #tpu.memory_space<hbm>> -> memref<256x128xf32, #tpu.memory_space<hbm>>
      tpu.wait_dma2 semaphore(%run_scoped3A : memref<!tpu.dma_semaphore, #tpu.memory_space<semaphore_mem>>) src(%arg9 : memref<256x128xf32, #tpu.memory_space<vmem>>) dst(%dma_wait3A_1367 : memref<256x128xf32, #tpu.memory_space<hbm>>)
      tpu.yield
    }) : () -> ()
    return
  }
}

module attributes {stable_mosaic.version = 14 : i64} {
  func.func @_prep_body(%arg0: i32, %arg1: memref<1x1x8192xf32, #tpu.memory_space<vmem>>, %arg2: memref<1x4096x128xf32, #tpu.memory_space<vmem>>, %arg3: memref<384x128xf32, #tpu.memory_space<vmem>>, %arg4: memref<1x128xf32, #tpu.memory_space<vmem>>, %arg5: memref<1x4096x128xf32, #tpu.memory_space<vmem>>, %arg6: memref<1x2x1x8192xi32, #tpu.memory_space<vmem>>, %arg7: memref<1x2x1x8192xf32, #tpu.memory_space<vmem>>) attributes {dimension_semantics = [#tpu.dimension_semantics<arbitrary>], iteration_bounds = array<i64: 8>, scalar_prefetch = 0 : i64, scratch_operands = 0 : i64, tpu.core_type = #tpu.core_type<tc>, window_params = [{transform_indices = @transform_0, window_bounds = array<i64: 1, 1, 8192>}, {transform_indices = @transform_1, window_bounds = array<i64: 1, 4096, 128>}, {pipeline_mode = #tpu.pipeline_mode<synchronous>, transform_indices = @transform_2, window_bounds = array<i64: 384, 128>}, {pipeline_mode = #tpu.pipeline_mode<synchronous>, transform_indices = @transform_3, window_bounds = array<i64: 1, 128>}, {transform_indices = @transform_4, window_bounds = array<i64: 1, 4096, 128>}, {transform_indices = @transform_5, window_bounds = array<i64: 1, 2, 1, 8192>}, {transform_indices = @transform_6, window_bounds = array<i64: 1, 2, 1, 8192>}]} {
    %get3A = arith.constant 0 : index
    %get3A_0 = arith.constant 0 : index
    %get3A_1 = arith.constant 0 : index
    %get3A_2 = vector.load %arg2[%get3A, %get3A_0, %get3A_1] : memref<1x4096x128xf32, #tpu.memory_space<vmem>>, vector<1x4096x128xf32>
    %get3A_3 = vector.shape_cast %get3A_2 : vector<1x4096x128xf32> to vector<4096x128xf32>
    %get3A_4 = arith.constant 0 : index
    %get3A_5 = arith.constant 0 : index
    %get3A_6 = vector.load %arg3[%get3A_4, %get3A_5] : memref<384x128xf32, #tpu.memory_space<vmem>>, vector<128x128xf32>
    %dot_general3A = arith.constant dense<0.000000e+00> : vector<4096x128xf32>
    %dot_general3A_7 = tpu.matmul %get3A_3, %get3A_6, %dot_general3A {dimension_numbers = #tpu.dot_dimension_numbers<[1], [0], [0], [1], [0, 0, 1, 1], [], []>, transpose_lhs_hint = false} : vector<4096x128xf32>, vector<128x128xf32>, vector<4096x128xf32> -> vector<4096x128xf32>
    %get3A_8 = arith.constant 128 : index
    %get3A_9 = arith.constant 0 : index
    %get3A_10 = vector.load %arg3[%get3A_8, %get3A_9] : memref<384x128xf32, #tpu.memory_space<vmem>>, vector<128x128xf32>
    %dot_general3A_11 = arith.constant dense<0.000000e+00> : vector<4096x128xf32>
    %dot_general3A_12 = tpu.matmul %get3A_3, %get3A_10, %dot_general3A_11 {dimension_numbers = #tpu.dot_dimension_numbers<[1], [0], [0], [1], [0, 0, 1, 1], [], []>, transpose_lhs_hint = false} : vector<4096x128xf32>, vector<128x128xf32>, vector<4096x128xf32> -> vector<4096x128xf32>
    %get3A_13 = arith.constant 256 : index
    %get3A_14 = arith.constant 0 : index
    %get3A_15 = vector.load %arg3[%get3A_13, %get3A_14] : memref<384x128xf32, #tpu.memory_space<vmem>>, vector<128x128xf32>
    %dot_general3A_16 = arith.constant dense<0.000000e+00> : vector<4096x128xf32>
    %dot_general3A_17 = tpu.matmul %get3A_3, %get3A_15, %dot_general3A_16 {dimension_numbers = #tpu.dot_dimension_numbers<[1], [0], [0], [1], [0, 0, 1, 1], [], []>, transpose_lhs_hint = false} : vector<4096x128xf32>, vector<128x128xf32>, vector<4096x128xf32> -> vector<4096x128xf32>
    %slice3A = vector.extract_strided_slice %dot_general3A_7 {offsets = [0, 0], sizes = [1, 128], strides = [1, 1]} : vector<4096x128xf32> to vector<1x128xf32>
    %slice3A_18 = vector.extract_strided_slice %dot_general3A_7 {offsets = [0, 0], sizes = [4095, 128], strides = [1, 1]} : vector<4096x128xf32> to vector<4095x128xf32>
    %concatenate3A = tpu.concatenate %slice3A, %slice3A_18 in 0 : vector<1x128xf32>, vector<4095x128xf32> -> vector<4096x128xf32>
    %slice3A_19 = vector.extract_strided_slice %dot_general3A_17 {offsets = [1, 0], sizes = [4095, 128], strides = [1, 1]} : vector<4096x128xf32> to vector<4095x128xf32>
    %slice3A_20 = vector.extract_strided_slice %dot_general3A_17 {offsets = [4095, 0], sizes = [1, 128], strides = [1, 1]} : vector<4096x128xf32> to vector<1x128xf32>
    %concatenate3A_21 = tpu.concatenate %slice3A_19, %slice3A_20 in 0 : vector<4095x128xf32>, vector<1x128xf32> -> vector<4096x128xf32>
    %add3A = arith.addf %concatenate3A, %dot_general3A_12 : vector<4096x128xf32>
    %add3A_22 = arith.addf %add3A, %concatenate3A_21 : vector<4096x128xf32>
    %get3A_23 = arith.constant 0 : index
    %get3A_24 = arith.constant 0 : index
    %get3A_25 = vector.load %arg4[%get3A_23, %get3A_24] : memref<1x128xf32, #tpu.memory_space<vmem>>, vector<1x128xf32>
    %add3A_26 = vector.broadcast %get3A_25 : vector<1x128xf32> to vector<4096x128xf32>
    %add3A_27 = arith.addf %add3A_22, %add3A_26 : vector<4096x128xf32>
    %swap3A = arith.constant 0 : index
    %swap3A_28 = arith.constant 0 : index
    %swap3A_29 = arith.constant 0 : index
    %swap3A_30 = vector.load %arg5[%swap3A, %swap3A_28, %swap3A_29] : memref<1x4096x128xf32, #tpu.memory_space<vmem>>, vector<1x4096x128xf32>
    %swap3A_31 = vector.shape_cast %swap3A_30 : vector<1x4096x128xf32> to vector<4096x128xf32>
    %swap3A_32 = vector.shape_cast %add3A_27 : vector<4096x128xf32> to vector<1x4096x128xf32>
    tpu.vector_store %arg5[%swap3A, %swap3A_28, %swap3A_29], %swap3A_32 {strides = array<i32>} : memref<1x4096x128xf32, #tpu.memory_space<vmem>>, vector<1x4096x128xf32>,
    %get3A_33 = arith.constant 0 : index
    %get3A_34 = arith.constant 0 : index
    %get3A_35 = arith.constant 0 : index
    %get3A_36 = vector.load %arg1[%get3A_33, %get3A_34, %get3A_35] : memref<1x1x8192xf32, #tpu.memory_space<vmem>>, vector<1x1x8192xf32>
    %get3A_37 = vector.shape_cast %get3A_36 : vector<1x1x8192xf32> to vector<1x8192xf32>
    %add3A_38 = arith.constant -4.8828125E-4 : f32
    %add3A_39 = vector.broadcast %add3A_38 : f32 to vector<1x8192xf32>
    %add3A_40 = arith.addf %get3A_37, %add3A_39 : vector<1x8192xf32>
    %add3A_41 = arith.constant 9.99999997E-7 : f32
    %add3A_42 = vector.broadcast %add3A_41 : f32 to vector<1x8192xf32>
    %add3A_43 = arith.addf %add3A_40, %add3A_42 : vector<1x8192xf32>
    %jit3A = arith.constant -0.999998986 : f32
    %jit3A_44 = arith.constant 0.999998986 : f32
    %max3A = vector.broadcast %jit3A : f32 to vector<1x8192xf32>
    %max3A_45 = arith.maximumf %max3A, %add3A_43 : vector<1x8192xf32>
    %min3A = vector.broadcast %jit3A_44 : f32 to vector<1x8192xf32>
    %min3A_46 = arith.minimumf %min3A, %max3A_45 : vector<1x8192xf32>
    %mul3A = arith.constant 4.096000e+03 : f32
    %mul3A_47 = vector.broadcast %mul3A : f32 to vector<1x8192xf32>
    %mul3A_48 = arith.mulf %min3A_46, %mul3A_47 : vector<1x8192xf32>
    %add3A_49 = arith.constant 4.095000e+03 : f32
    %add3A_50 = vector.broadcast %add3A_49 : f32 to vector<1x8192xf32>
    %add3A_51 = arith.addf %mul3A_48, %add3A_50 : vector<1x8192xf32>
    %mul3A_52 = arith.constant 5.000000e-01 : f32
    %mul3A_53 = vector.broadcast %mul3A_52 : f32 to vector<1x8192xf32>
    %mul3A_54 = arith.mulf %add3A_51, %mul3A_53 : vector<1x8192xf32>
    %floor3A = math.floor %mul3A_54 : vector<1x8192xf32>
    %convert_element_type3A = arith.fptosi %floor3A : vector<1x8192xf32> to vector<1x8192xi32>
    %jit3A_55 = arith.constant 0 : i32
    %jit3A_56 = arith.constant 4096 : i32
    %max3A_57 = vector.broadcast %jit3A_55 : i32 to vector<1x8192xi32>
    %max3A_58 = arith.maxsi %max3A_57, %convert_element_type3A : vector<1x8192xi32>
    %min3A_59 = vector.broadcast %jit3A_56 : i32 to vector<1x8192xi32>
    %min3A_60 = arith.minsi %min3A_59, %max3A_58 : vector<1x8192xi32>
    %lt3A = arith.constant 4096 : i32
    %lt3A_61 = vector.broadcast %lt3A : i32 to vector<1x8192xi32>
    %lt3A_62 = arith.cmpi slt, %min3A_60, %lt3A_61 : vector<1x8192xi32>
    %min3A_63 = arith.constant 4095 : i32
    %min3A_64 = vector.broadcast %min3A_63 : i32 to vector<1x8192xi32>
    %min3A_65 = arith.minsi %min3A_60, %min3A_64 : vector<1x8192xi32>
    %convert_element_type3A_66 = arith.sitofp %min3A_65 : vector<1x8192xi32> to vector<1x8192xf32>
    %mul3A_67 = arith.constant 2.000000e+00 : f32
    %mul3A_68 = vector.broadcast %mul3A_67 : f32 to vector<1x8192xf32>
    %mul3A_69 = arith.mulf %mul3A_68, %convert_element_type3A_66 : vector<1x8192xf32>
    %sub3A = arith.constant 4.095000e+03 : f32
    %sub3A_70 = vector.broadcast %sub3A : f32 to vector<1x8192xf32>
    %sub3A_71 = arith.subf %mul3A_69, %sub3A_70 : vector<1x8192xf32>
    %mul3A_72 = arith.constant 2.44140625E-4 : f32
    %mul3A_73 = vector.broadcast %mul3A_72 : f32 to vector<1x8192xf32>
    %mul3A_74 = arith.mulf %sub3A_71, %mul3A_73 : vector<1x8192xf32>
    %lt3A_75 = arith.cmpf olt, %mul3A_74, %min3A_46 : vector<1x8192xf32>
    %and3A = arith.andi %lt3A_62, %lt3A_75 : vector<1x8192xi1>
    %convert_element_type3A_76 = arith.extui %and3A : vector<1x8192xi1> to vector<1x8192xi32>
    %add3A_77 = arith.addi %min3A_60, %convert_element_type3A_76 : vector<1x8192xi32>
    %lt3A_78 = arith.constant 4096 : i32
    %lt3A_79 = vector.broadcast %lt3A_78 : i32 to vector<1x8192xi32>
    %lt3A_80 = arith.cmpi slt, %add3A_77, %lt3A_79 : vector<1x8192xi32>
    %min3A_81 = arith.constant 4095 : i32
    %min3A_82 = vector.broadcast %min3A_81 : i32 to vector<1x8192xi32>
    %min3A_83 = arith.minsi %add3A_77, %min3A_82 : vector<1x8192xi32>
    %convert_element_type3A_84 = arith.sitofp %min3A_83 : vector<1x8192xi32> to vector<1x8192xf32>
    %mul3A_85 = arith.constant 2.000000e+00 : f32
    %mul3A_86 = vector.broadcast %mul3A_85 : f32 to vector<1x8192xf32>
    %mul3A_87 = arith.mulf %mul3A_86, %convert_element_type3A_84 : vector<1x8192xf32>
    %sub3A_88 = arith.constant 4.095000e+03 : f32
    %sub3A_89 = vector.broadcast %sub3A_88 : f32 to vector<1x8192xf32>
    %sub3A_90 = arith.subf %mul3A_87, %sub3A_89 : vector<1x8192xf32>
    %mul3A_91 = arith.constant 2.44140625E-4 : f32
    %mul3A_92 = vector.broadcast %mul3A_91 : f32 to vector<1x8192xf32>
    %mul3A_93 = arith.mulf %sub3A_90, %mul3A_92 : vector<1x8192xf32>
    %lt3A_94 = arith.cmpf olt, %mul3A_93, %min3A_46 : vector<1x8192xf32>
    %and3A_95 = arith.andi %lt3A_80, %lt3A_94 : vector<1x8192xi1>
    %convert_element_type3A_96 = arith.extui %and3A_95 : vector<1x8192xi1> to vector<1x8192xi32>
    %add3A_97 = arith.addi %add3A_77, %convert_element_type3A_96 : vector<1x8192xi32>
    %gt3A = arith.constant 0 : i32
    %gt3A_98 = vector.broadcast %gt3A : i32 to vector<1x8192xi32>
    %gt3A_99 = arith.cmpi sgt, %add3A_97, %gt3A_98 : vector<1x8192xi32>
    %max3A_100 = arith.constant 1 : i32
    %max3A_101 = vector.broadcast %max3A_100 : i32 to vector<1x8192xi32>
    %max3A_102 = arith.maxsi %add3A_97, %max3A_101 : vector<1x8192xi32>
    %sub3A_103 = arith.constant 1 : i32
    %sub3A_104 = vector.broadcast %sub3A_103 : i32 to vector<1x8192xi32>
    %sub3A_105 = arith.subi %max3A_102, %sub3A_104 : vector<1x8192xi32>
    %convert_element_type3A_106 = arith.sitofp %sub3A_105 : vector<1x8192xi32> to vector<1x8192xf32>
    %mul3A_107 = arith.constant 2.000000e+00 : f32
    %mul3A_108 = vector.broadcast %mul3A_107 : f32 to vector<1x8192xf32>
    %mul3A_109 = arith.mulf %mul3A_108, %convert_element_type3A_106 : vector<1x8192xf32>
    %sub3A_110 = arith.constant 4.095000e+03 : f32
    %sub3A_111 = vector.broadcast %sub3A_110 : f32 to vector<1x8192xf32>
    %sub3A_112 = arith.subf %mul3A_109, %sub3A_111 : vector<1x8192xf32>
    %mul3A_113 = arith.constant 2.44140625E-4 : f32
    %mul3A_114 = vector.broadcast %mul3A_113 : f32 to vector<1x8192xf32>
    %mul3A_115 = arith.mulf %sub3A_112, %mul3A_114 : vector<1x8192xf32>
    %ge3A = arith.cmpf oge, %mul3A_115, %min3A_46 : vector<1x8192xf32>
    %and3A_116 = arith.andi %gt3A_99, %ge3A : vector<1x8192xi1>
    %convert_element_type3A_117 = arith.extui %and3A_116 : vector<1x8192xi1> to vector<1x8192xi32>
    %sub3A_118 = arith.subi %add3A_97, %convert_element_type3A_117 : vector<1x8192xi32>
    %gt3A_119 = arith.constant 0 : i32
    %gt3A_120 = vector.broadcast %gt3A_119 : i32 to vector<1x8192xi32>
    %gt3A_121 = arith.cmpi sgt, %sub3A_118, %gt3A_120 : vector<1x8192xi32>
    %max3A_122 = arith.constant 1 : i32
    %max3A_123 = vector.broadcast %max3A_122 : i32 to vector<1x8192xi32>
    %max3A_124 = arith.maxsi %sub3A_118, %max3A_123 : vector<1x8192xi32>
    %sub3A_125 = arith.constant 1 : i32
    %sub3A_126 = vector.broadcast %sub3A_125 : i32 to vector<1x8192xi32>
    %sub3A_127 = arith.subi %max3A_124, %sub3A_126 : vector<1x8192xi32>
    %convert_element_type3A_128 = arith.sitofp %sub3A_127 : vector<1x8192xi32> to vector<1x8192xf32>
    %mul3A_129 = arith.constant 2.000000e+00 : f32
    %mul3A_130 = vector.broadcast %mul3A_129 : f32 to vector<1x8192xf32>
    %mul3A_131 = arith.mulf %mul3A_130, %convert_element_type3A_128 : vector<1x8192xf32>
    %sub3A_132 = arith.constant 4.095000e+03 : f32
    %sub3A_133 = vector.broadcast %sub3A_132 : f32 to vector<1x8192xf32>
    %sub3A_134 = arith.subf %mul3A_131, %sub3A_133 : vector<1x8192xf32>
    %mul3A_135 = arith.constant 2.44140625E-4 : f32
    %mul3A_136 = vector.broadcast %mul3A_135 : f32 to vector<1x8192xf32>
    %mul3A_137 = arith.mulf %sub3A_134, %mul3A_136 : vector<1x8192xf32>
    %ge3A_138 = arith.cmpf oge, %mul3A_137, %min3A_46 : vector<1x8192xf32>
    %and3A_139 = arith.andi %gt3A_121, %ge3A_138 : vector<1x8192xi1>
    %convert_element_type3A_140 = arith.extui %and3A_139 : vector<1x8192xi1> to vector<1x8192xi32>
    %sub3A_141 = arith.subi %sub3A_118, %convert_element_type3A_140 : vector<1x8192xi32>
    %jit3A_142 = arith.constant 0 : i32
    %jit3A_143 = arith.constant 4095 : i32
    %max3A_144 = vector.broadcast %jit3A_142 : i32 to vector<1x8192xi32>
    %max3A_145 = arith.maxsi %max3A_144, %sub3A_141 : vector<1x8192xi32>
    %min3A_146 = vector.broadcast %jit3A_143 : i32 to vector<1x8192xi32>
    %min3A_147 = arith.minsi %min3A_146, %max3A_145 : vector<1x8192xi32>
    %convert_element_type3A_148 = arith.sitofp %min3A_147 : vector<1x8192xi32> to vector<1x8192xf32>
    %mul3A_149 = arith.constant 2.000000e+00 : f32
    %mul3A_150 = vector.broadcast %mul3A_149 : f32 to vector<1x8192xf32>
    %mul3A_151 = arith.mulf %mul3A_150, %convert_element_type3A_148 : vector<1x8192xf32>
    %sub3A_152 = arith.constant 4.095000e+03 : f32
    %sub3A_153 = vector.broadcast %sub3A_152 : f32 to vector<1x8192xf32>
    %sub3A_154 = arith.subf %mul3A_151, %sub3A_153 : vector<1x8192xf32>
    %mul3A_155 = arith.constant 2.44140625E-4 : f32
    %mul3A_156 = vector.broadcast %mul3A_155 : f32 to vector<1x8192xf32>
    %mul3A_157 = arith.mulf %sub3A_154, %mul3A_156 : vector<1x8192xf32>
    %sub3A_158 = arith.subf %get3A_37, %mul3A_157 : vector<1x8192xf32>
    %mul3A_159 = arith.constant 4.096000e+03 : f32
    %mul3A_160 = vector.broadcast %mul3A_159 : f32 to vector<1x8192xf32>
    %mul3A_161 = arith.mulf %sub3A_158, %mul3A_160 : vector<1x8192xf32>
    %mul3A_162 = arith.constant 4096 : i32
    %mul3A_163 = arith.muli %arg0, %mul3A_162 : i32
    %add3A_164 = vector.broadcast %mul3A_163 : i32 to vector<1x8192xi32>
    %add3A_165 = arith.addi %min3A_147, %add3A_164 : vector<1x8192xi32>
    %swap3A_166 = arith.constant 0 : index
    %swap3A_167 = arith.constant 0 : index
    %swap3A_168 = arith.constant 0 : index
    %swap3A_169 = arith.constant 0 : index
    %swap3A_170 = vector.load %arg6[%swap3A_166, %swap3A_167, %swap3A_168, %swap3A_169] : memref<1x2x1x8192xi32, #tpu.memory_space<vmem>>, vector<1x1x1x8192xi32>
    %swap3A_171 = vector.shape_cast %swap3A_170 : vector<1x1x1x8192xi32> to vector<1x8192xi32>
    %swap3A_172 = vector.shape_cast %add3A_165 : vector<1x8192xi32> to vector<1x1x1x8192xi32>
    tpu.vector_store %arg6[%swap3A_166, %swap3A_167, %swap3A_168, %swap3A_169], %swap3A_172 {strides = array<i32>} : memref<1x2x1x8192xi32, #tpu.memory_space<vmem>>, vector<1x1x1x8192xi32>,
    %swap3A_173 = arith.constant 0 : index
    %swap3A_174 = arith.constant 0 : index
    %swap3A_175 = arith.constant 0 : index
    %swap3A_176 = arith.constant 0 : index
    %swap3A_177 = vector.load %arg7[%swap3A_173, %swap3A_174, %swap3A_175, %swap3A_176] : memref<1x2x1x8192xf32, #tpu.memory_space<vmem>>, vector<1x1x1x8192xf32>
    %swap3A_178 = vector.shape_cast %swap3A_177 : vector<1x1x1x8192xf32> to vector<1x8192xf32>
    %swap3A_179 = vector.shape_cast %mul3A_161 : vector<1x8192xf32> to vector<1x1x1x8192xf32>
    tpu.vector_store %arg7[%swap3A_173, %swap3A_174, %swap3A_175, %swap3A_176], %swap3A_179 {strides = array<i32>} : memref<1x2x1x8192xf32, #tpu.memory_space<vmem>>, vector<1x1x1x8192xf32>,
    %add3A_180 = arith.constant 0.000000e+00 : f32
    %add3A_181 = vector.broadcast %add3A_180 : f32 to vector<1x8192xf32>
    %add3A_182 = arith.addf %get3A_37, %add3A_181 : vector<1x8192xf32>
    %add3A_183 = arith.constant 9.99999997E-7 : f32
    %add3A_184 = vector.broadcast %add3A_183 : f32 to vector<1x8192xf32>
    %add3A_185 = arith.addf %add3A_182, %add3A_184 : vector<1x8192xf32>
    %jit3A_186 = arith.constant -0.999998986 : f32
    %jit3A_187 = arith.constant 0.999998986 : f32
    %max3A_188 = vector.broadcast %jit3A_186 : f32 to vector<1x8192xf32>
    %max3A_189 = arith.maximumf %max3A_188, %add3A_185 : vector<1x8192xf32>
    %min3A_190 = vector.broadcast %jit3A_187 : f32 to vector<1x8192xf32>
    %min3A_191 = arith.minimumf %min3A_190, %max3A_189 : vector<1x8192xf32>
    %mul3A_192 = arith.constant 4.096000e+03 : f32
    %mul3A_193 = vector.broadcast %mul3A_192 : f32 to vector<1x8192xf32>
    %mul3A_194 = arith.mulf %min3A_191, %mul3A_193 : vector<1x8192xf32>
    %add3A_195 = arith.constant 4.095000e+03 : f32
    %add3A_196 = vector.broadcast %add3A_195 : f32 to vector<1x8192xf32>
    %add3A_197 = arith.addf %mul3A_194, %add3A_196 : vector<1x8192xf32>
    %mul3A_198 = arith.constant 5.000000e-01 : f32
    %mul3A_199 = vector.broadcast %mul3A_198 : f32 to vector<1x8192xf32>
    %mul3A_200 = arith.mulf %add3A_197, %mul3A_199 : vector<1x8192xf32>
    %floor3A_201 = math.floor %mul3A_200 : vector<1x8192xf32>
    %convert_element_type3A_202 = arith.fptosi %floor3A_201 : vector<1x8192xf32> to vector<1x8192xi32>
    %jit3A_203 = arith.constant 0 : i32
    %jit3A_204 = arith.constant 4096 : i32
    %max3A_205 = vector.broadcast %jit3A_203 : i32 to vector<1x8192xi32>
    %max3A_206 = arith.maxsi %max3A_205, %convert_element_type3A_202 : vector<1x8192xi32>
    %min3A_207 = vector.broadcast %jit3A_204 : i32 to vector<1x8192xi32>
    %min3A_208 = arith.minsi %min3A_207, %max3A_206 : vector<1x8192xi32>
    %lt3A_209 = arith.constant 4096 : i32
    %lt3A_210 = vector.broadcast %lt3A_209 : i32 to vector<1x8192xi32>
    %lt3A_211 = arith.cmpi slt, %min3A_208, %lt3A_210 : vector<1x8192xi32>
    %min3A_212 = arith.constant 4095 : i32
    %min3A_213 = vector.broadcast %min3A_212 : i32 to vector<1x8192xi32>
    %min3A_214 = arith.minsi %min3A_208, %min3A_213 : vector<1x8192xi32>
    %convert_element_type3A_215 = arith.sitofp %min3A_214 : vector<1x8192xi32> to vector<1x8192xf32>
    %mul3A_216 = arith.constant 2.000000e+00 : f32
    %mul3A_217 = vector.broadcast %mul3A_216 : f32 to vector<1x8192xf32>
    %mul3A_218 = arith.mulf %mul3A_217, %convert_element_type3A_215 : vector<1x8192xf32>
    %sub3A_219 = arith.constant 4.095000e+03 : f32
    %sub3A_220 = vector.broadcast %sub3A_219 : f32 to vector<1x8192xf32>
    %sub3A_221 = arith.subf %mul3A_218, %sub3A_220 : vector<1x8192xf32>
    %mul3A_222 = arith.constant 2.44140625E-4 : f32
    %mul3A_223 = vector.broadcast %mul3A_222 : f32 to vector<1x8192xf32>
    %mul3A_224 = arith.mulf %sub3A_221, %mul3A_223 : vector<1x8192xf32>
    %lt3A_225 = arith.cmpf olt, %mul3A_224, %min3A_191 : vector<1x8192xf32>
    %and3A_226 = arith.andi %lt3A_211, %lt3A_225 : vector<1x8192xi1>
    %convert_element_type3A_227 = arith.extui %and3A_226 : vector<1x8192xi1> to vector<1x8192xi32>
    %add3A_228 = arith.addi %min3A_208, %convert_element_type3A_227 : vector<1x8192xi32>
    %lt3A_229 = arith.constant 4096 : i32
    %lt3A_230 = vector.broadcast %lt3A_229 : i32 to vector<1x8192xi32>
    %lt3A_231 = arith.cmpi slt, %add3A_228, %lt3A_230 : vector<1x8192xi32>
    %min3A_232 = arith.constant 4095 : i32
    %min3A_233 = vector.broadcast %min3A_232 : i32 to vector<1x8192xi32>
    %min3A_234 = arith.minsi %add3A_228, %min3A_233 : vector<1x8192xi32>
    %convert_element_type3A_235 = arith.sitofp %min3A_234 : vector<1x8192xi32> to vector<1x8192xf32>
    %mul3A_236 = arith.constant 2.000000e+00 : f32
    %mul3A_237 = vector.broadcast %mul3A_236 : f32 to vector<1x8192xf32>
    %mul3A_238 = arith.mulf %mul3A_237, %convert_element_type3A_235 : vector<1x8192xf32>
    %sub3A_239 = arith.constant 4.095000e+03 : f32
    %sub3A_240 = vector.broadcast %sub3A_239 : f32 to vector<1x8192xf32>
    %sub3A_241 = arith.subf %mul3A_238, %sub3A_240 : vector<1x8192xf32>
    %mul3A_242 = arith.constant 2.44140625E-4 : f32
    %mul3A_243 = vector.broadcast %mul3A_242 : f32 to vector<1x8192xf32>
    %mul3A_244 = arith.mulf %sub3A_241, %mul3A_243 : vector<1x8192xf32>
    %lt3A_245 = arith.cmpf olt, %mul3A_244, %min3A_191 : vector<1x8192xf32>
    %and3A_246 = arith.andi %lt3A_231, %lt3A_245 : vector<1x8192xi1>
    %convert_element_type3A_247 = arith.extui %and3A_246 : vector<1x8192xi1> to vector<1x8192xi32>
    %add3A_248 = arith.addi %add3A_228, %convert_element_type3A_247 : vector<1x8192xi32>
    %gt3A_249 = arith.constant 0 : i32
    %gt3A_250 = vector.broadcast %gt3A_249 : i32 to vector<1x8192xi32>
    %gt3A_251 = arith.cmpi sgt, %add3A_248, %gt3A_250 : vector<1x8192xi32>
    %max3A_252 = arith.constant 1 : i32
    %max3A_253 = vector.broadcast %max3A_252 : i32 to vector<1x8192xi32>
    %max3A_254 = arith.maxsi %add3A_248, %max3A_253 : vector<1x8192xi32>
    %sub3A_255 = arith.constant 1 : i32
    %sub3A_256 = vector.broadcast %sub3A_255 : i32 to vector<1x8192xi32>
    %sub3A_257 = arith.subi %max3A_254, %sub3A_256 : vector<1x8192xi32>
    %convert_element_type3A_258 = arith.sitofp %sub3A_257 : vector<1x8192xi32> to vector<1x8192xf32>
    %mul3A_259 = arith.constant 2.000000e+00 : f32
    %mul3A_260 = vector.broadcast %mul3A_259 : f32 to vector<1x8192xf32>
    %mul3A_261 = arith.mulf %mul3A_260, %convert_element_type3A_258 : vector<1x8192xf32>
    %sub3A_262 = arith.constant 4.095000e+03 : f32
    %sub3A_263 = vector.broadcast %sub3A_262 : f32 to vector<1x8192xf32>
    %sub3A_264 = arith.subf %mul3A_261, %sub3A_263 : vector<1x8192xf32>
    %mul3A_265 = arith.constant 2.44140625E-4 : f32
    %mul3A_266 = vector.broadcast %mul3A_265 : f32 to vector<1x8192xf32>
    %mul3A_267 = arith.mulf %sub3A_264, %mul3A_266 : vector<1x8192xf32>
    %ge3A_268 = arith.cmpf oge, %mul3A_267, %min3A_191 : vector<1x8192xf32>
    %and3A_269 = arith.andi %gt3A_251, %ge3A_268 : vector<1x8192xi1>
    %convert_element_type3A_270 = arith.extui %and3A_269 : vector<1x8192xi1> to vector<1x8192xi32>
    %sub3A_271 = arith.subi %add3A_248, %convert_element_type3A_270 : vector<1x8192xi32>
    %gt3A_272 = arith.constant 0 : i32
    %gt3A_273 = vector.broadcast %gt3A_272 : i32 to vector<1x8192xi32>
    %gt3A_274 = arith.cmpi sgt, %sub3A_271, %gt3A_273 : vector<1x8192xi32>
    %max3A_275 = arith.constant 1 : i32
    %max3A_276 = vector.broadcast %max3A_275 : i32 to vector<1x8192xi32>
    %max3A_277 = arith.maxsi %sub3A_271, %max3A_276 : vector<1x8192xi32>
    %sub3A_278 = arith.constant 1 : i32
    %sub3A_279 = vector.broadcast %sub3A_278 : i32 to vector<1x8192xi32>
    %sub3A_280 = arith.subi %max3A_277, %sub3A_279 : vector<1x8192xi32>
    %convert_element_type3A_281 = arith.sitofp %sub3A_280 : vector<1x8192xi32> to vector<1x8192xf32>
    %mul3A_282 = arith.constant 2.000000e+00 : f32
    %mul3A_283 = vector.broadcast %mul3A_282 : f32 to vector<1x8192xf32>
    %mul3A_284 = arith.mulf %mul3A_283, %convert_element_type3A_281 : vector<1x8192xf32>
    %sub3A_285 = arith.constant 4.095000e+03 : f32
    %sub3A_286 = vector.broadcast %sub3A_285 : f32 to vector<1x8192xf32>
    %sub3A_287 = arith.subf %mul3A_284, %sub3A_286 : vector<1x8192xf32>
    %mul3A_288 = arith.constant 2.44140625E-4 : f32
    %mul3A_289 = vector.broadcast %mul3A_288 : f32 to vector<1x8192xf32>
    %mul3A_290 = arith.mulf %sub3A_287, %mul3A_289 : vector<1x8192xf32>
    %ge3A_291 = arith.cmpf oge, %mul3A_290, %min3A_191 : vector<1x8192xf32>
    %and3A_292 = arith.andi %gt3A_274, %ge3A_291 : vector<1x8192xi1>
    %convert_element_type3A_293 = arith.extui %and3A_292 : vector<1x8192xi1> to vector<1x8192xi32>
    %sub3A_294 = arith.subi %sub3A_271, %convert_element_type3A_293 : vector<1x8192xi32>
    %jit3A_295 = arith.constant 0 : i32
    %jit3A_296 = arith.constant 4095 : i32
    %max3A_297 = vector.broadcast %jit3A_295 : i32 to vector<1x8192xi32>
    %max3A_298 = arith.maxsi %max3A_297, %sub3A_294 : vector<1x8192xi32>
    %min3A_299 = vector.broadcast %jit3A_296 : i32 to vector<1x8192xi32>
    %min3A_300 = arith.minsi %min3A_299, %max3A_298 : vector<1x8192xi32>
    %convert_element_type3A_301 = arith.sitofp %min3A_300 : vector<1x8192xi32> to vector<1x8192xf32>
    %mul3A_302 = arith.constant 2.000000e+00 : f32
    %mul3A_303 = vector.broadcast %mul3A_302 : f32 to vector<1x8192xf32>
    %mul3A_304 = arith.mulf %mul3A_303, %convert_element_type3A_301 : vector<1x8192xf32>
    %sub3A_305 = arith.constant 4.095000e+03 : f32
    %sub3A_306 = vector.broadcast %sub3A_305 : f32 to vector<1x8192xf32>
    %sub3A_307 = arith.subf %mul3A_304, %sub3A_306 : vector<1x8192xf32>
    %mul3A_308 = arith.constant 2.44140625E-4 : f32
    %mul3A_309 = vector.broadcast %mul3A_308 : f32 to vector<1x8192xf32>
    %mul3A_310 = arith.mulf %sub3A_307, %mul3A_309 : vector<1x8192xf32>
    %sub3A_311 = arith.subf %get3A_37, %mul3A_310 : vector<1x8192xf32>
    %mul3A_312 = arith.constant 4.096000e+03 : f32
    %mul3A_313 = vector.broadcast %mul3A_312 : f32 to vector<1x8192xf32>
    %mul3A_314 = arith.mulf %sub3A_311, %mul3A_313 : vector<1x8192xf32>
    %mul3A_315 = arith.constant 4096 : i32
    %mul3A_316 = arith.muli %arg0, %mul3A_315 : i32
    %add3A_317 = vector.broadcast %mul3A_316 : i32 to vector<1x8192xi32>
    %add3A_318 = arith.addi %min3A_300, %add3A_317 : vector<1x8192xi32>
    %swap3A_319 = arith.constant 0 : index
    %swap3A_320 = arith.constant 1 : index
    %swap3A_321 = arith.constant 0 : index
    %swap3A_322 = arith.constant 0 : index
    %swap3A_323 = vector.load %arg6[%swap3A_319, %swap3A_320, %swap3A_321, %swap3A_322] : memref<1x2x1x8192xi32, #tpu.memory_space<vmem>>, vector<1x1x1x8192xi32>
    %swap3A_324 = vector.shape_cast %swap3A_323 : vector<1x1x1x8192xi32> to vector<1x8192xi32>
    %swap3A_325 = vector.shape_cast %add3A_318 : vector<1x8192xi32> to vector<1x1x1x8192xi32>
    tpu.vector_store %arg6[%swap3A_319, %swap3A_320, %swap3A_321, %swap3A_322], %swap3A_325 {strides = array<i32>} : memref<1x2x1x8192xi32, #tpu.memory_space<vmem>>, vector<1x1x1x8192xi32>,
    %swap3A_326 = arith.constant 0 : index
    %swap3A_327 = arith.constant 1 : index
    %swap3A_328 = arith.constant 0 : index
    %swap3A_329 = arith.constant 0 : index
    %swap3A_330 = vector.load %arg7[%swap3A_326, %swap3A_327, %swap3A_328, %swap3A_329] : memref<1x2x1x8192xf32, #tpu.memory_space<vmem>>, vector<1x1x1x8192xf32>
    %swap3A_331 = vector.shape_cast %swap3A_330 : vector<1x1x1x8192xf32> to vector<1x8192xf32>
    %swap3A_332 = vector.shape_cast %mul3A_314 : vector<1x8192xf32> to vector<1x1x1x8192xf32>
    tpu.vector_store %arg7[%swap3A_326, %swap3A_327, %swap3A_328, %swap3A_329], %swap3A_332 {strides = array<i32>} : memref<1x2x1x8192xf32, #tpu.memory_space<vmem>>, vector<1x1x1x8192xf32>,
    return
  }
  func.func @transform_0(%arg0: i32) -> (i32, i32, i32) {
    %c0_i32 = arith.constant 0 : i32
    %c0_i32_0 = arith.constant 0 : i32
    %c0_i32_1 = arith.constant 0 : i32
    return %arg0, %c0_i32, %c0_i32_0 : i32, i32, i32
  }
  func.func @transform_1(%arg0: i32) -> (i32, i32, i32) {
    %c0_i32 = arith.constant 0 : i32
    %c0_i32_0 = arith.constant 0 : i32
    %c0_i32_1 = arith.constant 0 : i32
    return %arg0, %c0_i32, %c0_i32_0 : i32, i32, i32
  }
  func.func @transform_2(%arg0: i32) -> (i32, i32) {
    %c0_i32 = arith.constant 0 : i32
    %c0_i32_0 = arith.constant 0 : i32
    %c0_i32_1 = arith.constant 0 : i32
    return %c0_i32, %c0_i32_0 : i32, i32
  }
  func.func @transform_3(%arg0: i32) -> (i32, i32) {
    %c0_i32 = arith.constant 0 : i32
    %c0_i32_0 = arith.constant 0 : i32
    %c0_i32_1 = arith.constant 0 : i32
    return %c0_i32, %c0_i32_0 : i32, i32
  }
  func.func @transform_4(%arg0: i32) -> (i32, i32, i32) {
    %c0_i32 = arith.constant 0 : i32
    %c0_i32_0 = arith.constant 0 : i32
    %c0_i32_1 = arith.constant 0 : i32
    return %arg0, %c0_i32, %c0_i32_0 : i32, i32, i32
  }
  func.func @transform_5(%arg0: i32) -> (i32, i32, i32, i32) {
    %c0_i32 = arith.constant 0 : i32
    %c0_i32_0 = arith.constant 0 : i32
    %c0_i32_1 = arith.constant 0 : i32
    %c0_i32_2 = arith.constant 0 : i32
    return %arg0, %c0_i32, %c0_i32_0, %c0_i32_1 : i32, i32, i32, i32
  }
  func.func @transform_6(%arg0: i32) -> (i32, i32, i32, i32) {
    %c0_i32 = arith.constant 0 : i32
    %c0_i32_0 = arith.constant 0 : i32
    %c0_i32_1 = arith.constant 0 : i32
    %c0_i32_2 = arith.constant 0 : i32
    return %arg0, %c0_i32, %c0_i32_0, %c0_i32_1 : i32, i32, i32, i32
  }
}

module attributes {stable_mosaic.version = 14 : i64} {
  func.func @_mlp_body(%arg0: i32, %arg1: i32, %arg2: memref<1x2x4096x128xf32, #tpu.memory_space<vmem>>, %arg3: memref<1x128xf32, #tpu.memory_space<vmem>>, %arg4: memref<128x3xf32, #tpu.memory_space<vmem>>, %arg5: memref<3x1xf32, #tpu.memory_space<vmem>>, %arg6: memref<3x1x1x4096xf32, #tpu.memory_space<vmem>>) attributes {dimension_semantics = [#tpu.dimension_semantics<arbitrary>, #tpu.dimension_semantics<arbitrary>], iteration_bounds = array<i64: 4, 2>, scalar_prefetch = 0 : i64, scratch_operands = 0 : i64, tpu.core_type = #tpu.core_type<tc>, window_params = [{transform_indices = @transform_0, window_bounds = array<i64: 1, 2, 4096, 128>}, {pipeline_mode = #tpu.pipeline_mode<synchronous>, transform_indices = @transform_1, window_bounds = array<i64: 1, 128>}, {pipeline_mode = #tpu.pipeline_mode<synchronous>, transform_indices = @transform_2, window_bounds = array<i64: 128, 3>}, {pipeline_mode = #tpu.pipeline_mode<synchronous>, transform_indices = @transform_3, window_bounds = array<i64: 3, 1>}, {transform_indices = @transform_4, window_bounds = array<i64: 3, 1, 1, 4096>}]} {
    %get3A = arith.constant 0 : index
    %get3A_0 = arith.constant 0 : index
    %get3A_1 = arith.constant 0 : index
    %get3A_2 = arith.constant 0 : index
    %get3A_3 = vector.load %arg2[%get3A, %get3A_0, %get3A_1, %get3A_2] : memref<1x2x4096x128xf32, #tpu.memory_space<vmem>>, vector<1x1x4096x128xf32>
    %get3A_4 = vector.shape_cast %get3A_3 : vector<1x1x4096x128xf32> to vector<4096x128xf32>
    %get3A_5 = arith.constant 0 : index
    %get3A_6 = arith.constant 1 : index
    %get3A_7 = arith.constant 0 : index
    %get3A_8 = arith.constant 0 : index
    %get3A_9 = vector.load %arg2[%get3A_5, %get3A_6, %get3A_7, %get3A_8] : memref<1x2x4096x128xf32, #tpu.memory_space<vmem>>, vector<1x1x4096x128xf32>
    %get3A_10 = vector.shape_cast %get3A_9 : vector<1x1x4096x128xf32> to vector<4096x128xf32>
    %slice3A = vector.extract_strided_slice %get3A_4 {offsets = [0, 64], sizes = [4096, 1], strides = [1, 1]} : vector<4096x128xf32> to vector<4096x1xf32>
    %slice3A_11 = vector.extract_strided_slice %get3A_10 {offsets = [0, 64], sizes = [4096, 1], strides = [1, 1]} : vector<4096x128xf32> to vector<4096x1xf32>
    %get3A_12 = arith.constant 0 : index
    %get3A_13 = arith.constant 0 : index
    %get3A_14 = vector.load %arg3[%get3A_12, %get3A_13] : memref<1x128xf32, #tpu.memory_space<vmem>>, vector<1x128xf32>
    %mul3A = vector.broadcast %slice3A : vector<4096x1xf32> to vector<4096x128xf32>
    %mul3A_15 = vector.broadcast %get3A_14 : vector<1x128xf32> to vector<4096x128xf32>
    %mul3A_16 = arith.mulf %mul3A, %mul3A_15 : vector<4096x128xf32>
    %add3A = arith.addf %get3A_4, %mul3A_16 : vector<4096x128xf32>
    %max3A = arith.constant 0.000000e+00 : f32
    %max3A_17 = vector.broadcast %max3A : f32 to vector<4096x128xf32>
    %max3A_18 = arith.maximumf %add3A, %max3A_17 : vector<4096x128xf32>
    %mul3A_19 = vector.broadcast %slice3A_11 : vector<4096x1xf32> to vector<4096x128xf32>
    %mul3A_20 = vector.broadcast %get3A_14 : vector<1x128xf32> to vector<4096x128xf32>
    %mul3A_21 = arith.mulf %mul3A_19, %mul3A_20 : vector<4096x128xf32>
    %add3A_22 = arith.addf %get3A_10, %mul3A_21 : vector<4096x128xf32>
    %max3A_23 = arith.constant 0.000000e+00 : f32
    %max3A_24 = vector.broadcast %max3A_23 : f32 to vector<4096x128xf32>
    %max3A_25 = arith.maximumf %add3A_22, %max3A_24 : vector<4096x128xf32>
    %abs3A = math.absf %slice3A : vector<4096x1xf32>
    %add3A_26 = arith.constant 9.99999971E-10 : f32
    %add3A_27 = vector.broadcast %add3A_26 : f32 to vector<4096x1xf32>
    %add3A_28 = arith.addf %abs3A, %add3A_27 : vector<4096x1xf32>
    %abs3A_29 = math.absf %slice3A_11 : vector<4096x1xf32>
    %add3A_30 = arith.constant 9.99999971E-10 : f32
    %add3A_31 = vector.broadcast %add3A_30 : f32 to vector<4096x1xf32>
    %add3A_32 = arith.addf %abs3A_29, %add3A_31 : vector<4096x1xf32>
    %add3A_33 = arith.addf %add3A_28, %add3A_32 : vector<4096x1xf32>
    %div3A = arith.divf %add3A_32, %add3A_33 : vector<4096x1xf32>
    %mul3A_34 = vector.broadcast %div3A : vector<4096x1xf32> to vector<4096x128xf32>
    %mul3A_35 = arith.mulf %max3A_18, %mul3A_34 : vector<4096x128xf32>
    %div3A_36 = arith.divf %add3A_28, %add3A_33 : vector<4096x1xf32>
    %mul3A_37 = vector.broadcast %div3A_36 : vector<4096x1xf32> to vector<4096x128xf32>
    %mul3A_38 = arith.mulf %max3A_25, %mul3A_37 : vector<4096x128xf32>
    %add3A_39 = arith.addf %mul3A_35, %mul3A_38 : vector<4096x128xf32>
    %get3A_40 = arith.constant 0 : index
    %get3A_41 = arith.constant 0 : index
    %get3A_42 = vector.load %arg4[%get3A_40, %get3A_41] : memref<128x3xf32, #tpu.memory_space<vmem>>, vector<128x3xf32>
    %dot_general3A = arith.constant dense<0.000000e+00> : vector<3x4096xf32>
    %dot_general3A_43 = tpu.matmul %get3A_42, %add3A_39, %dot_general3A {dimension_numbers = #tpu.dot_dimension_numbers<[0], [1], [1], [0], [0, 1, 1, 0], [], []>, transpose_lhs_hint = false} : vector<128x3xf32>, vector<4096x128xf32>, vector<3x4096xf32> -> vector<3x4096xf32>
    %get3A_44 = arith.constant 0 : index
    %get3A_45 = arith.constant 0 : index
    %get3A_46 = vector.load %arg5[%get3A_44, %get3A_45] : memref<3x1xf32, #tpu.memory_space<vmem>>, vector<3x1xf32>
    %add3A_47 = vector.broadcast %get3A_46 : vector<3x1xf32> to vector<3x4096xf32>
    %add3A_48 = arith.addf %dot_general3A_43, %add3A_47 : vector<3x4096xf32>
    %swap3A = arith.constant 0 : index
    %swap3A_49 = arith.constant 0 : index
    %swap3A_50 = arith.constant 0 : index
    %swap3A_51 = arith.constant 0 : index
    %swap3A_52 = vector.load %arg6[%swap3A, %swap3A_49, %swap3A_50, %swap3A_51] : memref<3x1x1x4096xf32, #tpu.memory_space<vmem>>, vector<3x1x1x4096xf32>
    %swap3A_53 = vector.shape_cast %swap3A_52 : vector<3x1x1x4096xf32> to vector<3x4096xf32>
    %swap3A_54 = vector.shape_cast %add3A_48 : vector<3x4096xf32> to vector<3x1x1x4096xf32>
    tpu.vector_store %arg6[%swap3A, %swap3A_49, %swap3A_50, %swap3A_51], %swap3A_54 {strides = array<i32>} : memref<3x1x1x4096xf32, #tpu.memory_space<vmem>>, vector<3x1x1x4096xf32>,
    return
  }
  func.func @transform_0(%arg0: i32, %arg1: i32) -> (i32, i32, i32, i32) {
    %c0_i32 = arith.constant 0 : i32
    %c0_i32_0 = arith.constant 0 : i32
    %c0_i32_1 = arith.constant 0 : i32
    return %arg0, %c0_i32, %arg1, %c0_i32_0 : i32, i32, i32, i32
  }
  func.func @transform_1(%arg0: i32, %arg1: i32) -> (i32, i32) {
    %c0_i32 = arith.constant 0 : i32
    %c0_i32_0 = arith.constant 0 : i32
    %c0_i32_1 = arith.constant 0 : i32
    return %c0_i32, %c0_i32_0 : i32, i32
  }
  func.func @transform_2(%arg0: i32, %arg1: i32) -> (i32, i32) {
    %c0_i32 = arith.constant 0 : i32
    %c0_i32_0 = arith.constant 0 : i32
    %c0_i32_1 = arith.constant 0 : i32
    return %c0_i32, %c0_i32_0 : i32, i32
  }
  func.func @transform_3(%arg0: i32, %arg1: i32) -> (i32, i32) {
    %c0_i32 = arith.constant 0 : i32
    %c0_i32_0 = arith.constant 0 : i32
    %c0_i32_1 = arith.constant 0 : i32
    return %c0_i32, %c0_i32_0 : i32, i32
  }
  func.func @transform_4(%arg0: i32, %arg1: i32) -> (i32, i32, i32, i32) {
    %c0_i32 = arith.constant 0 : i32
    %c0_i32_0 = arith.constant 0 : i32
    %c0_i32_1 = arith.constant 0 : i32
    return %c0_i32, %arg0, %c0_i32_0, %arg1 : i32, i32, i32, i32
  }
}

</mosaic_0001>

<sc_bundles>
// kernel: kernel.10.cloned.1.call-start
scs
__scs_entry_jumppad:
0x0: {  	(pc) =	sbr.rel $0x88, $3  }
0x1: {  	(tag) =	ssettag $0x0;
	lr =	simm.s32 $0x1  }
0x2: {  	[smem:$0x3F9B] =	sst lr;
	_ =	strace $0xD0000000  }
0x3: {  	_ = 	snop  }
0x4: {  	_ = 	snop  }
0x5: {  	_ = 	snop  }
0x6: {  	_ = 	snop  }
0x7: {  	_ = 	snop  }
__scs_overlays_trampoline_lowered:
0x8: {  	[smem:$0x3FAA] =	sst s0  }
0x9: {  	[smem:$0x3FAB] =	sst s1  }
0xa: {  	[smem:$0x3FAC] =	sst s2  }
0xb: {  	[smem:$0x3FAD] =	sst s3  }
0xc: {  	[smem:$0x3FAE] =	sst s4  }
0xd: {  	[smem:$0x3FAF] =	sst s5  }
0xe: {  	[smem:$0x3FB0] =	sst s6  }
0xf: {  	[smem:$0x3FB1] =	sst s7  }
0x10: {  	[smem:$0x3FB2] =	sst s8  }
0x11: {  	[smem:$0x3FB3] =	sst s9;
	s0 =	simm.s32 @!p0 $0x0  }
0x12: {  	s1 =	sld [smem:$0x3F99];
	s0 =	simm.s32 @p0 $0x1  }
0x13: {  	[smem:$0x3FB4] =	sst s0;
	s0 =	simm.s32 @!p1 $0x0  }
0x14: {  	s2 =	sld [smem:$0x3F98];
	s0 =	simm.s32 @p1 $0x1  }
0x15: {  	[smem:$0x3FB5] =	sst s0;
	s0 =	simm.s32 @!p2 $0x0  }
0x16: {  	s3 =	sld [smem:$0x3FDB];
	s0 =	simm.s32 @p2 $0x1  }
0x17: {  	s4 =	simm.s32 $0x1BF5;
	[smem:$0x3FB7] =	sst s0  }
0x18: {  	s0 =	sld [smem:$0x3F9A];
	_ =	swait.ge [sflag:s4], $0x0  }
0x19: {  	s7 =	sld [smem:$0x3F9B]  }
0x1a: {  	s8 =	sadd.s32 $0xFFFFE003, lr  }
0x1b: {  	s9 =	sadd.s32 $0xFFFFFEF7, lr;
	s5 =	simm.s32 $0xFFFFFFFF;
	p2 =	slt.u32 s8, $0xFFFFF086  }
0x1c: {  	p1 =	slt.u32 s9, $0xF7A;
	s5 =	simm.s32 @!p2 $0x0  }
0x1d: {  	s5 =	simm.s32 @p1 $0x1;
	p0 =	seq.s32 s7, s2  }
0x1e: {  	s7 =	smul.u32 @!p0 $0xF7A, s2;
	p2 =	seq.s32 @!p0 s5, $0x0  }
0x1f: {  	s9 =	smul.u32 $0xF7A, s1;
	s8 =	simm.s32 @!p0 $0x1BF5;
	p2 =	por !p2, p0  }
0x20: {  	[sflag:s8] =	ssyncset.s32 @!p0 $0xFFFFF086;
	s6 =	sadd.s32 @!p0 s3, s7;
	s7 =	simm.s32 @!p0 $0x108  }
0x21: {  	s3 =	sadd.s32 s3, s9;
	s6 =	sadd.s32 @!p0 $0x88, s6;
	s7 =	simm.s32 @p2 $0x1082  }
0x22: {  	[simem:s7], [sflag:s8] =	dma.local @!p0 [hbm:s6], $0xF7A  }
0x23: {  	s9 =	sor.u32 $0xD0000000, s2;
	s6 =	simm.s32 $0x108;
	_ =	swait.ge @!p0 [sflag:s8], $0x0  }
0x24: {  	s3 =	sadd.s32 $0x88, s3;
	s6 =	simm.s32 @!p1 $0x1082;
	[sflag:s4] =	ssyncset.s32 $0xFFFFF086  }
0x25: {  	[simem:s6], [sflag:s4] =	dma.local [hbm:s3], $0xF7A  }
0x26: {  	[smem:$0x3F9B] =	sst s1;
	(tag) =	ssettag s2;
	_ =	strace s9  }
0x27: {  	s1 =	sld [smem:$0x3FAB]  }
0x28: {  	s2 =	sld [smem:$0x3FAC]  }
0x29: {  	s4 =	sld [smem:$0x3FAE]  }
0x2a: {  	p0 =	seq.s32 s5, $0x0;
	s5 =	sld [smem:$0x3FAF]  }
0x2b: {  	s6 =	sld [smem:$0x3FB0]  }
0x2c: {  	s7 =	sld [smem:$0x3FB1]  }
0x2d: {  	s3 =	simm.s32 $0x108;
	s8 =	sld [smem:$0x3FB2]  }
0x2e: {  	s3 =	simm.s32 @!p0 $0x1082;
	s9 =	sld [smem:$0x3FB3]  }
0x2f: {  	lr =	sadd.s32 s0, s3;
	s0 =	sld [smem:$0x3FAA]  }
0x30: {  	s3 =	sld [smem:$0x3FAD]  }
0x31: {  	[smem:$0x3FB6] =	sst s10  }
0x32: {  	s10 =	sld [smem:$0x3FB4];
	_ =	sdelay $0x3  }
0x33: {  	p0 =	seq.s32 s10, $0x1;
	s10 =	sld [smem:$0x3FB6];
	_ =	sdelay $0x3  }
0x34: {  	[smem:$0x3FB6] =	sst s10  }
0x35: {  	s10 =	sld [smem:$0x3FB5];
	_ =	sdelay $0x3  }
0x36: {  	p1 =	seq.s32 s10, $0x1;
	s10 =	sld [smem:$0x3FB6];
	_ =	sdelay $0x3  }
0x37: {  	[smem:$0x3FB6] =	sst s10  }
0x38: {  	s10 =	sld [smem:$0x3FB7]  }
0x39: {  	_ = 	snop;
	(pc) =	sbr.ind lr, $3  }
0x3a: {  	_ = 	snop  }
0x3b: {  	_ = 	snop  }
0x3c: {  	p2 =	seq.s32 s10, $0x1;
	s10 =	sld [smem:$0x3FB6]  }
0x3d: {  	_ =	shalt  }
0x3e: {  	_ =	shalt  }
0x3f: {  	_ =	shalt  }
0x40: {  	_ =	shalt  }
0x41: {  	_ =	shalt  }
0x42: {  	_ =	shalt  }
0x43: {  	_ =	shalt  }
0x44: {  	_ =	shalt  }
0x45: {  	_ =	shalt  }
0x46: {  	_ =	shalt  }
0x47: {  	_ =	shalt  }
0x48: {  	_ =	shalt  }
0x49: {  	_ =	shalt  }
0x4a: {  	_ =	shalt  }
0x4b: {  	_ =	shalt  }
0x4c: {  	_ =	shalt  }
0x4d: {  	_ =	shalt  }
0x4e: {  	_ =	shalt  }
0x4f: {  	_ =	shalt  }
0x50: {  	_ =	shalt  }
0x51: {  	_ =	shalt  }
0x52: {  	_ =	shalt  }
0x53: {  	_ =	shalt  }
0x54: {  	_ =	shalt  }
0x55: {  	_ =	shalt  }
0x56: {  	_ =	shalt  }
0x57: {  	_ =	shalt  }
0x58: {  	_ =	shalt  }
0x59: {  	_ =	shalt  }
0x5a: {  	_ =	shalt  }
0x5b: {  	_ =	shalt  }
0x5c: {  	_ =	shalt  }
0x5d: {  	_ =	shalt  }
0x5e: {  	_ =	shalt  }
0x5f: {  	_ =	shalt  }
0x60: {  	_ =	shalt  }
0x61: {  	_ =	shalt  }
0x62: {  	_ =	shalt  }
0x63: {  	_ =	shalt  }
0x64: {  	_ =	shalt  }
0x65: {  	_ =	shalt  }
0x66: {  	_ =	shalt  }
0x67: {  	_ =	shalt  }
0x68: {  	_ =	shalt  }
0x69: {  	_ =	shalt  }
0x6a: {  	_ =	shalt  }
0x6b: {  	_ =	shalt  }
0x6c: {  	_ =	shalt  }
0x6d: {  	_ =	shalt  }
0x6e: {  	_ =	shalt  }
0x6f: {  	_ =	shalt  }
0x70: {  	_ =	shalt  }
0x71: {  	_ =	shalt  }
0x72: {  	_ =	shalt  }
0x73: {  	_ =	shalt  }
0x74: {  	_ =	shalt  }
0x75: {  	_ =	shalt  }
0x76: {  	_ =	shalt  }
0x77: {  	_ =	shalt  }
0x78: {  	_ =	shalt  }
0x79: {  	_ =	shalt  }
0x7a: {  	_ =	shalt  }
0x7b: {  	_ =	shalt  }
0x7c: {  	_ =	shalt  }
0x7d: {  	_ =	shalt  }
0x7e: {  	_ =	shalt  }
0x7f: {  	_ =	shalt  }
0x80: {  	_ =	shalt  }
0x81: {  	_ =	shalt  }
0x82: {  	_ =	shalt  }
0x83: {  	_ =	shalt  }
0x84: {  	_ =	shalt  }
0x85: {  	_ =	shalt  }
0x86: {  	_ =	shalt  }
0x87: {  	_ =	shalt  }
.Lfunc_end0:
.L_simem_size_0:
called_computation.1_lowered:
.L_overlay_start_0:
0x88: {  	s2 =	sld [smem:$0x3FD9]  }
0x89: {  	s3 =	sld [smem:$0x3FFE];
	_ =	sdelay $0x1  }
0x8a: {  	s1 =	srdreg.scid  }
0x8b: {  	s0 =	sand.u32 $0x1, s1  }
0x8c: {  	s17 =	sshll.u32 s0, $0xA;
	s2 =	sadd.s32 s3, s2  }
0x8d: {  	s2 =	sadd.s32 s2, s17  }
0x8e: {  	[smem:$0x3FC2] =	sst s2  }
0x8f: {  	_ = 	snop  }
0x90: {  	s18 =	sld [smem:$0x3FD0];
	(tm) =	ssettm $0x1  }
0x91: {  	s19 =	sld [smem:$0x3FFB];
	_ =	sdelay $0x3  }
0x92: {  	_ =	strace s19  }
0x93: {  	s2 =	sld [smem:$0x3FFC];
	_ =	sdelay $0x3  }
0x94: {  	_ =	strace s2  }
0x95: {  	s2 =	sld [smem:$0x3FFD];
	_ =	sdelay $0x3  }
0x96: {  	_ =	strace s2  }
0x97: {  	_ =	strace $0x8FFFFFFF  }
0x98: {  	s20 =	sld [smem:$0x3FDB];
	_ =	sdelay $0x1  }
0x99: {  	s4 =	simm.s32 $_scs_section_size  }
0x9a: {  	s5 =	simm.s32 $_size__tile_overlayer_lowered;
	s6 =	simm.s32 $_tile_overlayer_lowered  }
0x9b: {  	s7 =	simm.s32 $0x1BFF;
	s21 =	sshll.u32 s6, $0x1;
	s4 =	sadd.s32 s4, s20  }
0x9c: {  	s22 =	simm.s32 $0x0;
	s5 =	sshll.u32 s5, $0x1;
	s6 =	sadd.s32 s21, s4  }
0x9d: {  	[timem:s22], [sflag:s7] =	dma.local [hbm:s6], s5  }
0x9e: {  	_ =	swait.ge [sflag:s7], s5  }
0x9f: {  	s5 =	ssub.s32 $0x0, s5;
	[sflag:s7] =	ssyncset.done $0x0  }
0xa0: {  	[sflag:s7] =	ssyncadd.s32 s5;
	_ =	sdelay $0x1  }
0xa1: {  	s23 =	simm.s32 $0x1B8B  }
0xa2: {  	_ =	swait.ge [sflag:s23], $0x1  }
0xa3: {  	[sflag:s23] =	ssyncset.done $0x0  }
0xa4: {  	[sflag:s23] =	ssyncadd.s32 $0xFFFFFFFF  }
0xa5: {  	s5 =	sld [smem:$0x0]  }
0xa6: {  	s6 =	sand.u32 $0xFFFFFFFE, s1  }
0xa7: {  	p0 =	sne.s32 s1, s6  }
0xa8: {  	s6 =	sshll.u32 @p0 s6, $0xE  }
0xa9: {  	s6 =	sadd.s32 @p0 $0x11B8D, s6;
	s7 =	sshll.u32 @p0 s5, $0x11  }
0xaa: {  	s6 =	sor.u32 @p0 s7, s6  }
0xab: {  	[sflag:s6] =	ssyncadd.remote.s32 @p0 $0x1;
	_ =	sdelay $0x1  }
0xac: {  	s6 =	simm.s32 @p0 $0x1B8D  }
0xad: {  	_ =	swait.eq @p0 [sflag:s6], $0x1  }
0xae: {  	[sflag:s6] =	ssyncadd.s32 @p0 $0xFFFFFFFF  }
0xaf: {  	s7 =	sshll.u32 @!p0 s1, $0xE  }
0xb0: {  	s7 =	sor.u32 @!p0 $0x4000, s7;
	s6 =	simm.s32 @!p0 $0x1B8D  }
0xb1: {  	s5 =	sshll.u32 @!p0 s5, $0x11;
	s7 =	sadd.s32 @!p0 $0x11B8D, s7;
	_ =	swait.eq @!p0 [sflag:s6], $0x1  }
0xb2: {  	s5 =	sor.u32 @!p0 s5, s7;
	[sflag:s6] =	ssyncadd.s32 @!p0 $0xFFFFFFFF  }
0xb3: {  	s25 =	simm.s32 $0x1B8E;
	s24 =	sld [smem:$0x3FFE];
	[sflag:s5] =	ssyncadd.remote.s32 @!p0 $0x1  }
0xb4: {  	s26 =	simm.s32 $execute0_lowered;
	[smem:$0x3FD2] =	sst s25  }
0xb5: {  	s6 =	sshll.u32 s26, $0x1;
	_ =	strace $0x80000049;
	[dreg:$0x1] =	wrdreg $0xFFFFFFFF  }
0xb6: {  	s28 =	simm.s32 $_size_execute0_lowered;
	s4 =	sadd.s32 s4, s6;
	[dreg:$0x0] =	wrdreg $0x0  }
0xb7: {  	s6 =	sshll.u32 s28, $0x1;
	[dreg:$0x2] =	wrdreg s4  }
0xb8: {  	[dreg:$0x3] =	wrdreg s6  }
0xb9: {  	[dreg:$0x4] =	wrdreg $0xC0  }
0xba: {  	_ =	task [dreg:s22], $0x5FFFF  }
0xbb: {  	[dreg:$0x1] =	wrdreg $0xFFFFFFFF  }
0xbc: {  	[dreg:$0x0] =	wrdreg $0x60  }
0xbd: {  	[dreg:$0x2] =	wrdreg s24  }
0xbe: {  	[dreg:$0x3] =	wrdreg s18  }
0xbf: {  	[dreg:$0x4] =	wrdreg $0xA  }
0xc0: {  	_ =	task.clear_ibuf [dreg:s22], $0x5FFFF;
	_ =	strace $0x90000049  }
0xc1: {  	s29 =	simm.s32 $0xA;
	_ =	strace $0x8000004B  }
0xc2: {  	_ =	swait.ge [sflag:s29], $0x1  }
0xc3: {  	[sflag:s29] =	ssyncadd.s32 $0xFFFFFFFF  }
0xc4: {  	_ =	strace $0x9000004B  }
0xc5: {  	_ =	sfence  }
0xc6: {  	s30 =	sld [smem:$0x0];
	_ =	sdelay $0x2  }
0xc7: {  	s31 =	sshll.u32 s1, $0xD;
	s1 =	sshrl.u32 s1, $0x2  }
0xc8: {  	s4 =	sand.u32 $0x4000, s31;
	s1 =	sadd.s32 s1, s30  }
0xc9: {  	s0 =	sor.u32 s4, s0;
	s1 =	sshll.u32 s1, $0x11  }
0xca: {  	s0 =	sor.u32 s1, s0  }
0xcb: {  	s0 =	sadd.s32 $0x8F2B, s0  }
0xcc: {  	[sflag:s0] =	ssyncadd.remote.s32 $0x1  }
0xcd: {  	_ =	sfence.sel $0xFFFF  }
0xce: {  	[dreg:$0x0] =	wrdreg $0xFFFFFFFF;
	(pc) =	sbr.abs _section_cstart, $3  }
0xcf: {  	[dreg:$0x1] =	wrdreg $0xFFFFFFFF  }
0xd0: {  	_ =	task.clear_ibuf [dreg:s22], $0x2FFFF;
	_ =	strace $0x9FFFFFFF  }
0xd1: {  	(tm) =	ssettm $0x7FFFFFFF  }
tec
execute0_lowered:
.L_overlay_start_1:
0x0: {  	(tag) =	ssettag $0x1  }
0x1: {  	s0 =	rddreg [dreg:$0x0]  }
0x2: {  	s4 =	rddreg [dreg:$0x1]  }
0x3: {  	s3 =	srdreg.scid;
	s2 =	simm.s32 $0x0;
	s1 =	stileid.u32  }
0x4: {  	s9 =	simm.s32 $0x3;
	s10 =	simm.s32 $0x800;
	s11 =	simm.s32 $0x80  }
0x5: {  	s12 =	simm.s32 $0x1000;
	s13 =	simm.s32 $0x5000;
	s14 =	simm.s32 $0x100  }
0x6: {  	s15 =	simm.s32 $0x9000;
	s16 =	simm.s32 $0x180;
	s17 =	simm.s32 $0xD000  }
0x7: {  	s18 =	simm.s32 $0x1;
	s28 =	simm.s32 $0x580;
	s29 =	simm.s32 $0x600  }
0x8: {  	s30 =	simm.s32 $0x680;
	s31 =	simm.s32 $0x700;
	s5 =	sand.u32 $0x1, s3  }
0x9: {  	[smem:$0x7FF] =	sst s2;
	s19 =	sshll.u32 s1, $0xC;
	s3 =	sadd.s32 $0x1600, s0  }
0xa: {  	s6 =	sshll.u32 s5, $0xB;
	_ =	strace $0x8000004A;
	s5 =	ssub.s32 $0x2, s5  }
0xb: {  	s6 =	sor.u32 s6, s19;
	s21 =	sshrl.u32 s5, $0x1;
	s19 =	simm.s32 $0x200  }
0xc: {  	s7 =	sshrl.u32 s6, $0x3;
	s6 =	sshll.u32 s6, $0x4;
	s23 =	ssub.s32 s5, s21  }
0xd: {  	v0 =	vlaneseq.u32;
	s21 =	simm.s32 $0x2;
	s8 =	sadd.s32 s7, s0;
	s0 =	sadd.s32 s6, s0  }
0xe: {  	v15 =	vmul.u32 $0x80, v0;
	s4 =	sadd.s32 s4, s7;
	s20 =	sadd.s32 $0x185600, s8;
	s22 =	sadd.s32 $0x187600, s0  }
0xf: {  	[dreg:$0x3] =	wrdreg s4;
	s24 =	sadd.s32 $0x188600, s0;
	s25 =	sadd.s32 $0x189600, s0  }
0x10: {  	v0 =	vor.u32 $0x40, v15;
	v1 =	vor.u32 $0x840, v15;
	s26 =	sadd.s32 $0x18A600, s0;
	s4 =	sadd.s32 $0x18B600, s0;
	[dreg:$0x4] =	wrdreg s20  }
0x11: {  	v2 =	vor.u32 $0x1040, v15;
	v3 =	vor.u32 $0x1840, v15;
	s5 =	sadd.s32 $0x18C600, s0;
	s6 =	sadd.s32 $0x18D600, s0;
	[dreg:$0x5] =	wrdreg s22  }
0x12: {  	v4 =	vor.u32 $0x2040, v15;
	v5 =	vor.u32 $0x2840, v15;
	v6 =	vor.u32 $0x3040, v15;
	s7 =	sadd.s32 $0x18E600, s0;
	s8 =	smax.u32 s23, $0x1;
	[dreg:$0x6] =	wrdreg s24  }
0x13: {  	v7 =	vor.u32 $0x3840, v15;
	v8 =	vor.u32 $0x4040, v15;
	v9 =	vor.u32 $0x4840, v15;
	s23 =	simm.s32 $0x380;
	s0 =	simm.s32 $0x780;
	[dreg:$0x7] =	wrdreg s25  }
0x14: {  	v10 =	vor.u32 $0x5040, v15;
	v11 =	vor.u32 $0x5840, v15;
	v12 =	vor.u32 $0x6040, v15;
	[dreg:$0x8] =	wrdreg s26;
	s20 =	simm.s32 $0x280;
	s22 =	simm.s32 $0x300  }
0x15: {  	v13 =	vor.u32 $0x6840, v15;
	v14 =	vor.u32 $0x7040, v15;
	v15 =	vor.u32 $0x7840, v15;
	s24 =	simm.s32 $0x400;
	s25 =	simm.s32 $0x480;
	s26 =	simm.s32 $0x500  }
.LBB2_1:
0x16: {  	s1 =	rddreg [dreg:$0x3]  }
0x17: {  	[tilespmem:s2], [sflag:$0x3] =	stream.linear.gather [hbm4b:s1+s2], $0x800, $0x38;
	[tilespmem:$0x11000] =	vst v63  }
0x18: {  	_ =	swait.ge [sflag:s9], $0x800  }
0x19: {  	[sflag:s9] =	ssyncset.done $0x0  }
0x1a: {  	s1 =	rddreg [dreg:$0x4];
	[sflag:s9] =	ssyncadd.s32 $0xFFFFF800  }
0x1b: {  	[tilespmem:s10], [sflag:$0x3] =	stream.linear.gather [hbm4b:s1+s2], $0x800, $0x38;
	[tilespmem:$0x11000] =	vst v63  }
0x1c: {  	_ =	swait.ge [sflag:s9], $0x800  }
0x1d: {  	[sflag:s9] =	ssyncset.done $0x0  }
0x1e: {  	[sflag:s9] =	ssyncadd.s32 $0xFFFFF800  }
0x1f: {  	[tilespmem:s12], [sflag:$0x1] =	stream.indirect.gather [hbm4b:s3+s11], $0x80, s2, s11, $0xb8;
	[tilespmem:$0x11000] =	vst v63  }
0x20: {  	_ = 	snop  }
0x21: {  	[tilespmem:s13], [sflag:$0x1] =	stream.indirect.gather [hbm4b:s3+s11], $0x80, s11, s11, $0xb8;
	[tilespmem:$0x11000] =	vst v63  }
0x22: {  	_ = 	snop  }
0x23: {  	[tilespmem:s15], [sflag:$0x2] =	stream.indirect.gather [hbm4b:s3+s11], $0x80, s14, s11, $0xb8;
	[tilespmem:$0x11000] =	vst v63  }
0x24: {  	_ = 	snop  }
0x25: {  	[tilespmem:s17], [sflag:$0x2] =	stream.indirect.gather [hbm4b:s3+s11], $0x80, s16, s11, $0xb8;
	[tilespmem:$0x11000] =	vst v63  }
0x26: {  	_ =	swait.ge [sflag:s18], $0x4000  }
0x27: {  	[sflag:s18] =	ssyncset.done $0x0  }
0x28: {  	[sflag:s18] =	ssyncadd.s32 $0xFFFFC000  }
0x29: {  	_ =	swait.ge [sflag:s18], $0x4000  }
0x2a: {  	[sflag:s18] =	ssyncset.done $0x0  }
0x2b: {  	[sflag:s18] =	ssyncadd.s32 $0xFFFFC000  }
0x2c: {  	v16 =	vld [tilespmem:$0x800];
	_ =	sdelay $0x4  }
0x2d: {  	[tilespmem:v0+s12+$0x0] =	vst.idx.msk $0xffff, v16  }
0x2e: {  	v16 =	vld [tilespmem:$0x810];
	_ =	sdelay $0x4  }
0x2f: {  	[tilespmem:v1+s12+$0x0] =	vst.idx.msk $0xffff, v16  }
0x30: {  	v16 =	vld [tilespmem:$0x820];
	_ =	sdelay $0x4  }
0x31: {  	[tilespmem:v2+s12+$0x0] =	vst.idx.msk $0xffff, v16  }
0x32: {  	v16 =	vld [tilespmem:$0x830];
	_ =	sdelay $0x4  }
0x33: {  	[tilespmem:v3+s12+$0x0] =	vst.idx.msk $0xffff, v16  }
0x34: {  	v16 =	vld [tilespmem:$0x840];
	_ =	sdelay $0x4  }
0x35: {  	[tilespmem:v4+s12+$0x0] =	vst.idx.msk $0xffff, v16  }
0x36: {  	v16 =	vld [tilespmem:$0x850];
	_ =	sdelay $0x4  }
0x37: {  	[tilespmem:v5+s12+$0x0] =	vst.idx.msk $0xffff, v16  }
0x38: {  	v16 =	vld [tilespmem:$0x860];
	_ =	sdelay $0x4  }
0x39: {  	[tilespmem:v6+s12+$0x0] =	vst.idx.msk $0xffff, v16  }
0x3a: {  	v16 =	vld [tilespmem:$0x870];
	_ =	sdelay $0x4  }
0x3b: {  	[tilespmem:v7+s12+$0x0] =	vst.idx.msk $0xffff, v16  }
0x3c: {  	v16 =	vld [tilespmem:$0x880];
	_ =	sdelay $0x4  }
0x3d: {  	[tilespmem:v8+s12+$0x0] =	vst.idx.msk $0xffff, v16  }
0x3e: {  	v16 =	vld [tilespmem:$0x890];
	_ =	sdelay $0x4  }
0x3f: {  	[tilespmem:v9+s12+$0x0] =	vst.idx.msk $0xffff, v16  }
0x40: {  	v16 =	vld [tilespmem:$0x8A0];
	_ =	sdelay $0x4  }
0x41: {  	[tilespmem:v10+s12+$0x0] =	vst.idx.msk $0xffff, v16  }
0x42: {  	v16 =	vld [tilespmem:$0x8B0];
	_ =	sdelay $0x4  }
0x43: {  	[tilespmem:v11+s12+$0x0] =	vst.idx.msk $0xffff, v16  }
0x44: {  	v16 =	vld [tilespmem:$0x8C0];
	_ =	sdelay $0x4  }
0x45: {  	[tilespmem:v12+s12+$0x0] =	vst.idx.msk $0xffff, v16  }
0x46: {  	v16 =	vld [tilespmem:$0x8D0];
	_ =	sdelay $0x4  }
0x47: {  	[tilespmem:v13+s12+$0x0] =	vst.idx.msk $0xffff, v16  }
0x48: {  	v16 =	vld [tilespmem:$0x8E0];
	_ =	sdelay $0x4  }
0x49: {  	[tilespmem:v14+s12+$0x0] =	vst.idx.msk $0xffff, v16  }
0x4a: {  	v16 =	vld [tilespmem:$0x8F0];
	_ =	sdelay $0x4  }
0x4b: {  	s1 =	rddreg [dreg:$0x5];
	[tilespmem:v15+s12+$0x0] =	vst.idx.msk $0xffff, v16  }
0x4c: {  	[hbm4b:s1+s2] =	stream.linear.scatter [tilespmem:s12], [sflag:$0x3], $0x8000, $0x38;
	[tilespmem:$0x11000] =	vst v63  }
0x4d: {  	_ =	swait.ge [sflag:s9], $0x8000  }
0x4e: {  	[sflag:s9] =	ssyncset.done $0x0  }
0x4f: {  	[sflag:s9] =	ssyncadd.s32 $0xFFFF8000  }
0x50: {  	[tilespmem:s12], [sflag:$0x1] =	stream.indirect.gather [hbm4b:s3+s11], $0x80, s19, s11, $0xb8;
	[tilespmem:$0x11000] =	vst v63  }
0x51: {  	_ = 	snop  }
0x52: {  	[tilespmem:s13], [sflag:$0x1] =	stream.indirect.gather [hbm4b:s3+s11], $0x80, s20, s11, $0xb8;
	[tilespmem:$0x11000] =	vst v63  }
0x53: {  	_ =	swait.ge [sflag:s21], $0x4000  }
0x54: {  	[sflag:s21] =	ssyncset.done $0x0  }
0x55: {  	[sflag:s21] =	ssyncadd.s32 $0xFFFFC000  }
0x56: {  	_ =	swait.ge [sflag:s21], $0x4000  }
0x57: {  	[sflag:s21] =	ssyncset.done $0x0  }
0x58: {  	[sflag:s21] =	ssyncadd.s32 $0xFFFFC000  }
0x59: {  	v16 =	vld [tilespmem:$0x900];
	_ =	sdelay $0x4  }
0x5a: {  	[tilespmem:v0+s15+$0x0] =	vst.idx.msk $0xffff, v16  }
0x5b: {  	v16 =	vld [tilespmem:$0x910];
	_ =	sdelay $0x4  }
0x5c: {  	[tilespmem:v1+s15+$0x0] =	vst.idx.msk $0xffff, v16  }
0x5d: {  	v16 =	vld [tilespmem:$0x920];
	_ =	sdelay $0x4  }
0x5e: {  	[tilespmem:v2+s15+$0x0] =	vst.idx.msk $0xffff, v16  }
0x5f: {  	v16 =	vld [tilespmem:$0x930];
	_ =	sdelay $0x4  }
0x60: {  	[tilespmem:v3+s15+$0x0] =	vst.idx.msk $0xffff, v16  }
0x61: {  	v16 =	vld [tilespmem:$0x940];
	_ =	sdelay $0x4  }
0x62: {  	[tilespmem:v4+s15+$0x0] =	vst.idx.msk $0xffff, v16  }
0x63: {  	v16 =	vld [tilespmem:$0x950];
	_ =	sdelay $0x4  }
0x64: {  	[tilespmem:v5+s15+$0x0] =	vst.idx.msk $0xffff, v16  }
0x65: {  	v16 =	vld [tilespmem:$0x960];
	_ =	sdelay $0x4  }
0x66: {  	[tilespmem:v6+s15+$0x0] =	vst.idx.msk $0xffff, v16  }
0x67: {  	v16 =	vld [tilespmem:$0x970];
	_ =	sdelay $0x4  }
0x68: {  	[tilespmem:v7+s15+$0x0] =	vst.idx.msk $0xffff, v16  }
0x69: {  	v16 =	vld [tilespmem:$0x980];
	_ =	sdelay $0x4  }
0x6a: {  	[tilespmem:v8+s15+$0x0] =	vst.idx.msk $0xffff, v16  }
0x6b: {  	v16 =	vld [tilespmem:$0x990];
	_ =	sdelay $0x4  }
0x6c: {  	[tilespmem:v9+s15+$0x0] =	vst.idx.msk $0xffff, v16  }
0x6d: {  	v16 =	vld [tilespmem:$0x9A0];
	_ =	sdelay $0x4  }
0x6e: {  	[tilespmem:v10+s15+$0x0] =	vst.idx.msk $0xffff, v16  }
0x6f: {  	v16 =	vld [tilespmem:$0x9B0];
	_ =	sdelay $0x4  }
0x70: {  	[tilespmem:v11+s15+$0x0] =	vst.idx.msk $0xffff, v16  }
0x71: {  	v16 =	vld [tilespmem:$0x9C0];
	_ =	sdelay $0x4  }
0x72: {  	[tilespmem:v12+s15+$0x0] =	vst.idx.msk $0xffff, v16  }
0x73: {  	v16 =	vld [tilespmem:$0x9D0];
	_ =	sdelay $0x4  }
0x74: {  	[tilespmem:v13+s15+$0x0] =	vst.idx.msk $0xffff, v16  }
0x75: {  	v16 =	vld [tilespmem:$0x9E0];
	_ =	sdelay $0x4  }
0x76: {  	[tilespmem:v14+s15+$0x0] =	vst.idx.msk $0xffff, v16  }
0x77: {  	v16 =	vld [tilespmem:$0x9F0];
	_ =	sdelay $0x4  }
0x78: {  	s1 =	rddreg [dreg:$0x6];
	[tilespmem:v15+s15+$0x0] =	vst.idx.msk $0xffff, v16  }
0x79: {  	[hbm4b:s1+s2] =	stream.linear.scatter [tilespmem:s15], [sflag:$0x3], $0x8000, $0x38;
	[tilespmem:$0x11000] =	vst v63  }
0x7a: {  	_ =	swait.ge [sflag:s9], $0x8000  }
0x7b: {  	[sflag:s9] =	ssyncset.done $0x0  }
0x7c: {  	[sflag:s9] =	ssyncadd.s32 $0xFFFF8000  }
0x7d: {  	[tilespmem:s15], [sflag:$0x2] =	stream.indirect.gather [hbm4b:s3+s11], $0x80, s22, s11, $0xb8;
	[tilespmem:$0x11000] =	vst v63  }
0x7e: {  	_ = 	snop  }
0x7f: {  	[tilespmem:s17], [sflag:$0x2] =	stream.indirect.gather [hbm4b:s3+s11], $0x80, s23, s11, $0xb8;
	[tilespmem:$0x11000] =	vst v63  }
0x80: {  	_ =	swait.ge [sflag:s18], $0x4000  }
0x81: {  	[sflag:s18] =	ssyncset.done $0x0  }
0x82: {  	[sflag:s18] =	ssyncadd.s32 $0xFFFFC000  }
0x83: {  	_ =	swait.ge [sflag:s18], $0x4000  }
0x84: {  	[sflag:s18] =	ssyncset.done $0x0  }
0x85: {  	[sflag:s18] =	ssyncadd.s32 $0xFFFFC000  }
0x86: {  	v16 =	vld [tilespmem:$0xA00];
	_ =	sdelay $0x4  }
0x87: {  	[tilespmem:v0+s12+$0x0] =	vst.idx.msk $0xffff, v16  }
0x88: {  	v16 =	vld [tilespmem:$0xA10];
	_ =	sdelay $0x4  }
0x89: {  	[tilespmem:v1+s12+$0x0] =	vst.idx.msk $0xffff, v16  }
0x8a: {  	v16 =	vld [tilespmem:$0xA20];
	_ =	sdelay $0x4  }
0x8b: {  	[tilespmem:v2+s12+$0x0] =	vst.idx.msk $0xffff, v16  }
0x8c: {  	v16 =	vld [tilespmem:$0xA30];
	_ =	sdelay $0x4  }
0x8d: {  	[tilespmem:v3+s12+$0x0] =	vst.idx.msk $0xffff, v16  }
0x8e: {  	v16 =	vld [tilespmem:$0xA40];
	_ =	sdelay $0x4  }
0x8f: {  	[tilespmem:v4+s12+$0x0] =	vst.idx.msk $0xffff, v16  }
0x90: {  	v16 =	vld [tilespmem:$0xA50];
	_ =	sdelay $0x4  }
0x91: {  	[tilespmem:v5+s12+$0x0] =	vst.idx.msk $0xffff, v16  }
0x92: {  	v16 =	vld [tilespmem:$0xA60];
	_ =	sdelay $0x4  }
0x93: {  	[tilespmem:v6+s12+$0x0] =	vst.idx.msk $0xffff, v16  }
0x94: {  	v16 =	vld [tilespmem:$0xA70];
	_ =	sdelay $0x4  }
0x95: {  	[tilespmem:v7+s12+$0x0] =	vst.idx.msk $0xffff, v16  }
0x96: {  	v16 =	vld [tilespmem:$0xA80];
	_ =	sdelay $0x4  }
0x97: {  	[tilespmem:v8+s12+$0x0] =	vst.idx.msk $0xffff, v16  }
0x98: {  	v16 =	vld [tilespmem:$0xA90];
	_ =	sdelay $0x4  }
0x99: {  	[tilespmem:v9+s12+$0x0] =	vst.idx.msk $0xffff, v16  }
0x9a: {  	v16 =	vld [tilespmem:$0xAA0];
	_ =	sdelay $0x4  }
0x9b: {  	[tilespmem:v10+s12+$0x0] =	vst.idx.msk $0xffff, v16  }
0x9c: {  	v16 =	vld [tilespmem:$0xAB0];
	_ =	sdelay $0x4  }
0x9d: {  	[tilespmem:v11+s12+$0x0] =	vst.idx.msk $0xffff, v16  }
0x9e: {  	v16 =	vld [tilespmem:$0xAC0];
	_ =	sdelay $0x4  }
0x9f: {  	[tilespmem:v12+s12+$0x0] =	vst.idx.msk $0xffff, v16  }
0xa0: {  	v16 =	vld [tilespmem:$0xAD0];
	_ =	sdelay $0x4  }
0xa1: {  	[tilespmem:v13+s12+$0x0] =	vst.idx.msk $0xffff, v16  }
0xa2: {  	v16 =	vld [tilespmem:$0xAE0];
	_ =	sdelay $0x4  }
0xa3: {  	[tilespmem:v14+s12+$0x0] =	vst.idx.msk $0xffff, v16  }
0xa4: {  	v16 =	vld [tilespmem:$0xAF0];
	_ =	sdelay $0x4  }
0xa5: {  	s1 =	rddreg [dreg:$0x7];
	[tilespmem:v15+s12+$0x0] =	vst.idx.msk $0xffff, v16  }
0xa6: {  	[hbm4b:s1+s2] =	stream.linear.scatter [tilespmem:s12], [sflag:$0x3], $0x8000, $0x38;
	[tilespmem:$0x11000] =	vst v63  }
0xa7: {  	_ =	swait.ge [sflag:s9], $0x8000  }
0xa8: {  	[sflag:s9] =	ssyncset.done $0x0  }
0xa9: {  	[sflag:s9] =	ssyncadd.s32 $0xFFFF8000  }
0xaa: {  	[tilespmem:s12], [sflag:$0x1] =	stream.indirect.gather [hbm4b:s3+s11], $0x80, s24, s11, $0xb8;
	[tilespmem:$0x11000] =	vst v63  }
0xab: {  	_ = 	snop  }
0xac: {  	[tilespmem:s13], [sflag:$0x1] =	stream.indirect.gather [hbm4b:s3+s11], $0x80, s25, s11, $0xb8;
	[tilespmem:$0x11000] =	vst v63  }
0xad: {  	_ =	swait.ge [sflag:s21], $0x4000  }
0xae: {  	[sflag:s21] =	ssyncset.done $0x0  }
0xaf: {  	[sflag:s21] =	ssyncadd.s32 $0xFFFFC000  }
0xb0: {  	_ =	swait.ge [sflag:s21], $0x4000  }
0xb1: {  	[sflag:s21] =	ssyncset.done $0x0  }
0xb2: {  	[sflag:s21] =	ssyncadd.s32 $0xFFFFC000  }
0xb3: {  	v16 =	vld [tilespmem:$0xB00];
	_ =	sdelay $0x4  }
0xb4: {  	[tilespmem:v0+s15+$0x0] =	vst.idx.msk $0xffff, v16  }
0xb5: {  	v16 =	vld [tilespmem:$0xB10];
	_ =	sdelay $0x4  }
0xb6: {  	[tilespmem:v1+s15+$0x0] =	vst.idx.msk $0xffff, v16  }
0xb7: {  	v16 =	vld [tilespmem:$0xB20];
	_ =	sdelay $0x4  }
0xb8: {  	[tilespmem:v2+s15+$0x0] =	vst.idx.msk $0xffff, v16  }
0xb9: {  	v16 =	vld [tilespmem:$0xB30];
	_ =	sdelay $0x4  }
0xba: {  	[tilespmem:v3+s15+$0x0] =	vst.idx.msk $0xffff, v16  }
0xbb: {  	v16 =	vld [tilespmem:$0xB40];
	_ =	sdelay $0x4  }
0xbc: {  	[tilespmem:v4+s15+$0x0] =	vst.idx.msk $0xffff, v16  }
0xbd: {  	v16 =	vld [tilespmem:$0xB50];
	_ =	sdelay $0x4  }
0xbe: {  	[tilespmem:v5+s15+$0x0] =	vst.idx.msk $0xffff, v16  }
0xbf: {  	v16 =	vld [tilespmem:$0xB60];
	_ =	sdelay $0x4  }
0xc0: {  	[tilespmem:v6+s15+$0x0] =	vst.idx.msk $0xffff, v16  }
0xc1: {  	v16 =	vld [tilespmem:$0xB70];
	_ =	sdelay $0x4  }
0xc2: {  	[tilespmem:v7+s15+$0x0] =	vst.idx.msk $0xffff, v16  }
0xc3: {  	v16 =	vld [tilespmem:$0xB80];
	_ =	sdelay $0x4  }
0xc4: {  	[tilespmem:v8+s15+$0x0] =	vst.idx.msk $0xffff, v16  }
0xc5: {  	v16 =	vld [tilespmem:$0xB90];
	_ =	sdelay $0x4  }
0xc6: {  	[tilespmem:v9+s15+$0x0] =	vst.idx.msk $0xffff, v16  }
0xc7: {  	v16 =	vld [tilespmem:$0xBA0];
	_ =	sdelay $0x4  }
0xc8: {  	[tilespmem:v10+s15+$0x0] =	vst.idx.msk $0xffff, v16  }
0xc9: {  	v16 =	vld [tilespmem:$0xBB0];
	_ =	sdelay $0x4  }
0xca: {  	[tilespmem:v11+s15+$0x0] =	vst.idx.msk $0xffff, v16  }
0xcb: {  	v16 =	vld [tilespmem:$0xBC0];
	_ =	sdelay $0x4  }
0xcc: {  	[tilespmem:v12+s15+$0x0] =	vst.idx.msk $0xffff, v16  }
0xcd: {  	v16 =	vld [tilespmem:$0xBD0];
	_ =	sdelay $0x4  }
0xce: {  	[tilespmem:v13+s15+$0x0] =	vst.idx.msk $0xffff, v16  }
0xcf: {  	v16 =	vld [tilespmem:$0xBE0];
	_ =	sdelay $0x4  }
0xd0: {  	[tilespmem:v14+s15+$0x0] =	vst.idx.msk $0xffff, v16  }
0xd1: {  	v16 =	vld [tilespmem:$0xBF0];
	_ =	sdelay $0x4  }
0xd2: {  	s1 =	rddreg [dreg:$0x8];
	[tilespmem:v15+s15+$0x0] =	vst.idx.msk $0xffff, v16  }
0xd3: {  	[hbm4b:s1+s2] =	stream.linear.scatter [tilespmem:s15], [sflag:$0x3], $0x8000, $0x38;
	[tilespmem:$0x11000] =	vst v63  }
0xd4: {  	_ =	swait.ge [sflag:s9], $0x8000  }
0xd5: {  	[sflag:s9] =	ssyncset.done $0x0  }
0xd6: {  	[sflag:s9] =	ssyncadd.s32 $0xFFFF8000  }
0xd7: {  	[tilespmem:s15], [sflag:$0x2] =	stream.indirect.gather [hbm4b:s3+s11], $0x80, s26, s11, $0xb8;
	[tilespmem:$0x11000] =	vst v63  }
0xd8: {  	_ = 	snop  }
0xd9: {  	[tilespmem:s17], [sflag:$0x2] =	stream.indirect.gather [hbm4b:s3+s11], $0x80, s28, s11, $0xb8;
	[tilespmem:$0x11000] =	vst v63  }
0xda: {  	_ =	swait.ge [sflag:s18], $0x4000  }
0xdb: {  	[sflag:s18] =	ssyncset.done $0x0  }
0xdc: {  	[sflag:s18] =	ssyncadd.s32 $0xFFFFC000  }
0xdd: {  	_ =	swait.ge [sflag:s18], $0x4000  }
0xde: {  	[sflag:s18] =	ssyncset.done $0x0  }
0xdf: {  	[sflag:s18] =	ssyncadd.s32 $0xFFFFC000  }
0xe0: {  	v16 =	vld [tilespmem:$0xC00];
	_ =	sdelay $0x4  }
0xe1: {  	[tilespmem:v0+s12+$0x0] =	vst.idx.msk $0xffff, v16  }
0xe2: {  	v16 =	vld [tilespmem:$0xC10];
	_ =	sdelay $0x4  }
0xe3: {  	[tilespmem:v1+s12+$0x0] =	vst.idx.msk $0xffff, v16  }
0xe4: {  	v16 =	vld [tilespmem:$0xC20];
	_ =	sdelay $0x4  }
0xe5: {  	[tilespmem:v2+s12+$0x0] =	vst.idx.msk $0xffff, v16  }
0xe6: {  	v16 =	vld [tilespmem:$0xC30];
	_ =	sdelay $0x4  }
0xe7: {  	[tilespmem:v3+s12+$0x0] =	vst.idx.msk $0xffff, v16  }
0xe8: {  	v16 =	vld [tilespmem:$0xC40];
	_ =	sdelay $0x4  }
0xe9: {  	[tilespmem:v4+s12+$0x0] =	vst.idx.msk $0xffff, v16  }
0xea: {  	v16 =	vld [tilespmem:$0xC50];
	_ =	sdelay $0x4  }
0xeb: {  	[tilespmem:v5+s12+$0x0] =	vst.idx.msk $0xffff, v16  }
0xec: {  	v16 =	vld [tilespmem:$0xC60];
	_ =	sdelay $0x4  }
0xed: {  	[tilespmem:v6+s12+$0x0] =	vst.idx.msk $0xffff, v16  }
0xee: {  	v16 =	vld [tilespmem:$0xC70];
	_ =	sdelay $0x4  }
0xef: {  	[tilespmem:v7+s12+$0x0] =	vst.idx.msk $0xffff, v16  }
0xf0: {  	v16 =	vld [tilespmem:$0xC80];
	_ =	sdelay $0x4  }
0xf1: {  	[tilespmem:v8+s12+$0x0] =	vst.idx.msk $0xffff, v16  }
0xf2: {  	v16 =	vld [tilespmem:$0xC90];
	_ =	sdelay $0x4  }
0xf3: {  	[tilespmem:v9+s12+$0x0] =	vst.idx.msk $0xffff, v16  }
0xf4: {  	v16 =	vld [tilespmem:$0xCA0];
	_ =	sdelay $0x4  }
0xf5: {  	[tilespmem:v10+s12+$0x0] =	vst.idx.msk $0xffff, v16  }
0xf6: {  	v16 =	vld [tilespmem:$0xCB0];
	_ =	sdelay $0x4  }
0xf7: {  	[tilespmem:v11+s12+$0x0] =	vst.idx.msk $0xffff, v16  }
0xf8: {  	v16 =	vld [tilespmem:$0xCC0];
	_ =	sdelay $0x4  }
0xf9: {  	[tilespmem:v12+s12+$0x0] =	vst.idx.msk $0xffff, v16  }
0xfa: {  	v16 =	vld [tilespmem:$0xCD0];
	_ =	sdelay $0x4  }
0xfb: {  	[tilespmem:v13+s12+$0x0] =	vst.idx.msk $0xffff, v16  }
0xfc: {  	v16 =	vld [tilespmem:$0xCE0];
	_ =	sdelay $0x4  }
0xfd: {  	[tilespmem:v14+s12+$0x0] =	vst.idx.msk $0xffff, v16  }
0xfe: {  	v16 =	vld [tilespmem:$0xCF0];
	_ =	sdelay $0x4  }
0xff: {  	[tilespmem:v15+s12+$0x0] =	vst.idx.msk $0xffff, v16  }
0x100: {  	[hbm4b:s4+s2] =	stream.linear.scatter [tilespmem:s12], [sflag:$0x3], $0x8000, $0x38;
	[tilespmem:$0x11000] =	vst v63  }
0x101: {  	_ =	swait.ge [sflag:s9], $0x8000  }
0x102: {  	[sflag:s9] =	ssyncset.done $0x0  }
0x103: {  	[sflag:s9] =	ssyncadd.s32 $0xFFFF8000  }
0x104: {  	[tilespmem:s12], [sflag:$0x1] =	stream.indirect.gather [hbm4b:s3+s11], $0x80, s29, s11, $0xb8;
	[tilespmem:$0x11000] =	vst v63  }
0x105: {  	_ = 	snop  }
0x106: {  	[tilespmem:s13], [sflag:$0x1] =	stream.indirect.gather [hbm4b:s3+s11], $0x80, s30, s11, $0xb8;
	[tilespmem:$0x11000] =	vst v63  }
0x107: {  	_ =	swait.ge [sflag:s21], $0x4000  }
0x108: {  	[sflag:s21] =	ssyncset.done $0x0  }
0x109: {  	[sflag:s21] =	ssyncadd.s32 $0xFFFFC000  }
0x10a: {  	_ =	swait.ge [sflag:s21], $0x4000  }
0x10b: {  	[sflag:s21] =	ssyncset.done $0x0  }
0x10c: {  	[sflag:s21] =	ssyncadd.s32 $0xFFFFC000  }
0x10d: {  	v16 =	vld [tilespmem:$0xD00];
	_ =	sdelay $0x4  }
0x10e: {  	[tilespmem:v0+s15+$0x0] =	vst.idx.msk $0xffff, v16  }
0x10f: {  	v16 =	vld [tilespmem:$0xD10];
	_ =	sdelay $0x4  }
0x110: {  	[tilespmem:v1+s15+$0x0] =	vst.idx.msk $0xffff, v16  }
0x111: {  	v16 =	vld [tilespmem:$0xD20];
	_ =	sdelay $0x4  }
0x112: {  	[tilespmem:v2+s15+$0x0] =	vst.idx.msk $0xffff, v16  }
0x113: {  	v16 =	vld [tilespmem:$0xD30];
	_ =	sdelay $0x4  }
0x114: {  	[tilespmem:v3+s15+$0x0] =	vst.idx.msk $0xffff, v16  }
0x115: {  	v16 =	vld [tilespmem:$0xD40];
	_ =	sdelay $0x4  }
0x116: {  	[tilespmem:v4+s15+$0x0] =	vst.idx.msk $0xffff, v16  }
0x117: {  	v16 =	vld [tilespmem:$0xD50];
	_ =	sdelay $0x4  }
0x118: {  	[tilespmem:v5+s15+$0x0] =	vst.idx.msk $0xffff, v16  }
0x119: {  	v16 =	vld [tilespmem:$0xD60];
	_ =	sdelay $0x4  }
0x11a: {  	[tilespmem:v6+s15+$0x0] =	vst.idx.msk $0xffff, v16  }
0x11b: {  	v16 =	vld [tilespmem:$0xD70];
	_ =	sdelay $0x4  }
0x11c: {  	[tilespmem:v7+s15+$0x0] =	vst.idx.msk $0xffff, v16  }
0x11d: {  	v16 =	vld [tilespmem:$0xD80];
	_ =	sdelay $0x4  }
0x11e: {  	[tilespmem:v8+s15+$0x0] =	vst.idx.msk $0xffff, v16  }
0x11f: {  	v16 =	vld [tilespmem:$0xD90];
	_ =	sdelay $0x4  }
0x120: {  	[tilespmem:v9+s15+$0x0] =	vst.idx.msk $0xffff, v16  }
0x121: {  	v16 =	vld [tilespmem:$0xDA0];
	_ =	sdelay $0x4  }
0x122: {  	[tilespmem:v10+s15+$0x0] =	vst.idx.msk $0xffff, v16  }
0x123: {  	v16 =	vld [tilespmem:$0xDB0];
	_ =	sdelay $0x4  }
0x124: {  	[tilespmem:v11+s15+$0x0] =	vst.idx.msk $0xffff, v16  }
0x125: {  	v16 =	vld [tilespmem:$0xDC0];
	_ =	sdelay $0x4  }
0x126: {  	[tilespmem:v12+s15+$0x0] =	vst.idx.msk $0xffff, v16  }
0x127: {  	v16 =	vld [tilespmem:$0xDD0];
	_ =	sdelay $0x4  }
0x128: {  	[tilespmem:v13+s15+$0x0] =	vst.idx.msk $0xffff, v16  }
0x129: {  	v16 =	vld [tilespmem:$0xDE0];
	_ =	sdelay $0x4  }
0x12a: {  	[tilespmem:v14+s15+$0x0] =	vst.idx.msk $0xffff, v16  }
0x12b: {  	v16 =	vld [tilespmem:$0xDF0];
	_ =	sdelay $0x4  }
0x12c: {  	[tilespmem:v15+s15+$0x0] =	vst.idx.msk $0xffff, v16  }
0x12d: {  	[hbm4b:s5+s2] =	stream.linear.scatter [tilespmem:s15], [sflag:$0x3], $0x8000, $0x38;
	[tilespmem:$0x11000] =	vst v63  }
0x12e: {  	_ =	swait.ge [sflag:s9], $0x8000  }
0x12f: {  	[sflag:s9] =	ssyncset.done $0x0  }
0x130: {  	[sflag:s9] =	ssyncadd.s32 $0xFFFF8000  }
0x131: {  	[tilespmem:s15], [sflag:$0x2] =	stream.indirect.gather [hbm4b:s3+s11], $0x80, s31, s11, $0xb8;
	[tilespmem:$0x11000] =	vst v63  }
0x132: {  	_ = 	snop  }
0x133: {  	[tilespmem:s17], [sflag:$0x2] =	stream.indirect.gather [hbm4b:s3+s11], $0x80, s0, s11, $0xb8;
	[tilespmem:$0x11000] =	vst v63  }
0x134: {  	_ =	swait.ge [sflag:s18], $0x4000  }
0x135: {  	[sflag:s18] =	ssyncset.done $0x0  }
0x136: {  	[sflag:s18] =	ssyncadd.s32 $0xFFFFC000  }
0x137: {  	_ =	swait.ge [sflag:s18], $0x4000  }
0x138: {  	[sflag:s18] =	ssyncset.done $0x0  }
0x139: {  	[sflag:s18] =	ssyncadd.s32 $0xFFFFC000  }
0x13a: {  	v16 =	vld [tilespmem:$0xE00];
	_ =	sdelay $0x4  }
0x13b: {  	[tilespmem:v0+s12+$0x0] =	vst.idx.msk $0xffff, v16  }
0x13c: {  	v16 =	vld [tilespmem:$0xE10];
	_ =	sdelay $0x4  }
0x13d: {  	[tilespmem:v1+s12+$0x0] =	vst.idx.msk $0xffff, v16  }
0x13e: {  	v16 =	vld [tilespmem:$0xE20];
	_ =	sdelay $0x4  }
0x13f: {  	[tilespmem:v2+s12+$0x0] =	vst.idx.msk $0xffff, v16  }
0x140: {  	v16 =	vld [tilespmem:$0xE30];
	_ =	sdelay $0x4  }
0x141: {  	[tilespmem:v3+s12+$0x0] =	vst.idx.msk $0xffff, v16  }
0x142: {  	v16 =	vld [tilespmem:$0xE40];
	_ =	sdelay $0x4  }
0x143: {  	[tilespmem:v4+s12+$0x0] =	vst.idx.msk $0xffff, v16  }
0x144: {  	v16 =	vld [tilespmem:$0xE50];
	_ =	sdelay $0x4  }
0x145: {  	[tilespmem:v5+s12+$0x0] =	vst.idx.msk $0xffff, v16  }
0x146: {  	v16 =	vld [tilespmem:$0xE60];
	_ =	sdelay $0x4  }
0x147: {  	[tilespmem:v6+s12+$0x0] =	vst.idx.msk $0xffff, v16  }
0x148: {  	v16 =	vld [tilespmem:$0xE70];
	_ =	sdelay $0x4  }
0x149: {  	[tilespmem:v7+s12+$0x0] =	vst.idx.msk $0xffff, v16  }
0x14a: {  	v16 =	vld [tilespmem:$0xE80];
	_ =	sdelay $0x4  }
0x14b: {  	[tilespmem:v8+s12+$0x0] =	vst.idx.msk $0xffff, v16  }
0x14c: {  	v16 =	vld [tilespmem:$0xE90];
	_ =	sdelay $0x4  }
0x14d: {  	[tilespmem:v9+s12+$0x0] =	vst.idx.msk $0xffff, v16  }
0x14e: {  	v16 =	vld [tilespmem:$0xEA0];
	_ =	sdelay $0x4  }
0x14f: {  	[tilespmem:v10+s12+$0x0] =	vst.idx.msk $0xffff, v16  }
0x150: {  	v16 =	vld [tilespmem:$0xEB0];
	_ =	sdelay $0x4  }
0x151: {  	[tilespmem:v11+s12+$0x0] =	vst.idx.msk $0xffff, v16  }
0x152: {  	v16 =	vld [tilespmem:$0xEC0];
	_ =	sdelay $0x4  }
0x153: {  	[tilespmem:v12+s12+$0x0] =	vst.idx.msk $0xffff, v16  }
0x154: {  	v16 =	vld [tilespmem:$0xED0];
	_ =	sdelay $0x4  }
0x155: {  	[tilespmem:v13+s12+$0x0] =	vst.idx.msk $0xffff, v16  }
0x156: {  	v16 =	vld [tilespmem:$0xEE0];
	_ =	sdelay $0x4  }
0x157: {  	[tilespmem:v14+s12+$0x0] =	vst.idx.msk $0xffff, v16  }
0x158: {  	v16 =	vld [tilespmem:$0xEF0];
	_ =	sdelay $0x4  }
0x159: {  	[tilespmem:v15+s12+$0x0] =	vst.idx.msk $0xffff, v16  }
0x15a: {  	[hbm4b:s6+s2] =	stream.linear.scatter [tilespmem:s12], [sflag:$0x3], $0x8000, $0x38;
	[tilespmem:$0x11000] =	vst v63  }
0x15b: {  	_ =	swait.ge [sflag:s9], $0x8000  }
0x15c: {  	[sflag:s9] =	ssyncset.done $0x0  }
0x15d: {  	[sflag:s9] =	ssyncadd.s32 $0xFFFF8000  }
0x15e: {  	_ =	swait.ge [sflag:s21], $0x4000  }
0x15f: {  	[sflag:s21] =	ssyncset.done $0x0  }
0x160: {  	[sflag:s21] =	ssyncadd.s32 $0xFFFFC000  }
0x161: {  	_ =	swait.ge [sflag:s21], $0x4000  }
0x162: {  	[sflag:s21] =	ssyncset.done $0x0  }
0x163: {  	[sflag:s21] =	ssyncadd.s32 $0xFFFFC000  }
0x164: {  	v16 =	vld [tilespmem:$0xF00];
	_ =	sdelay $0x4  }
0x165: {  	[tilespmem:v0+s15+$0x0] =	vst.idx.msk $0xffff, v16  }
0x166: {  	v16 =	vld [tilespmem:$0xF10];
	_ =	sdelay $0x4  }
0x167: {  	[tilespmem:v1+s15+$0x0] =	vst.idx.msk $0xffff, v16  }
0x168: {  	v16 =	vld [tilespmem:$0xF20];
	_ =	sdelay $0x4  }
0x169: {  	[tilespmem:v2+s15+$0x0] =	vst.idx.msk $0xffff, v16  }
0x16a: {  	v16 =	vld [tilespmem:$0xF30];
	_ =	sdelay $0x4  }
0x16b: {  	[tilespmem:v3+s15+$0x0] =	vst.idx.msk $0xffff, v16  }
0x16c: {  	v16 =	vld [tilespmem:$0xF40];
	_ =	sdelay $0x4  }
0x16d: {  	[tilespmem:v4+s15+$0x0] =	vst.idx.msk $0xffff, v16  }
0x16e: {  	v16 =	vld [tilespmem:$0xF50];
	_ =	sdelay $0x4  }
0x16f: {  	[tilespmem:v5+s15+$0x0] =	vst.idx.msk $0xffff, v16  }
0x170: {  	v16 =	vld [tilespmem:$0xF60];
	_ =	sdelay $0x4  }
0x171: {  	[tilespmem:v6+s15+$0x0] =	vst.idx.msk $0xffff, v16  }
0x172: {  	v16 =	vld [tilespmem:$0xF70];
	_ =	sdelay $0x4  }
0x173: {  	[tilespmem:v7+s15+$0x0] =	vst.idx.msk $0xffff, v16  }
0x174: {  	v16 =	vld [tilespmem:$0xF80];
	_ =	sdelay $0x4  }
0x175: {  	[tilespmem:v8+s15+$0x0] =	vst.idx.msk $0xffff, v16  }
0x176: {  	v16 =	vld [tilespmem:$0xF90];
	_ =	sdelay $0x4  }
0x177: {  	[tilespmem:v9+s15+$0x0] =	vst.idx.msk $0xffff, v16  }
0x178: {  	v16 =	vld [tilespmem:$0xFA0];
	_ =	sdelay $0x4  }
0x179: {  	[tilespmem:v10+s15+$0x0] =	vst.idx.msk $0xffff, v16  }
0x17a: {  	v16 =	vld [tilespmem:$0xFB0];
	_ =	sdelay $0x4  }
0x17b: {  	[tilespmem:v11+s15+$0x0] =	vst.idx.msk $0xffff, v16  }
0x17c: {  	v16 =	vld [tilespmem:$0xFC0];
	_ =	sdelay $0x4  }
0x17d: {  	[tilespmem:v12+s15+$0x0] =	vst.idx.msk $0xffff, v16  }
0x17e: {  	v16 =	vld [tilespmem:$0xFD0];
	_ =	sdelay $0x4  }
0x17f: {  	[tilespmem:v13+s15+$0x0] =	vst.idx.msk $0xffff, v16  }
0x180: {  	v16 =	vld [tilespmem:$0xFE0];
	_ =	sdelay $0x4  }
0x181: {  	[tilespmem:v14+s15+$0x0] =	vst.idx.msk $0xffff, v16  }
0x182: {  	v16 =	vld [tilespmem:$0xFF0];
	_ =	sdelay $0x3  }
0x183: {  	p0 =	sne.s32 s8, $0x1  }
.Ltmp0:
0x184: {  	[tilespmem:v15+s15+$0x0] =	vst.idx.msk $0xffff, v16;
	(pc) =	sbr.rel @p0 .LBB2_1-.Ltmp0, $4  }
0x185: {  	[hbm4b:s7+s2] =	stream.linear.scatter [tilespmem:s15], [sflag:$0x3], $0x8000, $0x38;
	[tilespmem:$0x11000] =	vst v63  }
0x186: {  	_ =	swait.ge [sflag:s9], $0x8000  }
0x187: {  	[sflag:s9] =	ssyncset.done $0x0  }
0x188: {  	s8 =	sadd.s32 $0xFFFFFFFF, s8;
	[sflag:s9] =	ssyncadd.s32 $0xFFFF8000  }
0x189: {  	_ =	sfence.sel $0x180000  }
0x18a: {  	[bflag:$0x0] =	sbarrier.arrive $0xFFFF  }
0x18b: {  	_ =	strace $0x9000004A  }
0x18c: {  	s0 =	stileid.u32;
	[bflag:$0x2] =	sbarrier.arrive $0xFFFF  }
0x18d: {  	p0 =	sne.s32 s0, $0x0;
	s0 =	rddreg [dreg:$0x2]  }
0x18e: {  	s0 =	sadd.s32 @!p0 $0x100000, s0  }
0x18f: {  	[sflag:s0] =	ssyncadd.tile.s32 @!p0 $0x1;
	_ =	shalt  }
.Lfunc_end2:
_tile_overlayer_lowered:
.L_overlay_start_2:
0x190: {  	(tag) =	ssettag $0x2  }
0x191: {  	s0 =	rddreg [dreg:$0x0];
	s2 =	stileid.u32  }
0x192: {  	s1 =	rddreg [dreg:$0x1];
	p0 =	sne.s32 s2, $0x0  }
0x193: {  	s3 =	rddreg [dreg:$0x2];
	[bflag:$0x3] =	sbarrier.arrive $0xFFFF;
	s2 =	simm.s32 @!p0 $0x1C03  }
0x194: {  	[timem:s3], [sflag:s2] =	dma.local @!p0 [hbm:s0], s1  }
0x195: {  	s0 =	simm.s32 @!p0 $0x3  }
0x196: {  	_ =	swait.ge @!p0 [sflag:s0], s1  }
0x197: {  	s1 =	ssub.s32 @!p0 $0x0, s1;
	[sflag:s0] =	ssyncset.done @!p0 $0x0  }
0x198: {  	[sflag:s0] =	ssyncadd.s32 @!p0 s1  }
0x199: {  	[bflag:$0x3] =	sbarrier.arrive $0xFFFF  }
0x19a: {  	_ =	shalt  }

// kernel: kernel.7.cloned.1.call-start
scs
__scs_entry_jumppad:
0x0: {  	(pc) =	sbr.rel $0x88, $3  }
0x1: {  	(tag) =	ssettag $0x0;
	lr =	simm.s32 $0x1  }
0x2: {  	[smem:$0x3F9B] =	sst lr;
	_ =	strace $0xD0000000  }
0x3: {  	_ = 	snop  }
0x4: {  	_ = 	snop  }
0x5: {  	_ = 	snop  }
0x6: {  	_ = 	snop  }
0x7: {  	_ = 	snop  }
__scs_overlays_trampoline_lowered:
0x8: {  	[smem:$0x3FAA] =	sst s0  }
0x9: {  	[smem:$0x3FAB] =	sst s1  }
0xa: {  	[smem:$0x3FAC] =	sst s2  }
0xb: {  	[smem:$0x3FAD] =	sst s3  }
0xc: {  	[smem:$0x3FAE] =	sst s4  }
0xd: {  	[smem:$0x3FAF] =	sst s5  }
0xe: {  	[smem:$0x3FB0] =	sst s6  }
0xf: {  	[smem:$0x3FB1] =	sst s7  }
0x10: {  	[smem:$0x3FB2] =	sst s8  }
0x11: {  	[smem:$0x3FB3] =	sst s9;
	s0 =	simm.s32 @!p0 $0x0  }
0x12: {  	s1 =	sld [smem:$0x3F99];
	s0 =	simm.s32 @p0 $0x1  }
0x13: {  	[smem:$0x3FB4] =	sst s0;
	s0 =	simm.s32 @!p1 $0x0  }
0x14: {  	s2 =	sld [smem:$0x3F98];
	s0 =	simm.s32 @p1 $0x1  }
0x15: {  	[smem:$0x3FB5] =	sst s0;
	s0 =	simm.s32 @!p2 $0x0  }
0x16: {  	s3 =	sld [smem:$0x3FDB];
	s0 =	simm.s32 @p2 $0x1  }
0x17: {  	s4 =	simm.s32 $0x1BF5;
	[smem:$0x3FB7] =	sst s0  }
0x18: {  	s0 =	sld [smem:$0x3F9A];
	_ =	swait.ge [sflag:s4], $0x0  }
0x19: {  	s7 =	sld [smem:$0x3F9B]  }
0x1a: {  	s8 =	sadd.s32 $0xFFFFE003, lr  }
0x1b: {  	s9 =	sadd.s32 $0xFFFFFEF7, lr;
	s5 =	simm.s32 $0xFFFFFFFF;
	p2 =	slt.u32 s8, $0xFFFFF086  }
0x1c: {  	p1 =	slt.u32 s9, $0xF7A;
	s5 =	simm.s32 @!p2 $0x0  }
0x1d: {  	s5 =	simm.s32 @p1 $0x1;
	p0 =	seq.s32 s7, s2  }
0x1e: {  	s7 =	smul.u32 @!p0 $0xF7A, s2;
	p2 =	seq.s32 @!p0 s5, $0x0  }
0x1f: {  	s9 =	smul.u32 $0xF7A, s1;
	s8 =	simm.s32 @!p0 $0x1BF5;
	p2 =	por !p2, p0  }
0x20: {  	[sflag:s8] =	ssyncset.s32 @!p0 $0xFFFFF086;
	s6 =	sadd.s32 @!p0 s3, s7;
	s7 =	simm.s32 @!p0 $0x108  }
0x21: {  	s3 =	sadd.s32 s3, s9;
	s6 =	sadd.s32 @!p0 $0x88, s6;
	s7 =	simm.s32 @p2 $0x1082  }
0x22: {  	[simem:s7], [sflag:s8] =	dma.local @!p0 [hbm:s6], $0xF7A  }
0x23: {  	s9 =	sor.u32 $0xD0000000, s2;
	s6 =	simm.s32 $0x108;
	_ =	swait.ge @!p0 [sflag:s8], $0x0  }
0x24: {  	s3 =	sadd.s32 $0x88, s3;
	s6 =	simm.s32 @!p1 $0x1082;
	[sflag:s4] =	ssyncset.s32 $0xFFFFF086  }
0x25: {  	[simem:s6], [sflag:s4] =	dma.local [hbm:s3], $0xF7A  }
0x26: {  	[smem:$0x3F9B] =	sst s1;
	(tag) =	ssettag s2;
	_ =	strace s9  }
0x27: {  	s1 =	sld [smem:$0x3FAB]  }
0x28: {  	s2 =	sld [smem:$0x3FAC]  }
0x29: {  	s4 =	sld [smem:$0x3FAE]  }
0x2a: {  	p0 =	seq.s32 s5, $0x0;
	s5 =	sld [smem:$0x3FAF]  }
0x2b: {  	s6 =	sld [smem:$0x3FB0]  }
0x2c: {  	s7 =	sld [smem:$0x3FB1]  }
0x2d: {  	s3 =	simm.s32 $0x108;
	s8 =	sld [smem:$0x3FB2]  }
0x2e: {  	s3 =	simm.s32 @!p0 $0x1082;
	s9 =	sld [smem:$0x3FB3]  }
0x2f: {  	lr =	sadd.s32 s0, s3;
	s0 =	sld [smem:$0x3FAA]  }
0x30: {  	s3 =	sld [smem:$0x3FAD]  }
0x31: {  	[smem:$0x3FB6] =	sst s10  }
0x32: {  	s10 =	sld [smem:$0x3FB4];
	_ =	sdelay $0x3  }
0x33: {  	p0 =	seq.s32 s10, $0x1;
	s10 =	sld [smem:$0x3FB6];
	_ =	sdelay $0x3  }
0x34: {  	[smem:$0x3FB6] =	sst s10  }
0x35: {  	s10 =	sld [smem:$0x3FB5];
	_ =	sdelay $0x3  }
0x36: {  	p1 =	seq.s32 s10, $0x1;
	s10 =	sld [smem:$0x3FB6];
	_ =	sdelay $0x3  }
0x37: {  	[smem:$0x3FB6] =	sst s10  }
0x38: {  	s10 =	sld [smem:$0x3FB7]  }
0x39: {  	_ = 	snop;
	(pc) =	sbr.ind lr, $3  }
0x3a: {  	_ = 	snop  }
0x3b: {  	_ = 	snop  }
0x3c: {  	p2 =	seq.s32 s10, $0x1;
	s10 =	sld [smem:$0x3FB6]  }
0x3d: {  	_ =	shalt  }
0x3e: {  	_ =	shalt  }
0x3f: {  	_ =	shalt  }
0x40: {  	_ =	shalt  }
0x41: {  	_ =	shalt  }
0x42: {  	_ =	shalt  }
0x43: {  	_ =	shalt  }
0x44: {  	_ =	shalt  }
0x45: {  	_ =	shalt  }
0x46: {  	_ =	shalt  }
0x47: {  	_ =	shalt  }
0x48: {  	_ =	shalt  }
0x49: {  	_ =	shalt  }
0x4a: {  	_ =	shalt  }
0x4b: {  	_ =	shalt  }
0x4c: {  	_ =	shalt  }
0x4d: {  	_ =	shalt  }
0x4e: {  	_ =	shalt  }
0x4f: {  	_ =	shalt  }
0x50: {  	_ =	shalt  }
0x51: {  	_ =	shalt  }
0x52: {  	_ =	shalt  }
0x53: {  	_ =	shalt  }
0x54: {  	_ =	shalt  }
0x55: {  	_ =	shalt  }
0x56: {  	_ =	shalt  }
0x57: {  	_ =	shalt  }
0x58: {  	_ =	shalt  }
0x59: {  	_ =	shalt  }
0x5a: {  	_ =	shalt  }
0x5b: {  	_ =	shalt  }
0x5c: {  	_ =	shalt  }
0x5d: {  	_ =	shalt  }
0x5e: {  	_ =	shalt  }
0x5f: {  	_ =	shalt  }
0x60: {  	_ =	shalt  }
0x61: {  	_ =	shalt  }
0x62: {  	_ =	shalt  }
0x63: {  	_ =	shalt  }
0x64: {  	_ =	shalt  }
0x65: {  	_ =	shalt  }
0x66: {  	_ =	shalt  }
0x67: {  	_ =	shalt  }
0x68: {  	_ =	shalt  }
0x69: {  	_ =	shalt  }
0x6a: {  	_ =	shalt  }
0x6b: {  	_ =	shalt  }
0x6c: {  	_ =	shalt  }
0x6d: {  	_ =	shalt  }
0x6e: {  	_ =	shalt  }
0x6f: {  	_ =	shalt  }
0x70: {  	_ =	shalt  }
0x71: {  	_ =	shalt  }
0x72: {  	_ =	shalt  }
0x73: {  	_ =	shalt  }
0x74: {  	_ =	shalt  }
0x75: {  	_ =	shalt  }
0x76: {  	_ =	shalt  }
0x77: {  	_ =	shalt  }
0x78: {  	_ =	shalt  }
0x79: {  	_ =	shalt  }
0x7a: {  	_ =	shalt  }
0x7b: {  	_ =	shalt  }
0x7c: {  	_ =	shalt  }
0x7d: {  	_ =	shalt  }
0x7e: {  	_ =	shalt  }
0x7f: {  	_ =	shalt  }
0x80: {  	_ =	shalt  }
0x81: {  	_ =	shalt  }
0x82: {  	_ =	shalt  }
0x83: {  	_ =	shalt  }
0x84: {  	_ =	shalt  }
0x85: {  	_ =	shalt  }
0x86: {  	_ =	shalt  }
0x87: {  	_ =	shalt  }
.Lfunc_end0:
.L_simem_size_0:
called_computation_lowered:
.L_overlay_start_0:
0x88: {  	s2 =	sld [smem:$0x3FD9]  }
0x89: {  	s3 =	sld [smem:$0x3FFE];
	_ =	sdelay $0x1  }
0x8a: {  	s1 =	srdreg.scid  }
0x8b: {  	s0 =	sand.u32 $0x1, s1  }
0x8c: {  	s16 =	sshll.u32 s0, $0xA;
	s2 =	sadd.s32 s3, s2  }
0x8d: {  	s2 =	sadd.s32 s2, s16  }
0x8e: {  	[smem:$0x3FC2] =	sst s2  }
0x8f: {  	_ = 	snop  }
0x90: {  	(tm) =	ssettm $0x1  }
0x91: {  	s17 =	sld [smem:$0x3FFB];
	_ =	sdelay $0x3  }
0x92: {  	_ =	strace s17  }
0x93: {  	s2 =	sld [smem:$0x3FFC];
	_ =	sdelay $0x3  }
0x94: {  	_ =	strace s2  }
0x95: {  	s2 =	sld [smem:$0x3FFD];
	_ =	sdelay $0x3  }
0x96: {  	_ =	strace s2  }
0x97: {  	_ =	strace $0x8FFFFFFF  }
0x98: {  	s18 =	sld [smem:$0x3FDB];
	_ =	sdelay $0x1  }
0x99: {  	s19 =	simm.s32 $_scs_section_size  }
0x9a: {  	s4 =	simm.s32 $_size__tile_overlayer_lowered;
	s5 =	simm.s32 $_tile_overlayer_lowered  }
0x9b: {  	s22 =	simm.s32 $0x1BFF;
	s21 =	sshll.u32 s5, $0x1;
	s2 =	sadd.s32 s19, s18  }
0x9c: {  	s6 =	simm.s32 $0x0;
	s20 =	sshll.u32 s4, $0x1;
	s4 =	sadd.s32 s21, s2  }
0x9d: {  	[timem:s6], [sflag:s22] =	dma.local [hbm:s4], s20  }
0x9e: {  	_ =	swait.ge [sflag:s22], s20  }
0x9f: {  	s3 =	ssub.s32 $0x0, s20;
	[sflag:s22] =	ssyncset.done $0x0  }
0xa0: {  	[sflag:s22] =	ssyncadd.s32 s3;
	_ =	sdelay $0x1  }
0xa1: {  	s23 =	simm.s32 $0x1B8B  }
0xa2: {  	_ =	swait.ge [sflag:s23], $0x1  }
0xa3: {  	[sflag:s23] =	ssyncset.done $0x0  }
0xa4: {  	s25 =	simm.s32 $0x1B8E;
	s24 =	sld [smem:$0x3FFE];
	[sflag:s23] =	ssyncadd.s32 $0xFFFFFFFF  }
0xa5: {  	s26 =	simm.s32 $execute0_lowered;
	[smem:$0x3FD2] =	sst s25  }
0xa6: {  	s4 =	sshll.u32 s26, $0x1;
	_ =	strace $0x80000046;
	[dreg:$0x1] =	wrdreg $0xFFFFFFFF  }
0xa7: {  	s28 =	simm.s32 $_size_execute0_lowered;
	s2 =	sadd.s32 s2, s4;
	[dreg:$0x0] =	wrdreg $0x0  }
0xa8: {  	s4 =	sshll.u32 s28, $0x1;
	[dreg:$0x2] =	wrdreg s2  }
0xa9: {  	[dreg:$0x3] =	wrdreg s4  }
0xaa: {  	[dreg:$0x4] =	wrdreg $0xC0  }
0xab: {  	_ =	task [dreg:s6], $0x5FFFF  }
0xac: {  	[dreg:$0x1] =	wrdreg $0xFFFFFFFF  }
0xad: {  	[dreg:$0x0] =	wrdreg $0x60  }
0xae: {  	[dreg:$0x2] =	wrdreg s24  }
0xaf: {  	[dreg:$0x3] =	wrdreg $0x9  }
0xb0: {  	_ =	task.clear_ibuf [dreg:s6], $0x4FFFF;
	_ =	strace $0x90000046  }
0xb1: {  	s29 =	simm.s32 $0x9;
	_ =	strace $0x80000048  }
0xb2: {  	_ =	swait.ge [sflag:s29], $0x1  }
0xb3: {  	[sflag:s29] =	ssyncadd.s32 $0xFFFFFFFF  }
0xb4: {  	_ =	strace $0x90000048  }
0xb5: {  	_ =	sfence  }
0xb6: {  	s30 =	sld [smem:$0x0];
	_ =	sdelay $0x2  }
0xb7: {  	s31 =	sshll.u32 s1, $0xD;
	s1 =	sshrl.u32 s1, $0x2  }
0xb8: {  	s3 =	sand.u32 $0x4000, s31;
	s1 =	sadd.s32 s1, s30  }
0xb9: {  	s0 =	sor.u32 s3, s0;
	s1 =	sshll.u32 s1, $0x11  }
0xba: {  	s0 =	sor.u32 s1, s0  }
0xbb: {  	s0 =	sadd.s32 $0x8F2B, s0  }
0xbc: {  	[sflag:s0] =	ssyncadd.remote.s32 $0x1  }
0xbd: {  	_ =	sfence.sel $0xFFFF  }
0xbe: {  	[dreg:$0x0] =	wrdreg $0xFFFFFFFF;
	(pc) =	sbr.abs _section_cstart, $3  }
0xbf: {  	[dreg:$0x1] =	wrdreg $0xFFFFFFFF  }
0xc0: {  	_ =	task.clear_ibuf [dreg:s6], $0x2FFFF;
	_ =	strace $0x9FFFFFFF  }
0xc1: {  	(tm) =	ssettm $0x7FFFFFFF  }
tec
execute0_lowered:
.L_overlay_start_1:
0x0: {  	(tag) =	ssettag $0x1  }
0x1: {  	s1 =	srdreg.scid  }
0x2: {  	s0 =	stileid.u32;
	s4 =	rddreg [dreg:$0x0];
	s9 =	simm.s32 $0x3  }
0x3: {  	s10 =	simm.s32 $0x800;
	s11 =	simm.s32 $0x80;
	s12 =	simm.s32 $0x1000  }
0x4: {  	s13 =	simm.s32 $0x5000;
	s14 =	simm.s32 $0x100;
	s15 =	simm.s32 $0x9000  }
0x5: {  	s16 =	simm.s32 $0x180;
	s17 =	simm.s32 $0xD000;
	s18 =	simm.s32 $0x1  }
0x6: {  	s19 =	simm.s32 $0x200;
	s20 =	simm.s32 $0x280;
	s28 =	simm.s32 $0x580  }
0x7: {  	s29 =	simm.s32 $0x600;
	s30 =	simm.s32 $0x680;
	s1 =	sand.u32 $0x1, s1  }
0x8: {  	s31 =	simm.s32 $0x700;
	s2 =	sshll.u32 s0, $0xC;
	s3 =	sshll.u32 s1, $0xB  }
0x9: {  	s1 =	ssub.s32 $0x2, s1;
	s3 =	sor.u32 s3, s2;
	s2 =	simm.s32 $0x0  }
0xa: {  	s25 =	sshrl.u32 s1, $0x1;
	s5 =	sshrl.u32 s3, $0x3;
	[smem:$0x7FF] =	sst s2  }
0xb: {  	s3 =	sshll.u32 s3, $0x4;
	s1 =	ssub.s32 s1, s25;
	s5 =	sadd.s32 s5, s4  }
0xc: {  	v0 =	vlaneseq.u32;
	s25 =	simm.s32 $0x480;
	_ =	strace $0x80000047;
	s6 =	sadd.s32 $0x81600, s5  }
0xd: {  	v15 =	vmul.u32 $0x80, v0;
	s7 =	sadd.s32 s3, s4;
	s21 =	sadd.s32 $0x83600, s5;
	[dreg:$0x2] =	wrdreg s6  }
0xe: {  	s3 =	sadd.s32 $0x1600, s4;
	s22 =	sadd.s32 $0x85600, s7;
	[dreg:$0x3] =	wrdreg s21  }
0xf: {  	v0 =	vor.u32 $0x40, v15;
	s8 =	smax.u32 s1, $0x1;
	s23 =	sadd.s32 $0x86600, s7;
	[dreg:$0x4] =	wrdreg s22  }
0x10: {  	v1 =	vor.u32 $0x840, v15;
	v2 =	vor.u32 $0x1040, v15;
	v3 =	vor.u32 $0x1840, v15;
	s1 =	simm.s32 $0x780;
	s24 =	sadd.s32 $0x87600, s7;
	[dreg:$0x5] =	wrdreg s23  }
0x11: {  	v4 =	vor.u32 $0x2040, v15;
	v5 =	vor.u32 $0x2840, v15;
	v6 =	vor.u32 $0x3040, v15;
	s26 =	sadd.s32 $0x88600, s7;
	s4 =	sadd.s32 $0x89600, s7;
	[dreg:$0x6] =	wrdreg s24  }
0x12: {  	v7 =	vor.u32 $0x3840, v15;
	v8 =	vor.u32 $0x4040, v15;
	v9 =	vor.u32 $0x4840, v15;
	s5 =	sadd.s32 $0x8A600, s7;
	[dreg:$0x7] =	wrdreg s26;
	s6 =	sadd.s32 $0x8B600, s7  }
0x13: {  	v10 =	vor.u32 $0x5040, v15;
	v11 =	vor.u32 $0x5840, v15;
	v12 =	vor.u32 $0x6040, v15;
	s7 =	sadd.s32 $0x8C600, s7;
	s21 =	simm.s32 $0x2;
	s22 =	simm.s32 $0x300  }
0x14: {  	v13 =	vor.u32 $0x6840, v15;
	v14 =	vor.u32 $0x7040, v15;
	v15 =	vor.u32 $0x7840, v15;
	s23 =	simm.s32 $0x380;
	s24 =	simm.s32 $0x400;
	s26 =	simm.s32 $0x500  }
.LBB2_1:
0x15: {  	s0 =	rddreg [dreg:$0x2]  }
0x16: {  	[tilespmem:s2], [sflag:$0x3] =	stream.linear.gather [hbm4b:s0+s2], $0x800, $0x38;
	[tilespmem:$0x11000] =	vst v63  }
0x17: {  	_ =	swait.ge [sflag:s9], $0x800  }
0x18: {  	[sflag:s9] =	ssyncset.done $0x0  }
0x19: {  	s0 =	rddreg [dreg:$0x3];
	[sflag:s9] =	ssyncadd.s32 $0xFFFFF800  }
0x1a: {  	[tilespmem:s10], [sflag:$0x3] =	stream.linear.gather [hbm4b:s0+s2], $0x800, $0x38;
	[tilespmem:$0x11000] =	vst v63  }
0x1b: {  	_ =	swait.ge [sflag:s9], $0x800  }
0x1c: {  	[sflag:s9] =	ssyncset.done $0x0  }
0x1d: {  	[sflag:s9] =	ssyncadd.s32 $0xFFFFF800  }
0x1e: {  	[tilespmem:s12], [sflag:$0x1] =	stream.indirect.gather [hbm4b:s3+s11], $0x80, s2, s11, $0xb8;
	[tilespmem:$0x11000] =	vst v63  }
0x1f: {  	_ = 	snop  }
0x20: {  	[tilespmem:s13], [sflag:$0x1] =	stream.indirect.gather [hbm4b:s3+s11], $0x80, s11, s11, $0xb8;
	[tilespmem:$0x11000] =	vst v63  }
0x21: {  	_ = 	snop  }
0x22: {  	[tilespmem:s15], [sflag:$0x2] =	stream.indirect.gather [hbm4b:s3+s11], $0x80, s14, s11, $0xb8;
	[tilespmem:$0x11000] =	vst v63  }
0x23: {  	_ = 	snop  }
0x24: {  	[tilespmem:s17], [sflag:$0x2] =	stream.indirect.gather [hbm4b:s3+s11], $0x80, s16, s11, $0xb8;
	[tilespmem:$0x11000] =	vst v63  }
0x25: {  	_ =	swait.ge [sflag:s18], $0x4000  }
0x26: {  	[sflag:s18] =	ssyncset.done $0x0  }
0x27: {  	[sflag:s18] =	ssyncadd.s32 $0xFFFFC000  }
0x28: {  	_ =	swait.ge [sflag:s18], $0x4000  }
0x29: {  	[sflag:s18] =	ssyncset.done $0x0  }
0x2a: {  	[sflag:s18] =	ssyncadd.s32 $0xFFFFC000  }
0x2b: {  	v16 =	vld [tilespmem:$0x800];
	_ =	sdelay $0x4  }
0x2c: {  	[tilespmem:v0+s12+$0x0] =	vst.idx.msk $0xffff, v16  }
0x2d: {  	v16 =	vld [tilespmem:$0x810];
	_ =	sdelay $0x4  }
0x2e: {  	[tilespmem:v1+s12+$0x0] =	vst.idx.msk $0xffff, v16  }
0x2f: {  	v16 =	vld [tilespmem:$0x820];
	_ =	sdelay $0x4  }
0x30: {  	[tilespmem:v2+s12+$0x0] =	vst.idx.msk $0xffff, v16  }
0x31: {  	v16 =	vld [tilespmem:$0x830];
	_ =	sdelay $0x4  }
0x32: {  	[tilespmem:v3+s12+$0x0] =	vst.idx.msk $0xffff, v16  }
0x33: {  	v16 =	vld [tilespmem:$0x840];
	_ =	sdelay $0x4  }
0x34: {  	[tilespmem:v4+s12+$0x0] =	vst.idx.msk $0xffff, v16  }
0x35: {  	v16 =	vld [tilespmem:$0x850];
	_ =	sdelay $0x4  }
0x36: {  	[tilespmem:v5+s12+$0x0] =	vst.idx.msk $0xffff, v16  }
0x37: {  	v16 =	vld [tilespmem:$0x860];
	_ =	sdelay $0x4  }
0x38: {  	[tilespmem:v6+s12+$0x0] =	vst.idx.msk $0xffff, v16  }
0x39: {  	v16 =	vld [tilespmem:$0x870];
	_ =	sdelay $0x4  }
0x3a: {  	[tilespmem:v7+s12+$0x0] =	vst.idx.msk $0xffff, v16  }
0x3b: {  	v16 =	vld [tilespmem:$0x880];
	_ =	sdelay $0x4  }
0x3c: {  	[tilespmem:v8+s12+$0x0] =	vst.idx.msk $0xffff, v16  }
0x3d: {  	v16 =	vld [tilespmem:$0x890];
	_ =	sdelay $0x4  }
0x3e: {  	[tilespmem:v9+s12+$0x0] =	vst.idx.msk $0xffff, v16  }
0x3f: {  	v16 =	vld [tilespmem:$0x8A0];
	_ =	sdelay $0x4  }
0x40: {  	[tilespmem:v10+s12+$0x0] =	vst.idx.msk $0xffff, v16  }
0x41: {  	v16 =	vld [tilespmem:$0x8B0];
	_ =	sdelay $0x4  }
0x42: {  	[tilespmem:v11+s12+$0x0] =	vst.idx.msk $0xffff, v16  }
0x43: {  	v16 =	vld [tilespmem:$0x8C0];
	_ =	sdelay $0x4  }
0x44: {  	[tilespmem:v12+s12+$0x0] =	vst.idx.msk $0xffff, v16  }
0x45: {  	v16 =	vld [tilespmem:$0x8D0];
	_ =	sdelay $0x4  }
0x46: {  	[tilespmem:v13+s12+$0x0] =	vst.idx.msk $0xffff, v16  }
0x47: {  	v16 =	vld [tilespmem:$0x8E0];
	_ =	sdelay $0x4  }
0x48: {  	[tilespmem:v14+s12+$0x0] =	vst.idx.msk $0xffff, v16  }
0x49: {  	v16 =	vld [tilespmem:$0x8F0];
	_ =	sdelay $0x4  }
0x4a: {  	s0 =	rddreg [dreg:$0x4];
	[tilespmem:v15+s12+$0x0] =	vst.idx.msk $0xffff, v16  }
0x4b: {  	[hbm4b:s0+s2] =	stream.linear.scatter [tilespmem:s12], [sflag:$0x3], $0x8000, $0x38;
	[tilespmem:$0x11000] =	vst v63  }
0x4c: {  	_ =	swait.ge [sflag:s9], $0x8000  }
0x4d: {  	[sflag:s9] =	ssyncset.done $0x0  }
0x4e: {  	[sflag:s9] =	ssyncadd.s32 $0xFFFF8000  }
0x4f: {  	[tilespmem:s12], [sflag:$0x1] =	stream.indirect.gather [hbm4b:s3+s11], $0x80, s19, s11, $0xb8;
	[tilespmem:$0x11000] =	vst v63  }
0x50: {  	_ = 	snop  }
0x51: {  	[tilespmem:s13], [sflag:$0x1] =	stream.indirect.gather [hbm4b:s3+s11], $0x80, s20, s11, $0xb8;
	[tilespmem:$0x11000] =	vst v63  }
0x52: {  	_ =	swait.ge [sflag:s21], $0x4000  }
0x53: {  	[sflag:s21] =	ssyncset.done $0x0  }
0x54: {  	[sflag:s21] =	ssyncadd.s32 $0xFFFFC000  }
0x55: {  	_ =	swait.ge [sflag:s21], $0x4000  }
0x56: {  	[sflag:s21] =	ssyncset.done $0x0  }
0x57: {  	[sflag:s21] =	ssyncadd.s32 $0xFFFFC000  }
0x58: {  	v16 =	vld [tilespmem:$0x900];
	_ =	sdelay $0x4  }
0x59: {  	[tilespmem:v0+s15+$0x0] =	vst.idx.msk $0xffff, v16  }
0x5a: {  	v16 =	vld [tilespmem:$0x910];
	_ =	sdelay $0x4  }
0x5b: {  	[tilespmem:v1+s15+$0x0] =	vst.idx.msk $0xffff, v16  }
0x5c: {  	v16 =	vld [tilespmem:$0x920];
	_ =	sdelay $0x4  }
0x5d: {  	[tilespmem:v2+s15+$0x0] =	vst.idx.msk $0xffff, v16  }
0x5e: {  	v16 =	vld [tilespmem:$0x930];
	_ =	sdelay $0x4  }
0x5f: {  	[tilespmem:v3+s15+$0x0] =	vst.idx.msk $0xffff, v16  }
0x60: {  	v16 =	vld [tilespmem:$0x940];
	_ =	sdelay $0x4  }
0x61: {  	[tilespmem:v4+s15+$0x0] =	vst.idx.msk $0xffff, v16  }
0x62: {  	v16 =	vld [tilespmem:$0x950];
	_ =	sdelay $0x4  }
0x63: {  	[tilespmem:v5+s15+$0x0] =	vst.idx.msk $0xffff, v16  }
0x64: {  	v16 =	vld [tilespmem:$0x960];
	_ =	sdelay $0x4  }
0x65: {  	[tilespmem:v6+s15+$0x0] =	vst.idx.msk $0xffff, v16  }
0x66: {  	v16 =	vld [tilespmem:$0x970];
	_ =	sdelay $0x4  }
0x67: {  	[tilespmem:v7+s15+$0x0] =	vst.idx.msk $0xffff, v16  }
0x68: {  	v16 =	vld [tilespmem:$0x980];
	_ =	sdelay $0x4  }
0x69: {  	[tilespmem:v8+s15+$0x0] =	vst.idx.msk $0xffff, v16  }
0x6a: {  	v16 =	vld [tilespmem:$0x990];
	_ =	sdelay $0x4  }
0x6b: {  	[tilespmem:v9+s15+$0x0] =	vst.idx.msk $0xffff, v16  }
0x6c: {  	v16 =	vld [tilespmem:$0x9A0];
	_ =	sdelay $0x4  }
0x6d: {  	[tilespmem:v10+s15+$0x0] =	vst.idx.msk $0xffff, v16  }
0x6e: {  	v16 =	vld [tilespmem:$0x9B0];
	_ =	sdelay $0x4  }
0x6f: {  	[tilespmem:v11+s15+$0x0] =	vst.idx.msk $0xffff, v16  }
0x70: {  	v16 =	vld [tilespmem:$0x9C0];
	_ =	sdelay $0x4  }
0x71: {  	[tilespmem:v12+s15+$0x0] =	vst.idx.msk $0xffff, v16  }
0x72: {  	v16 =	vld [tilespmem:$0x9D0];
	_ =	sdelay $0x4  }
0x73: {  	[tilespmem:v13+s15+$0x0] =	vst.idx.msk $0xffff, v16  }
0x74: {  	v16 =	vld [tilespmem:$0x9E0];
	_ =	sdelay $0x4  }
0x75: {  	[tilespmem:v14+s15+$0x0] =	vst.idx.msk $0xffff, v16  }
0x76: {  	v16 =	vld [tilespmem:$0x9F0];
	_ =	sdelay $0x4  }
0x77: {  	s0 =	rddreg [dreg:$0x5];
	[tilespmem:v15+s15+$0x0] =	vst.idx.msk $0xffff, v16  }
0x78: {  	[hbm4b:s0+s2] =	stream.linear.scatter [tilespmem:s15], [sflag:$0x3], $0x8000, $0x38;
	[tilespmem:$0x11000] =	vst v63  }
0x79: {  	_ =	swait.ge [sflag:s9], $0x8000  }
0x7a: {  	[sflag:s9] =	ssyncset.done $0x0  }
0x7b: {  	[sflag:s9] =	ssyncadd.s32 $0xFFFF8000  }
0x7c: {  	[tilespmem:s15], [sflag:$0x2] =	stream.indirect.gather [hbm4b:s3+s11], $0x80, s22, s11, $0xb8;
	[tilespmem:$0x11000] =	vst v63  }
0x7d: {  	_ = 	snop  }
0x7e: {  	[tilespmem:s17], [sflag:$0x2] =	stream.indirect.gather [hbm4b:s3+s11], $0x80, s23, s11, $0xb8;
	[tilespmem:$0x11000] =	vst v63  }
0x7f: {  	_ =	swait.ge [sflag:s18], $0x4000  }
0x80: {  	[sflag:s18] =	ssyncset.done $0x0  }
0x81: {  	[sflag:s18] =	ssyncadd.s32 $0xFFFFC000  }
0x82: {  	_ =	swait.ge [sflag:s18], $0x4000  }
0x83: {  	[sflag:s18] =	ssyncset.done $0x0  }
0x84: {  	[sflag:s18] =	ssyncadd.s32 $0xFFFFC000  }
0x85: {  	v16 =	vld [tilespmem:$0xA00];
	_ =	sdelay $0x4  }
0x86: {  	[tilespmem:v0+s12+$0x0] =	vst.idx.msk $0xffff, v16  }
0x87: {  	v16 =	vld [tilespmem:$0xA10];
	_ =	sdelay $0x4  }
0x88: {  	[tilespmem:v1+s12+$0x0] =	vst.idx.msk $0xffff, v16  }
0x89: {  	v16 =	vld [tilespmem:$0xA20];
	_ =	sdelay $0x4  }
0x8a: {  	[tilespmem:v2+s12+$0x0] =	vst.idx.msk $0xffff, v16  }
0x8b: {  	v16 =	vld [tilespmem:$0xA30];
	_ =	sdelay $0x4  }
0x8c: {  	[tilespmem:v3+s12+$0x0] =	vst.idx.msk $0xffff, v16  }
0x8d: {  	v16 =	vld [tilespmem:$0xA40];
	_ =	sdelay $0x4  }
0x8e: {  	[tilespmem:v4+s12+$0x0] =	vst.idx.msk $0xffff, v16  }
0x8f: {  	v16 =	vld [tilespmem:$0xA50];
	_ =	sdelay $0x4  }
0x90: {  	[tilespmem:v5+s12+$0x0] =	vst.idx.msk $0xffff, v16  }
0x91: {  	v16 =	vld [tilespmem:$0xA60];
	_ =	sdelay $0x4  }
0x92: {  	[tilespmem:v6+s12+$0x0] =	vst.idx.msk $0xffff, v16  }
0x93: {  	v16 =	vld [tilespmem:$0xA70];
	_ =	sdelay $0x4  }
0x94: {  	[tilespmem:v7+s12+$0x0] =	vst.idx.msk $0xffff, v16  }
0x95: {  	v16 =	vld [tilespmem:$0xA80];
	_ =	sdelay $0x4  }
0x96: {  	[tilespmem:v8+s12+$0x0] =	vst.idx.msk $0xffff, v16  }
0x97: {  	v16 =	vld [tilespmem:$0xA90];
	_ =	sdelay $0x4  }
0x98: {  	[tilespmem:v9+s12+$0x0] =	vst.idx.msk $0xffff, v16  }
0x99: {  	v16 =	vld [tilespmem:$0xAA0];
	_ =	sdelay $0x4  }
0x9a: {  	[tilespmem:v10+s12+$0x0] =	vst.idx.msk $0xffff, v16  }
0x9b: {  	v16 =	vld [tilespmem:$0xAB0];
	_ =	sdelay $0x4  }
0x9c: {  	[tilespmem:v11+s12+$0x0] =	vst.idx.msk $0xffff, v16  }
0x9d: {  	v16 =	vld [tilespmem:$0xAC0];
	_ =	sdelay $0x4  }
0x9e: {  	[tilespmem:v12+s12+$0x0] =	vst.idx.msk $0xffff, v16  }
0x9f: {  	v16 =	vld [tilespmem:$0xAD0];
	_ =	sdelay $0x4  }
0xa0: {  	[tilespmem:v13+s12+$0x0] =	vst.idx.msk $0xffff, v16  }
0xa1: {  	v16 =	vld [tilespmem:$0xAE0];
	_ =	sdelay $0x4  }
0xa2: {  	[tilespmem:v14+s12+$0x0] =	vst.idx.msk $0xffff, v16  }
0xa3: {  	v16 =	vld [tilespmem:$0xAF0];
	_ =	sdelay $0x4  }
0xa4: {  	s0 =	rddreg [dreg:$0x6];
	[tilespmem:v15+s12+$0x0] =	vst.idx.msk $0xffff, v16  }
0xa5: {  	[hbm4b:s0+s2] =	stream.linear.scatter [tilespmem:s12], [sflag:$0x3], $0x8000, $0x38;
	[tilespmem:$0x11000] =	vst v63  }
0xa6: {  	_ =	swait.ge [sflag:s9], $0x8000  }
0xa7: {  	[sflag:s9] =	ssyncset.done $0x0  }
0xa8: {  	[sflag:s9] =	ssyncadd.s32 $0xFFFF8000  }
0xa9: {  	[tilespmem:s12], [sflag:$0x1] =	stream.indirect.gather [hbm4b:s3+s11], $0x80, s24, s11, $0xb8;
	[tilespmem:$0x11000] =	vst v63  }
0xaa: {  	_ = 	snop  }
0xab: {  	[tilespmem:s13], [sflag:$0x1] =	stream.indirect.gather [hbm4b:s3+s11], $0x80, s25, s11, $0xb8;
	[tilespmem:$0x11000] =	vst v63  }
0xac: {  	_ =	swait.ge [sflag:s21], $0x4000  }
0xad: {  	[sflag:s21] =	ssyncset.done $0x0  }
0xae: {  	[sflag:s21] =	ssyncadd.s32 $0xFFFFC000  }
0xaf: {  	_ =	swait.ge [sflag:s21], $0x4000  }
0xb0: {  	[sflag:s21] =	ssyncset.done $0x0  }
0xb1: {  	[sflag:s21] =	ssyncadd.s32 $0xFFFFC000  }
0xb2: {  	v16 =	vld [tilespmem:$0xB00];
	_ =	sdelay $0x4  }
0xb3: {  	[tilespmem:v0+s15+$0x0] =	vst.idx.msk $0xffff, v16  }
0xb4: {  	v16 =	vld [tilespmem:$0xB10];
	_ =	sdelay $0x4  }
0xb5: {  	[tilespmem:v1+s15+$0x0] =	vst.idx.msk $0xffff, v16  }
0xb6: {  	v16 =	vld [tilespmem:$0xB20];
	_ =	sdelay $0x4  }
0xb7: {  	[tilespmem:v2+s15+$0x0] =	vst.idx.msk $0xffff, v16  }
0xb8: {  	v16 =	vld [tilespmem:$0xB30];
	_ =	sdelay $0x4  }
0xb9: {  	[tilespmem:v3+s15+$0x0] =	vst.idx.msk $0xffff, v16  }
0xba: {  	v16 =	vld [tilespmem:$0xB40];
	_ =	sdelay $0x4  }
0xbb: {  	[tilespmem:v4+s15+$0x0] =	vst.idx.msk $0xffff, v16  }
0xbc: {  	v16 =	vld [tilespmem:$0xB50];
	_ =	sdelay $0x4  }
0xbd: {  	[tilespmem:v5+s15+$0x0] =	vst.idx.msk $0xffff, v16  }
0xbe: {  	v16 =	vld [tilespmem:$0xB60];
	_ =	sdelay $0x4  }
0xbf: {  	[tilespmem:v6+s15+$0x0] =	vst.idx.msk $0xffff, v16  }
0xc0: {  	v16 =	vld [tilespmem:$0xB70];
	_ =	sdelay $0x4  }
0xc1: {  	[tilespmem:v7+s15+$0x0] =	vst.idx.msk $0xffff, v16  }
0xc2: {  	v16 =	vld [tilespmem:$0xB80];
	_ =	sdelay $0x4  }
0xc3: {  	[tilespmem:v8+s15+$0x0] =	vst.idx.msk $0xffff, v16  }
0xc4: {  	v16 =	vld [tilespmem:$0xB90];
	_ =	sdelay $0x4  }
0xc5: {  	[tilespmem:v9+s15+$0x0] =	vst.idx.msk $0xffff, v16  }
0xc6: {  	v16 =	vld [tilespmem:$0xBA0];
	_ =	sdelay $0x4  }
0xc7: {  	[tilespmem:v10+s15+$0x0] =	vst.idx.msk $0xffff, v16  }
0xc8: {  	v16 =	vld [tilespmem:$0xBB0];
	_ =	sdelay $0x4  }
0xc9: {  	[tilespmem:v11+s15+$0x0] =	vst.idx.msk $0xffff, v16  }
0xca: {  	v16 =	vld [tilespmem:$0xBC0];
	_ =	sdelay $0x4  }
0xcb: {  	[tilespmem:v12+s15+$0x0] =	vst.idx.msk $0xffff, v16  }
0xcc: {  	v16 =	vld [tilespmem:$0xBD0];
	_ =	sdelay $0x4  }
0xcd: {  	[tilespmem:v13+s15+$0x0] =	vst.idx.msk $0xffff, v16  }
0xce: {  	v16 =	vld [tilespmem:$0xBE0];
	_ =	sdelay $0x4  }
0xcf: {  	[tilespmem:v14+s15+$0x0] =	vst.idx.msk $0xffff, v16  }
0xd0: {  	v16 =	vld [tilespmem:$0xBF0];
	_ =	sdelay $0x4  }
0xd1: {  	s0 =	rddreg [dreg:$0x7];
	[tilespmem:v15+s15+$0x0] =	vst.idx.msk $0xffff, v16  }
0xd2: {  	[hbm4b:s0+s2] =	stream.linear.scatter [tilespmem:s15], [sflag:$0x3], $0x8000, $0x38;
	[tilespmem:$0x11000] =	vst v63  }
0xd3: {  	_ =	swait.ge [sflag:s9], $0x8000  }
0xd4: {  	[sflag:s9] =	ssyncset.done $0x0  }
0xd5: {  	[sflag:s9] =	ssyncadd.s32 $0xFFFF8000  }
0xd6: {  	[tilespmem:s15], [sflag:$0x2] =	stream.indirect.gather [hbm4b:s3+s11], $0x80, s26, s11, $0xb8;
	[tilespmem:$0x11000] =	vst v63  }
0xd7: {  	_ = 	snop  }
0xd8: {  	[tilespmem:s17], [sflag:$0x2] =	stream.indirect.gather [hbm4b:s3+s11], $0x80, s28, s11, $0xb8;
	[tilespmem:$0x11000] =	vst v63  }
0xd9: {  	_ =	swait.ge [sflag:s18], $0x4000  }
0xda: {  	[sflag:s18] =	ssyncset.done $0x0  }
0xdb: {  	[sflag:s18] =	ssyncadd.s32 $0xFFFFC000  }
0xdc: {  	_ =	swait.ge [sflag:s18], $0x4000  }
0xdd: {  	[sflag:s18] =	ssyncset.done $0x0  }
0xde: {  	[sflag:s18] =	ssyncadd.s32 $0xFFFFC000  }
0xdf: {  	v16 =	vld [tilespmem:$0xC00];
	_ =	sdelay $0x4  }
0xe0: {  	[tilespmem:v0+s12+$0x0] =	vst.idx.msk $0xffff, v16  }
0xe1: {  	v16 =	vld [tilespmem:$0xC10];
	_ =	sdelay $0x4  }
0xe2: {  	[tilespmem:v1+s12+$0x0] =	vst.idx.msk $0xffff, v16  }
0xe3: {  	v16 =	vld [tilespmem:$0xC20];
	_ =	sdelay $0x4  }
0xe4: {  	[tilespmem:v2+s12+$0x0] =	vst.idx.msk $0xffff, v16  }
0xe5: {  	v16 =	vld [tilespmem:$0xC30];
	_ =	sdelay $0x4  }
0xe6: {  	[tilespmem:v3+s12+$0x0] =	vst.idx.msk $0xffff, v16  }
0xe7: {  	v16 =	vld [tilespmem:$0xC40];
	_ =	sdelay $0x4  }
0xe8: {  	[tilespmem:v4+s12+$0x0] =	vst.idx.msk $0xffff, v16  }
0xe9: {  	v16 =	vld [tilespmem:$0xC50];
	_ =	sdelay $0x4  }
0xea: {  	[tilespmem:v5+s12+$0x0] =	vst.idx.msk $0xffff, v16  }
0xeb: {  	v16 =	vld [tilespmem:$0xC60];
	_ =	sdelay $0x4  }
0xec: {  	[tilespmem:v6+s12+$0x0] =	vst.idx.msk $0xffff, v16  }
0xed: {  	v16 =	vld [tilespmem:$0xC70];
	_ =	sdelay $0x4  }
0xee: {  	[tilespmem:v7+s12+$0x0] =	vst.idx.msk $0xffff, v16  }
0xef: {  	v16 =	vld [tilespmem:$0xC80];
	_ =	sdelay $0x4  }
0xf0: {  	[tilespmem:v8+s12+$0x0] =	vst.idx.msk $0xffff, v16  }
0xf1: {  	v16 =	vld [tilespmem:$0xC90];
	_ =	sdelay $0x4  }
0xf2: {  	[tilespmem:v9+s12+$0x0] =	vst.idx.msk $0xffff, v16  }
0xf3: {  	v16 =	vld [tilespmem:$0xCA0];
	_ =	sdelay $0x4  }
0xf4: {  	[tilespmem:v10+s12+$0x0] =	vst.idx.msk $0xffff, v16  }
0xf5: {  	v16 =	vld [tilespmem:$0xCB0];
	_ =	sdelay $0x4  }
0xf6: {  	[tilespmem:v11+s12+$0x0] =	vst.idx.msk $0xffff, v16  }
0xf7: {  	v16 =	vld [tilespmem:$0xCC0];
	_ =	sdelay $0x4  }
0xf8: {  	[tilespmem:v12+s12+$0x0] =	vst.idx.msk $0xffff, v16  }
0xf9: {  	v16 =	vld [tilespmem:$0xCD0];
	_ =	sdelay $0x4  }
0xfa: {  	[tilespmem:v13+s12+$0x0] =	vst.idx.msk $0xffff, v16  }
0xfb: {  	v16 =	vld [tilespmem:$0xCE0];
	_ =	sdelay $0x4  }
0xfc: {  	[tilespmem:v14+s12+$0x0] =	vst.idx.msk $0xffff, v16  }
0xfd: {  	v16 =	vld [tilespmem:$0xCF0];
	_ =	sdelay $0x4  }
0xfe: {  	[tilespmem:v15+s12+$0x0] =	vst.idx.msk $0xffff, v16  }
0xff: {  	[hbm4b:s4+s2] =	stream.linear.scatter [tilespmem:s12], [sflag:$0x3], $0x8000, $0x38;
	[tilespmem:$0x11000] =	vst v63  }
0x100: {  	_ =	swait.ge [sflag:s9], $0x8000  }
0x101: {  	[sflag:s9] =	ssyncset.done $0x0  }
0x102: {  	[sflag:s9] =	ssyncadd.s32 $0xFFFF8000  }
0x103: {  	[tilespmem:s12], [sflag:$0x1] =	stream.indirect.gather [hbm4b:s3+s11], $0x80, s29, s11, $0xb8;
	[tilespmem:$0x11000] =	vst v63  }
0x104: {  	_ = 	snop  }
0x105: {  	[tilespmem:s13], [sflag:$0x1] =	stream.indirect.gather [hbm4b:s3+s11], $0x80, s30, s11, $0xb8;
	[tilespmem:$0x11000] =	vst v63  }
0x106: {  	_ =	swait.ge [sflag:s21], $0x4000  }
0x107: {  	[sflag:s21] =	ssyncset.done $0x0  }
0x108: {  	[sflag:s21] =	ssyncadd.s32 $0xFFFFC000  }
0x109: {  	_ =	swait.ge [sflag:s21], $0x4000  }
0x10a: {  	[sflag:s21] =	ssyncset.done $0x0  }
0x10b: {  	[sflag:s21] =	ssyncadd.s32 $0xFFFFC000  }
0x10c: {  	v16 =	vld [tilespmem:$0xD00];
	_ =	sdelay $0x4  }
0x10d: {  	[tilespmem:v0+s15+$0x0] =	vst.idx.msk $0xffff, v16  }
0x10e: {  	v16 =	vld [tilespmem:$0xD10];
	_ =	sdelay $0x4  }
0x10f: {  	[tilespmem:v1+s15+$0x0] =	vst.idx.msk $0xffff, v16  }
0x110: {  	v16 =	vld [tilespmem:$0xD20];
	_ =	sdelay $0x4  }
0x111: {  	[tilespmem:v2+s15+$0x0] =	vst.idx.msk $0xffff, v16  }
0x112: {  	v16 =	vld [tilespmem:$0xD30];
	_ =	sdelay $0x4  }
0x113: {  	[tilespmem:v3+s15+$0x0] =	vst.idx.msk $0xffff, v16  }
0x114: {  	v16 =	vld [tilespmem:$0xD40];
	_ =	sdelay $0x4  }
0x115: {  	[tilespmem:v4+s15+$0x0] =	vst.idx.msk $0xffff, v16  }
0x116: {  	v16 =	vld [tilespmem:$0xD50];
	_ =	sdelay $0x4  }
0x117: {  	[tilespmem:v5+s15+$0x0] =	vst.idx.msk $0xffff, v16  }
0x118: {  	v16 =	vld [tilespmem:$0xD60];
	_ =	sdelay $0x4  }
0x119: {  	[tilespmem:v6+s15+$0x0] =	vst.idx.msk $0xffff, v16  }
0x11a: {  	v16 =	vld [tilespmem:$0xD70];
	_ =	sdelay $0x4  }
0x11b: {  	[tilespmem:v7+s15+$0x0] =	vst.idx.msk $0xffff, v16  }
0x11c: {  	v16 =	vld [tilespmem:$0xD80];
	_ =	sdelay $0x4  }
0x11d: {  	[tilespmem:v8+s15+$0x0] =	vst.idx.msk $0xffff, v16  }
0x11e: {  	v16 =	vld [tilespmem:$0xD90];
	_ =	sdelay $0x4  }
0x11f: {  	[tilespmem:v9+s15+$0x0] =	vst.idx.msk $0xffff, v16  }
0x120: {  	v16 =	vld [tilespmem:$0xDA0];
	_ =	sdelay $0x4  }
0x121: {  	[tilespmem:v10+s15+$0x0] =	vst.idx.msk $0xffff, v16  }
0x122: {  	v16 =	vld [tilespmem:$0xDB0];
	_ =	sdelay $0x4  }
0x123: {  	[tilespmem:v11+s15+$0x0] =	vst.idx.msk $0xffff, v16  }
0x124: {  	v16 =	vld [tilespmem:$0xDC0];
	_ =	sdelay $0x4  }
0x125: {  	[tilespmem:v12+s15+$0x0] =	vst.idx.msk $0xffff, v16  }
0x126: {  	v16 =	vld [tilespmem:$0xDD0];
	_ =	sdelay $0x4  }
0x127: {  	[tilespmem:v13+s15+$0x0] =	vst.idx.msk $0xffff, v16  }
0x128: {  	v16 =	vld [tilespmem:$0xDE0];
	_ =	sdelay $0x4  }
0x129: {  	[tilespmem:v14+s15+$0x0] =	vst.idx.msk $0xffff, v16  }
0x12a: {  	v16 =	vld [tilespmem:$0xDF0];
	_ =	sdelay $0x4  }
0x12b: {  	[tilespmem:v15+s15+$0x0] =	vst.idx.msk $0xffff, v16  }
0x12c: {  	[hbm4b:s5+s2] =	stream.linear.scatter [tilespmem:s15], [sflag:$0x3], $0x8000, $0x38;
	[tilespmem:$0x11000] =	vst v63  }
0x12d: {  	_ =	swait.ge [sflag:s9], $0x8000  }
0x12e: {  	[sflag:s9] =	ssyncset.done $0x0  }
0x12f: {  	[sflag:s9] =	ssyncadd.s32 $0xFFFF8000  }
0x130: {  	[tilespmem:s15], [sflag:$0x2] =	stream.indirect.gather [hbm4b:s3+s11], $0x80, s31, s11, $0xb8;
	[tilespmem:$0x11000] =	vst v63  }
0x131: {  	_ = 	snop  }
0x132: {  	[tilespmem:s17], [sflag:$0x2] =	stream.indirect.gather [hbm4b:s3+s11], $0x80, s1, s11, $0xb8;
	[tilespmem:$0x11000] =	vst v63  }
0x133: {  	_ =	swait.ge [sflag:s18], $0x4000  }
0x134: {  	[sflag:s18] =	ssyncset.done $0x0  }
0x135: {  	[sflag:s18] =	ssyncadd.s32 $0xFFFFC000  }
0x136: {  	_ =	swait.ge [sflag:s18], $0x4000  }
0x137: {  	[sflag:s18] =	ssyncset.done $0x0  }
0x138: {  	[sflag:s18] =	ssyncadd.s32 $0xFFFFC000  }
0x139: {  	v16 =	vld [tilespmem:$0xE00];
	_ =	sdelay $0x4  }
0x13a: {  	[tilespmem:v0+s12+$0x0] =	vst.idx.msk $0xffff, v16  }
0x13b: {  	v16 =	vld [tilespmem:$0xE10];
	_ =	sdelay $0x4  }
0x13c: {  	[tilespmem:v1+s12+$0x0] =	vst.idx.msk $0xffff, v16  }
0x13d: {  	v16 =	vld [tilespmem:$0xE20];
	_ =	sdelay $0x4  }
0x13e: {  	[tilespmem:v2+s12+$0x0] =	vst.idx.msk $0xffff, v16  }
0x13f: {  	v16 =	vld [tilespmem:$0xE30];
	_ =	sdelay $0x4  }
0x140: {  	[tilespmem:v3+s12+$0x0] =	vst.idx.msk $0xffff, v16  }
0x141: {  	v16 =	vld [tilespmem:$0xE40];
	_ =	sdelay $0x4  }
0x142: {  	[tilespmem:v4+s12+$0x0] =	vst.idx.msk $0xffff, v16  }
0x143: {  	v16 =	vld [tilespmem:$0xE50];
	_ =	sdelay $0x4  }
0x144: {  	[tilespmem:v5+s12+$0x0] =	vst.idx.msk $0xffff, v16  }
0x145: {  	v16 =	vld [tilespmem:$0xE60];
	_ =	sdelay $0x4  }
0x146: {  	[tilespmem:v6+s12+$0x0] =	vst.idx.msk $0xffff, v16  }
0x147: {  	v16 =	vld [tilespmem:$0xE70];
	_ =	sdelay $0x4  }
0x148: {  	[tilespmem:v7+s12+$0x0] =	vst.idx.msk $0xffff, v16  }
0x149: {  	v16 =	vld [tilespmem:$0xE80];
	_ =	sdelay $0x4  }
0x14a: {  	[tilespmem:v8+s12+$0x0] =	vst.idx.msk $0xffff, v16  }
0x14b: {  	v16 =	vld [tilespmem:$0xE90];
	_ =	sdelay $0x4  }
0x14c: {  	[tilespmem:v9+s12+$0x0] =	vst.idx.msk $0xffff, v16  }
0x14d: {  	v16 =	vld [tilespmem:$0xEA0];
	_ =	sdelay $0x4  }
0x14e: {  	[tilespmem:v10+s12+$0x0] =	vst.idx.msk $0xffff, v16  }
0x14f: {  	v16 =	vld [tilespmem:$0xEB0];
	_ =	sdelay $0x4  }
0x150: {  	[tilespmem:v11+s12+$0x0] =	vst.idx.msk $0xffff, v16  }
0x151: {  	v16 =	vld [tilespmem:$0xEC0];
	_ =	sdelay $0x4  }
0x152: {  	[tilespmem:v12+s12+$0x0] =	vst.idx.msk $0xffff, v16  }
0x153: {  	v16 =	vld [tilespmem:$0xED0];
	_ =	sdelay $0x4  }
0x154: {  	[tilespmem:v13+s12+$0x0] =	vst.idx.msk $0xffff, v16  }
0x155: {  	v16 =	vld [tilespmem:$0xEE0];
	_ =	sdelay $0x4  }
0x156: {  	[tilespmem:v14+s12+$0x0] =	vst.idx.msk $0xffff, v16  }
0x157: {  	v16 =	vld [tilespmem:$0xEF0];
	_ =	sdelay $0x4  }
0x158: {  	[tilespmem:v15+s12+$0x0] =	vst.idx.msk $0xffff, v16  }
0x159: {  	[hbm4b:s6+s2] =	stream.linear.scatter [tilespmem:s12], [sflag:$0x3], $0x8000, $0x38;
	[tilespmem:$0x11000] =	vst v63  }
0x15a: {  	_ =	swait.ge [sflag:s9], $0x8000  }
0x15b: {  	[sflag:s9] =	ssyncset.done $0x0  }
0x15c: {  	[sflag:s9] =	ssyncadd.s32 $0xFFFF8000  }
0x15d: {  	_ =	swait.ge [sflag:s21], $0x4000  }
0x15e: {  	[sflag:s21] =	ssyncset.done $0x0  }
0x15f: {  	[sflag:s21] =	ssyncadd.s32 $0xFFFFC000  }
0x160: {  	_ =	swait.ge [sflag:s21], $0x4000  }
0x161: {  	[sflag:s21] =	ssyncset.done $0x0  }
0x162: {  	[sflag:s21] =	ssyncadd.s32 $0xFFFFC000  }
0x163: {  	v16 =	vld [tilespmem:$0xF00];
	_ =	sdelay $0x4  }
0x164: {  	[tilespmem:v0+s15+$0x0] =	vst.idx.msk $0xffff, v16  }
0x165: {  	v16 =	vld [tilespmem:$0xF10];
	_ =	sdelay $0x4  }
0x166: {  	[tilespmem:v1+s15+$0x0] =	vst.idx.msk $0xffff, v16  }
0x167: {  	v16 =	vld [tilespmem:$0xF20];
	_ =	sdelay $0x4  }
0x168: {  	[tilespmem:v2+s15+$0x0] =	vst.idx.msk $0xffff, v16  }
0x169: {  	v16 =	vld [tilespmem:$0xF30];
	_ =	sdelay $0x4  }
0x16a: {  	[tilespmem:v3+s15+$0x0] =	vst.idx.msk $0xffff, v16  }
0x16b: {  	v16 =	vld [tilespmem:$0xF40];
	_ =	sdelay $0x4  }
0x16c: {  	[tilespmem:v4+s15+$0x0] =	vst.idx.msk $0xffff, v16  }
0x16d: {  	v16 =	vld [tilespmem:$0xF50];
	_ =	sdelay $0x4  }
0x16e: {  	[tilespmem:v5+s15+$0x0] =	vst.idx.msk $0xffff, v16  }
0x16f: {  	v16 =	vld [tilespmem:$0xF60];
	_ =	sdelay $0x4  }
0x170: {  	[tilespmem:v6+s15+$0x0] =	vst.idx.msk $0xffff, v16  }
0x171: {  	v16 =	vld [tilespmem:$0xF70];
	_ =	sdelay $0x4  }
0x172: {  	[tilespmem:v7+s15+$0x0] =	vst.idx.msk $0xffff, v16  }
0x173: {  	v16 =	vld [tilespmem:$0xF80];
	_ =	sdelay $0x4  }
0x174: {  	[tilespmem:v8+s15+$0x0] =	vst.idx.msk $0xffff, v16  }
0x175: {  	v16 =	vld [tilespmem:$0xF90];
	_ =	sdelay $0x4  }
0x176: {  	[tilespmem:v9+s15+$0x0] =	vst.idx.msk $0xffff, v16  }
0x177: {  	v16 =	vld [tilespmem:$0xFA0];
	_ =	sdelay $0x4  }
0x178: {  	[tilespmem:v10+s15+$0x0] =	vst.idx.msk $0xffff, v16  }
0x179: {  	v16 =	vld [tilespmem:$0xFB0];
	_ =	sdelay $0x4  }
0x17a: {  	[tilespmem:v11+s15+$0x0] =	vst.idx.msk $0xffff, v16  }
0x17b: {  	v16 =	vld [tilespmem:$0xFC0];
	_ =	sdelay $0x4  }
0x17c: {  	[tilespmem:v12+s15+$0x0] =	vst.idx.msk $0xffff, v16  }
0x17d: {  	v16 =	vld [tilespmem:$0xFD0];
	_ =	sdelay $0x4  }
0x17e: {  	[tilespmem:v13+s15+$0x0] =	vst.idx.msk $0xffff, v16  }
0x17f: {  	v16 =	vld [tilespmem:$0xFE0];
	_ =	sdelay $0x4  }
0x180: {  	[tilespmem:v14+s15+$0x0] =	vst.idx.msk $0xffff, v16  }
0x181: {  	v16 =	vld [tilespmem:$0xFF0];
	_ =	sdelay $0x3  }
0x182: {  	p0 =	sne.s32 s8, $0x1  }
.Ltmp0:
0x183: {  	[tilespmem:v15+s15+$0x0] =	vst.idx.msk $0xffff, v16;
	(pc) =	sbr.rel @p0 .LBB2_1-.Ltmp0, $4  }
0x184: {  	[hbm4b:s7+s2] =	stream.linear.scatter [tilespmem:s15], [sflag:$0x3], $0x8000, $0x38;
	[tilespmem:$0x11000] =	vst v63  }
0x185: {  	_ =	swait.ge [sflag:s9], $0x8000  }
0x186: {  	[sflag:s9] =	ssyncset.done $0x0  }
0x187: {  	s8 =	sadd.s32 $0xFFFFFFFF, s8;
	[sflag:s9] =	ssyncadd.s32 $0xFFFF8000  }
0x188: {  	_ =	sfence.sel $0x180000  }
0x189: {  	[bflag:$0x0] =	sbarrier.arrive $0xFFFF  }
0x18a: {  	_ =	strace $0x90000047  }
0x18b: {  	s0 =	stileid.u32;
	[bflag:$0x2] =	sbarrier.arrive $0xFFFF  }
0x18c: {  	p0 =	sne.s32 s0, $0x0;
	s0 =	rddreg [dreg:$0x1]  }
0x18d: {  	s0 =	sadd.s32 @!p0 $0x100000, s0  }
0x18e: {  	[sflag:s0] =	ssyncadd.tile.s32 @!p0 $0x1;
	_ =	shalt  }
.Lfunc_end2:
_tile_overlayer_lowered:
.L_overlay_start_2:
0x18f: {  	(tag) =	ssettag $0x2  }
0x190: {  	s0 =	rddreg [dreg:$0x0];
	s2 =	stileid.u32  }
0x191: {  	s1 =	rddreg [dreg:$0x1];
	p0 =	sne.s32 s2, $0x0  }
0x192: {  	s3 =	rddreg [dreg:$0x2];
	[bflag:$0x3] =	sbarrier.arrive $0xFFFF;
	s2 =	simm.s32 @!p0 $0x1C03  }
0x193: {  	[timem:s3], [sflag:s2] =	dma.local @!p0 [hbm:s0], s1  }
0x194: {  	s0 =	simm.s32 @!p0 $0x3  }
0x195: {  	_ =	swait.ge @!p0 [sflag:s0], s1  }
0x196: {  	s1 =	ssub.s32 @!p0 $0x0, s1;
	[sflag:s0] =	ssyncset.done @!p0 $0x0  }
0x197: {  	[sflag:s0] =	ssyncadd.s32 @!p0 s1  }
0x198: {  	[bflag:$0x3] =	sbarrier.arrive $0xFFFF  }
0x199: {  	_ =	shalt  }

</sc_bundles>
